<compile_context>
chip_gen: v7x
topology: tpu7x:2x2x1
jax: 0.10.2.dev20260603
libtpu: 0.0.44.dev20260713+nightly
codegen_flags: <defaults>
</compile_context>

<pallas_src>
import functools

import jax
import jax.numpy as jnp
from jax import lax
from jax.experimental import pallas as pl
from jax.experimental.pallas import tpu as pltpu
from jax.experimental.pallas import tpu_sc as plsc

_info = plsc.get_sparse_core_info()
_NC = _info.num_cores
_NS = _info.num_subcores
_NW = _NC * _NS
_L = _info.num_lanes

_ROWS = 10
_D = 20
_W = 10
_PT = _ROWS * _ROWS * _D
_BT = 128
_DC = 4


def _sc_lookup(b: int, s: int):
    n_ps = s // 2
    n_blk = b // (_NW * _BT)
    n_dc = _D // _DC
    assert b % (_NW * _BT) == 0 and s % 2 == 0

    mesh = plsc.VectorSubcoreMesh(core_axis_name="c", subcore_axis_name="s")

    @functools.partial(
        pl.kernel,
        mesh=mesh,
        out_type=jax.ShapeDtypeStruct((2 * _D * n_ps, b), jnp.float16),
        compiler_params=pltpu.CompilerParams(
            needs_layout_passes=False,
            disable_bounds_checks=True,
        ),
        scratch_types=[
            pltpu.VMEM((_ROWS * _W,), jnp.int32),
            pltpu.VMEM((_PT,), jnp.int32),
            pltpu.VMEM((s, _BT), jnp.int32),
            pltpu.VMEM((_DC * n_ps, _BT), jnp.int32),
            pltpu.VMEM((_DC * n_ps, _BT), jnp.int32),
            pltpu.SemaphoreType.DMA,
            pltpu.SemaphoreType.DMA,
        ],
    )
    def body(table_hbm, idxt_hbm, out_hbm, table_v, ptab_v,
             idx_v, out_v0, out_v1, out_sem0, out_sem1):
        wid = lax.axis_index("s") * _NC + lax.axis_index("c")
        out_words = out_hbm.bitcast(jnp.int32)
        pltpu.sync_copy(table_hbm, table_v)

        lane = lax.iota(jnp.int32, _L)

        def ptab_body(j):
            pos = j * _L + lane
            pidx = pos // _D
            d = pos - pidx * _D
            i0 = pidx // _ROWS
            i1 = pidx - i0 * _ROWS
            w = d // 2
            sh = (d - w * 2) * 16
            w0 = plsc.load_gather(table_v, [i0 * _W + w])
            w1 = plsc.load_gather(table_v, [i1 * _W + w])
            v0 = lax.shift_right_logical(w0, sh) & 0xFFFF
            v1 = lax.shift_right_logical(w1, sh) & 0xFFFF
            plsc.store_scatter(ptab_v, [pos], v0 | lax.shift_left(v1, 16))

        plsc.parallel_loop(0, _PT // _L, unroll=4)(ptab_body)

        out_bufs = (out_v0, out_v1)
        out_sems = (out_sem0, out_sem1)

        def idx_src(k):
            return idxt_hbm.at[:, pl.ds(wid * (n_blk * _BT) + k * _BT, _BT)]

        def out_dst(k, dc):
            return out_words.at[
                pl.ds(dc * (_DC * n_ps), _DC * n_ps),
                pl.ds(wid * (n_blk * _BT) + k * _BT, _BT),
            ]

        n_q = n_blk * n_dc

        def q_pair(q2, carry):
            for qq in range(2):
                q = q2 * 2 + qq
                k = q // n_dc
                dc = q - k * n_dc
                out_v = out_bufs[qq]

                @pl.when(dc == 0)
                def _():
                    pltpu.sync_copy(idx_src(k), idx_v)

                    def pidx_body(ps):
                        for l in range(_BT // _L):
                            e16 = idx_v[2 * ps, pl.ds(l * _L, _L)]
                            o16 = idx_v[2 * ps + 1, pl.ds(l * _L, _L)]
                            idx_v[2 * ps, pl.ds(l * _L, _L)] = (
                                (e16 * _ROWS + o16) * _D
                            )

                    plsc.parallel_loop(0, n_ps, unroll=4)(pidx_body)

                @pl.when(q >= 2)
                def _():
                    pltpu.make_async_copy(
                        out_v, out_dst(0, 0), out_sems[qq]
                    ).wait()

                pd = dc * _DC

                def gat_body(ps):
                    for l in range(_BT // _L):
                        p20 = idx_v[2 * ps, pl.ds(l * _L, _L)] + pd
                        for dd in range(_DC):
                            val = plsc.load_gather(ptab_v, [p20 + dd])
                            out_v[dd * n_ps + ps, pl.ds(l * _L, _L)] = val

                plsc.parallel_loop(0, n_ps, unroll=2)(gat_body)
                pltpu.async_copy(out_v, out_dst(k, dc), out_sems[qq])
            return carry

        lax.fori_loop(0, n_q // 2, q_pair, 0)
        for q in (n_q - 2, n_q - 1):
            pltpu.make_async_copy(
                out_bufs[q % 2], out_dst(0, 0), out_sems[q % 2]
            ).wait()

    return body


def kernel(x, table):
    b, s = x.shape
    rows, d = table.shape
    idx_t = x.T.astype(jnp.int32)
    table_words = lax.bitcast_convert_type(
        table.reshape(rows * d // 2, 2), jnp.int32
    )
    y = _sc_lookup(b, s)(table_words, idx_t)
    return y.reshape(d, s, b).transpose(2, 1, 0)

# --- scband reference (transcript-rebuilt; emitter-appended) ---
"""Pipeline reference for scband-my-model-61933428409502 (READ-ONLY COPY).

The authoritative reference and input builder live on the scoring server;
editing this copy changes nothing except your own understanding.
"""

import jax, jax.numpy as jnp
import numpy as np


def setup_inputs(seed: int = 0) -> dict:
    key = jax.random.key(seed)
    k1, k2 = jax.random.split(key)
    x = jax.random.randint(k1, (16384, 200), 0, 10)
    table = jax.random.normal(k2, (10, 20), dtype=jnp.float32).astype(jnp.float16)
    # padding_idx=0: row 0 is initialized to zeros in torch
    table = table.at[0].set(jnp.float16(0.0))
    return {"x": x, "table": table}


def reference(x, table):
    # nn.Embedding lookup in half precision
    return jnp.take(table, x, axis=0)

if __name__ == "__main__":
    import jax
    _d = setup_inputs()
    print(jax.jit(kernel)(*tuple(_d.values())))

</pallas_src>

<mosaic_0001>
#map = affine_map<(d0, d1) -> (0)>
#map1 = affine_map<(d0, d1) -> (0, 0)>
module attributes {stable_mosaic.version = 14 : i64} {
  func.func @body(%arg0: i32, %arg1: i32, %arg2: memref<100xi32, #tpu.memory_space<hbm>>, %arg3: memref<200x16384xi32, #tpu.memory_space<hbm>>, %arg4: memref<4000x16384xf16, #tpu.memory_space<hbm>>, %arg5: memref<100xi32, #tpu.memory_space<vmem>>, %arg6: memref<2000xi32, #tpu.memory_space<vmem>>, %arg7: memref<200x128xi32, #tpu.memory_space<vmem>>, %arg8: memref<400x128xi32, #tpu.memory_space<vmem>>, %arg9: memref<400x128xi32, #tpu.memory_space<vmem>>, %arg10: memref<!tpu.dma_semaphore, #tpu.memory_space<semaphore_mem>>, %arg11: memref<!tpu.dma_semaphore, #tpu.memory_space<semaphore_mem>>) attributes {dimension_semantics = [#tpu.dimension_semantics<core_parallel>, #tpu.dimension_semantics<subcore_parallel>], iteration_bounds = array<i64: 2, 16>, scalar_prefetch = 0 : i64, scratch_operands = 7 : i64, tpu.core_type = #tpu.core_type<sc_vector_subcore>, window_params = [{transform_indices = #map}, {transform_indices = #map1}, {transform_indices = #map1}]} {
    %mul3A = arith.constant 2 : i32
    %mul3A_0 = arith.muli %arg1, %mul3A : i32
    %add3A = arith.addi %mul3A_0, %arg0 : i32
    "tpu.region"() ({
      %run_scoped3A = tpu.sem_alloc : memref<!tpu.dma_semaphore, #tpu.memory_space<semaphore_mem>>
      tpu.enqueue_dma source(%arg2 : memref<100xi32, #tpu.memory_space<hbm>>) target(%arg5 : memref<100xi32, #tpu.memory_space<vmem>>) target_semaphore(%run_scoped3A : memref<!tpu.dma_semaphore, #tpu.memory_space<semaphore_mem>>)
      tpu.wait_dma2 semaphore(%run_scoped3A : memref<!tpu.dma_semaphore, #tpu.memory_space<semaphore_mem>>) src(%arg2 : memref<100xi32, #tpu.memory_space<hbm>>) dst(%arg5 : memref<100xi32, #tpu.memory_space<vmem>>)
      tpu.yield
    }) : () -> ()
    %iota3A = tpu.iota {dimensions = array<i32: 0>} : vector<16xi32>
    %parallel_loop3A = arith.constant 0 : i32
    %parallel_loop3A_1 = arith.constant 125 : i32
    %parallel_loop3A_2 = arith.constant 1 : i32
    scf.for %parallel_loop3A_27 = %parallel_loop3A to %parallel_loop3A_1 step %parallel_loop3A_2  : i32 {
      %parallel_loop3A_28 = arith.constant 16 : i32
      %parallel_loop3A_29 = arith.muli %parallel_loop3A_27, %parallel_loop3A_28 : i32
      %parallel_loop3A_30 = vector.broadcast %parallel_loop3A_29 : i32 to vector<16xi32>
      %parallel_loop3A_31 = arith.addi %parallel_loop3A_30, %iota3A : vector<16xi32>
      %parallel_loop3A_32 = arith.constant 20 : i32
      %parallel_loop3A_33 = vector.broadcast %parallel_loop3A_32 : i32 to vector<16xi32>
      %parallel_loop3A_34 = arith.divsi %parallel_loop3A_31, %parallel_loop3A_33 : vector<16xi32>
      %parallel_loop3A_35 = arith.constant 0 : i32
      %parallel_loop3A_36 = vector.broadcast %parallel_loop3A_35 : i32 to vector<16xi32>
      %parallel_loop3A_37 = arith.cmpi sgt, %parallel_loop3A_31, %parallel_loop3A_36 : vector<16xi32>
      %parallel_loop3A_38 = arith.extui %parallel_loop3A_37 : vector<16xi1> to vector<16xi32>
      %parallel_loop3A_39 = arith.constant 0 : i32
      %parallel_loop3A_40 = vector.broadcast %parallel_loop3A_39 : i32 to vector<16xi32>
      %parallel_loop3A_41 = arith.cmpi slt, %parallel_loop3A_31, %parallel_loop3A_40 : vector<16xi32>
      %parallel_loop3A_42 = arith.extui %parallel_loop3A_41 : vector<16xi1> to vector<16xi32>
      %parallel_loop3A_43 = arith.subi %parallel_loop3A_38, %parallel_loop3A_42 : vector<16xi32>
      %parallel_loop3A_44 = arith.constant 0 : i32
      %parallel_loop3A_45 = arith.cmpi sgt, %parallel_loop3A_32, %parallel_loop3A_44 : i32
      %parallel_loop3A_46 = arith.extui %parallel_loop3A_45 : i1 to i32
      %parallel_loop3A_47 = arith.constant 0 : i32
      %parallel_loop3A_48 = arith.cmpi slt, %parallel_loop3A_32, %parallel_loop3A_47 : i32
      %parallel_loop3A_49 = arith.extui %parallel_loop3A_48 : i1 to i32
      %parallel_loop3A_50 = arith.subi %parallel_loop3A_46, %parallel_loop3A_49 : i32
      %parallel_loop3A_51 = vector.broadcast %parallel_loop3A_50 : i32 to vector<16xi32>
      %parallel_loop3A_52 = arith.cmpi ne, %parallel_loop3A_43, %parallel_loop3A_51 : vector<16xi32>
      %parallel_loop3A_53 = vector.broadcast %parallel_loop3A_32 : i32 to vector<16xi32>
      %parallel_loop3A_54 = arith.remsi %parallel_loop3A_31, %parallel_loop3A_53 : vector<16xi32>
      %parallel_loop3A_55 = arith.constant 0 : i32
      %parallel_loop3A_56 = vector.broadcast %parallel_loop3A_55 : i32 to vector<16xi32>
      %parallel_loop3A_57 = arith.cmpi ne, %parallel_loop3A_54, %parallel_loop3A_56 : vector<16xi32>
      %parallel_loop3A_58 = arith.andi %parallel_loop3A_52, %parallel_loop3A_57 : vector<16xi1>
      %parallel_loop3A_59 = arith.constant 1 : i32
      %parallel_loop3A_60 = vector.broadcast %parallel_loop3A_59 : i32 to vector<16xi32>
      %parallel_loop3A_61 = arith.subi %parallel_loop3A_34, %parallel_loop3A_60 : vector<16xi32>
      %parallel_loop3A_62 = arith.select %parallel_loop3A_58, %parallel_loop3A_61, %parallel_loop3A_34 : vector<16xi1>, vector<16xi32>
      %parallel_loop3A_63 = arith.constant 20 : i32
      %parallel_loop3A_64 = vector.broadcast %parallel_loop3A_63 : i32 to vector<16xi32>
      %parallel_loop3A_65 = arith.muli %parallel_loop3A_62, %parallel_loop3A_64 : vector<16xi32>
      %parallel_loop3A_66 = arith.subi %parallel_loop3A_31, %parallel_loop3A_65 : vector<16xi32>
      %parallel_loop3A_67 = arith.constant 10 : i32
      %parallel_loop3A_68 = vector.broadcast %parallel_loop3A_67 : i32 to vector<16xi32>
      %parallel_loop3A_69 = arith.divsi %parallel_loop3A_62, %parallel_loop3A_68 : vector<16xi32>
      %parallel_loop3A_70 = arith.constant 0 : i32
      %parallel_loop3A_71 = vector.broadcast %parallel_loop3A_70 : i32 to vector<16xi32>
      %parallel_loop3A_72 = arith.cmpi sgt, %parallel_loop3A_62, %parallel_loop3A_71 : vector<16xi32>
      %parallel_loop3A_73 = arith.extui %parallel_loop3A_72 : vector<16xi1> to vector<16xi32>
      %parallel_loop3A_74 = arith.constant 0 : i32
      %parallel_loop3A_75 = vector.broadcast %parallel_loop3A_74 : i32 to vector<16xi32>
      %parallel_loop3A_76 = arith.cmpi slt, %parallel_loop3A_62, %parallel_loop3A_75 : vector<16xi32>
      %parallel_loop3A_77 = arith.extui %parallel_loop3A_76 : vector<16xi1> to vector<16xi32>
      %parallel_loop3A_78 = arith.subi %parallel_loop3A_73, %parallel_loop3A_77 : vector<16xi32>
      %parallel_loop3A_79 = arith.constant 0 : i32
      %parallel_loop3A_80 = arith.cmpi sgt, %parallel_loop3A_67, %parallel_loop3A_79 : i32
      %parallel_loop3A_81 = arith.extui %parallel_loop3A_80 : i1 to i32
      %parallel_loop3A_82 = arith.constant 0 : i32
      %parallel_loop3A_83 = arith.cmpi slt, %parallel_loop3A_67, %parallel_loop3A_82 : i32
      %parallel_loop3A_84 = arith.extui %parallel_loop3A_83 : i1 to i32
      %parallel_loop3A_85 = arith.subi %parallel_loop3A_81, %parallel_loop3A_84 : i32
      %parallel_loop3A_86 = vector.broadcast %parallel_loop3A_85 : i32 to vector<16xi32>
      %parallel_loop3A_87 = arith.cmpi ne, %parallel_loop3A_78, %parallel_loop3A_86 : vector<16xi32>
      %parallel_loop3A_88 = vector.broadcast %parallel_loop3A_67 : i32 to vector<16xi32>
      %parallel_loop3A_89 = arith.remsi %parallel_loop3A_62, %parallel_loop3A_88 : vector<16xi32>
      %parallel_loop3A_90 = arith.constant 0 : i32
      %parallel_loop3A_91 = vector.broadcast %parallel_loop3A_90 : i32 to vector<16xi32>
      %parallel_loop3A_92 = arith.cmpi ne, %parallel_loop3A_89, %parallel_loop3A_91 : vector<16xi32>
      %parallel_loop3A_93 = arith.andi %parallel_loop3A_87, %parallel_loop3A_92 : vector<16xi1>
      %parallel_loop3A_94 = arith.constant 1 : i32
      %parallel_loop3A_95 = vector.broadcast %parallel_loop3A_94 : i32 to vector<16xi32>
      %parallel_loop3A_96 = arith.subi %parallel_loop3A_69, %parallel_loop3A_95 : vector<16xi32>
      %parallel_loop3A_97 = arith.select %parallel_loop3A_93, %parallel_loop3A_96, %parallel_loop3A_69 : vector<16xi1>, vector<16xi32>
      %parallel_loop3A_98 = arith.constant 10 : i32
      %parallel_loop3A_99 = vector.broadcast %parallel_loop3A_98 : i32 to vector<16xi32>
      %parallel_loop3A_100 = arith.muli %parallel_loop3A_97, %parallel_loop3A_99 : vector<16xi32>
      %parallel_loop3A_101 = arith.subi %parallel_loop3A_62, %parallel_loop3A_100 : vector<16xi32>
      %parallel_loop3A_102 = arith.constant 2 : i32
      %parallel_loop3A_103 = vector.broadcast %parallel_loop3A_102 : i32 to vector<16xi32>
      %parallel_loop3A_104 = arith.divsi %parallel_loop3A_66, %parallel_loop3A_103 : vector<16xi32>
      %parallel_loop3A_105 = arith.constant 0 : i32
      %parallel_loop3A_106 = vector.broadcast %parallel_loop3A_105 : i32 to vector<16xi32>
      %parallel_loop3A_107 = arith.cmpi sgt, %parallel_loop3A_66, %parallel_loop3A_106 : vector<16xi32>
      %parallel_loop3A_108 = arith.extui %parallel_loop3A_107 : vector<16xi1> to vector<16xi32>
      %parallel_loop3A_109 = arith.constant 0 : i32
      %parallel_loop3A_110 = vector.broadcast %parallel_loop3A_109 : i32 to vector<16xi32>
      %parallel_loop3A_111 = arith.cmpi slt, %parallel_loop3A_66, %parallel_loop3A_110 : vector<16xi32>
      %parallel_loop3A_112 = arith.extui %parallel_loop3A_111 : vector<16xi1> to vector<16xi32>
      %parallel_loop3A_113 = arith.subi %parallel_loop3A_108, %parallel_loop3A_112 : vector<16xi32>
      %parallel_loop3A_114 = arith.constant 0 : i32
      %parallel_loop3A_115 = arith.cmpi sgt, %parallel_loop3A_102, %parallel_loop3A_114 : i32
      %parallel_loop3A_116 = arith.extui %parallel_loop3A_115 : i1 to i32
      %parallel_loop3A_117 = arith.constant 0 : i32
      %parallel_loop3A_118 = arith.cmpi slt, %parallel_loop3A_102, %parallel_loop3A_117 : i32
      %parallel_loop3A_119 = arith.extui %parallel_loop3A_118 : i1 to i32
      %parallel_loop3A_120 = arith.subi %parallel_loop3A_116, %parallel_loop3A_119 : i32
      %parallel_loop3A_121 = vector.broadcast %parallel_loop3A_120 : i32 to vector<16xi32>
      %parallel_loop3A_122 = arith.cmpi ne, %parallel_loop3A_113, %parallel_loop3A_121 : vector<16xi32>
      %parallel_loop3A_123 = vector.broadcast %parallel_loop3A_102 : i32 to vector<16xi32>
      %parallel_loop3A_124 = arith.remsi %parallel_loop3A_66, %parallel_loop3A_123 : vector<16xi32>
      %parallel_loop3A_125 = arith.constant 0 : i32
      %parallel_loop3A_126 = vector.broadcast %parallel_loop3A_125 : i32 to vector<16xi32>
      %parallel_loop3A_127 = arith.cmpi ne, %parallel_loop3A_124, %parallel_loop3A_126 : vector<16xi32>
      %parallel_loop3A_128 = arith.andi %parallel_loop3A_122, %parallel_loop3A_127 : vector<16xi1>
      %parallel_loop3A_129 = arith.constant 1 : i32
      %parallel_loop3A_130 = vector.broadcast %parallel_loop3A_129 : i32 to vector<16xi32>
      %parallel_loop3A_131 = arith.subi %parallel_loop3A_104, %parallel_loop3A_130 : vector<16xi32>
      %parallel_loop3A_132 = arith.select %parallel_loop3A_128, %parallel_loop3A_131, %parallel_loop3A_104 : vector<16xi1>, vector<16xi32>
      %parallel_loop3A_133 = arith.constant 2 : i32
      %parallel_loop3A_134 = vector.broadcast %parallel_loop3A_133 : i32 to vector<16xi32>
      %parallel_loop3A_135 = arith.muli %parallel_loop3A_132, %parallel_loop3A_134 : vector<16xi32>
      %parallel_loop3A_136 = arith.subi %parallel_loop3A_66, %parallel_loop3A_135 : vector<16xi32>
      %parallel_loop3A_137 = arith.constant 16 : i32
      %parallel_loop3A_138 = vector.broadcast %parallel_loop3A_137 : i32 to vector<16xi32>
      %parallel_loop3A_139 = arith.muli %parallel_loop3A_136, %parallel_loop3A_138 : vector<16xi32>
      %parallel_loop3A_140 = arith.constant 10 : i32
      %parallel_loop3A_141 = vector.broadcast %parallel_loop3A_140 : i32 to vector<16xi32>
      %parallel_loop3A_142 = arith.muli %parallel_loop3A_97, %parallel_loop3A_141 : vector<16xi32>
      %parallel_loop3A_143 = arith.addi %parallel_loop3A_142, %parallel_loop3A_132 : vector<16xi32>
      %parallel_loop3A_144 = tpu.vector_load_idx %arg5[%parallel_loop3A_143] : memref<100xi32, #tpu.memory_space<vmem>>[vector<16xi32>], vector<16xi32>,
      %parallel_loop3A_145 = arith.constant 10 : i32
      %parallel_loop3A_146 = vector.broadcast %parallel_loop3A_145 : i32 to vector<16xi32>
      %parallel_loop3A_147 = arith.muli %parallel_loop3A_101, %parallel_loop3A_146 : vector<16xi32>
      %parallel_loop3A_148 = arith.addi %parallel_loop3A_147, %parallel_loop3A_132 : vector<16xi32>
      %parallel_loop3A_149 = tpu.vector_load_idx %arg5[%parallel_loop3A_148] : memref<100xi32, #tpu.memory_space<vmem>>[vector<16xi32>], vector<16xi32>,
      %parallel_loop3A_150 = arith.shrui %parallel_loop3A_144, %parallel_loop3A_139 : vector<16xi32>
      %parallel_loop3A_151 = arith.constant 65535 : i32
      %parallel_loop3A_152 = vector.broadcast %parallel_loop3A_151 : i32 to vector<16xi32>
      %parallel_loop3A_153 = arith.andi %parallel_loop3A_150, %parallel_loop3A_152 : vector<16xi32>
      %parallel_loop3A_154 = arith.shrui %parallel_loop3A_149, %parallel_loop3A_139 : vector<16xi32>
      %parallel_loop3A_155 = arith.constant 65535 : i32
      %parallel_loop3A_156 = vector.broadcast %parallel_loop3A_155 : i32 to vector<16xi32>
      %parallel_loop3A_157 = arith.andi %parallel_loop3A_154, %parallel_loop3A_156 : vector<16xi32>
      %parallel_loop3A_158 = arith.constant 16 : i32
      %parallel_loop3A_159 = vector.broadcast %parallel_loop3A_158 : i32 to vector<16xi32>
      %parallel_loop3A_160 = arith.shli %parallel_loop3A_157, %parallel_loop3A_159 : vector<16xi32>
      %parallel_loop3A_161 = arith.ori %parallel_loop3A_153, %parallel_loop3A_160 : vector<16xi32>
      tpu.vector_store_idx %arg6[%parallel_loop3A_31], %parallel_loop3A_161 : memref<2000xi32, #tpu.memory_space<vmem>>[vector<16xi32>], vector<16xi32>,
    } {sc.loop_unroll_factor = 4 : i64, sc.parallel_access}
    %scan3A = arith.constant 0 : i32
    %scan3A_3 = arith.constant 0 : i32
    %scan3A_4 = arith.constant 10 : i32
    %scan3A_5 = arith.addi %scan3A_3, %scan3A_4 : i32
    %scan3A_6 = arith.constant 1 : i32
    scf.for %scan3A_27 = %scan3A_3 to %scan3A_5 step %scan3A_6  : i32 {
      %mul3A_28 = arith.constant 2 : i32
      %mul3A_29 = arith.muli %scan3A_27, %mul3A_28 : i32
      %add3A_30 = arith.constant 0 : i32
      %add3A_31 = arith.addi %mul3A_29, %add3A_30 : i32
      %jit3A = arith.constant 5 : i32
      %div3A = arith.divsi %add3A_31, %jit3A : i32
      %sign3A = arith.constant 0 : i32
      %sign3A_32 = arith.cmpi sgt, %add3A_31, %sign3A : i32
      %sign3A_33 = arith.extui %sign3A_32 : i1 to i32
      %sign3A_34 = arith.constant 0 : i32
      %sign3A_35 = arith.cmpi slt, %add3A_31, %sign3A_34 : i32
      %sign3A_36 = arith.extui %sign3A_35 : i1 to i32
      %sign3A_37 = arith.subi %sign3A_33, %sign3A_36 : i32
      %sign3A_38 = arith.constant 0 : i32
      %sign3A_39 = arith.cmpi sgt, %jit3A, %sign3A_38 : i32
      %sign3A_40 = arith.extui %sign3A_39 : i1 to i32
      %sign3A_41 = arith.constant 0 : i32
      %sign3A_42 = arith.cmpi slt, %jit3A, %sign3A_41 : i32
      %sign3A_43 = arith.extui %sign3A_42 : i1 to i32
      %sign3A_44 = arith.subi %sign3A_40, %sign3A_43 : i32
      %ne3A = arith.cmpi ne, %sign3A_37, %sign3A_44 : i32
      %rem3A = arith.remsi %add3A_31, %jit3A : i32
      %ne3A_45 = arith.constant 0 : i32
      %ne3A_46 = arith.cmpi ne, %rem3A, %ne3A_45 : i32
      %and3A = arith.andi %ne3A, %ne3A_46 : i1
      %sub3A = arith.constant 1 : i32
      %sub3A_47 = arith.subi %div3A, %sub3A : i32
      %select_n3A = arith.select %and3A, %sub3A_47, %div3A : i32
      %mul3A_48 = arith.constant 5 : i32
      %mul3A_49 = arith.muli %select_n3A, %mul3A_48 : i32
      %sub3A_50 = arith.subi %add3A_31, %mul3A_49 : i32
      %eq3A = arith.constant 0 : i32
      %eq3A_51 = arith.cmpi eq, %sub3A_50, %eq3A : i32
      %convert_element_type3A = arith.extui %eq3A_51 : i1 to i32
      %cond3A = arith.constant 0 : i32
      %cond3A_52 = arith.cmpi ne, %convert_element_type3A, %cond3A : i32
      scf.if %cond3A_52 {
        %mul3A_129 = arith.constant 512 : i32
        %mul3A_130 = arith.muli %add3A, %mul3A_129 : i32
        %mul3A_131 = arith.constant 128 : i32
        %mul3A_132 = arith.muli %select_n3A, %mul3A_131 : i32
        %add3A_133 = arith.addi %mul3A_130, %mul3A_132 : i32
        "tpu.region"() ({
          %run_scoped3A = tpu.sem_alloc : memref<!tpu.dma_semaphore, #tpu.memory_space<semaphore_mem>>
          %dma_start3A_137 = arith.constant 0 : i32
          %dma_start3A_138 = tpu.memref_slice %arg3[%dma_start3A_137, %add3A_133] : memref<200x16384xi32, #tpu.memory_space<hbm>> -> memref<200x128xi32, #tpu.memory_space<hbm>>
          %dma_start3A_139 = arith.constant 0 : i32
          %dma_start3A_140 = tpu.memref_slice %arg3[%dma_start3A_139, %add3A_133] : memref<200x16384xi32, #tpu.memory_space<hbm>> -> memref<200x128xi32, #tpu.memory_space<hbm>>
          tpu.enqueue_dma source(%dma_start3A_140 : memref<200x128xi32, #tpu.memory_space<hbm>>) target(%arg7 : memref<200x128xi32, #tpu.memory_space<vmem>>) target_semaphore(%run_scoped3A : memref<!tpu.dma_semaphore, #tpu.memory_space<semaphore_mem>>)
          %dma_wait3A_141 = arith.constant 0 : i32
          %dma_wait3A_142 = tpu.memref_slice %arg3[%dma_wait3A_141, %add3A_133] : memref<200x16384xi32, #tpu.memory_space<hbm>> -> memref<200x128xi32, #tpu.memory_space<hbm>>
          %dma_wait3A_143 = arith.constant 0 : i32
          %dma_wait3A_144 = tpu.memref_slice %arg3[%dma_wait3A_143, %add3A_133] : memref<200x16384xi32, #tpu.memory_space<hbm>> -> memref<200x128xi32, #tpu.memory_space<hbm>>
          tpu.wait_dma2 semaphore(%run_scoped3A : memref<!tpu.dma_semaphore, #tpu.memory_space<semaphore_mem>>) src(%dma_wait3A_144 : memref<200x128xi32, #tpu.memory_space<hbm>>) dst(%arg7 : memref<200x128xi32, #tpu.memory_space<vmem>>)
          tpu.yield
        }) : () -> ()
        %parallel_loop3A_134 = arith.constant 0 : i32
        %parallel_loop3A_135 = arith.constant 100 : i32
        %parallel_loop3A_136 = arith.constant 1 : i32
        scf.for %parallel_loop3A_137 = %parallel_loop3A_134 to %parallel_loop3A_135 step %parallel_loop3A_136  : i32 {
          %parallel_loop3A_138 = arith.constant 2 : i32
          %parallel_loop3A_139 = arith.muli %parallel_loop3A_138, %parallel_loop3A_137 : i32
          %parallel_loop3A_140 = arith.index_cast %parallel_loop3A_139 : i32 to index
          %parallel_loop3A_141 = arith.constant 0 : index
          %parallel_loop3A_142 = tpu.vector_load %arg7[%parallel_loop3A_140, %parallel_loop3A_141] {strides = array<i32>} : memref<200x128xi32, #tpu.memory_space<vmem>>, vector<16xi32>,
          %parallel_loop3A_143 = arith.constant 2 : i32
          %parallel_loop3A_144 = arith.muli %parallel_loop3A_143, %parallel_loop3A_137 : i32
          %parallel_loop3A_145 = arith.constant 1 : i32
          %parallel_loop3A_146 = arith.addi %parallel_loop3A_144, %parallel_loop3A_145 : i32
          %parallel_loop3A_147 = arith.index_cast %parallel_loop3A_146 : i32 to index
          %parallel_loop3A_148 = arith.constant 0 : index
          %parallel_loop3A_149 = tpu.vector_load %arg7[%parallel_loop3A_147, %parallel_loop3A_148] {strides = array<i32>} : memref<200x128xi32, #tpu.memory_space<vmem>>, vector<16xi32>,
          %parallel_loop3A_150 = arith.constant 10 : i32
          %parallel_loop3A_151 = vector.broadcast %parallel_loop3A_150 : i32 to vector<16xi32>
          %parallel_loop3A_152 = arith.muli %parallel_loop3A_142, %parallel_loop3A_151 : vector<16xi32>
          %parallel_loop3A_153 = arith.addi %parallel_loop3A_152, %parallel_loop3A_149 : vector<16xi32>
          %parallel_loop3A_154 = arith.constant 20 : i32
          %parallel_loop3A_155 = vector.broadcast %parallel_loop3A_154 : i32 to vector<16xi32>
          %parallel_loop3A_156 = arith.muli %parallel_loop3A_153, %parallel_loop3A_155 : vector<16xi32>
          %parallel_loop3A_157 = arith.constant 2 : i32
          %parallel_loop3A_158 = arith.muli %parallel_loop3A_157, %parallel_loop3A_137 : i32
          %parallel_loop3A_159 = arith.index_cast %parallel_loop3A_158 : i32 to index
          %parallel_loop3A_160 = arith.constant 0 : index
          %parallel_loop3A_161 = tpu.vector_load %arg7[%parallel_loop3A_159, %parallel_loop3A_160] {strides = array<i32>} : memref<200x128xi32, #tpu.memory_space<vmem>>, vector<16xi32>,
          tpu.vector_store %arg7[%parallel_loop3A_159, %parallel_loop3A_160], %parallel_loop3A_156 {strides = array<i32>} : memref<200x128xi32, #tpu.memory_space<vmem>>, vector<16xi32>,
          %parallel_loop3A_162 = arith.constant 2 : i32
          %parallel_loop3A_163 = arith.muli %parallel_loop3A_162, %parallel_loop3A_137 : i32
          %parallel_loop3A_164 = arith.index_cast %parallel_loop3A_163 : i32 to index
          %parallel_loop3A_165 = arith.constant 16 : index
          %parallel_loop3A_166 = tpu.vector_load %arg7[%parallel_loop3A_164, %parallel_loop3A_165] {strides = array<i32>} : memref<200x128xi32, #tpu.memory_space<vmem>>, vector<16xi32>,
          %parallel_loop3A_167 = arith.constant 2 : i32
          %parallel_loop3A_168 = arith.muli %parallel_loop3A_167, %parallel_loop3A_137 : i32
          %parallel_loop3A_169 = arith.constant 1 : i32
          %parallel_loop3A_170 = arith.addi %parallel_loop3A_168, %parallel_loop3A_169 : i32
          %parallel_loop3A_171 = arith.index_cast %parallel_loop3A_170 : i32 to index
          %parallel_loop3A_172 = arith.constant 16 : index
          %parallel_loop3A_173 = tpu.vector_load %arg7[%parallel_loop3A_171, %parallel_loop3A_172] {strides = array<i32>} : memref<200x128xi32, #tpu.memory_space<vmem>>, vector<16xi32>,
          %parallel_loop3A_174 = arith.constant 10 : i32
          %parallel_loop3A_175 = vector.broadcast %parallel_loop3A_174 : i32 to vector<16xi32>
          %parallel_loop3A_176 = arith.muli %parallel_loop3A_166, %parallel_loop3A_175 : vector<16xi32>
          %parallel_loop3A_177 = arith.addi %parallel_loop3A_176, %parallel_loop3A_173 : vector<16xi32>
          %parallel_loop3A_178 = arith.constant 20 : i32
          %parallel_loop3A_179 = vector.broadcast %parallel_loop3A_178 : i32 to vector<16xi32>
          %parallel_loop3A_180 = arith.muli %parallel_loop3A_177, %parallel_loop3A_179 : vector<16xi32>
          %parallel_loop3A_181 = arith.constant 2 : i32
          %parallel_loop3A_182 = arith.muli %parallel_loop3A_181, %parallel_loop3A_137 : i32
          %parallel_loop3A_183 = arith.index_cast %parallel_loop3A_182 : i32 to index
          %parallel_loop3A_184 = arith.constant 16 : index
          %parallel_loop3A_185 = tpu.vector_load %arg7[%parallel_loop3A_183, %parallel_loop3A_184] {strides = array<i32>} : memref<200x128xi32, #tpu.memory_space<vmem>>, vector<16xi32>,
          tpu.vector_store %arg7[%parallel_loop3A_183, %parallel_loop3A_184], %parallel_loop3A_180 {strides = array<i32>} : memref<200x128xi32, #tpu.memory_space<vmem>>, vector<16xi32>,
          %parallel_loop3A_186 = arith.constant 2 : i32
          %parallel_loop3A_187 = arith.muli %parallel_loop3A_186, %parallel_loop3A_137 : i32
          %parallel_loop3A_188 = arith.index_cast %parallel_loop3A_187 : i32 to index
          %parallel_loop3A_189 = arith.constant 32 : index
          %parallel_loop3A_190 = tpu.vector_load %arg7[%parallel_loop3A_188, %parallel_loop3A_189] {strides = array<i32>} : memref<200x128xi32, #tpu.memory_space<vmem>>, vector<16xi32>,
          %parallel_loop3A_191 = arith.constant 2 : i32
          %parallel_loop3A_192 = arith.muli %parallel_loop3A_191, %parallel_loop3A_137 : i32
          %parallel_loop3A_193 = arith.constant 1 : i32
          %parallel_loop3A_194 = arith.addi %parallel_loop3A_192, %parallel_loop3A_193 : i32
          %parallel_loop3A_195 = arith.index_cast %parallel_loop3A_194 : i32 to index
          %parallel_loop3A_196 = arith.constant 32 : index
          %parallel_loop3A_197 = tpu.vector_load %arg7[%parallel_loop3A_195, %parallel_loop3A_196] {strides = array<i32>} : memref<200x128xi32, #tpu.memory_space<vmem>>, vector<16xi32>,
          %parallel_loop3A_198 = arith.constant 10 : i32
          %parallel_loop3A_199 = vector.broadcast %parallel_loop3A_198 : i32 to vector<16xi32>
          %parallel_loop3A_200 = arith.muli %parallel_loop3A_190, %parallel_loop3A_199 : vector<16xi32>
          %parallel_loop3A_201 = arith.addi %parallel_loop3A_200, %parallel_loop3A_197 : vector<16xi32>
          %parallel_loop3A_202 = arith.constant 20 : i32
          %parallel_loop3A_203 = vector.broadcast %parallel_loop3A_202 : i32 to vector<16xi32>
          %parallel_loop3A_204 = arith.muli %parallel_loop3A_201, %parallel_loop3A_203 : vector<16xi32>
          %parallel_loop3A_205 = arith.constant 2 : i32
          %parallel_loop3A_206 = arith.muli %parallel_loop3A_205, %parallel_loop3A_137 : i32
          %parallel_loop3A_207 = arith.index_cast %parallel_loop3A_206 : i32 to index
          %parallel_loop3A_208 = arith.constant 32 : index
          %parallel_loop3A_209 = tpu.vector_load %arg7[%parallel_loop3A_207, %parallel_loop3A_208] {strides = array<i32>} : memref<200x128xi32, #tpu.memory_space<vmem>>, vector<16xi32>,
          tpu.vector_store %arg7[%parallel_loop3A_207, %parallel_loop3A_208], %parallel_loop3A_204 {strides = array<i32>} : memref<200x128xi32, #tpu.memory_space<vmem>>, vector<16xi32>,
          %parallel_loop3A_210 = arith.constant 2 : i32
          %parallel_loop3A_211 = arith.muli %parallel_loop3A_210, %parallel_loop3A_137 : i32
          %parallel_loop3A_212 = arith.index_cast %parallel_loop3A_211 : i32 to index
          %parallel_loop3A_213 = arith.constant 48 : index
          %parallel_loop3A_214 = tpu.vector_load %arg7[%parallel_loop3A_212, %parallel_loop3A_213] {strides = array<i32>} : memref<200x128xi32, #tpu.memory_space<vmem>>, vector<16xi32>,
          %parallel_loop3A_215 = arith.constant 2 : i32
          %parallel_loop3A_216 = arith.muli %parallel_loop3A_215, %parallel_loop3A_137 : i32
          %parallel_loop3A_217 = arith.constant 1 : i32
          %parallel_loop3A_218 = arith.addi %parallel_loop3A_216, %parallel_loop3A_217 : i32
          %parallel_loop3A_219 = arith.index_cast %parallel_loop3A_218 : i32 to index
          %parallel_loop3A_220 = arith.constant 48 : index
          %parallel_loop3A_221 = tpu.vector_load %arg7[%parallel_loop3A_219, %parallel_loop3A_220] {strides = array<i32>} : memref<200x128xi32, #tpu.memory_space<vmem>>, vector<16xi32>,
          %parallel_loop3A_222 = arith.constant 10 : i32
          %parallel_loop3A_223 = vector.broadcast %parallel_loop3A_222 : i32 to vector<16xi32>
          %parallel_loop3A_224 = arith.muli %parallel_loop3A_214, %parallel_loop3A_223 : vector<16xi32>
          %parallel_loop3A_225 = arith.addi %parallel_loop3A_224, %parallel_loop3A_221 : vector<16xi32>
          %parallel_loop3A_226 = arith.constant 20 : i32
          %parallel_loop3A_227 = vector.broadcast %parallel_loop3A_226 : i32 to vector<16xi32>
          %parallel_loop3A_228 = arith.muli %parallel_loop3A_225, %parallel_loop3A_227 : vector<16xi32>
          %parallel_loop3A_229 = arith.constant 2 : i32
          %parallel_loop3A_230 = arith.muli %parallel_loop3A_229, %parallel_loop3A_137 : i32
          %parallel_loop3A_231 = arith.index_cast %parallel_loop3A_230 : i32 to index
          %parallel_loop3A_232 = arith.constant 48 : index
          %parallel_loop3A_233 = tpu.vector_load %arg7[%parallel_loop3A_231, %parallel_loop3A_232] {strides = array<i32>} : memref<200x128xi32, #tpu.memory_space<vmem>>, vector<16xi32>,
          tpu.vector_store %arg7[%parallel_loop3A_231, %parallel_loop3A_232], %parallel_loop3A_228 {strides = array<i32>} : memref<200x128xi32, #tpu.memory_space<vmem>>, vector<16xi32>,
          %parallel_loop3A_234 = arith.constant 2 : i32
          %parallel_loop3A_235 = arith.muli %parallel_loop3A_234, %parallel_loop3A_137 : i32
          %parallel_loop3A_236 = arith.index_cast %parallel_loop3A_235 : i32 to index
          %parallel_loop3A_237 = arith.constant 64 : index
          %parallel_loop3A_238 = tpu.vector_load %arg7[%parallel_loop3A_236, %parallel_loop3A_237] {strides = array<i32>} : memref<200x128xi32, #tpu.memory_space<vmem>>, vector<16xi32>,
          %parallel_loop3A_239 = arith.constant 2 : i32
          %parallel_loop3A_240 = arith.muli %parallel_loop3A_239, %parallel_loop3A_137 : i32
          %parallel_loop3A_241 = arith.constant 1 : i32
          %parallel_loop3A_242 = arith.addi %parallel_loop3A_240, %parallel_loop3A_241 : i32
          %parallel_loop3A_243 = arith.index_cast %parallel_loop3A_242 : i32 to index
          %parallel_loop3A_244 = arith.constant 64 : index
          %parallel_loop3A_245 = tpu.vector_load %arg7[%parallel_loop3A_243, %parallel_loop3A_244] {strides = array<i32>} : memref<200x128xi32, #tpu.memory_space<vmem>>, vector<16xi32>,
          %parallel_loop3A_246 = arith.constant 10 : i32
          %parallel_loop3A_247 = vector.broadcast %parallel_loop3A_246 : i32 to vector<16xi32>
          %parallel_loop3A_248 = arith.muli %parallel_loop3A_238, %parallel_loop3A_247 : vector<16xi32>
          %parallel_loop3A_249 = arith.addi %parallel_loop3A_248, %parallel_loop3A_245 : vector<16xi32>
          %parallel_loop3A_250 = arith.constant 20 : i32
          %parallel_loop3A_251 = vector.broadcast %parallel_loop3A_250 : i32 to vector<16xi32>
          %parallel_loop3A_252 = arith.muli %parallel_loop3A_249, %parallel_loop3A_251 : vector<16xi32>
          %parallel_loop3A_253 = arith.constant 2 : i32
          %parallel_loop3A_254 = arith.muli %parallel_loop3A_253, %parallel_loop3A_137 : i32
          %parallel_loop3A_255 = arith.index_cast %parallel_loop3A_254 : i32 to index
          %parallel_loop3A_256 = arith.constant 64 : index
          %parallel_loop3A_257 = tpu.vector_load %arg7[%parallel_loop3A_255, %parallel_loop3A_256] {strides = array<i32>} : memref<200x128xi32, #tpu.memory_space<vmem>>, vector<16xi32>,
          tpu.vector_store %arg7[%parallel_loop3A_255, %parallel_loop3A_256], %parallel_loop3A_252 {strides = array<i32>} : memref<200x128xi32, #tpu.memory_space<vmem>>, vector<16xi32>,
          %parallel_loop3A_258 = arith.constant 2 : i32
          %parallel_loop3A_259 = arith.muli %parallel_loop3A_258, %parallel_loop3A_137 : i32
          %parallel_loop3A_260 = arith.index_cast %parallel_loop3A_259 : i32 to index
          %parallel_loop3A_261 = arith.constant 80 : index
          %parallel_loop3A_262 = tpu.vector_load %arg7[%parallel_loop3A_260, %parallel_loop3A_261] {strides = array<i32>} : memref<200x128xi32, #tpu.memory_space<vmem>>, vector<16xi32>,
          %parallel_loop3A_263 = arith.constant 2 : i32
          %parallel_loop3A_264 = arith.muli %parallel_loop3A_263, %parallel_loop3A_137 : i32
          %parallel_loop3A_265 = arith.constant 1 : i32
          %parallel_loop3A_266 = arith.addi %parallel_loop3A_264, %parallel_loop3A_265 : i32
          %parallel_loop3A_267 = arith.index_cast %parallel_loop3A_266 : i32 to index
          %parallel_loop3A_268 = arith.constant 80 : index
          %parallel_loop3A_269 = tpu.vector_load %arg7[%parallel_loop3A_267, %parallel_loop3A_268] {strides = array<i32>} : memref<200x128xi32, #tpu.memory_space<vmem>>, vector<16xi32>,
          %parallel_loop3A_270 = arith.constant 10 : i32
          %parallel_loop3A_271 = vector.broadcast %parallel_loop3A_270 : i32 to vector<16xi32>
          %parallel_loop3A_272 = arith.muli %parallel_loop3A_262, %parallel_loop3A_271 : vector<16xi32>
          %parallel_loop3A_273 = arith.addi %parallel_loop3A_272, %parallel_loop3A_269 : vector<16xi32>
          %parallel_loop3A_274 = arith.constant 20 : i32
          %parallel_loop3A_275 = vector.broadcast %parallel_loop3A_274 : i32 to vector<16xi32>
          %parallel_loop3A_276 = arith.muli %parallel_loop3A_273, %parallel_loop3A_275 : vector<16xi32>
          %parallel_loop3A_277 = arith.constant 2 : i32
          %parallel_loop3A_278 = arith.muli %parallel_loop3A_277, %parallel_loop3A_137 : i32
          %parallel_loop3A_279 = arith.index_cast %parallel_loop3A_278 : i32 to index
          %parallel_loop3A_280 = arith.constant 80 : index
          %parallel_loop3A_281 = tpu.vector_load %arg7[%parallel_loop3A_279, %parallel_loop3A_280] {strides = array<i32>} : memref<200x128xi32, #tpu.memory_space<vmem>>, vector<16xi32>,
          tpu.vector_store %arg7[%parallel_loop3A_279, %parallel_loop3A_280], %parallel_loop3A_276 {strides = array<i32>} : memref<200x128xi32, #tpu.memory_space<vmem>>, vector<16xi32>,
          %parallel_loop3A_282 = arith.constant 2 : i32
          %parallel_loop3A_283 = arith.muli %parallel_loop3A_282, %parallel_loop3A_137 : i32
          %parallel_loop3A_284 = arith.index_cast %parallel_loop3A_283 : i32 to index
          %parallel_loop3A_285 = arith.constant 96 : index
          %parallel_loop3A_286 = tpu.vector_load %arg7[%parallel_loop3A_284, %parallel_loop3A_285] {strides = array<i32>} : memref<200x128xi32, #tpu.memory_space<vmem>>, vector<16xi32>,
          %parallel_loop3A_287 = arith.constant 2 : i32
          %parallel_loop3A_288 = arith.muli %parallel_loop3A_287, %parallel_loop3A_137 : i32
          %parallel_loop3A_289 = arith.constant 1 : i32
          %parallel_loop3A_290 = arith.addi %parallel_loop3A_288, %parallel_loop3A_289 : i32
          %parallel_loop3A_291 = arith.index_cast %parallel_loop3A_290 : i32 to index
          %parallel_loop3A_292 = arith.constant 96 : index
          %parallel_loop3A_293 = tpu.vector_load %arg7[%parallel_loop3A_291, %parallel_loop3A_292] {strides = array<i32>} : memref<200x128xi32, #tpu.memory_space<vmem>>, vector<16xi32>,
          %parallel_loop3A_294 = arith.constant 10 : i32
          %parallel_loop3A_295 = vector.broadcast %parallel_loop3A_294 : i32 to vector<16xi32>
          %parallel_loop3A_296 = arith.muli %parallel_loop3A_286, %parallel_loop3A_295 : vector<16xi32>
          %parallel_loop3A_297 = arith.addi %parallel_loop3A_296, %parallel_loop3A_293 : vector<16xi32>
          %parallel_loop3A_298 = arith.constant 20 : i32
          %parallel_loop3A_299 = vector.broadcast %parallel_loop3A_298 : i32 to vector<16xi32>
          %parallel_loop3A_300 = arith.muli %parallel_loop3A_297, %parallel_loop3A_299 : vector<16xi32>
          %parallel_loop3A_301 = arith.constant 2 : i32
          %parallel_loop3A_302 = arith.muli %parallel_loop3A_301, %parallel_loop3A_137 : i32
          %parallel_loop3A_303 = arith.index_cast %parallel_loop3A_302 : i32 to index
          %parallel_loop3A_304 = arith.constant 96 : index
          %parallel_loop3A_305 = tpu.vector_load %arg7[%parallel_loop3A_303, %parallel_loop3A_304] {strides = array<i32>} : memref<200x128xi32, #tpu.memory_space<vmem>>, vector<16xi32>,
          tpu.vector_store %arg7[%parallel_loop3A_303, %parallel_loop3A_304], %parallel_loop3A_300 {strides = array<i32>} : memref<200x128xi32, #tpu.memory_space<vmem>>, vector<16xi32>,
          %parallel_loop3A_306 = arith.constant 2 : i32
          %parallel_loop3A_307 = arith.muli %parallel_loop3A_306, %parallel_loop3A_137 : i32
          %parallel_loop3A_308 = arith.index_cast %parallel_loop3A_307 : i32 to index
          %parallel_loop3A_309 = arith.constant 112 : index
          %parallel_loop3A_310 = tpu.vector_load %arg7[%parallel_loop3A_308, %parallel_loop3A_309] {strides = array<i32>} : memref<200x128xi32, #tpu.memory_space<vmem>>, vector<16xi32>,
          %parallel_loop3A_311 = arith.constant 2 : i32
          %parallel_loop3A_312 = arith.muli %parallel_loop3A_311, %parallel_loop3A_137 : i32
          %parallel_loop3A_313 = arith.constant 1 : i32
          %parallel_loop3A_314 = arith.addi %parallel_loop3A_312, %parallel_loop3A_313 : i32
          %parallel_loop3A_315 = arith.index_cast %parallel_loop3A_314 : i32 to index
          %parallel_loop3A_316 = arith.constant 112 : index
          %parallel_loop3A_317 = tpu.vector_load %arg7[%parallel_loop3A_315, %parallel_loop3A_316] {strides = array<i32>} : memref<200x128xi32, #tpu.memory_space<vmem>>, vector<16xi32>,
          %parallel_loop3A_318 = arith.constant 10 : i32
          %parallel_loop3A_319 = vector.broadcast %parallel_loop3A_318 : i32 to vector<16xi32>
          %parallel_loop3A_320 = arith.muli %parallel_loop3A_310, %parallel_loop3A_319 : vector<16xi32>
          %parallel_loop3A_321 = arith.addi %parallel_loop3A_320, %parallel_loop3A_317 : vector<16xi32>
          %parallel_loop3A_322 = arith.constant 20 : i32
          %parallel_loop3A_323 = vector.broadcast %parallel_loop3A_322 : i32 to vector<16xi32>
          %parallel_loop3A_324 = arith.muli %parallel_loop3A_321, %parallel_loop3A_323 : vector<16xi32>
          %parallel_loop3A_325 = arith.constant 2 : i32
          %parallel_loop3A_326 = arith.muli %parallel_loop3A_325, %parallel_loop3A_137 : i32
          %parallel_loop3A_327 = arith.index_cast %parallel_loop3A_326 : i32 to index
          %parallel_loop3A_328 = arith.constant 112 : index
          %parallel_loop3A_329 = tpu.vector_load %arg7[%parallel_loop3A_327, %parallel_loop3A_328] {strides = array<i32>} : memref<200x128xi32, #tpu.memory_space<vmem>>, vector<16xi32>,
          tpu.vector_store %arg7[%parallel_loop3A_327, %parallel_loop3A_328], %parallel_loop3A_324 {strides = array<i32>} : memref<200x128xi32, #tpu.memory_space<vmem>>, vector<16xi32>,
        } {sc.loop_unroll_factor = 4 : i64, sc.parallel_access}
      } else {
      }
      %ge3A = arith.constant 2 : i32
      %ge3A_53 = arith.cmpi sge, %add3A_31, %ge3A : i32
      %convert_element_type3A_54 = arith.extui %ge3A_53 : i1 to i32
      %cond3A_55 = arith.constant 0 : i32
      %cond3A_56 = arith.cmpi ne, %convert_element_type3A_54, %cond3A_55 : i32
      scf.if %cond3A_56 {
        %mul3A_129 = arith.constant 512 : i32
        %mul3A_130 = arith.muli %add3A, %mul3A_129 : i32
        %add3A_131 = arith.constant 0 : i32
        %add3A_132 = arith.addi %mul3A_130, %add3A_131 : i32
        %dma_wait3A_133 = tpu.memref_bitcast %arg4 : memref<4000x16384xf16, #tpu.memory_space<hbm>> -> memref<2000x16384xi32, #tpu.memory_space<hbm>>
        %dma_wait3A_134 = arith.constant 0 : i32
        %dma_wait3A_135 = tpu.memref_slice %dma_wait3A_133[%dma_wait3A_134, %add3A_132] : memref<2000x16384xi32, #tpu.memory_space<hbm>> -> memref<400x128xi32, #tpu.memory_space<hbm>>
        %dma_wait3A_136 = tpu.memref_bitcast %arg4 : memref<4000x16384xf16, #tpu.memory_space<hbm>> -> memref<2000x16384xi32, #tpu.memory_space<hbm>>
        %dma_wait3A_137 = arith.constant 0 : i32
        %dma_wait3A_138 = tpu.memref_slice %dma_wait3A_136[%dma_wait3A_137, %add3A_132] : memref<2000x16384xi32, #tpu.memory_space<hbm>> -> memref<400x128xi32, #tpu.memory_space<hbm>>
        tpu.wait_dma2 semaphore(%arg10 : memref<!tpu.dma_semaphore, #tpu.memory_space<semaphore_mem>>) src(%arg8 : memref<400x128xi32, #tpu.memory_space<vmem>>) dst(%dma_wait3A_138 : memref<400x128xi32, #tpu.memory_space<hbm>>)
      } else {
      }
      %mul3A_57 = arith.constant 4 : i32
      %mul3A_58 = arith.muli %sub3A_50, %mul3A_57 : i32
      %parallel_loop3A_59 = arith.constant 0 : i32
      %parallel_loop3A_60 = arith.constant 100 : i32
      %parallel_loop3A_61 = arith.constant 1 : i32
      scf.for %parallel_loop3A_129 = %parallel_loop3A_59 to %parallel_loop3A_60 step %parallel_loop3A_61  : i32 {
        %parallel_loop3A_130 = arith.constant 2 : i32
        %parallel_loop3A_131 = arith.muli %parallel_loop3A_130, %parallel_loop3A_129 : i32
        %parallel_loop3A_132 = arith.index_cast %parallel_loop3A_131 : i32 to index
        %parallel_loop3A_133 = arith.constant 0 : index
        %parallel_loop3A_134 = tpu.vector_load %arg7[%parallel_loop3A_132, %parallel_loop3A_133] {strides = array<i32>} : memref<200x128xi32, #tpu.memory_space<vmem>>, vector<16xi32>,
        %parallel_loop3A_135 = vector.broadcast %mul3A_58 : i32 to vector<16xi32>
        %parallel_loop3A_136 = arith.addi %parallel_loop3A_134, %parallel_loop3A_135 : vector<16xi32>
        %parallel_loop3A_137 = arith.constant 0 : i32
        %parallel_loop3A_138 = vector.broadcast %parallel_loop3A_137 : i32 to vector<16xi32>
        %parallel_loop3A_139 = arith.addi %parallel_loop3A_136, %parallel_loop3A_138 : vector<16xi32>
        %parallel_loop3A_140 = tpu.vector_load_idx %arg6[%parallel_loop3A_139] : memref<2000xi32, #tpu.memory_space<vmem>>[vector<16xi32>], vector<16xi32>,
        %parallel_loop3A_141 = arith.constant 0 : i32
        %parallel_loop3A_142 = arith.addi %parallel_loop3A_141, %parallel_loop3A_129 : i32
        %parallel_loop3A_143 = arith.index_cast %parallel_loop3A_142 : i32 to index
        %parallel_loop3A_144 = arith.constant 0 : index
        %parallel_loop3A_145 = tpu.vector_load %arg8[%parallel_loop3A_143, %parallel_loop3A_144] {strides = array<i32>} : memref<400x128xi32, #tpu.memory_space<vmem>>, vector<16xi32>,
        tpu.vector_store %arg8[%parallel_loop3A_143, %parallel_loop3A_144], %parallel_loop3A_140 {strides = array<i32>} : memref<400x128xi32, #tpu.memory_space<vmem>>, vector<16xi32>,
        %parallel_loop3A_146 = arith.constant 1 : i32
        %parallel_loop3A_147 = vector.broadcast %parallel_loop3A_146 : i32 to vector<16xi32>
        %parallel_loop3A_148 = arith.addi %parallel_loop3A_136, %parallel_loop3A_147 : vector<16xi32>
        %parallel_loop3A_149 = tpu.vector_load_idx %arg6[%parallel_loop3A_148] : memref<2000xi32, #tpu.memory_space<vmem>>[vector<16xi32>], vector<16xi32>,
        %parallel_loop3A_150 = arith.constant 100 : i32
        %parallel_loop3A_151 = arith.addi %parallel_loop3A_150, %parallel_loop3A_129 : i32
        %parallel_loop3A_152 = arith.index_cast %parallel_loop3A_151 : i32 to index
        %parallel_loop3A_153 = arith.constant 0 : index
        %parallel_loop3A_154 = tpu.vector_load %arg8[%parallel_loop3A_152, %parallel_loop3A_153] {strides = array<i32>} : memref<400x128xi32, #tpu.memory_space<vmem>>, vector<16xi32>,
        tpu.vector_store %arg8[%parallel_loop3A_152, %parallel_loop3A_153], %parallel_loop3A_149 {strides = array<i32>} : memref<400x128xi32, #tpu.memory_space<vmem>>, vector<16xi32>,
        %parallel_loop3A_155 = arith.constant 2 : i32
        %parallel_loop3A_156 = vector.broadcast %parallel_loop3A_155 : i32 to vector<16xi32>
        %parallel_loop3A_157 = arith.addi %parallel_loop3A_136, %parallel_loop3A_156 : vector<16xi32>
        %parallel_loop3A_158 = tpu.vector_load_idx %arg6[%parallel_loop3A_157] : memref<2000xi32, #tpu.memory_space<vmem>>[vector<16xi32>], vector<16xi32>,
        %parallel_loop3A_159 = arith.constant 200 : i32
        %parallel_loop3A_160 = arith.addi %parallel_loop3A_159, %parallel_loop3A_129 : i32
        %parallel_loop3A_161 = arith.index_cast %parallel_loop3A_160 : i32 to index
        %parallel_loop3A_162 = arith.constant 0 : index
        %parallel_loop3A_163 = tpu.vector_load %arg8[%parallel_loop3A_161, %parallel_loop3A_162] {strides = array<i32>} : memref<400x128xi32, #tpu.memory_space<vmem>>, vector<16xi32>,
        tpu.vector_store %arg8[%parallel_loop3A_161, %parallel_loop3A_162], %parallel_loop3A_158 {strides = array<i32>} : memref<400x128xi32, #tpu.memory_space<vmem>>, vector<16xi32>,
        %parallel_loop3A_164 = arith.constant 3 : i32
        %parallel_loop3A_165 = vector.broadcast %parallel_loop3A_164 : i32 to vector<16xi32>
        %parallel_loop3A_166 = arith.addi %parallel_loop3A_136, %parallel_loop3A_165 : vector<16xi32>
        %parallel_loop3A_167 = tpu.vector_load_idx %arg6[%parallel_loop3A_166] : memref<2000xi32, #tpu.memory_space<vmem>>[vector<16xi32>], vector<16xi32>,
        %parallel_loop3A_168 = arith.constant 300 : i32
        %parallel_loop3A_169 = arith.addi %parallel_loop3A_168, %parallel_loop3A_129 : i32
        %parallel_loop3A_170 = arith.index_cast %parallel_loop3A_169 : i32 to index
        %parallel_loop3A_171 = arith.constant 0 : index
        %parallel_loop3A_172 = tpu.vector_load %arg8[%parallel_loop3A_170, %parallel_loop3A_171] {strides = array<i32>} : memref<400x128xi32, #tpu.memory_space<vmem>>, vector<16xi32>,
        tpu.vector_store %arg8[%parallel_loop3A_170, %parallel_loop3A_171], %parallel_loop3A_167 {strides = array<i32>} : memref<400x128xi32, #tpu.memory_space<vmem>>, vector<16xi32>,
        %parallel_loop3A_173 = arith.constant 2 : i32
        %parallel_loop3A_174 = arith.muli %parallel_loop3A_173, %parallel_loop3A_129 : i32
        %parallel_loop3A_175 = arith.index_cast %parallel_loop3A_174 : i32 to index
        %parallel_loop3A_176 = arith.constant 16 : index
        %parallel_loop3A_177 = tpu.vector_load %arg7[%parallel_loop3A_175, %parallel_loop3A_176] {strides = array<i32>} : memref<200x128xi32, #tpu.memory_space<vmem>>, vector<16xi32>,
        %parallel_loop3A_178 = vector.broadcast %mul3A_58 : i32 to vector<16xi32>
        %parallel_loop3A_179 = arith.addi %parallel_loop3A_177, %parallel_loop3A_178 : vector<16xi32>
        %parallel_loop3A_180 = arith.constant 0 : i32
        %parallel_loop3A_181 = vector.broadcast %parallel_loop3A_180 : i32 to vector<16xi32>
        %parallel_loop3A_182 = arith.addi %parallel_loop3A_179, %parallel_loop3A_181 : vector<16xi32>
        %parallel_loop3A_183 = tpu.vector_load_idx %arg6[%parallel_loop3A_182] : memref<2000xi32, #tpu.memory_space<vmem>>[vector<16xi32>], vector<16xi32>,
        %parallel_loop3A_184 = arith.constant 0 : i32
        %parallel_loop3A_185 = arith.addi %parallel_loop3A_184, %parallel_loop3A_129 : i32
        %parallel_loop3A_186 = arith.index_cast %parallel_loop3A_185 : i32 to index
        %parallel_loop3A_187 = arith.constant 16 : index
        %parallel_loop3A_188 = tpu.vector_load %arg8[%parallel_loop3A_186, %parallel_loop3A_187] {strides = array<i32>} : memref<400x128xi32, #tpu.memory_space<vmem>>, vector<16xi32>,
        tpu.vector_store %arg8[%parallel_loop3A_186, %parallel_loop3A_187], %parallel_loop3A_183 {strides = array<i32>} : memref<400x128xi32, #tpu.memory_space<vmem>>, vector<16xi32>,
        %parallel_loop3A_189 = arith.constant 1 : i32
        %parallel_loop3A_190 = vector.broadcast %parallel_loop3A_189 : i32 to vector<16xi32>
        %parallel_loop3A_191 = arith.addi %parallel_loop3A_179, %parallel_loop3A_190 : vector<16xi32>
        %parallel_loop3A_192 = tpu.vector_load_idx %arg6[%parallel_loop3A_191] : memref<2000xi32, #tpu.memory_space<vmem>>[vector<16xi32>], vector<16xi32>,
        %parallel_loop3A_193 = arith.constant 100 : i32
        %parallel_loop3A_194 = arith.addi %parallel_loop3A_193, %parallel_loop3A_129 : i32
        %parallel_loop3A_195 = arith.index_cast %parallel_loop3A_194 : i32 to index
        %parallel_loop3A_196 = arith.constant 16 : index
        %parallel_loop3A_197 = tpu.vector_load %arg8[%parallel_loop3A_195, %parallel_loop3A_196] {strides = array<i32>} : memref<400x128xi32, #tpu.memory_space<vmem>>, vector<16xi32>,
        tpu.vector_store %arg8[%parallel_loop3A_195, %parallel_loop3A_196], %parallel_loop3A_192 {strides = array<i32>} : memref<400x128xi32, #tpu.memory_space<vmem>>, vector<16xi32>,
        %parallel_loop3A_198 = arith.constant 2 : i32
        %parallel_loop3A_199 = vector.broadcast %parallel_loop3A_198 : i32 to vector<16xi32>
        %parallel_loop3A_200 = arith.addi %parallel_loop3A_179, %parallel_loop3A_199 : vector<16xi32>
        %parallel_loop3A_201 = tpu.vector_load_idx %arg6[%parallel_loop3A_200] : memref<2000xi32, #tpu.memory_space<vmem>>[vector<16xi32>], vector<16xi32>,
        %parallel_loop3A_202 = arith.constant 200 : i32
        %parallel_loop3A_203 = arith.addi %parallel_loop3A_202, %parallel_loop3A_129 : i32
        %parallel_loop3A_204 = arith.index_cast %parallel_loop3A_203 : i32 to index
        %parallel_loop3A_205 = arith.constant 16 : index
        %parallel_loop3A_206 = tpu.vector_load %arg8[%parallel_loop3A_204, %parallel_loop3A_205] {strides = array<i32>} : memref<400x128xi32, #tpu.memory_space<vmem>>, vector<16xi32>,
        tpu.vector_store %arg8[%parallel_loop3A_204, %parallel_loop3A_205], %parallel_loop3A_201 {strides = array<i32>} : memref<400x128xi32, #tpu.memory_space<vmem>>, vector<16xi32>,
        %parallel_loop3A_207 = arith.constant 3 : i32
        %parallel_loop3A_208 = vector.broadcast %parallel_loop3A_207 : i32 to vector<16xi32>
        %parallel_loop3A_209 = arith.addi %parallel_loop3A_179, %parallel_loop3A_208 : vector<16xi32>
        %parallel_loop3A_210 = tpu.vector_load_idx %arg6[%parallel_loop3A_209] : memref<2000xi32, #tpu.memory_space<vmem>>[vector<16xi32>], vector<16xi32>,
        %parallel_loop3A_211 = arith.constant 300 : i32
        %parallel_loop3A_212 = arith.addi %parallel_loop3A_211, %parallel_loop3A_129 : i32
        %parallel_loop3A_213 = arith.index_cast %parallel_loop3A_212 : i32 to index
        %parallel_loop3A_214 = arith.constant 16 : index
        %parallel_loop3A_215 = tpu.vector_load %arg8[%parallel_loop3A_213, %parallel_loop3A_214] {strides = array<i32>} : memref<400x128xi32, #tpu.memory_space<vmem>>, vector<16xi32>,
        tpu.vector_store %arg8[%parallel_loop3A_213, %parallel_loop3A_214], %parallel_loop3A_210 {strides = array<i32>} : memref<400x128xi32, #tpu.memory_space<vmem>>, vector<16xi32>,
        %parallel_loop3A_216 = arith.constant 2 : i32
        %parallel_loop3A_217 = arith.muli %parallel_loop3A_216, %parallel_loop3A_129 : i32
        %parallel_loop3A_218 = arith.index_cast %parallel_loop3A_217 : i32 to index
        %parallel_loop3A_219 = arith.constant 32 : index
        %parallel_loop3A_220 = tpu.vector_load %arg7[%parallel_loop3A_218, %parallel_loop3A_219] {strides = array<i32>} : memref<200x128xi32, #tpu.memory_space<vmem>>, vector<16xi32>,
        %parallel_loop3A_221 = vector.broadcast %mul3A_58 : i32 to vector<16xi32>
        %parallel_loop3A_222 = arith.addi %parallel_loop3A_220, %parallel_loop3A_221 : vector<16xi32>
        %parallel_loop3A_223 = arith.constant 0 : i32
        %parallel_loop3A_224 = vector.broadcast %parallel_loop3A_223 : i32 to vector<16xi32>
        %parallel_loop3A_225 = arith.addi %parallel_loop3A_222, %parallel_loop3A_224 : vector<16xi32>
        %parallel_loop3A_226 = tpu.vector_load_idx %arg6[%parallel_loop3A_225] : memref<2000xi32, #tpu.memory_space<vmem>>[vector<16xi32>], vector<16xi32>,
        %parallel_loop3A_227 = arith.constant 0 : i32
        %parallel_loop3A_228 = arith.addi %parallel_loop3A_227, %parallel_loop3A_129 : i32
        %parallel_loop3A_229 = arith.index_cast %parallel_loop3A_228 : i32 to index
        %parallel_loop3A_230 = arith.constant 32 : index
        %parallel_loop3A_231 = tpu.vector_load %arg8[%parallel_loop3A_229, %parallel_loop3A_230] {strides = array<i32>} : memref<400x128xi32, #tpu.memory_space<vmem>>, vector<16xi32>,
        tpu.vector_store %arg8[%parallel_loop3A_229, %parallel_loop3A_230], %parallel_loop3A_226 {strides = array<i32>} : memref<400x128xi32, #tpu.memory_space<vmem>>, vector<16xi32>,
        %parallel_loop3A_232 = arith.constant 1 : i32
        %parallel_loop3A_233 = vector.broadcast %parallel_loop3A_232 : i32 to vector<16xi32>
        %parallel_loop3A_234 = arith.addi %parallel_loop3A_222, %parallel_loop3A_233 : vector<16xi32>
        %parallel_loop3A_235 = tpu.vector_load_idx %arg6[%parallel_loop3A_234] : memref<2000xi32, #tpu.memory_space<vmem>>[vector<16xi32>], vector<16xi32>,
        %parallel_loop3A_236 = arith.constant 100 : i32
        %parallel_loop3A_237 = arith.addi %parallel_loop3A_236, %parallel_loop3A_129 : i32
        %parallel_loop3A_238 = arith.index_cast %parallel_loop3A_237 : i32 to index
        %parallel_loop3A_239 = arith.constant 32 : index
        %parallel_loop3A_240 = tpu.vector_load %arg8[%parallel_loop3A_238, %parallel_loop3A_239] {strides = array<i32>} : memref<400x128xi32, #tpu.memory_space<vmem>>, vector<16xi32>,
        tpu.vector_store %arg8[%parallel_loop3A_238, %parallel_loop3A_239], %parallel_loop3A_235 {strides = array<i32>} : memref<400x128xi32, #tpu.memory_space<vmem>>, vector<16xi32>,
        %parallel_loop3A_241 = arith.constant 2 : i32
        %parallel_loop3A_242 = vector.broadcast %parallel_loop3A_241 : i32 to vector<16xi32>
        %parallel_loop3A_243 = arith.addi %parallel_loop3A_222, %parallel_loop3A_242 : vector<16xi32>
        %parallel_loop3A_244 = tpu.vector_load_idx %arg6[%parallel_loop3A_243] : memref<2000xi32, #tpu.memory_space<vmem>>[vector<16xi32>], vector<16xi32>,
        %parallel_loop3A_245 = arith.constant 200 : i32
        %parallel_loop3A_246 = arith.addi %parallel_loop3A_245, %parallel_loop3A_129 : i32
        %parallel_loop3A_247 = arith.index_cast %parallel_loop3A_246 : i32 to index
        %parallel_loop3A_248 = arith.constant 32 : index
        %parallel_loop3A_249 = tpu.vector_load %arg8[%parallel_loop3A_247, %parallel_loop3A_248] {strides = array<i32>} : memref<400x128xi32, #tpu.memory_space<vmem>>, vector<16xi32>,
        tpu.vector_store %arg8[%parallel_loop3A_247, %parallel_loop3A_248], %parallel_loop3A_244 {strides = array<i32>} : memref<400x128xi32, #tpu.memory_space<vmem>>, vector<16xi32>,
        %parallel_loop3A_250 = arith.constant 3 : i32
        %parallel_loop3A_251 = vector.broadcast %parallel_loop3A_250 : i32 to vector<16xi32>
        %parallel_loop3A_252 = arith.addi %parallel_loop3A_222, %parallel_loop3A_251 : vector<16xi32>
        %parallel_loop3A_253 = tpu.vector_load_idx %arg6[%parallel_loop3A_252] : memref<2000xi32, #tpu.memory_space<vmem>>[vector<16xi32>], vector<16xi32>,
        %parallel_loop3A_254 = arith.constant 300 : i32
        %parallel_loop3A_255 = arith.addi %parallel_loop3A_254, %parallel_loop3A_129 : i32
        %parallel_loop3A_256 = arith.index_cast %parallel_loop3A_255 : i32 to index
        %parallel_loop3A_257 = arith.constant 32 : index
        %parallel_loop3A_258 = tpu.vector_load %arg8[%parallel_loop3A_256, %parallel_loop3A_257] {strides = array<i32>} : memref<400x128xi32, #tpu.memory_space<vmem>>, vector<16xi32>,
        tpu.vector_store %arg8[%parallel_loop3A_256, %parallel_loop3A_257], %parallel_loop3A_253 {strides = array<i32>} : memref<400x128xi32, #tpu.memory_space<vmem>>, vector<16xi32>,
        %parallel_loop3A_259 = arith.constant 2 : i32
        %parallel_loop3A_260 = arith.muli %parallel_loop3A_259, %parallel_loop3A_129 : i32
        %parallel_loop3A_261 = arith.index_cast %parallel_loop3A_260 : i32 to index
        %parallel_loop3A_262 = arith.constant 48 : index
        %parallel_loop3A_263 = tpu.vector_load %arg7[%parallel_loop3A_261, %parallel_loop3A_262] {strides = array<i32>} : memref<200x128xi32, #tpu.memory_space<vmem>>, vector<16xi32>,
        %parallel_loop3A_264 = vector.broadcast %mul3A_58 : i32 to vector<16xi32>
        %parallel_loop3A_265 = arith.addi %parallel_loop3A_263, %parallel_loop3A_264 : vector<16xi32>
        %parallel_loop3A_266 = arith.constant 0 : i32
        %parallel_loop3A_267 = vector.broadcast %parallel_loop3A_266 : i32 to vector<16xi32>
        %parallel_loop3A_268 = arith.addi %parallel_loop3A_265, %parallel_loop3A_267 : vector<16xi32>
        %parallel_loop3A_269 = tpu.vector_load_idx %arg6[%parallel_loop3A_268] : memref<2000xi32, #tpu.memory_space<vmem>>[vector<16xi32>], vector<16xi32>,
        %parallel_loop3A_270 = arith.constant 0 : i32
        %parallel_loop3A_271 = arith.addi %parallel_loop3A_270, %parallel_loop3A_129 : i32
        %parallel_loop3A_272 = arith.index_cast %parallel_loop3A_271 : i32 to index
        %parallel_loop3A_273 = arith.constant 48 : index
        %parallel_loop3A_274 = tpu.vector_load %arg8[%parallel_loop3A_272, %parallel_loop3A_273] {strides = array<i32>} : memref<400x128xi32, #tpu.memory_space<vmem>>, vector<16xi32>,
        tpu.vector_store %arg8[%parallel_loop3A_272, %parallel_loop3A_273], %parallel_loop3A_269 {strides = array<i32>} : memref<400x128xi32, #tpu.memory_space<vmem>>, vector<16xi32>,
        %parallel_loop3A_275 = arith.constant 1 : i32
        %parallel_loop3A_276 = vector.broadcast %parallel_loop3A_275 : i32 to vector<16xi32>
        %parallel_loop3A_277 = arith.addi %parallel_loop3A_265, %parallel_loop3A_276 : vector<16xi32>
        %parallel_loop3A_278 = tpu.vector_load_idx %arg6[%parallel_loop3A_277] : memref<2000xi32, #tpu.memory_space<vmem>>[vector<16xi32>], vector<16xi32>,
        %parallel_loop3A_279 = arith.constant 100 : i32
        %parallel_loop3A_280 = arith.addi %parallel_loop3A_279, %parallel_loop3A_129 : i32
        %parallel_loop3A_281 = arith.index_cast %parallel_loop3A_280 : i32 to index
        %parallel_loop3A_282 = arith.constant 48 : index
        %parallel_loop3A_283 = tpu.vector_load %arg8[%parallel_loop3A_281, %parallel_loop3A_282] {strides = array<i32>} : memref<400x128xi32, #tpu.memory_space<vmem>>, vector<16xi32>,
        tpu.vector_store %arg8[%parallel_loop3A_281, %parallel_loop3A_282], %parallel_loop3A_278 {strides = array<i32>} : memref<400x128xi32, #tpu.memory_space<vmem>>, vector<16xi32>,
        %parallel_loop3A_284 = arith.constant 2 : i32
        %parallel_loop3A_285 = vector.broadcast %parallel_loop3A_284 : i32 to vector<16xi32>
        %parallel_loop3A_286 = arith.addi %parallel_loop3A_265, %parallel_loop3A_285 : vector<16xi32>
        %parallel_loop3A_287 = tpu.vector_load_idx %arg6[%parallel_loop3A_286] : memref<2000xi32, #tpu.memory_space<vmem>>[vector<16xi32>], vector<16xi32>,
        %parallel_loop3A_288 = arith.constant 200 : i32
        %parallel_loop3A_289 = arith.addi %parallel_loop3A_288, %parallel_loop3A_129 : i32
        %parallel_loop3A_290 = arith.index_cast %parallel_loop3A_289 : i32 to index
        %parallel_loop3A_291 = arith.constant 48 : index
        %parallel_loop3A_292 = tpu.vector_load %arg8[%parallel_loop3A_290, %parallel_loop3A_291] {strides = array<i32>} : memref<400x128xi32, #tpu.memory_space<vmem>>, vector<16xi32>,
        tpu.vector_store %arg8[%parallel_loop3A_290, %parallel_loop3A_291], %parallel_loop3A_287 {strides = array<i32>} : memref<400x128xi32, #tpu.memory_space<vmem>>, vector<16xi32>,
        %parallel_loop3A_293 = arith.constant 3 : i32
        %parallel_loop3A_294 = vector.broadcast %parallel_loop3A_293 : i32 to vector<16xi32>
        %parallel_loop3A_295 = arith.addi %parallel_loop3A_265, %parallel_loop3A_294 : vector<16xi32>
        %parallel_loop3A_296 = tpu.vector_load_idx %arg6[%parallel_loop3A_295] : memref<2000xi32, #tpu.memory_space<vmem>>[vector<16xi32>], vector<16xi32>,
        %parallel_loop3A_297 = arith.constant 300 : i32
        %parallel_loop3A_298 = arith.addi %parallel_loop3A_297, %parallel_loop3A_129 : i32
        %parallel_loop3A_299 = arith.index_cast %parallel_loop3A_298 : i32 to index
        %parallel_loop3A_300 = arith.constant 48 : index
        %parallel_loop3A_301 = tpu.vector_load %arg8[%parallel_loop3A_299, %parallel_loop3A_300] {strides = array<i32>} : memref<400x128xi32, #tpu.memory_space<vmem>>, vector<16xi32>,
        tpu.vector_store %arg8[%parallel_loop3A_299, %parallel_loop3A_300], %parallel_loop3A_296 {strides = array<i32>} : memref<400x128xi32, #tpu.memory_space<vmem>>, vector<16xi32>,
        %parallel_loop3A_302 = arith.constant 2 : i32
        %parallel_loop3A_303 = arith.muli %parallel_loop3A_302, %parallel_loop3A_129 : i32
        %parallel_loop3A_304 = arith.index_cast %parallel_loop3A_303 : i32 to index
        %parallel_loop3A_305 = arith.constant 64 : index
        %parallel_loop3A_306 = tpu.vector_load %arg7[%parallel_loop3A_304, %parallel_loop3A_305] {strides = array<i32>} : memref<200x128xi32, #tpu.memory_space<vmem>>, vector<16xi32>,
        %parallel_loop3A_307 = vector.broadcast %mul3A_58 : i32 to vector<16xi32>
        %parallel_loop3A_308 = arith.addi %parallel_loop3A_306, %parallel_loop3A_307 : vector<16xi32>
        %parallel_loop3A_309 = arith.constant 0 : i32
        %parallel_loop3A_310 = vector.broadcast %parallel_loop3A_309 : i32 to vector<16xi32>
        %parallel_loop3A_311 = arith.addi %parallel_loop3A_308, %parallel_loop3A_310 : vector<16xi32>
        %parallel_loop3A_312 = tpu.vector_load_idx %arg6[%parallel_loop3A_311] : memref<2000xi32, #tpu.memory_space<vmem>>[vector<16xi32>], vector<16xi32>,
        %parallel_loop3A_313 = arith.constant 0 : i32
        %parallel_loop3A_314 = arith.addi %parallel_loop3A_313, %parallel_loop3A_129 : i32
        %parallel_loop3A_315 = arith.index_cast %parallel_loop3A_314 : i32 to index
        %parallel_loop3A_316 = arith.constant 64 : index
        %parallel_loop3A_317 = tpu.vector_load %arg8[%parallel_loop3A_315, %parallel_loop3A_316] {strides = array<i32>} : memref<400x128xi32, #tpu.memory_space<vmem>>, vector<16xi32>,
        tpu.vector_store %arg8[%parallel_loop3A_315, %parallel_loop3A_316], %parallel_loop3A_312 {strides = array<i32>} : memref<400x128xi32, #tpu.memory_space<vmem>>, vector<16xi32>,
        %parallel_loop3A_318 = arith.constant 1 : i32
        %parallel_loop3A_319 = vector.broadcast %parallel_loop3A_318 : i32 to vector<16xi32>
        %parallel_loop3A_320 = arith.addi %parallel_loop3A_308, %parallel_loop3A_319 : vector<16xi32>
        %parallel_loop3A_321 = tpu.vector_load_idx %arg6[%parallel_loop3A_320] : memref<2000xi32, #tpu.memory_space<vmem>>[vector<16xi32>], vector<16xi32>,
        %parallel_loop3A_322 = arith.constant 100 : i32
        %parallel_loop3A_323 = arith.addi %parallel_loop3A_322, %parallel_loop3A_129 : i32
        %parallel_loop3A_324 = arith.index_cast %parallel_loop3A_323 : i32 to index
        %parallel_loop3A_325 = arith.constant 64 : index
        %parallel_loop3A_326 = tpu.vector_load %arg8[%parallel_loop3A_324, %parallel_loop3A_325] {strides = array<i32>} : memref<400x128xi32, #tpu.memory_space<vmem>>, vector<16xi32>,
        tpu.vector_store %arg8[%parallel_loop3A_324, %parallel_loop3A_325], %parallel_loop3A_321 {strides = array<i32>} : memref<400x128xi32, #tpu.memory_space<vmem>>, vector<16xi32>,
        %parallel_loop3A_327 = arith.constant 2 : i32
        %parallel_loop3A_328 = vector.broadcast %parallel_loop3A_327 : i32 to vector<16xi32>
        %parallel_loop3A_329 = arith.addi %parallel_loop3A_308, %parallel_loop3A_328 : vector<16xi32>
        %parallel_loop3A_330 = tpu.vector_load_idx %arg6[%parallel_loop3A_329] : memref<2000xi32, #tpu.memory_space<vmem>>[vector<16xi32>], vector<16xi32>,
        %parallel_loop3A_331 = arith.constant 200 : i32
        %parallel_loop3A_332 = arith.addi %parallel_loop3A_331, %parallel_loop3A_129 : i32
        %parallel_loop3A_333 = arith.index_cast %parallel_loop3A_332 : i32 to index
        %parallel_loop3A_334 = arith.constant 64 : index
        %parallel_loop3A_335 = tpu.vector_load %arg8[%parallel_loop3A_333, %parallel_loop3A_334] {strides = array<i32>} : memref<400x128xi32, #tpu.memory_space<vmem>>, vector<16xi32>,
        tpu.vector_store %arg8[%parallel_loop3A_333, %parallel_loop3A_334], %parallel_loop3A_330 {strides = array<i32>} : memref<400x128xi32, #tpu.memory_space<vmem>>, vector<16xi32>,
        %parallel_loop3A_336 = arith.constant 3 : i32
        %parallel_loop3A_337 = vector.broadcast %parallel_loop3A_336 : i32 to vector<16xi32>
        %parallel_loop3A_338 = arith.addi %parallel_loop3A_308, %parallel_loop3A_337 : vector<16xi32>
        %parallel_loop3A_339 = tpu.vector_load_idx %arg6[%parallel_loop3A_338] : memref<2000xi32, #tpu.memory_space<vmem>>[vector<16xi32>], vector<16xi32>,
        %parallel_loop3A_340 = arith.constant 300 : i32
        %parallel_loop3A_341 = arith.addi %parallel_loop3A_340, %parallel_loop3A_129 : i32
        %parallel_loop3A_342 = arith.index_cast %parallel_loop3A_341 : i32 to index
        %parallel_loop3A_343 = arith.constant 64 : index
        %parallel_loop3A_344 = tpu.vector_load %arg8[%parallel_loop3A_342, %parallel_loop3A_343] {strides = array<i32>} : memref<400x128xi32, #tpu.memory_space<vmem>>, vector<16xi32>,
        tpu.vector_store %arg8[%parallel_loop3A_342, %parallel_loop3A_343], %parallel_loop3A_339 {strides = array<i32>} : memref<400x128xi32, #tpu.memory_space<vmem>>, vector<16xi32>,
        %parallel_loop3A_345 = arith.constant 2 : i32
        %parallel_loop3A_346 = arith.muli %parallel_loop3A_345, %parallel_loop3A_129 : i32
        %parallel_loop3A_347 = arith.index_cast %parallel_loop3A_346 : i32 to index
        %parallel_loop3A_348 = arith.constant 80 : index
        %parallel_loop3A_349 = tpu.vector_load %arg7[%parallel_loop3A_347, %parallel_loop3A_348] {strides = array<i32>} : memref<200x128xi32, #tpu.memory_space<vmem>>, vector<16xi32>,
        %parallel_loop3A_350 = vector.broadcast %mul3A_58 : i32 to vector<16xi32>
        %parallel_loop3A_351 = arith.addi %parallel_loop3A_349, %parallel_loop3A_350 : vector<16xi32>
        %parallel_loop3A_352 = arith.constant 0 : i32
        %parallel_loop3A_353 = vector.broadcast %parallel_loop3A_352 : i32 to vector<16xi32>
        %parallel_loop3A_354 = arith.addi %parallel_loop3A_351, %parallel_loop3A_353 : vector<16xi32>
        %parallel_loop3A_355 = tpu.vector_load_idx %arg6[%parallel_loop3A_354] : memref<2000xi32, #tpu.memory_space<vmem>>[vector<16xi32>], vector<16xi32>,
        %parallel_loop3A_356 = arith.constant 0 : i32
        %parallel_loop3A_357 = arith.addi %parallel_loop3A_356, %parallel_loop3A_129 : i32
        %parallel_loop3A_358 = arith.index_cast %parallel_loop3A_357 : i32 to index
        %parallel_loop3A_359 = arith.constant 80 : index
        %parallel_loop3A_360 = tpu.vector_load %arg8[%parallel_loop3A_358, %parallel_loop3A_359] {strides = array<i32>} : memref<400x128xi32, #tpu.memory_space<vmem>>, vector<16xi32>,
        tpu.vector_store %arg8[%parallel_loop3A_358, %parallel_loop3A_359], %parallel_loop3A_355 {strides = array<i32>} : memref<400x128xi32, #tpu.memory_space<vmem>>, vector<16xi32>,
        %parallel_loop3A_361 = arith.constant 1 : i32
        %parallel_loop3A_362 = vector.broadcast %parallel_loop3A_361 : i32 to vector<16xi32>
        %parallel_loop3A_363 = arith.addi %parallel_loop3A_351, %parallel_loop3A_362 : vector<16xi32>
        %parallel_loop3A_364 = tpu.vector_load_idx %arg6[%parallel_loop3A_363] : memref<2000xi32, #tpu.memory_space<vmem>>[vector<16xi32>], vector<16xi32>,
        %parallel_loop3A_365 = arith.constant 100 : i32
        %parallel_loop3A_366 = arith.addi %parallel_loop3A_365, %parallel_loop3A_129 : i32
        %parallel_loop3A_367 = arith.index_cast %parallel_loop3A_366 : i32 to index
        %parallel_loop3A_368 = arith.constant 80 : index
        %parallel_loop3A_369 = tpu.vector_load %arg8[%parallel_loop3A_367, %parallel_loop3A_368] {strides = array<i32>} : memref<400x128xi32, #tpu.memory_space<vmem>>, vector<16xi32>,
        tpu.vector_store %arg8[%parallel_loop3A_367, %parallel_loop3A_368], %parallel_loop3A_364 {strides = array<i32>} : memref<400x128xi32, #tpu.memory_space<vmem>>, vector<16xi32>,
        %parallel_loop3A_370 = arith.constant 2 : i32
        %parallel_loop3A_371 = vector.broadcast %parallel_loop3A_370 : i32 to vector<16xi32>
        %parallel_loop3A_372 = arith.addi %parallel_loop3A_351, %parallel_loop3A_371 : vector<16xi32>
        %parallel_loop3A_373 = tpu.vector_load_idx %arg6[%parallel_loop3A_372] : memref<2000xi32, #tpu.memory_space<vmem>>[vector<16xi32>], vector<16xi32>,
        %parallel_loop3A_374 = arith.constant 200 : i32
        %parallel_loop3A_375 = arith.addi %parallel_loop3A_374, %parallel_loop3A_129 : i32
        %parallel_loop3A_376 = arith.index_cast %parallel_loop3A_375 : i32 to index
        %parallel_loop3A_377 = arith.constant 80 : index
        %parallel_loop3A_378 = tpu.vector_load %arg8[%parallel_loop3A_376, %parallel_loop3A_377] {strides = array<i32>} : memref<400x128xi32, #tpu.memory_space<vmem>>, vector<16xi32>,
        tpu.vector_store %arg8[%parallel_loop3A_376, %parallel_loop3A_377], %parallel_loop3A_373 {strides = array<i32>} : memref<400x128xi32, #tpu.memory_space<vmem>>, vector<16xi32>,
        %parallel_loop3A_379 = arith.constant 3 : i32
        %parallel_loop3A_380 = vector.broadcast %parallel_loop3A_379 : i32 to vector<16xi32>
        %parallel_loop3A_381 = arith.addi %parallel_loop3A_351, %parallel_loop3A_380 : vector<16xi32>
        %parallel_loop3A_382 = tpu.vector_load_idx %arg6[%parallel_loop3A_381] : memref<2000xi32, #tpu.memory_space<vmem>>[vector<16xi32>], vector<16xi32>,
        %parallel_loop3A_383 = arith.constant 300 : i32
        %parallel_loop3A_384 = arith.addi %parallel_loop3A_383, %parallel_loop3A_129 : i32
        %parallel_loop3A_385 = arith.index_cast %parallel_loop3A_384 : i32 to index
        %parallel_loop3A_386 = arith.constant 80 : index
        %parallel_loop3A_387 = tpu.vector_load %arg8[%parallel_loop3A_385, %parallel_loop3A_386] {strides = array<i32>} : memref<400x128xi32, #tpu.memory_space<vmem>>, vector<16xi32>,
        tpu.vector_store %arg8[%parallel_loop3A_385, %parallel_loop3A_386], %parallel_loop3A_382 {strides = array<i32>} : memref<400x128xi32, #tpu.memory_space<vmem>>, vector<16xi32>,
        %parallel_loop3A_388 = arith.constant 2 : i32
        %parallel_loop3A_389 = arith.muli %parallel_loop3A_388, %parallel_loop3A_129 : i32
        %parallel_loop3A_390 = arith.index_cast %parallel_loop3A_389 : i32 to index
        %parallel_loop3A_391 = arith.constant 96 : index
        %parallel_loop3A_392 = tpu.vector_load %arg7[%parallel_loop3A_390, %parallel_loop3A_391] {strides = array<i32>} : memref<200x128xi32, #tpu.memory_space<vmem>>, vector<16xi32>,
        %parallel_loop3A_393 = vector.broadcast %mul3A_58 : i32 to vector<16xi32>
        %parallel_loop3A_394 = arith.addi %parallel_loop3A_392, %parallel_loop3A_393 : vector<16xi32>
        %parallel_loop3A_395 = arith.constant 0 : i32
        %parallel_loop3A_396 = vector.broadcast %parallel_loop3A_395 : i32 to vector<16xi32>
        %parallel_loop3A_397 = arith.addi %parallel_loop3A_394, %parallel_loop3A_396 : vector<16xi32>
        %parallel_loop3A_398 = tpu.vector_load_idx %arg6[%parallel_loop3A_397] : memref<2000xi32, #tpu.memory_space<vmem>>[vector<16xi32>], vector<16xi32>,
        %parallel_loop3A_399 = arith.constant 0 : i32
        %parallel_loop3A_400 = arith.addi %parallel_loop3A_399, %parallel_loop3A_129 : i32
        %parallel_loop3A_401 = arith.index_cast %parallel_loop3A_400 : i32 to index
        %parallel_loop3A_402 = arith.constant 96 : index
        %parallel_loop3A_403 = tpu.vector_load %arg8[%parallel_loop3A_401, %parallel_loop3A_402] {strides = array<i32>} : memref<400x128xi32, #tpu.memory_space<vmem>>, vector<16xi32>,
        tpu.vector_store %arg8[%parallel_loop3A_401, %parallel_loop3A_402], %parallel_loop3A_398 {strides = array<i32>} : memref<400x128xi32, #tpu.memory_space<vmem>>, vector<16xi32>,
        %parallel_loop3A_404 = arith.constant 1 : i32
        %parallel_loop3A_405 = vector.broadcast %parallel_loop3A_404 : i32 to vector<16xi32>
        %parallel_loop3A_406 = arith.addi %parallel_loop3A_394, %parallel_loop3A_405 : vector<16xi32>
        %parallel_loop3A_407 = tpu.vector_load_idx %arg6[%parallel_loop3A_406] : memref<2000xi32, #tpu.memory_space<vmem>>[vector<16xi32>], vector<16xi32>,
        %parallel_loop3A_408 = arith.constant 100 : i32
        %parallel_loop3A_409 = arith.addi %parallel_loop3A_408, %parallel_loop3A_129 : i32
        %parallel_loop3A_410 = arith.index_cast %parallel_loop3A_409 : i32 to index
        %parallel_loop3A_411 = arith.constant 96 : index
        %parallel_loop3A_412 = tpu.vector_load %arg8[%parallel_loop3A_410, %parallel_loop3A_411] {strides = array<i32>} : memref<400x128xi32, #tpu.memory_space<vmem>>, vector<16xi32>,
        tpu.vector_store %arg8[%parallel_loop3A_410, %parallel_loop3A_411], %parallel_loop3A_407 {strides = array<i32>} : memref<400x128xi32, #tpu.memory_space<vmem>>, vector<16xi32>,
        %parallel_loop3A_413 = arith.constant 2 : i32
        %parallel_loop3A_414 = vector.broadcast %parallel_loop3A_413 : i32 to vector<16xi32>
        %parallel_loop3A_415 = arith.addi %parallel_loop3A_394, %parallel_loop3A_414 : vector<16xi32>
        %parallel_loop3A_416 = tpu.vector_load_idx %arg6[%parallel_loop3A_415] : memref<2000xi32, #tpu.memory_space<vmem>>[vector<16xi32>], vector<16xi32>,
        %parallel_loop3A_417 = arith.constant 200 : i32
        %parallel_loop3A_418 = arith.addi %parallel_loop3A_417, %parallel_loop3A_129 : i32
        %parallel_loop3A_419 = arith.index_cast %parallel_loop3A_418 : i32 to index
        %parallel_loop3A_420 = arith.constant 96 : index
        %parallel_loop3A_421 = tpu.vector_load %arg8[%parallel_loop3A_419, %parallel_loop3A_420] {strides = array<i32>} : memref<400x128xi32, #tpu.memory_space<vmem>>, vector<16xi32>,
        tpu.vector_store %arg8[%parallel_loop3A_419, %parallel_loop3A_420], %parallel_loop3A_416 {strides = array<i32>} : memref<400x128xi32, #tpu.memory_space<vmem>>, vector<16xi32>,
        %parallel_loop3A_422 = arith.constant 3 : i32
        %parallel_loop3A_423 = vector.broadcast %parallel_loop3A_422 : i32 to vector<16xi32>
        %parallel_loop3A_424 = arith.addi %parallel_loop3A_394, %parallel_loop3A_423 : vector<16xi32>
        %parallel_loop3A_425 = tpu.vector_load_idx %arg6[%parallel_loop3A_424] : memref<2000xi32, #tpu.memory_space<vmem>>[vector<16xi32>], vector<16xi32>,
        %parallel_loop3A_426 = arith.constant 300 : i32
        %parallel_loop3A_427 = arith.addi %parallel_loop3A_426, %parallel_loop3A_129 : i32
        %parallel_loop3A_428 = arith.index_cast %parallel_loop3A_427 : i32 to index
        %parallel_loop3A_429 = arith.constant 96 : index
        %parallel_loop3A_430 = tpu.vector_load %arg8[%parallel_loop3A_428, %parallel_loop3A_429] {strides = array<i32>} : memref<400x128xi32, #tpu.memory_space<vmem>>, vector<16xi32>,
        tpu.vector_store %arg8[%parallel_loop3A_428, %parallel_loop3A_429], %parallel_loop3A_425 {strides = array<i32>} : memref<400x128xi32, #tpu.memory_space<vmem>>, vector<16xi32>,
        %parallel_loop3A_431 = arith.constant 2 : i32
        %parallel_loop3A_432 = arith.muli %parallel_loop3A_431, %parallel_loop3A_129 : i32
        %parallel_loop3A_433 = arith.index_cast %parallel_loop3A_432 : i32 to index
        %parallel_loop3A_434 = arith.constant 112 : index
        %parallel_loop3A_435 = tpu.vector_load %arg7[%parallel_loop3A_433, %parallel_loop3A_434] {strides = array<i32>} : memref<200x128xi32, #tpu.memory_space<vmem>>, vector<16xi32>,
        %parallel_loop3A_436 = vector.broadcast %mul3A_58 : i32 to vector<16xi32>
        %parallel_loop3A_437 = arith.addi %parallel_loop3A_435, %parallel_loop3A_436 : vector<16xi32>
        %parallel_loop3A_438 = arith.constant 0 : i32
        %parallel_loop3A_439 = vector.broadcast %parallel_loop3A_438 : i32 to vector<16xi32>
        %parallel_loop3A_440 = arith.addi %parallel_loop3A_437, %parallel_loop3A_439 : vector<16xi32>
        %parallel_loop3A_441 = tpu.vector_load_idx %arg6[%parallel_loop3A_440] : memref<2000xi32, #tpu.memory_space<vmem>>[vector<16xi32>], vector<16xi32>,
        %parallel_loop3A_442 = arith.constant 0 : i32
        %parallel_loop3A_443 = arith.addi %parallel_loop3A_442, %parallel_loop3A_129 : i32
        %parallel_loop3A_444 = arith.index_cast %parallel_loop3A_443 : i32 to index
        %parallel_loop3A_445 = arith.constant 112 : index
        %parallel_loop3A_446 = tpu.vector_load %arg8[%parallel_loop3A_444, %parallel_loop3A_445] {strides = array<i32>} : memref<400x128xi32, #tpu.memory_space<vmem>>, vector<16xi32>,
        tpu.vector_store %arg8[%parallel_loop3A_444, %parallel_loop3A_445], %parallel_loop3A_441 {strides = array<i32>} : memref<400x128xi32, #tpu.memory_space<vmem>>, vector<16xi32>,
        %parallel_loop3A_447 = arith.constant 1 : i32
        %parallel_loop3A_448 = vector.broadcast %parallel_loop3A_447 : i32 to vector<16xi32>
        %parallel_loop3A_449 = arith.addi %parallel_loop3A_437, %parallel_loop3A_448 : vector<16xi32>
        %parallel_loop3A_450 = tpu.vector_load_idx %arg6[%parallel_loop3A_449] : memref<2000xi32, #tpu.memory_space<vmem>>[vector<16xi32>], vector<16xi32>,
        %parallel_loop3A_451 = arith.constant 100 : i32
        %parallel_loop3A_452 = arith.addi %parallel_loop3A_451, %parallel_loop3A_129 : i32
        %parallel_loop3A_453 = arith.index_cast %parallel_loop3A_452 : i32 to index
        %parallel_loop3A_454 = arith.constant 112 : index
        %parallel_loop3A_455 = tpu.vector_load %arg8[%parallel_loop3A_453, %parallel_loop3A_454] {strides = array<i32>} : memref<400x128xi32, #tpu.memory_space<vmem>>, vector<16xi32>,
        tpu.vector_store %arg8[%parallel_loop3A_453, %parallel_loop3A_454], %parallel_loop3A_450 {strides = array<i32>} : memref<400x128xi32, #tpu.memory_space<vmem>>, vector<16xi32>,
        %parallel_loop3A_456 = arith.constant 2 : i32
        %parallel_loop3A_457 = vector.broadcast %parallel_loop3A_456 : i32 to vector<16xi32>
        %parallel_loop3A_458 = arith.addi %parallel_loop3A_437, %parallel_loop3A_457 : vector<16xi32>
        %parallel_loop3A_459 = tpu.vector_load_idx %arg6[%parallel_loop3A_458] : memref<2000xi32, #tpu.memory_space<vmem>>[vector<16xi32>], vector<16xi32>,
        %parallel_loop3A_460 = arith.constant 200 : i32
        %parallel_loop3A_461 = arith.addi %parallel_loop3A_460, %parallel_loop3A_129 : i32
        %parallel_loop3A_462 = arith.index_cast %parallel_loop3A_461 : i32 to index
        %parallel_loop3A_463 = arith.constant 112 : index
        %parallel_loop3A_464 = tpu.vector_load %arg8[%parallel_loop3A_462, %parallel_loop3A_463] {strides = array<i32>} : memref<400x128xi32, #tpu.memory_space<vmem>>, vector<16xi32>,
        tpu.vector_store %arg8[%parallel_loop3A_462, %parallel_loop3A_463], %parallel_loop3A_459 {strides = array<i32>} : memref<400x128xi32, #tpu.memory_space<vmem>>, vector<16xi32>,
        %parallel_loop3A_465 = arith.constant 3 : i32
        %parallel_loop3A_466 = vector.broadcast %parallel_loop3A_465 : i32 to vector<16xi32>
        %parallel_loop3A_467 = arith.addi %parallel_loop3A_437, %parallel_loop3A_466 : vector<16xi32>
        %parallel_loop3A_468 = tpu.vector_load_idx %arg6[%parallel_loop3A_467] : memref<2000xi32, #tpu.memory_space<vmem>>[vector<16xi32>], vector<16xi32>,
        %parallel_loop3A_469 = arith.constant 300 : i32
        %parallel_loop3A_470 = arith.addi %parallel_loop3A_469, %parallel_loop3A_129 : i32
        %parallel_loop3A_471 = arith.index_cast %parallel_loop3A_470 : i32 to index
        %parallel_loop3A_472 = arith.constant 112 : index
        %parallel_loop3A_473 = tpu.vector_load %arg8[%parallel_loop3A_471, %parallel_loop3A_472] {strides = array<i32>} : memref<400x128xi32, #tpu.memory_space<vmem>>, vector<16xi32>,
        tpu.vector_store %arg8[%parallel_loop3A_471, %parallel_loop3A_472], %parallel_loop3A_468 {strides = array<i32>} : memref<400x128xi32, #tpu.memory_space<vmem>>, vector<16xi32>,
      } {sc.loop_unroll_factor = 2 : i64, sc.parallel_access}
      %mul3A_62 = arith.constant 400 : i32
      %mul3A_63 = arith.muli %sub3A_50, %mul3A_62 : i32
      %mul3A_64 = arith.constant 512 : i32
      %mul3A_65 = arith.muli %add3A, %mul3A_64 : i32
      %mul3A_66 = arith.constant 128 : i32
      %mul3A_67 = arith.muli %select_n3A, %mul3A_66 : i32
      %add3A_68 = arith.addi %mul3A_65, %mul3A_67 : i32
      %dma_start3A = tpu.memref_bitcast %arg4 : memref<4000x16384xf16, #tpu.memory_space<hbm>> -> memref<2000x16384xi32, #tpu.memory_space<hbm>>
      %dma_start3A_69 = tpu.memref_slice %dma_start3A[%mul3A_63, %add3A_68] : memref<2000x16384xi32, #tpu.memory_space<hbm>> -> memref<400x128xi32, #tpu.memory_space<hbm>>
      %dma_start3A_70 = tpu.memref_bitcast %arg4 : memref<4000x16384xf16, #tpu.memory_space<hbm>> -> memref<2000x16384xi32, #tpu.memory_space<hbm>>
      %dma_start3A_71 = tpu.memref_slice %dma_start3A_70[%mul3A_63, %add3A_68] : memref<2000x16384xi32, #tpu.memory_space<hbm>> -> memref<400x128xi32, #tpu.memory_space<hbm>>
      tpu.enqueue_dma source(%arg8 : memref<400x128xi32, #tpu.memory_space<vmem>>) target(%dma_start3A_71 : memref<400x128xi32, #tpu.memory_space<hbm>>) target_semaphore(%arg10 : memref<!tpu.dma_semaphore, #tpu.memory_space<semaphore_mem>>)
      %mul3A_72 = arith.constant 2 : i32
      %mul3A_73 = arith.muli %scan3A_27, %mul3A_72 : i32
      %add3A_74 = arith.constant 1 : i32
      %add3A_75 = arith.addi %mul3A_73, %add3A_74 : i32
      %jit3A_76 = arith.constant 5 : i32
      %div3A_77 = arith.divsi %add3A_75, %jit3A_76 : i32
      %sign3A_78 = arith.constant 0 : i32
      %sign3A_79 = arith.cmpi sgt, %add3A_75, %sign3A_78 : i32
      %sign3A_80 = arith.extui %sign3A_79 : i1 to i32
      %sign3A_81 = arith.constant 0 : i32
      %sign3A_82 = arith.cmpi slt, %add3A_75, %sign3A_81 : i32
      %sign3A_83 = arith.extui %sign3A_82 : i1 to i32
      %sign3A_84 = arith.subi %sign3A_80, %sign3A_83 : i32
      %sign3A_85 = arith.constant 0 : i32
      %sign3A_86 = arith.cmpi sgt, %jit3A_76, %sign3A_85 : i32
      %sign3A_87 = arith.extui %sign3A_86 : i1 to i32
      %sign3A_88 = arith.constant 0 : i32
      %sign3A_89 = arith.cmpi slt, %jit3A_76, %sign3A_88 : i32
      %sign3A_90 = arith.extui %sign3A_89 : i1 to i32
      %sign3A_91 = arith.subi %sign3A_87, %sign3A_90 : i32
      %ne3A_92 = arith.cmpi ne, %sign3A_84, %sign3A_91 : i32
      %rem3A_93 = arith.remsi %add3A_75, %jit3A_76 : i32
      %ne3A_94 = arith.constant 0 : i32
      %ne3A_95 = arith.cmpi ne, %rem3A_93, %ne3A_94 : i32
      %and3A_96 = arith.andi %ne3A_92, %ne3A_95 : i1
      %sub3A_97 = arith.constant 1 : i32
      %sub3A_98 = arith.subi %div3A_77, %sub3A_97 : i32
      %select_n3A_99 = arith.select %and3A_96, %sub3A_98, %div3A_77 : i32
      %mul3A_100 = arith.constant 5 : i32
      %mul3A_101 = arith.muli %select_n3A_99, %mul3A_100 : i32
      %sub3A_102 = arith.subi %add3A_75, %mul3A_101 : i32
      %eq3A_103 = arith.constant 0 : i32
      %eq3A_104 = arith.cmpi eq, %sub3A_102, %eq3A_103 : i32
      %convert_element_type3A_105 = arith.extui %eq3A_104 : i1 to i32
      %cond3A_106 = arith.constant 0 : i32
      %cond3A_107 = arith.cmpi ne, %convert_element_type3A_105, %cond3A_106 : i32
      scf.if %cond3A_107 {
        %mul3A_129 = arith.constant 512 : i32
        %mul3A_130 = arith.muli %add3A, %mul3A_129 : i32
        %mul3A_131 = arith.constant 128 : i32
        %mul3A_132 = arith.muli %select_n3A_99, %mul3A_131 : i32
        %add3A_133 = arith.addi %mul3A_130, %mul3A_132 : i32
        "tpu.region"() ({
          %run_scoped3A = tpu.sem_alloc : memref<!tpu.dma_semaphore, #tpu.memory_space<semaphore_mem>>
          %dma_start3A_137 = arith.constant 0 : i32
          %dma_start3A_138 = tpu.memref_slice %arg3[%dma_start3A_137, %add3A_133] : memref<200x16384xi32, #tpu.memory_space<hbm>> -> memref<200x128xi32, #tpu.memory_space<hbm>>
          %dma_start3A_139 = arith.constant 0 : i32
          %dma_start3A_140 = tpu.memref_slice %arg3[%dma_start3A_139, %add3A_133] : memref<200x16384xi32, #tpu.memory_space<hbm>> -> memref<200x128xi32, #tpu.memory_space<hbm>>
          tpu.enqueue_dma source(%dma_start3A_140 : memref<200x128xi32, #tpu.memory_space<hbm>>) target(%arg7 : memref<200x128xi32, #tpu.memory_space<vmem>>) target_semaphore(%run_scoped3A : memref<!tpu.dma_semaphore, #tpu.memory_space<semaphore_mem>>)
          %dma_wait3A_141 = arith.constant 0 : i32
          %dma_wait3A_142 = tpu.memref_slice %arg3[%dma_wait3A_141, %add3A_133] : memref<200x16384xi32, #tpu.memory_space<hbm>> -> memref<200x128xi32, #tpu.memory_space<hbm>>
          %dma_wait3A_143 = arith.constant 0 : i32
          %dma_wait3A_144 = tpu.memref_slice %arg3[%dma_wait3A_143, %add3A_133] : memref<200x16384xi32, #tpu.memory_space<hbm>> -> memref<200x128xi32, #tpu.memory_space<hbm>>
          tpu.wait_dma2 semaphore(%run_scoped3A : memref<!tpu.dma_semaphore, #tpu.memory_space<semaphore_mem>>) src(%dma_wait3A_144 : memref<200x128xi32, #tpu.memory_space<hbm>>) dst(%arg7 : memref<200x128xi32, #tpu.memory_space<vmem>>)
          tpu.yield
        }) : () -> ()
        %parallel_loop3A_134 = arith.constant 0 : i32
        %parallel_loop3A_135 = arith.constant 100 : i32
        %parallel_loop3A_136 = arith.constant 1 : i32
        scf.for %parallel_loop3A_137 = %parallel_loop3A_134 to %parallel_loop3A_135 step %parallel_loop3A_136  : i32 {
          %parallel_loop3A_138 = arith.constant 2 : i32
          %parallel_loop3A_139 = arith.muli %parallel_loop3A_138, %parallel_loop3A_137 : i32
          %parallel_loop3A_140 = arith.index_cast %parallel_loop3A_139 : i32 to index
          %parallel_loop3A_141 = arith.constant 0 : index
          %parallel_loop3A_142 = tpu.vector_load %arg7[%parallel_loop3A_140, %parallel_loop3A_141] {strides = array<i32>} : memref<200x128xi32, #tpu.memory_space<vmem>>, vector<16xi32>,
          %parallel_loop3A_143 = arith.constant 2 : i32
          %parallel_loop3A_144 = arith.muli %parallel_loop3A_143, %parallel_loop3A_137 : i32
          %parallel_loop3A_145 = arith.constant 1 : i32
          %parallel_loop3A_146 = arith.addi %parallel_loop3A_144, %parallel_loop3A_145 : i32
          %parallel_loop3A_147 = arith.index_cast %parallel_loop3A_146 : i32 to index
          %parallel_loop3A_148 = arith.constant 0 : index
          %parallel_loop3A_149 = tpu.vector_load %arg7[%parallel_loop3A_147, %parallel_loop3A_148] {strides = array<i32>} : memref<200x128xi32, #tpu.memory_space<vmem>>, vector<16xi32>,
          %parallel_loop3A_150 = arith.constant 10 : i32
          %parallel_loop3A_151 = vector.broadcast %parallel_loop3A_150 : i32 to vector<16xi32>
          %parallel_loop3A_152 = arith.muli %parallel_loop3A_142, %parallel_loop3A_151 : vector<16xi32>
          %parallel_loop3A_153 = arith.addi %parallel_loop3A_152, %parallel_loop3A_149 : vector<16xi32>
          %parallel_loop3A_154 = arith.constant 20 : i32
          %parallel_loop3A_155 = vector.broadcast %parallel_loop3A_154 : i32 to vector<16xi32>
          %parallel_loop3A_156 = arith.muli %parallel_loop3A_153, %parallel_loop3A_155 : vector<16xi32>
          %parallel_loop3A_157 = arith.constant 2 : i32
          %parallel_loop3A_158 = arith.muli %parallel_loop3A_157, %parallel_loop3A_137 : i32
          %parallel_loop3A_159 = arith.index_cast %parallel_loop3A_158 : i32 to index
          %parallel_loop3A_160 = arith.constant 0 : index
          %parallel_loop3A_161 = tpu.vector_load %arg7[%parallel_loop3A_159, %parallel_loop3A_160] {strides = array<i32>} : memref<200x128xi32, #tpu.memory_space<vmem>>, vector<16xi32>,
          tpu.vector_store %arg7[%parallel_loop3A_159, %parallel_loop3A_160], %parallel_loop3A_156 {strides = array<i32>} : memref<200x128xi32, #tpu.memory_space<vmem>>, vector<16xi32>,
          %parallel_loop3A_162 = arith.constant 2 : i32
          %parallel_loop3A_163 = arith.muli %parallel_loop3A_162, %parallel_loop3A_137 : i32
          %parallel_loop3A_164 = arith.index_cast %parallel_loop3A_163 : i32 to index
          %parallel_loop3A_165 = arith.constant 16 : index
          %parallel_loop3A_166 = tpu.vector_load %arg7[%parallel_loop3A_164, %parallel_loop3A_165] {strides = array<i32>} : memref<200x128xi32, #tpu.memory_space<vmem>>, vector<16xi32>,
          %parallel_loop3A_167 = arith.constant 2 : i32
          %parallel_loop3A_168 = arith.muli %parallel_loop3A_167, %parallel_loop3A_137 : i32
          %parallel_loop3A_169 = arith.constant 1 : i32
          %parallel_loop3A_170 = arith.addi %parallel_loop3A_168, %parallel_loop3A_169 : i32
          %parallel_loop3A_171 = arith.index_cast %parallel_loop3A_170 : i32 to index
          %parallel_loop3A_172 = arith.constant 16 : index
          %parallel_loop3A_173 = tpu.vector_load %arg7[%parallel_loop3A_171, %parallel_loop3A_172] {strides = array<i32>} : memref<200x128xi32, #tpu.memory_space<vmem>>, vector<16xi32>,
          %parallel_loop3A_174 = arith.constant 10 : i32
          %parallel_loop3A_175 = vector.broadcast %parallel_loop3A_174 : i32 to vector<16xi32>
          %parallel_loop3A_176 = arith.muli %parallel_loop3A_166, %parallel_loop3A_175 : vector<16xi32>
          %parallel_loop3A_177 = arith.addi %parallel_loop3A_176, %parallel_loop3A_173 : vector<16xi32>
          %parallel_loop3A_178 = arith.constant 20 : i32
          %parallel_loop3A_179 = vector.broadcast %parallel_loop3A_178 : i32 to vector<16xi32>
          %parallel_loop3A_180 = arith.muli %parallel_loop3A_177, %parallel_loop3A_179 : vector<16xi32>
          %parallel_loop3A_181 = arith.constant 2 : i32
          %parallel_loop3A_182 = arith.muli %parallel_loop3A_181, %parallel_loop3A_137 : i32
          %parallel_loop3A_183 = arith.index_cast %parallel_loop3A_182 : i32 to index
          %parallel_loop3A_184 = arith.constant 16 : index
          %parallel_loop3A_185 = tpu.vector_load %arg7[%parallel_loop3A_183, %parallel_loop3A_184] {strides = array<i32>} : memref<200x128xi32, #tpu.memory_space<vmem>>, vector<16xi32>,
          tpu.vector_store %arg7[%parallel_loop3A_183, %parallel_loop3A_184], %parallel_loop3A_180 {strides = array<i32>} : memref<200x128xi32, #tpu.memory_space<vmem>>, vector<16xi32>,
          %parallel_loop3A_186 = arith.constant 2 : i32
          %parallel_loop3A_187 = arith.muli %parallel_loop3A_186, %parallel_loop3A_137 : i32
          %parallel_loop3A_188 = arith.index_cast %parallel_loop3A_187 : i32 to index
          %parallel_loop3A_189 = arith.constant 32 : index
          %parallel_loop3A_190 = tpu.vector_load %arg7[%parallel_loop3A_188, %parallel_loop3A_189] {strides = array<i32>} : memref<200x128xi32, #tpu.memory_space<vmem>>, vector<16xi32>,
          %parallel_loop3A_191 = arith.constant 2 : i32
          %parallel_loop3A_192 = arith.muli %parallel_loop3A_191, %parallel_loop3A_137 : i32
          %parallel_loop3A_193 = arith.constant 1 : i32
          %parallel_loop3A_194 = arith.addi %parallel_loop3A_192, %parallel_loop3A_193 : i32
          %parallel_loop3A_195 = arith.index_cast %parallel_loop3A_194 : i32 to index
          %parallel_loop3A_196 = arith.constant 32 : index
          %parallel_loop3A_197 = tpu.vector_load %arg7[%parallel_loop3A_195, %parallel_loop3A_196] {strides = array<i32>} : memref<200x128xi32, #tpu.memory_space<vmem>>, vector<16xi32>,
          %parallel_loop3A_198 = arith.constant 10 : i32
          %parallel_loop3A_199 = vector.broadcast %parallel_loop3A_198 : i32 to vector<16xi32>
          %parallel_loop3A_200 = arith.muli %parallel_loop3A_190, %parallel_loop3A_199 : vector<16xi32>
          %parallel_loop3A_201 = arith.addi %parallel_loop3A_200, %parallel_loop3A_197 : vector<16xi32>
          %parallel_loop3A_202 = arith.constant 20 : i32
          %parallel_loop3A_203 = vector.broadcast %parallel_loop3A_202 : i32 to vector<16xi32>
          %parallel_loop3A_204 = arith.muli %parallel_loop3A_201, %parallel_loop3A_203 : vector<16xi32>
          %parallel_loop3A_205 = arith.constant 2 : i32
          %parallel_loop3A_206 = arith.muli %parallel_loop3A_205, %parallel_loop3A_137 : i32
          %parallel_loop3A_207 = arith.index_cast %parallel_loop3A_206 : i32 to index
          %parallel_loop3A_208 = arith.constant 32 : index
          %parallel_loop3A_209 = tpu.vector_load %arg7[%parallel_loop3A_207, %parallel_loop3A_208] {strides = array<i32>} : memref<200x128xi32, #tpu.memory_space<vmem>>, vector<16xi32>,
          tpu.vector_store %arg7[%parallel_loop3A_207, %parallel_loop3A_208], %parallel_loop3A_204 {strides = array<i32>} : memref<200x128xi32, #tpu.memory_space<vmem>>, vector<16xi32>,
          %parallel_loop3A_210 = arith.constant 2 : i32
          %parallel_loop3A_211 = arith.muli %parallel_loop3A_210, %parallel_loop3A_137 : i32
          %parallel_loop3A_212 = arith.index_cast %parallel_loop3A_211 : i32 to index
          %parallel_loop3A_213 = arith.constant 48 : index
          %parallel_loop3A_214 = tpu.vector_load %arg7[%parallel_loop3A_212, %parallel_loop3A_213] {strides = array<i32>} : memref<200x128xi32, #tpu.memory_space<vmem>>, vector<16xi32>,
          %parallel_loop3A_215 = arith.constant 2 : i32
          %parallel_loop3A_216 = arith.muli %parallel_loop3A_215, %parallel_loop3A_137 : i32
          %parallel_loop3A_217 = arith.constant 1 : i32
          %parallel_loop3A_218 = arith.addi %parallel_loop3A_216, %parallel_loop3A_217 : i32
          %parallel_loop3A_219 = arith.index_cast %parallel_loop3A_218 : i32 to index
          %parallel_loop3A_220 = arith.constant 48 : index
          %parallel_loop3A_221 = tpu.vector_load %arg7[%parallel_loop3A_219, %parallel_loop3A_220] {strides = array<i32>} : memref<200x128xi32, #tpu.memory_space<vmem>>, vector<16xi32>,
          %parallel_loop3A_222 = arith.constant 10 : i32
          %parallel_loop3A_223 = vector.broadcast %parallel_loop3A_222 : i32 to vector<16xi32>
          %parallel_loop3A_224 = arith.muli %parallel_loop3A_214, %parallel_loop3A_223 : vector<16xi32>
          %parallel_loop3A_225 = arith.addi %parallel_loop3A_224, %parallel_loop3A_221 : vector<16xi32>
          %parallel_loop3A_226 = arith.constant 20 : i32
          %parallel_loop3A_227 = vector.broadcast %parallel_loop3A_226 : i32 to vector<16xi32>
          %parallel_loop3A_228 = arith.muli %parallel_loop3A_225, %parallel_loop3A_227 : vector<16xi32>
          %parallel_loop3A_229 = arith.constant 2 : i32
          %parallel_loop3A_230 = arith.muli %parallel_loop3A_229, %parallel_loop3A_137 : i32
          %parallel_loop3A_231 = arith.index_cast %parallel_loop3A_230 : i32 to index
          %parallel_loop3A_232 = arith.constant 48 : index
          %parallel_loop3A_233 = tpu.vector_load %arg7[%parallel_loop3A_231, %parallel_loop3A_232] {strides = array<i32>} : memref<200x128xi32, #tpu.memory_space<vmem>>, vector<16xi32>,
          tpu.vector_store %arg7[%parallel_loop3A_231, %parallel_loop3A_232], %parallel_loop3A_228 {strides = array<i32>} : memref<200x128xi32, #tpu.memory_space<vmem>>, vector<16xi32>,
          %parallel_loop3A_234 = arith.constant 2 : i32
          %parallel_loop3A_235 = arith.muli %parallel_loop3A_234, %parallel_loop3A_137 : i32
          %parallel_loop3A_236 = arith.index_cast %parallel_loop3A_235 : i32 to index
          %parallel_loop3A_237 = arith.constant 64 : index
          %parallel_loop3A_238 = tpu.vector_load %arg7[%parallel_loop3A_236, %parallel_loop3A_237] {strides = array<i32>} : memref<200x128xi32, #tpu.memory_space<vmem>>, vector<16xi32>,
          %parallel_loop3A_239 = arith.constant 2 : i32
          %parallel_loop3A_240 = arith.muli %parallel_loop3A_239, %parallel_loop3A_137 : i32
          %parallel_loop3A_241 = arith.constant 1 : i32
          %parallel_loop3A_242 = arith.addi %parallel_loop3A_240, %parallel_loop3A_241 : i32
          %parallel_loop3A_243 = arith.index_cast %parallel_loop3A_242 : i32 to index
          %parallel_loop3A_244 = arith.constant 64 : index
          %parallel_loop3A_245 = tpu.vector_load %arg7[%parallel_loop3A_243, %parallel_loop3A_244] {strides = array<i32>} : memref<200x128xi32, #tpu.memory_space<vmem>>, vector<16xi32>,
          %parallel_loop3A_246 = arith.constant 10 : i32
          %parallel_loop3A_247 = vector.broadcast %parallel_loop3A_246 : i32 to vector<16xi32>
          %parallel_loop3A_248 = arith.muli %parallel_loop3A_238, %parallel_loop3A_247 : vector<16xi32>
          %parallel_loop3A_249 = arith.addi %parallel_loop3A_248, %parallel_loop3A_245 : vector<16xi32>
          %parallel_loop3A_250 = arith.constant 20 : i32
          %parallel_loop3A_251 = vector.broadcast %parallel_loop3A_250 : i32 to vector<16xi32>
          %parallel_loop3A_252 = arith.muli %parallel_loop3A_249, %parallel_loop3A_251 : vector<16xi32>
          %parallel_loop3A_253 = arith.constant 2 : i32
          %parallel_loop3A_254 = arith.muli %parallel_loop3A_253, %parallel_loop3A_137 : i32
          %parallel_loop3A_255 = arith.index_cast %parallel_loop3A_254 : i32 to index
          %parallel_loop3A_256 = arith.constant 64 : index
          %parallel_loop3A_257 = tpu.vector_load %arg7[%parallel_loop3A_255, %parallel_loop3A_256] {strides = array<i32>} : memref<200x128xi32, #tpu.memory_space<vmem>>, vector<16xi32>,
          tpu.vector_store %arg7[%parallel_loop3A_255, %parallel_loop3A_256], %parallel_loop3A_252 {strides = array<i32>} : memref<200x128xi32, #tpu.memory_space<vmem>>, vector<16xi32>,
          %parallel_loop3A_258 = arith.constant 2 : i32
          %parallel_loop3A_259 = arith.muli %parallel_loop3A_258, %parallel_loop3A_137 : i32
          %parallel_loop3A_260 = arith.index_cast %parallel_loop3A_259 : i32 to index
          %parallel_loop3A_261 = arith.constant 80 : index
          %parallel_loop3A_262 = tpu.vector_load %arg7[%parallel_loop3A_260, %parallel_loop3A_261] {strides = array<i32>} : memref<200x128xi32, #tpu.memory_space<vmem>>, vector<16xi32>,
          %parallel_loop3A_263 = arith.constant 2 : i32
          %parallel_loop3A_264 = arith.muli %parallel_loop3A_263, %parallel_loop3A_137 : i32
          %parallel_loop3A_265 = arith.constant 1 : i32
          %parallel_loop3A_266 = arith.addi %parallel_loop3A_264, %parallel_loop3A_265 : i32
          %parallel_loop3A_267 = arith.index_cast %parallel_loop3A_266 : i32 to index
          %parallel_loop3A_268 = arith.constant 80 : index
          %parallel_loop3A_269 = tpu.vector_load %arg7[%parallel_loop3A_267, %parallel_loop3A_268] {strides = array<i32>} : memref<200x128xi32, #tpu.memory_space<vmem>>, vector<16xi32>,
          %parallel_loop3A_270 = arith.constant 10 : i32
          %parallel_loop3A_271 = vector.broadcast %parallel_loop3A_270 : i32 to vector<16xi32>
          %parallel_loop3A_272 = arith.muli %parallel_loop3A_262, %parallel_loop3A_271 : vector<16xi32>
          %parallel_loop3A_273 = arith.addi %parallel_loop3A_272, %parallel_loop3A_269 : vector<16xi32>
          %parallel_loop3A_274 = arith.constant 20 : i32
          %parallel_loop3A_275 = vector.broadcast %parallel_loop3A_274 : i32 to vector<16xi32>
          %parallel_loop3A_276 = arith.muli %parallel_loop3A_273, %parallel_loop3A_275 : vector<16xi32>
          %parallel_loop3A_277 = arith.constant 2 : i32
          %parallel_loop3A_278 = arith.muli %parallel_loop3A_277, %parallel_loop3A_137 : i32
          %parallel_loop3A_279 = arith.index_cast %parallel_loop3A_278 : i32 to index
          %parallel_loop3A_280 = arith.constant 80 : index
          %parallel_loop3A_281 = tpu.vector_load %arg7[%parallel_loop3A_279, %parallel_loop3A_280] {strides = array<i32>} : memref<200x128xi32, #tpu.memory_space<vmem>>, vector<16xi32>,
          tpu.vector_store %arg7[%parallel_loop3A_279, %parallel_loop3A_280], %parallel_loop3A_276 {strides = array<i32>} : memref<200x128xi32, #tpu.memory_space<vmem>>, vector<16xi32>,
          %parallel_loop3A_282 = arith.constant 2 : i32
          %parallel_loop3A_283 = arith.muli %parallel_loop3A_282, %parallel_loop3A_137 : i32
          %parallel_loop3A_284 = arith.index_cast %parallel_loop3A_283 : i32 to index
          %parallel_loop3A_285 = arith.constant 96 : index
          %parallel_loop3A_286 = tpu.vector_load %arg7[%parallel_loop3A_284, %parallel_loop3A_285] {strides = array<i32>} : memref<200x128xi32, #tpu.memory_space<vmem>>, vector<16xi32>,
          %parallel_loop3A_287 = arith.constant 2 : i32
          %parallel_loop3A_288 = arith.muli %parallel_loop3A_287, %parallel_loop3A_137 : i32
          %parallel_loop3A_289 = arith.constant 1 : i32
          %parallel_loop3A_290 = arith.addi %parallel_loop3A_288, %parallel_loop3A_289 : i32
          %parallel_loop3A_291 = arith.index_cast %parallel_loop3A_290 : i32 to index
          %parallel_loop3A_292 = arith.constant 96 : index
          %parallel_loop3A_293 = tpu.vector_load %arg7[%parallel_loop3A_291, %parallel_loop3A_292] {strides = array<i32>} : memref<200x128xi32, #tpu.memory_space<vmem>>, vector<16xi32>,
          %parallel_loop3A_294 = arith.constant 10 : i32
          %parallel_loop3A_295 = vector.broadcast %parallel_loop3A_294 : i32 to vector<16xi32>
          %parallel_loop3A_296 = arith.muli %parallel_loop3A_286, %parallel_loop3A_295 : vector<16xi32>
          %parallel_loop3A_297 = arith.addi %parallel_loop3A_296, %parallel_loop3A_293 : vector<16xi32>
          %parallel_loop3A_298 = arith.constant 20 : i32
          %parallel_loop3A_299 = vector.broadcast %parallel_loop3A_298 : i32 to vector<16xi32>
          %parallel_loop3A_300 = arith.muli %parallel_loop3A_297, %parallel_loop3A_299 : vector<16xi32>
          %parallel_loop3A_301 = arith.constant 2 : i32
          %parallel_loop3A_302 = arith.muli %parallel_loop3A_301, %parallel_loop3A_137 : i32
          %parallel_loop3A_303 = arith.index_cast %parallel_loop3A_302 : i32 to index
          %parallel_loop3A_304 = arith.constant 96 : index
          %parallel_loop3A_305 = tpu.vector_load %arg7[%parallel_loop3A_303, %parallel_loop3A_304] {strides = array<i32>} : memref<200x128xi32, #tpu.memory_space<vmem>>, vector<16xi32>,
          tpu.vector_store %arg7[%parallel_loop3A_303, %parallel_loop3A_304], %parallel_loop3A_300 {strides = array<i32>} : memref<200x128xi32, #tpu.memory_space<vmem>>, vector<16xi32>,
          %parallel_loop3A_306 = arith.constant 2 : i32
          %parallel_loop3A_307 = arith.muli %parallel_loop3A_306, %parallel_loop3A_137 : i32
          %parallel_loop3A_308 = arith.index_cast %parallel_loop3A_307 : i32 to index
          %parallel_loop3A_309 = arith.constant 112 : index
          %parallel_loop3A_310 = tpu.vector_load %arg7[%parallel_loop3A_308, %parallel_loop3A_309] {strides = array<i32>} : memref<200x128xi32, #tpu.memory_space<vmem>>, vector<16xi32>,
          %parallel_loop3A_311 = arith.constant 2 : i32
          %parallel_loop3A_312 = arith.muli %parallel_loop3A_311, %parallel_loop3A_137 : i32
          %parallel_loop3A_313 = arith.constant 1 : i32
          %parallel_loop3A_314 = arith.addi %parallel_loop3A_312, %parallel_loop3A_313 : i32
          %parallel_loop3A_315 = arith.index_cast %parallel_loop3A_314 : i32 to index
          %parallel_loop3A_316 = arith.constant 112 : index
          %parallel_loop3A_317 = tpu.vector_load %arg7[%parallel_loop3A_315, %parallel_loop3A_316] {strides = array<i32>} : memref<200x128xi32, #tpu.memory_space<vmem>>, vector<16xi32>,
          %parallel_loop3A_318 = arith.constant 10 : i32
          %parallel_loop3A_319 = vector.broadcast %parallel_loop3A_318 : i32 to vector<16xi32>
          %parallel_loop3A_320 = arith.muli %parallel_loop3A_310, %parallel_loop3A_319 : vector<16xi32>
          %parallel_loop3A_321 = arith.addi %parallel_loop3A_320, %parallel_loop3A_317 : vector<16xi32>
          %parallel_loop3A_322 = arith.constant 20 : i32
          %parallel_loop3A_323 = vector.broadcast %parallel_loop3A_322 : i32 to vector<16xi32>
          %parallel_loop3A_324 = arith.muli %parallel_loop3A_321, %parallel_loop3A_323 : vector<16xi32>
          %parallel_loop3A_325 = arith.constant 2 : i32
          %parallel_loop3A_326 = arith.muli %parallel_loop3A_325, %parallel_loop3A_137 : i32
          %parallel_loop3A_327 = arith.index_cast %parallel_loop3A_326 : i32 to index
          %parallel_loop3A_328 = arith.constant 112 : index
          %parallel_loop3A_329 = tpu.vector_load %arg7[%parallel_loop3A_327, %parallel_loop3A_328] {strides = array<i32>} : memref<200x128xi32, #tpu.memory_space<vmem>>, vector<16xi32>,
          tpu.vector_store %arg7[%parallel_loop3A_327, %parallel_loop3A_328], %parallel_loop3A_324 {strides = array<i32>} : memref<200x128xi32, #tpu.memory_space<vmem>>, vector<16xi32>,
        } {sc.loop_unroll_factor = 4 : i64, sc.parallel_access}
      } else {
      }
      %ge3A_108 = arith.constant 2 : i32
      %ge3A_109 = arith.cmpi sge, %add3A_75, %ge3A_108 : i32
      %convert_element_type3A_110 = arith.extui %ge3A_109 : i1 to i32
      %cond3A_111 = arith.constant 0 : i32
      %cond3A_112 = arith.cmpi ne, %convert_element_type3A_110, %cond3A_111 : i32
      scf.if %cond3A_112 {
        %mul3A_129 = arith.constant 512 : i32
        %mul3A_130 = arith.muli %add3A, %mul3A_129 : i32
        %add3A_131 = arith.constant 0 : i32
        %add3A_132 = arith.addi %mul3A_130, %add3A_131 : i32
        %dma_wait3A_133 = tpu.memref_bitcast %arg4 : memref<4000x16384xf16, #tpu.memory_space<hbm>> -> memref<2000x16384xi32, #tpu.memory_space<hbm>>
        %dma_wait3A_134 = arith.constant 0 : i32
        %dma_wait3A_135 = tpu.memref_slice %dma_wait3A_133[%dma_wait3A_134, %add3A_132] : memref<2000x16384xi32, #tpu.memory_space<hbm>> -> memref<400x128xi32, #tpu.memory_space<hbm>>
        %dma_wait3A_136 = tpu.memref_bitcast %arg4 : memref<4000x16384xf16, #tpu.memory_space<hbm>> -> memref<2000x16384xi32, #tpu.memory_space<hbm>>
        %dma_wait3A_137 = arith.constant 0 : i32
        %dma_wait3A_138 = tpu.memref_slice %dma_wait3A_136[%dma_wait3A_137, %add3A_132] : memref<2000x16384xi32, #tpu.memory_space<hbm>> -> memref<400x128xi32, #tpu.memory_space<hbm>>
        tpu.wait_dma2 semaphore(%arg11 : memref<!tpu.dma_semaphore, #tpu.memory_space<semaphore_mem>>) src(%arg9 : memref<400x128xi32, #tpu.memory_space<vmem>>) dst(%dma_wait3A_138 : memref<400x128xi32, #tpu.memory_space<hbm>>)
      } else {
      }
      %mul3A_113 = arith.constant 4 : i32
      %mul3A_114 = arith.muli %sub3A_102, %mul3A_113 : i32
      %parallel_loop3A_115 = arith.constant 0 : i32
      %parallel_loop3A_116 = arith.constant 100 : i32
      %parallel_loop3A_117 = arith.constant 1 : i32
      scf.for %parallel_loop3A_129 = %parallel_loop3A_115 to %parallel_loop3A_116 step %parallel_loop3A_117  : i32 {
        %parallel_loop3A_130 = arith.constant 2 : i32
        %parallel_loop3A_131 = arith.muli %parallel_loop3A_130, %parallel_loop3A_129 : i32
        %parallel_loop3A_132 = arith.index_cast %parallel_loop3A_131 : i32 to index
        %parallel_loop3A_133 = arith.constant 0 : index
        %parallel_loop3A_134 = tpu.vector_load %arg7[%parallel_loop3A_132, %parallel_loop3A_133] {strides = array<i32>} : memref<200x128xi32, #tpu.memory_space<vmem>>, vector<16xi32>,
        %parallel_loop3A_135 = vector.broadcast %mul3A_114 : i32 to vector<16xi32>
        %parallel_loop3A_136 = arith.addi %parallel_loop3A_134, %parallel_loop3A_135 : vector<16xi32>
        %parallel_loop3A_137 = arith.constant 0 : i32
        %parallel_loop3A_138 = vector.broadcast %parallel_loop3A_137 : i32 to vector<16xi32>
        %parallel_loop3A_139 = arith.addi %parallel_loop3A_136, %parallel_loop3A_138 : vector<16xi32>
        %parallel_loop3A_140 = tpu.vector_load_idx %arg6[%parallel_loop3A_139] : memref<2000xi32, #tpu.memory_space<vmem>>[vector<16xi32>], vector<16xi32>,
        %parallel_loop3A_141 = arith.constant 0 : i32
        %parallel_loop3A_142 = arith.addi %parallel_loop3A_141, %parallel_loop3A_129 : i32
        %parallel_loop3A_143 = arith.index_cast %parallel_loop3A_142 : i32 to index
        %parallel_loop3A_144 = arith.constant 0 : index
        %parallel_loop3A_145 = tpu.vector_load %arg9[%parallel_loop3A_143, %parallel_loop3A_144] {strides = array<i32>} : memref<400x128xi32, #tpu.memory_space<vmem>>, vector<16xi32>,
        tpu.vector_store %arg9[%parallel_loop3A_143, %parallel_loop3A_144], %parallel_loop3A_140 {strides = array<i32>} : memref<400x128xi32, #tpu.memory_space<vmem>>, vector<16xi32>,
        %parallel_loop3A_146 = arith.constant 1 : i32
        %parallel_loop3A_147 = vector.broadcast %parallel_loop3A_146 : i32 to vector<16xi32>
        %parallel_loop3A_148 = arith.addi %parallel_loop3A_136, %parallel_loop3A_147 : vector<16xi32>
        %parallel_loop3A_149 = tpu.vector_load_idx %arg6[%parallel_loop3A_148] : memref<2000xi32, #tpu.memory_space<vmem>>[vector<16xi32>], vector<16xi32>,
        %parallel_loop3A_150 = arith.constant 100 : i32
        %parallel_loop3A_151 = arith.addi %parallel_loop3A_150, %parallel_loop3A_129 : i32
        %parallel_loop3A_152 = arith.index_cast %parallel_loop3A_151 : i32 to index
        %parallel_loop3A_153 = arith.constant 0 : index
        %parallel_loop3A_154 = tpu.vector_load %arg9[%parallel_loop3A_152, %parallel_loop3A_153] {strides = array<i32>} : memref<400x128xi32, #tpu.memory_space<vmem>>, vector<16xi32>,
        tpu.vector_store %arg9[%parallel_loop3A_152, %parallel_loop3A_153], %parallel_loop3A_149 {strides = array<i32>} : memref<400x128xi32, #tpu.memory_space<vmem>>, vector<16xi32>,
        %parallel_loop3A_155 = arith.constant 2 : i32
        %parallel_loop3A_156 = vector.broadcast %parallel_loop3A_155 : i32 to vector<16xi32>
        %parallel_loop3A_157 = arith.addi %parallel_loop3A_136, %parallel_loop3A_156 : vector<16xi32>
        %parallel_loop3A_158 = tpu.vector_load_idx %arg6[%parallel_loop3A_157] : memref<2000xi32, #tpu.memory_space<vmem>>[vector<16xi32>], vector<16xi32>,
        %parallel_loop3A_159 = arith.constant 200 : i32
        %parallel_loop3A_160 = arith.addi %parallel_loop3A_159, %parallel_loop3A_129 : i32
        %parallel_loop3A_161 = arith.index_cast %parallel_loop3A_160 : i32 to index
        %parallel_loop3A_162 = arith.constant 0 : index
        %parallel_loop3A_163 = tpu.vector_load %arg9[%parallel_loop3A_161, %parallel_loop3A_162] {strides = array<i32>} : memref<400x128xi32, #tpu.memory_space<vmem>>, vector<16xi32>,
        tpu.vector_store %arg9[%parallel_loop3A_161, %parallel_loop3A_162], %parallel_loop3A_158 {strides = array<i32>} : memref<400x128xi32, #tpu.memory_space<vmem>>, vector<16xi32>,
        %parallel_loop3A_164 = arith.constant 3 : i32
        %parallel_loop3A_165 = vector.broadcast %parallel_loop3A_164 : i32 to vector<16xi32>
        %parallel_loop3A_166 = arith.addi %parallel_loop3A_136, %parallel_loop3A_165 : vector<16xi32>
        %parallel_loop3A_167 = tpu.vector_load_idx %arg6[%parallel_loop3A_166] : memref<2000xi32, #tpu.memory_space<vmem>>[vector<16xi32>], vector<16xi32>,
        %parallel_loop3A_168 = arith.constant 300 : i32
        %parallel_loop3A_169 = arith.addi %parallel_loop3A_168, %parallel_loop3A_129 : i32
        %parallel_loop3A_170 = arith.index_cast %parallel_loop3A_169 : i32 to index
        %parallel_loop3A_171 = arith.constant 0 : index
        %parallel_loop3A_172 = tpu.vector_load %arg9[%parallel_loop3A_170, %parallel_loop3A_171] {strides = array<i32>} : memref<400x128xi32, #tpu.memory_space<vmem>>, vector<16xi32>,
        tpu.vector_store %arg9[%parallel_loop3A_170, %parallel_loop3A_171], %parallel_loop3A_167 {strides = array<i32>} : memref<400x128xi32, #tpu.memory_space<vmem>>, vector<16xi32>,
        %parallel_loop3A_173 = arith.constant 2 : i32
        %parallel_loop3A_174 = arith.muli %parallel_loop3A_173, %parallel_loop3A_129 : i32
        %parallel_loop3A_175 = arith.index_cast %parallel_loop3A_174 : i32 to index
        %parallel_loop3A_176 = arith.constant 16 : index
        %parallel_loop3A_177 = tpu.vector_load %arg7[%parallel_loop3A_175, %parallel_loop3A_176] {strides = array<i32>} : memref<200x128xi32, #tpu.memory_space<vmem>>, vector<16xi32>,
        %parallel_loop3A_178 = vector.broadcast %mul3A_114 : i32 to vector<16xi32>
        %parallel_loop3A_179 = arith.addi %parallel_loop3A_177, %parallel_loop3A_178 : vector<16xi32>
        %parallel_loop3A_180 = arith.constant 0 : i32
        %parallel_loop3A_181 = vector.broadcast %parallel_loop3A_180 : i32 to vector<16xi32>
        %parallel_loop3A_182 = arith.addi %parallel_loop3A_179, %parallel_loop3A_181 : vector<16xi32>
        %parallel_loop3A_183 = tpu.vector_load_idx %arg6[%parallel_loop3A_182] : memref<2000xi32, #tpu.memory_space<vmem>>[vector<16xi32>], vector<16xi32>,
        %parallel_loop3A_184 = arith.constant 0 : i32
        %parallel_loop3A_185 = arith.addi %parallel_loop3A_184, %parallel_loop3A_129 : i32
        %parallel_loop3A_186 = arith.index_cast %parallel_loop3A_185 : i32 to index
        %parallel_loop3A_187 = arith.constant 16 : index
        %parallel_loop3A_188 = tpu.vector_load %arg9[%parallel_loop3A_186, %parallel_loop3A_187] {strides = array<i32>} : memref<400x128xi32, #tpu.memory_space<vmem>>, vector<16xi32>,
        tpu.vector_store %arg9[%parallel_loop3A_186, %parallel_loop3A_187], %parallel_loop3A_183 {strides = array<i32>} : memref<400x128xi32, #tpu.memory_space<vmem>>, vector<16xi32>,
        %parallel_loop3A_189 = arith.constant 1 : i32
        %parallel_loop3A_190 = vector.broadcast %parallel_loop3A_189 : i32 to vector<16xi32>
        %parallel_loop3A_191 = arith.addi %parallel_loop3A_179, %parallel_loop3A_190 : vector<16xi32>
        %parallel_loop3A_192 = tpu.vector_load_idx %arg6[%parallel_loop3A_191] : memref<2000xi32, #tpu.memory_space<vmem>>[vector<16xi32>], vector<16xi32>,
        %parallel_loop3A_193 = arith.constant 100 : i32
        %parallel_loop3A_194 = arith.addi %parallel_loop3A_193, %parallel_loop3A_129 : i32
        %parallel_loop3A_195 = arith.index_cast %parallel_loop3A_194 : i32 to index
        %parallel_loop3A_196 = arith.constant 16 : index
        %parallel_loop3A_197 = tpu.vector_load %arg9[%parallel_loop3A_195, %parallel_loop3A_196] {strides = array<i32>} : memref<400x128xi32, #tpu.memory_space<vmem>>, vector<16xi32>,
        tpu.vector_store %arg9[%parallel_loop3A_195, %parallel_loop3A_196], %parallel_loop3A_192 {strides = array<i32>} : memref<400x128xi32, #tpu.memory_space<vmem>>, vector<16xi32>,
        %parallel_loop3A_198 = arith.constant 2 : i32
        %parallel_loop3A_199 = vector.broadcast %parallel_loop3A_198 : i32 to vector<16xi32>
        %parallel_loop3A_200 = arith.addi %parallel_loop3A_179, %parallel_loop3A_199 : vector<16xi32>
        %parallel_loop3A_201 = tpu.vector_load_idx %arg6[%parallel_loop3A_200] : memref<2000xi32, #tpu.memory_space<vmem>>[vector<16xi32>], vector<16xi32>,
        %parallel_loop3A_202 = arith.constant 200 : i32
        %parallel_loop3A_203 = arith.addi %parallel_loop3A_202, %parallel_loop3A_129 : i32
        %parallel_loop3A_204 = arith.index_cast %parallel_loop3A_203 : i32 to index
        %parallel_loop3A_205 = arith.constant 16 : index
        %parallel_loop3A_206 = tpu.vector_load %arg9[%parallel_loop3A_204, %parallel_loop3A_205] {strides = array<i32>} : memref<400x128xi32, #tpu.memory_space<vmem>>, vector<16xi32>,
        tpu.vector_store %arg9[%parallel_loop3A_204, %parallel_loop3A_205], %parallel_loop3A_201 {strides = array<i32>} : memref<400x128xi32, #tpu.memory_space<vmem>>, vector<16xi32>,
        %parallel_loop3A_207 = arith.constant 3 : i32
        %parallel_loop3A_208 = vector.broadcast %parallel_loop3A_207 : i32 to vector<16xi32>
        %parallel_loop3A_209 = arith.addi %parallel_loop3A_179, %parallel_loop3A_208 : vector<16xi32>
        %parallel_loop3A_210 = tpu.vector_load_idx %arg6[%parallel_loop3A_209] : memref<2000xi32, #tpu.memory_space<vmem>>[vector<16xi32>], vector<16xi32>,
        %parallel_loop3A_211 = arith.constant 300 : i32
        %parallel_loop3A_212 = arith.addi %parallel_loop3A_211, %parallel_loop3A_129 : i32
        %parallel_loop3A_213 = arith.index_cast %parallel_loop3A_212 : i32 to index
        %parallel_loop3A_214 = arith.constant 16 : index
        %parallel_loop3A_215 = tpu.vector_load %arg9[%parallel_loop3A_213, %parallel_loop3A_214] {strides = array<i32>} : memref<400x128xi32, #tpu.memory_space<vmem>>, vector<16xi32>,
        tpu.vector_store %arg9[%parallel_loop3A_213, %parallel_loop3A_214], %parallel_loop3A_210 {strides = array<i32>} : memref<400x128xi32, #tpu.memory_space<vmem>>, vector<16xi32>,
        %parallel_loop3A_216 = arith.constant 2 : i32
        %parallel_loop3A_217 = arith.muli %parallel_loop3A_216, %parallel_loop3A_129 : i32
        %parallel_loop3A_218 = arith.index_cast %parallel_loop3A_217 : i32 to index
        %parallel_loop3A_219 = arith.constant 32 : index
        %parallel_loop3A_220 = tpu.vector_load %arg7[%parallel_loop3A_218, %parallel_loop3A_219] {strides = array<i32>} : memref<200x128xi32, #tpu.memory_space<vmem>>, vector<16xi32>,
        %parallel_loop3A_221 = vector.broadcast %mul3A_114 : i32 to vector<16xi32>
        %parallel_loop3A_222 = arith.addi %parallel_loop3A_220, %parallel_loop3A_221 : vector<16xi32>
        %parallel_loop3A_223 = arith.constant 0 : i32
        %parallel_loop3A_224 = vector.broadcast %parallel_loop3A_223 : i32 to vector<16xi32>
        %parallel_loop3A_225 = arith.addi %parallel_loop3A_222, %parallel_loop3A_224 : vector<16xi32>
        %parallel_loop3A_226 = tpu.vector_load_idx %arg6[%parallel_loop3A_225] : memref<2000xi32, #tpu.memory_space<vmem>>[vector<16xi32>], vector<16xi32>,
        %parallel_loop3A_227 = arith.constant 0 : i32
        %parallel_loop3A_228 = arith.addi %parallel_loop3A_227, %parallel_loop3A_129 : i32
        %parallel_loop3A_229 = arith.index_cast %parallel_loop3A_228 : i32 to index
        %parallel_loop3A_230 = arith.constant 32 : index
        %parallel_loop3A_231 = tpu.vector_load %arg9[%parallel_loop3A_229, %parallel_loop3A_230] {strides = array<i32>} : memref<400x128xi32, #tpu.memory_space<vmem>>, vector<16xi32>,
        tpu.vector_store %arg9[%parallel_loop3A_229, %parallel_loop3A_230], %parallel_loop3A_226 {strides = array<i32>} : memref<400x128xi32, #tpu.memory_space<vmem>>, vector<16xi32>,
        %parallel_loop3A_232 = arith.constant 1 : i32
        %parallel_loop3A_233 = vector.broadcast %parallel_loop3A_232 : i32 to vector<16xi32>
        %parallel_loop3A_234 = arith.addi %parallel_loop3A_222, %parallel_loop3A_233 : vector<16xi32>
        %parallel_loop3A_235 = tpu.vector_load_idx %arg6[%parallel_loop3A_234] : memref<2000xi32, #tpu.memory_space<vmem>>[vector<16xi32>], vector<16xi32>,
        %parallel_loop3A_236 = arith.constant 100 : i32
        %parallel_loop3A_237 = arith.addi %parallel_loop3A_236, %parallel_loop3A_129 : i32
        %parallel_loop3A_238 = arith.index_cast %parallel_loop3A_237 : i32 to index
        %parallel_loop3A_239 = arith.constant 32 : index
        %parallel_loop3A_240 = tpu.vector_load %arg9[%parallel_loop3A_238, %parallel_loop3A_239] {strides = array<i32>} : memref<400x128xi32, #tpu.memory_space<vmem>>, vector<16xi32>,
        tpu.vector_store %arg9[%parallel_loop3A_238, %parallel_loop3A_239], %parallel_loop3A_235 {strides = array<i32>} : memref<400x128xi32, #tpu.memory_space<vmem>>, vector<16xi32>,
        %parallel_loop3A_241 = arith.constant 2 : i32
        %parallel_loop3A_242 = vector.broadcast %parallel_loop3A_241 : i32 to vector<16xi32>
        %parallel_loop3A_243 = arith.addi %parallel_loop3A_222, %parallel_loop3A_242 : vector<16xi32>
        %parallel_loop3A_244 = tpu.vector_load_idx %arg6[%parallel_loop3A_243] : memref<2000xi32, #tpu.memory_space<vmem>>[vector<16xi32>], vector<16xi32>,
        %parallel_loop3A_245 = arith.constant 200 : i32
        %parallel_loop3A_246 = arith.addi %parallel_loop3A_245, %parallel_loop3A_129 : i32
        %parallel_loop3A_247 = arith.index_cast %parallel_loop3A_246 : i32 to index
        %parallel_loop3A_248 = arith.constant 32 : index
        %parallel_loop3A_249 = tpu.vector_load %arg9[%parallel_loop3A_247, %parallel_loop3A_248] {strides = array<i32>} : memref<400x128xi32, #tpu.memory_space<vmem>>, vector<16xi32>,
        tpu.vector_store %arg9[%parallel_loop3A_247, %parallel_loop3A_248], %parallel_loop3A_244 {strides = array<i32>} : memref<400x128xi32, #tpu.memory_space<vmem>>, vector<16xi32>,
        %parallel_loop3A_250 = arith.constant 3 : i32
        %parallel_loop3A_251 = vector.broadcast %parallel_loop3A_250 : i32 to vector<16xi32>
        %parallel_loop3A_252 = arith.addi %parallel_loop3A_222, %parallel_loop3A_251 : vector<16xi32>
        %parallel_loop3A_253 = tpu.vector_load_idx %arg6[%parallel_loop3A_252] : memref<2000xi32, #tpu.memory_space<vmem>>[vector<16xi32>], vector<16xi32>,
        %parallel_loop3A_254 = arith.constant 300 : i32
        %parallel_loop3A_255 = arith.addi %parallel_loop3A_254, %parallel_loop3A_129 : i32
        %parallel_loop3A_256 = arith.index_cast %parallel_loop3A_255 : i32 to index
        %parallel_loop3A_257 = arith.constant 32 : index
        %parallel_loop3A_258 = tpu.vector_load %arg9[%parallel_loop3A_256, %parallel_loop3A_257] {strides = array<i32>} : memref<400x128xi32, #tpu.memory_space<vmem>>, vector<16xi32>,
        tpu.vector_store %arg9[%parallel_loop3A_256, %parallel_loop3A_257], %parallel_loop3A_253 {strides = array<i32>} : memref<400x128xi32, #tpu.memory_space<vmem>>, vector<16xi32>,
        %parallel_loop3A_259 = arith.constant 2 : i32
        %parallel_loop3A_260 = arith.muli %parallel_loop3A_259, %parallel_loop3A_129 : i32
        %parallel_loop3A_261 = arith.index_cast %parallel_loop3A_260 : i32 to index
        %parallel_loop3A_262 = arith.constant 48 : index
        %parallel_loop3A_263 = tpu.vector_load %arg7[%parallel_loop3A_261, %parallel_loop3A_262] {strides = array<i32>} : memref<200x128xi32, #tpu.memory_space<vmem>>, vector<16xi32>,
        %parallel_loop3A_264 = vector.broadcast %mul3A_114 : i32 to vector<16xi32>
        %parallel_loop3A_265 = arith.addi %parallel_loop3A_263, %parallel_loop3A_264 : vector<16xi32>
        %parallel_loop3A_266 = arith.constant 0 : i32
        %parallel_loop3A_267 = vector.broadcast %parallel_loop3A_266 : i32 to vector<16xi32>
        %parallel_loop3A_268 = arith.addi %parallel_loop3A_265, %parallel_loop3A_267 : vector<16xi32>
        %parallel_loop3A_269 = tpu.vector_load_idx %arg6[%parallel_loop3A_268] : memref<2000xi32, #tpu.memory_space<vmem>>[vector<16xi32>], vector<16xi32>,
        %parallel_loop3A_270 = arith.constant 0 : i32
        %parallel_loop3A_271 = arith.addi %parallel_loop3A_270, %parallel_loop3A_129 : i32
        %parallel_loop3A_272 = arith.index_cast %parallel_loop3A_271 : i32 to index
        %parallel_loop3A_273 = arith.constant 48 : index
        %parallel_loop3A_274 = tpu.vector_load %arg9[%parallel_loop3A_272, %parallel_loop3A_273] {strides = array<i32>} : memref<400x128xi32, #tpu.memory_space<vmem>>, vector<16xi32>,
        tpu.vector_store %arg9[%parallel_loop3A_272, %parallel_loop3A_273], %parallel_loop3A_269 {strides = array<i32>} : memref<400x128xi32, #tpu.memory_space<vmem>>, vector<16xi32>,
        %parallel_loop3A_275 = arith.constant 1 : i32
        %parallel_loop3A_276 = vector.broadcast %parallel_loop3A_275 : i32 to vector<16xi32>
        %parallel_loop3A_277 = arith.addi %parallel_loop3A_265, %parallel_loop3A_276 : vector<16xi32>
        %parallel_loop3A_278 = tpu.vector_load_idx %arg6[%parallel_loop3A_277] : memref<2000xi32, #tpu.memory_space<vmem>>[vector<16xi32>], vector<16xi32>,
        %parallel_loop3A_279 = arith.constant 100 : i32
        %parallel_loop3A_280 = arith.addi %parallel_loop3A_279, %parallel_loop3A_129 : i32
        %parallel_loop3A_281 = arith.index_cast %parallel_loop3A_280 : i32 to index
        %parallel_loop3A_282 = arith.constant 48 : index
        %parallel_loop3A_283 = tpu.vector_load %arg9[%parallel_loop3A_281, %parallel_loop3A_282] {strides = array<i32>} : memref<400x128xi32, #tpu.memory_space<vmem>>, vector<16xi32>,
        tpu.vector_store %arg9[%parallel_loop3A_281, %parallel_loop3A_282], %parallel_loop3A_278 {strides = array<i32>} : memref<400x128xi32, #tpu.memory_space<vmem>>, vector<16xi32>,
        %parallel_loop3A_284 = arith.constant 2 : i32
        %parallel_loop3A_285 = vector.broadcast %parallel_loop3A_284 : i32 to vector<16xi32>
        %parallel_loop3A_286 = arith.addi %parallel_loop3A_265, %parallel_loop3A_285 : vector<16xi32>
        %parallel_loop3A_287 = tpu.vector_load_idx %arg6[%parallel_loop3A_286] : memref<2000xi32, #tpu.memory_space<vmem>>[vector<16xi32>], vector<16xi32>,
        %parallel_loop3A_288 = arith.constant 200 : i32
        %parallel_loop3A_289 = arith.addi %parallel_loop3A_288, %parallel_loop3A_129 : i32
        %parallel_loop3A_290 = arith.index_cast %parallel_loop3A_289 : i32 to index
        %parallel_loop3A_291 = arith.constant 48 : index
        %parallel_loop3A_292 = tpu.vector_load %arg9[%parallel_loop3A_290, %parallel_loop3A_291] {strides = array<i32>} : memref<400x128xi32, #tpu.memory_space<vmem>>, vector<16xi32>,
        tpu.vector_store %arg9[%parallel_loop3A_290, %parallel_loop3A_291], %parallel_loop3A_287 {strides = array<i32>} : memref<400x128xi32, #tpu.memory_space<vmem>>, vector<16xi32>,
        %parallel_loop3A_293 = arith.constant 3 : i32
        %parallel_loop3A_294 = vector.broadcast %parallel_loop3A_293 : i32 to vector<16xi32>
        %parallel_loop3A_295 = arith.addi %parallel_loop3A_265, %parallel_loop3A_294 : vector<16xi32>
        %parallel_loop3A_296 = tpu.vector_load_idx %arg6[%parallel_loop3A_295] : memref<2000xi32, #tpu.memory_space<vmem>>[vector<16xi32>], vector<16xi32>,
        %parallel_loop3A_297 = arith.constant 300 : i32
        %parallel_loop3A_298 = arith.addi %parallel_loop3A_297, %parallel_loop3A_129 : i32
        %parallel_loop3A_299 = arith.index_cast %parallel_loop3A_298 : i32 to index
        %parallel_loop3A_300 = arith.constant 48 : index
        %parallel_loop3A_301 = tpu.vector_load %arg9[%parallel_loop3A_299, %parallel_loop3A_300] {strides = array<i32>} : memref<400x128xi32, #tpu.memory_space<vmem>>, vector<16xi32>,
        tpu.vector_store %arg9[%parallel_loop3A_299, %parallel_loop3A_300], %parallel_loop3A_296 {strides = array<i32>} : memref<400x128xi32, #tpu.memory_space<vmem>>, vector<16xi32>,
        %parallel_loop3A_302 = arith.constant 2 : i32
        %parallel_loop3A_303 = arith.muli %parallel_loop3A_302, %parallel_loop3A_129 : i32
        %parallel_loop3A_304 = arith.index_cast %parallel_loop3A_303 : i32 to index
        %parallel_loop3A_305 = arith.constant 64 : index
        %parallel_loop3A_306 = tpu.vector_load %arg7[%parallel_loop3A_304, %parallel_loop3A_305] {strides = array<i32>} : memref<200x128xi32, #tpu.memory_space<vmem>>, vector<16xi32>,
        %parallel_loop3A_307 = vector.broadcast %mul3A_114 : i32 to vector<16xi32>
        %parallel_loop3A_308 = arith.addi %parallel_loop3A_306, %parallel_loop3A_307 : vector<16xi32>
        %parallel_loop3A_309 = arith.constant 0 : i32
        %parallel_loop3A_310 = vector.broadcast %parallel_loop3A_309 : i32 to vector<16xi32>
        %parallel_loop3A_311 = arith.addi %parallel_loop3A_308, %parallel_loop3A_310 : vector<16xi32>
        %parallel_loop3A_312 = tpu.vector_load_idx %arg6[%parallel_loop3A_311] : memref<2000xi32, #tpu.memory_space<vmem>>[vector<16xi32>], vector<16xi32>,
        %parallel_loop3A_313 = arith.constant 0 : i32
        %parallel_loop3A_314 = arith.addi %parallel_loop3A_313, %parallel_loop3A_129 : i32
        %parallel_loop3A_315 = arith.index_cast %parallel_loop3A_314 : i32 to index
        %parallel_loop3A_316 = arith.constant 64 : index
        %parallel_loop3A_317 = tpu.vector_load %arg9[%parallel_loop3A_315, %parallel_loop3A_316] {strides = array<i32>} : memref<400x128xi32, #tpu.memory_space<vmem>>, vector<16xi32>,
        tpu.vector_store %arg9[%parallel_loop3A_315, %parallel_loop3A_316], %parallel_loop3A_312 {strides = array<i32>} : memref<400x128xi32, #tpu.memory_space<vmem>>, vector<16xi32>,
        %parallel_loop3A_318 = arith.constant 1 : i32
        %parallel_loop3A_319 = vector.broadcast %parallel_loop3A_318 : i32 to vector<16xi32>
        %parallel_loop3A_320 = arith.addi %parallel_loop3A_308, %parallel_loop3A_319 : vector<16xi32>
        %parallel_loop3A_321 = tpu.vector_load_idx %arg6[%parallel_loop3A_320] : memref<2000xi32, #tpu.memory_space<vmem>>[vector<16xi32>], vector<16xi32>,
        %parallel_loop3A_322 = arith.constant 100 : i32
        %parallel_loop3A_323 = arith.addi %parallel_loop3A_322, %parallel_loop3A_129 : i32
        %parallel_loop3A_324 = arith.index_cast %parallel_loop3A_323 : i32 to index
        %parallel_loop3A_325 = arith.constant 64 : index
        %parallel_loop3A_326 = tpu.vector_load %arg9[%parallel_loop3A_324, %parallel_loop3A_325] {strides = array<i32>} : memref<400x128xi32, #tpu.memory_space<vmem>>, vector<16xi32>,
        tpu.vector_store %arg9[%parallel_loop3A_324, %parallel_loop3A_325], %parallel_loop3A_321 {strides = array<i32>} : memref<400x128xi32, #tpu.memory_space<vmem>>, vector<16xi32>,
        %parallel_loop3A_327 = arith.constant 2 : i32
        %parallel_loop3A_328 = vector.broadcast %parallel_loop3A_327 : i32 to vector<16xi32>
        %parallel_loop3A_329 = arith.addi %parallel_loop3A_308, %parallel_loop3A_328 : vector<16xi32>
        %parallel_loop3A_330 = tpu.vector_load_idx %arg6[%parallel_loop3A_329] : memref<2000xi32, #tpu.memory_space<vmem>>[vector<16xi32>], vector<16xi32>,
        %parallel_loop3A_331 = arith.constant 200 : i32
        %parallel_loop3A_332 = arith.addi %parallel_loop3A_331, %parallel_loop3A_129 : i32
        %parallel_loop3A_333 = arith.index_cast %parallel_loop3A_332 : i32 to index
        %parallel_loop3A_334 = arith.constant 64 : index
        %parallel_loop3A_335 = tpu.vector_load %arg9[%parallel_loop3A_333, %parallel_loop3A_334] {strides = array<i32>} : memref<400x128xi32, #tpu.memory_space<vmem>>, vector<16xi32>,
        tpu.vector_store %arg9[%parallel_loop3A_333, %parallel_loop3A_334], %parallel_loop3A_330 {strides = array<i32>} : memref<400x128xi32, #tpu.memory_space<vmem>>, vector<16xi32>,
        %parallel_loop3A_336 = arith.constant 3 : i32
        %parallel_loop3A_337 = vector.broadcast %parallel_loop3A_336 : i32 to vector<16xi32>
        %parallel_loop3A_338 = arith.addi %parallel_loop3A_308, %parallel_loop3A_337 : vector<16xi32>
        %parallel_loop3A_339 = tpu.vector_load_idx %arg6[%parallel_loop3A_338] : memref<2000xi32, #tpu.memory_space<vmem>>[vector<16xi32>], vector<16xi32>,
        %parallel_loop3A_340 = arith.constant 300 : i32
        %parallel_loop3A_341 = arith.addi %parallel_loop3A_340, %parallel_loop3A_129 : i32
        %parallel_loop3A_342 = arith.index_cast %parallel_loop3A_341 : i32 to index
        %parallel_loop3A_343 = arith.constant 64 : index
        %parallel_loop3A_344 = tpu.vector_load %arg9[%parallel_loop3A_342, %parallel_loop3A_343] {strides = array<i32>} : memref<400x128xi32, #tpu.memory_space<vmem>>, vector<16xi32>,
        tpu.vector_store %arg9[%parallel_loop3A_342, %parallel_loop3A_343], %parallel_loop3A_339 {strides = array<i32>} : memref<400x128xi32, #tpu.memory_space<vmem>>, vector<16xi32>,
        %parallel_loop3A_345 = arith.constant 2 : i32
        %parallel_loop3A_346 = arith.muli %parallel_loop3A_345, %parallel_loop3A_129 : i32
        %parallel_loop3A_347 = arith.index_cast %parallel_loop3A_346 : i32 to index
        %parallel_loop3A_348 = arith.constant 80 : index
        %parallel_loop3A_349 = tpu.vector_load %arg7[%parallel_loop3A_347, %parallel_loop3A_348] {strides = array<i32>} : memref<200x128xi32, #tpu.memory_space<vmem>>, vector<16xi32>,
        %parallel_loop3A_350 = vector.broadcast %mul3A_114 : i32 to vector<16xi32>
        %parallel_loop3A_351 = arith.addi %parallel_loop3A_349, %parallel_loop3A_350 : vector<16xi32>
        %parallel_loop3A_352 = arith.constant 0 : i32
        %parallel_loop3A_353 = vector.broadcast %parallel_loop3A_352 : i32 to vector<16xi32>
        %parallel_loop3A_354 = arith.addi %parallel_loop3A_351, %parallel_loop3A_353 : vector<16xi32>
        %parallel_loop3A_355 = tpu.vector_load_idx %arg6[%parallel_loop3A_354] : memref<2000xi32, #tpu.memory_space<vmem>>[vector<16xi32>], vector<16xi32>,
        %parallel_loop3A_356 = arith.constant 0 : i32
        %parallel_loop3A_357 = arith.addi %parallel_loop3A_356, %parallel_loop3A_129 : i32
        %parallel_loop3A_358 = arith.index_cast %parallel_loop3A_357 : i32 to index
        %parallel_loop3A_359 = arith.constant 80 : index
        %parallel_loop3A_360 = tpu.vector_load %arg9[%parallel_loop3A_358, %parallel_loop3A_359] {strides = array<i32>} : memref<400x128xi32, #tpu.memory_space<vmem>>, vector<16xi32>,
        tpu.vector_store %arg9[%parallel_loop3A_358, %parallel_loop3A_359], %parallel_loop3A_355 {strides = array<i32>} : memref<400x128xi32, #tpu.memory_space<vmem>>, vector<16xi32>,
        %parallel_loop3A_361 = arith.constant 1 : i32
        %parallel_loop3A_362 = vector.broadcast %parallel_loop3A_361 : i32 to vector<16xi32>
        %parallel_loop3A_363 = arith.addi %parallel_loop3A_351, %parallel_loop3A_362 : vector<16xi32>
        %parallel_loop3A_364 = tpu.vector_load_idx %arg6[%parallel_loop3A_363] : memref<2000xi32, #tpu.memory_space<vmem>>[vector<16xi32>], vector<16xi32>,
        %parallel_loop3A_365 = arith.constant 100 : i32
        %parallel_loop3A_366 = arith.addi %parallel_loop3A_365, %parallel_loop3A_129 : i32
        %parallel_loop3A_367 = arith.index_cast %parallel_loop3A_366 : i32 to index
        %parallel_loop3A_368 = arith.constant 80 : index
        %parallel_loop3A_369 = tpu.vector_load %arg9[%parallel_loop3A_367, %parallel_loop3A_368] {strides = array<i32>} : memref<400x128xi32, #tpu.memory_space<vmem>>, vector<16xi32>,
        tpu.vector_store %arg9[%parallel_loop3A_367, %parallel_loop3A_368], %parallel_loop3A_364 {strides = array<i32>} : memref<400x128xi32, #tpu.memory_space<vmem>>, vector<16xi32>,
        %parallel_loop3A_370 = arith.constant 2 : i32
        %parallel_loop3A_371 = vector.broadcast %parallel_loop3A_370 : i32 to vector<16xi32>
        %parallel_loop3A_372 = arith.addi %parallel_loop3A_351, %parallel_loop3A_371 : vector<16xi32>
        %parallel_loop3A_373 = tpu.vector_load_idx %arg6[%parallel_loop3A_372] : memref<2000xi32, #tpu.memory_space<vmem>>[vector<16xi32>], vector<16xi32>,
        %parallel_loop3A_374 = arith.constant 200 : i32
        %parallel_loop3A_375 = arith.addi %parallel_loop3A_374, %parallel_loop3A_129 : i32
        %parallel_loop3A_376 = arith.index_cast %parallel_loop3A_375 : i32 to index
        %parallel_loop3A_377 = arith.constant 80 : index
        %parallel_loop3A_378 = tpu.vector_load %arg9[%parallel_loop3A_376, %parallel_loop3A_377] {strides = array<i32>} : memref<400x128xi32, #tpu.memory_space<vmem>>, vector<16xi32>,
        tpu.vector_store %arg9[%parallel_loop3A_376, %parallel_loop3A_377], %parallel_loop3A_373 {strides = array<i32>} : memref<400x128xi32, #tpu.memory_space<vmem>>, vector<16xi32>,
        %parallel_loop3A_379 = arith.constant 3 : i32
        %parallel_loop3A_380 = vector.broadcast %parallel_loop3A_379 : i32 to vector<16xi32>
        %parallel_loop3A_381 = arith.addi %parallel_loop3A_351, %parallel_loop3A_380 : vector<16xi32>
        %parallel_loop3A_382 = tpu.vector_load_idx %arg6[%parallel_loop3A_381] : memref<2000xi32, #tpu.memory_space<vmem>>[vector<16xi32>], vector<16xi32>,
        %parallel_loop3A_383 = arith.constant 300 : i32
        %parallel_loop3A_384 = arith.addi %parallel_loop3A_383, %parallel_loop3A_129 : i32
        %parallel_loop3A_385 = arith.index_cast %parallel_loop3A_384 : i32 to index
        %parallel_loop3A_386 = arith.constant 80 : index
        %parallel_loop3A_387 = tpu.vector_load %arg9[%parallel_loop3A_385, %parallel_loop3A_386] {strides = array<i32>} : memref<400x128xi32, #tpu.memory_space<vmem>>, vector<16xi32>,
        tpu.vector_store %arg9[%parallel_loop3A_385, %parallel_loop3A_386], %parallel_loop3A_382 {strides = array<i32>} : memref<400x128xi32, #tpu.memory_space<vmem>>, vector<16xi32>,
        %parallel_loop3A_388 = arith.constant 2 : i32
        %parallel_loop3A_389 = arith.muli %parallel_loop3A_388, %parallel_loop3A_129 : i32
        %parallel_loop3A_390 = arith.index_cast %parallel_loop3A_389 : i32 to index
        %parallel_loop3A_391 = arith.constant 96 : index
        %parallel_loop3A_392 = tpu.vector_load %arg7[%parallel_loop3A_390, %parallel_loop3A_391] {strides = array<i32>} : memref<200x128xi32, #tpu.memory_space<vmem>>, vector<16xi32>,
        %parallel_loop3A_393 = vector.broadcast %mul3A_114 : i32 to vector<16xi32>
        %parallel_loop3A_394 = arith.addi %parallel_loop3A_392, %parallel_loop3A_393 : vector<16xi32>
        %parallel_loop3A_395 = arith.constant 0 : i32
        %parallel_loop3A_396 = vector.broadcast %parallel_loop3A_395 : i32 to vector<16xi32>
        %parallel_loop3A_397 = arith.addi %parallel_loop3A_394, %parallel_loop3A_396 : vector<16xi32>
        %parallel_loop3A_398 = tpu.vector_load_idx %arg6[%parallel_loop3A_397] : memref<2000xi32, #tpu.memory_space<vmem>>[vector<16xi32>], vector<16xi32>,
        %parallel_loop3A_399 = arith.constant 0 : i32
        %parallel_loop3A_400 = arith.addi %parallel_loop3A_399, %parallel_loop3A_129 : i32
        %parallel_loop3A_401 = arith.index_cast %parallel_loop3A_400 : i32 to index
        %parallel_loop3A_402 = arith.constant 96 : index
        %parallel_loop3A_403 = tpu.vector_load %arg9[%parallel_loop3A_401, %parallel_loop3A_402] {strides = array<i32>} : memref<400x128xi32, #tpu.memory_space<vmem>>, vector<16xi32>,
        tpu.vector_store %arg9[%parallel_loop3A_401, %parallel_loop3A_402], %parallel_loop3A_398 {strides = array<i32>} : memref<400x128xi32, #tpu.memory_space<vmem>>, vector<16xi32>,
        %parallel_loop3A_404 = arith.constant 1 : i32
        %parallel_loop3A_405 = vector.broadcast %parallel_loop3A_404 : i32 to vector<16xi32>
        %parallel_loop3A_406 = arith.addi %parallel_loop3A_394, %parallel_loop3A_405 : vector<16xi32>
        %parallel_loop3A_407 = tpu.vector_load_idx %arg6[%parallel_loop3A_406] : memref<2000xi32, #tpu.memory_space<vmem>>[vector<16xi32>], vector<16xi32>,
        %parallel_loop3A_408 = arith.constant 100 : i32
        %parallel_loop3A_409 = arith.addi %parallel_loop3A_408, %parallel_loop3A_129 : i32
        %parallel_loop3A_410 = arith.index_cast %parallel_loop3A_409 : i32 to index
        %parallel_loop3A_411 = arith.constant 96 : index
        %parallel_loop3A_412 = tpu.vector_load %arg9[%parallel_loop3A_410, %parallel_loop3A_411] {strides = array<i32>} : memref<400x128xi32, #tpu.memory_space<vmem>>, vector<16xi32>,
        tpu.vector_store %arg9[%parallel_loop3A_410, %parallel_loop3A_411], %parallel_loop3A_407 {strides = array<i32>} : memref<400x128xi32, #tpu.memory_space<vmem>>, vector<16xi32>,
        %parallel_loop3A_413 = arith.constant 2 : i32
        %parallel_loop3A_414 = vector.broadcast %parallel_loop3A_413 : i32 to vector<16xi32>
        %parallel_loop3A_415 = arith.addi %parallel_loop3A_394, %parallel_loop3A_414 : vector<16xi32>
        %parallel_loop3A_416 = tpu.vector_load_idx %arg6[%parallel_loop3A_415] : memref<2000xi32, #tpu.memory_space<vmem>>[vector<16xi32>], vector<16xi32>,
        %parallel_loop3A_417 = arith.constant 200 : i32
        %parallel_loop3A_418 = arith.addi %parallel_loop3A_417, %parallel_loop3A_129 : i32
        %parallel_loop3A_419 = arith.index_cast %parallel_loop3A_418 : i32 to index
        %parallel_loop3A_420 = arith.constant 96 : index
        %parallel_loop3A_421 = tpu.vector_load %arg9[%parallel_loop3A_419, %parallel_loop3A_420] {strides = array<i32>} : memref<400x128xi32, #tpu.memory_space<vmem>>, vector<16xi32>,
        tpu.vector_store %arg9[%parallel_loop3A_419, %parallel_loop3A_420], %parallel_loop3A_416 {strides = array<i32>} : memref<400x128xi32, #tpu.memory_space<vmem>>, vector<16xi32>,
        %parallel_loop3A_422 = arith.constant 3 : i32
        %parallel_loop3A_423 = vector.broadcast %parallel_loop3A_422 : i32 to vector<16xi32>
        %parallel_loop3A_424 = arith.addi %parallel_loop3A_394, %parallel_loop3A_423 : vector<16xi32>
        %parallel_loop3A_425 = tpu.vector_load_idx %arg6[%parallel_loop3A_424] : memref<2000xi32, #tpu.memory_space<vmem>>[vector<16xi32>], vector<16xi32>,
        %parallel_loop3A_426 = arith.constant 300 : i32
        %parallel_loop3A_427 = arith.addi %parallel_loop3A_426, %parallel_loop3A_129 : i32
        %parallel_loop3A_428 = arith.index_cast %parallel_loop3A_427 : i32 to index
        %parallel_loop3A_429 = arith.constant 96 : index
        %parallel_loop3A_430 = tpu.vector_load %arg9[%parallel_loop3A_428, %parallel_loop3A_429] {strides = array<i32>} : memref<400x128xi32, #tpu.memory_space<vmem>>, vector<16xi32>,
        tpu.vector_store %arg9[%parallel_loop3A_428, %parallel_loop3A_429], %parallel_loop3A_425 {strides = array<i32>} : memref<400x128xi32, #tpu.memory_space<vmem>>, vector<16xi32>,
        %parallel_loop3A_431 = arith.constant 2 : i32
        %parallel_loop3A_432 = arith.muli %parallel_loop3A_431, %parallel_loop3A_129 : i32
        %parallel_loop3A_433 = arith.index_cast %parallel_loop3A_432 : i32 to index
        %parallel_loop3A_434 = arith.constant 112 : index
        %parallel_loop3A_435 = tpu.vector_load %arg7[%parallel_loop3A_433, %parallel_loop3A_434] {strides = array<i32>} : memref<200x128xi32, #tpu.memory_space<vmem>>, vector<16xi32>,
        %parallel_loop3A_436 = vector.broadcast %mul3A_114 : i32 to vector<16xi32>
        %parallel_loop3A_437 = arith.addi %parallel_loop3A_435, %parallel_loop3A_436 : vector<16xi32>
        %parallel_loop3A_438 = arith.constant 0 : i32
        %parallel_loop3A_439 = vector.broadcast %parallel_loop3A_438 : i32 to vector<16xi32>
        %parallel_loop3A_440 = arith.addi %parallel_loop3A_437, %parallel_loop3A_439 : vector<16xi32>
        %parallel_loop3A_441 = tpu.vector_load_idx %arg6[%parallel_loop3A_440] : memref<2000xi32, #tpu.memory_space<vmem>>[vector<16xi32>], vector<16xi32>,
        %parallel_loop3A_442 = arith.constant 0 : i32
        %parallel_loop3A_443 = arith.addi %parallel_loop3A_442, %parallel_loop3A_129 : i32
        %parallel_loop3A_444 = arith.index_cast %parallel_loop3A_443 : i32 to index
        %parallel_loop3A_445 = arith.constant 112 : index
        %parallel_loop3A_446 = tpu.vector_load %arg9[%parallel_loop3A_444, %parallel_loop3A_445] {strides = array<i32>} : memref<400x128xi32, #tpu.memory_space<vmem>>, vector<16xi32>,
        tpu.vector_store %arg9[%parallel_loop3A_444, %parallel_loop3A_445], %parallel_loop3A_441 {strides = array<i32>} : memref<400x128xi32, #tpu.memory_space<vmem>>, vector<16xi32>,
        %parallel_loop3A_447 = arith.constant 1 : i32
        %parallel_loop3A_448 = vector.broadcast %parallel_loop3A_447 : i32 to vector<16xi32>
        %parallel_loop3A_449 = arith.addi %parallel_loop3A_437, %parallel_loop3A_448 : vector<16xi32>
        %parallel_loop3A_450 = tpu.vector_load_idx %arg6[%parallel_loop3A_449] : memref<2000xi32, #tpu.memory_space<vmem>>[vector<16xi32>], vector<16xi32>,
        %parallel_loop3A_451 = arith.constant 100 : i32
        %parallel_loop3A_452 = arith.addi %parallel_loop3A_451, %parallel_loop3A_129 : i32
        %parallel_loop3A_453 = arith.index_cast %parallel_loop3A_452 : i32 to index
        %parallel_loop3A_454 = arith.constant 112 : index
        %parallel_loop3A_455 = tpu.vector_load %arg9[%parallel_loop3A_453, %parallel_loop3A_454] {strides = array<i32>} : memref<400x128xi32, #tpu.memory_space<vmem>>, vector<16xi32>,
        tpu.vector_store %arg9[%parallel_loop3A_453, %parallel_loop3A_454], %parallel_loop3A_450 {strides = array<i32>} : memref<400x128xi32, #tpu.memory_space<vmem>>, vector<16xi32>,
        %parallel_loop3A_456 = arith.constant 2 : i32
        %parallel_loop3A_457 = vector.broadcast %parallel_loop3A_456 : i32 to vector<16xi32>
        %parallel_loop3A_458 = arith.addi %parallel_loop3A_437, %parallel_loop3A_457 : vector<16xi32>
        %parallel_loop3A_459 = tpu.vector_load_idx %arg6[%parallel_loop3A_458] : memref<2000xi32, #tpu.memory_space<vmem>>[vector<16xi32>], vector<16xi32>,
        %parallel_loop3A_460 = arith.constant 200 : i32
        %parallel_loop3A_461 = arith.addi %parallel_loop3A_460, %parallel_loop3A_129 : i32
        %parallel_loop3A_462 = arith.index_cast %parallel_loop3A_461 : i32 to index
        %parallel_loop3A_463 = arith.constant 112 : index
        %parallel_loop3A_464 = tpu.vector_load %arg9[%parallel_loop3A_462, %parallel_loop3A_463] {strides = array<i32>} : memref<400x128xi32, #tpu.memory_space<vmem>>, vector<16xi32>,
        tpu.vector_store %arg9[%parallel_loop3A_462, %parallel_loop3A_463], %parallel_loop3A_459 {strides = array<i32>} : memref<400x128xi32, #tpu.memory_space<vmem>>, vector<16xi32>,
        %parallel_loop3A_465 = arith.constant 3 : i32
        %parallel_loop3A_466 = vector.broadcast %parallel_loop3A_465 : i32 to vector<16xi32>
        %parallel_loop3A_467 = arith.addi %parallel_loop3A_437, %parallel_loop3A_466 : vector<16xi32>
        %parallel_loop3A_468 = tpu.vector_load_idx %arg6[%parallel_loop3A_467] : memref<2000xi32, #tpu.memory_space<vmem>>[vector<16xi32>], vector<16xi32>,
        %parallel_loop3A_469 = arith.constant 300 : i32
        %parallel_loop3A_470 = arith.addi %parallel_loop3A_469, %parallel_loop3A_129 : i32
        %parallel_loop3A_471 = arith.index_cast %parallel_loop3A_470 : i32 to index
        %parallel_loop3A_472 = arith.constant 112 : index
        %parallel_loop3A_473 = tpu.vector_load %arg9[%parallel_loop3A_471, %parallel_loop3A_472] {strides = array<i32>} : memref<400x128xi32, #tpu.memory_space<vmem>>, vector<16xi32>,
        tpu.vector_store %arg9[%parallel_loop3A_471, %parallel_loop3A_472], %parallel_loop3A_468 {strides = array<i32>} : memref<400x128xi32, #tpu.memory_space<vmem>>, vector<16xi32>,
      } {sc.loop_unroll_factor = 2 : i64, sc.parallel_access}
      %mul3A_118 = arith.constant 400 : i32
      %mul3A_119 = arith.muli %sub3A_102, %mul3A_118 : i32
      %mul3A_120 = arith.constant 512 : i32
      %mul3A_121 = arith.muli %add3A, %mul3A_120 : i32
      %mul3A_122 = arith.constant 128 : i32
      %mul3A_123 = arith.muli %select_n3A_99, %mul3A_122 : i32
      %add3A_124 = arith.addi %mul3A_121, %mul3A_123 : i32
      %dma_start3A_125 = tpu.memref_bitcast %arg4 : memref<4000x16384xf16, #tpu.memory_space<hbm>> -> memref<2000x16384xi32, #tpu.memory_space<hbm>>
      %dma_start3A_126 = tpu.memref_slice %dma_start3A_125[%mul3A_119, %add3A_124] : memref<2000x16384xi32, #tpu.memory_space<hbm>> -> memref<400x128xi32, #tpu.memory_space<hbm>>
      %dma_start3A_127 = tpu.memref_bitcast %arg4 : memref<4000x16384xf16, #tpu.memory_space<hbm>> -> memref<2000x16384xi32, #tpu.memory_space<hbm>>
      %dma_start3A_128 = tpu.memref_slice %dma_start3A_127[%mul3A_119, %add3A_124] : memref<2000x16384xi32, #tpu.memory_space<hbm>> -> memref<400x128xi32, #tpu.memory_space<hbm>>
      tpu.enqueue_dma source(%arg9 : memref<400x128xi32, #tpu.memory_space<vmem>>) target(%dma_start3A_128 : memref<400x128xi32, #tpu.memory_space<hbm>>) target_semaphore(%arg11 : memref<!tpu.dma_semaphore, #tpu.memory_space<semaphore_mem>>)
    }
    %scan3A_7 = arith.constant 10 : i32
    %mul3A_8 = arith.constant 512 : i32
    %mul3A_9 = arith.muli %add3A, %mul3A_8 : i32
    %add3A_10 = arith.constant 0 : i32
    %add3A_11 = arith.addi %mul3A_9, %add3A_10 : i32
    %dma_wait3A = tpu.memref_bitcast %arg4 : memref<4000x16384xf16, #tpu.memory_space<hbm>> -> memref<2000x16384xi32, #tpu.memory_space<hbm>>
    %dma_wait3A_12 = arith.constant 0 : i32
    %dma_wait3A_13 = tpu.memref_slice %dma_wait3A[%dma_wait3A_12, %add3A_11] : memref<2000x16384xi32, #tpu.memory_space<hbm>> -> memref<400x128xi32, #tpu.memory_space<hbm>>
    %dma_wait3A_14 = tpu.memref_bitcast %arg4 : memref<4000x16384xf16, #tpu.memory_space<hbm>> -> memref<2000x16384xi32, #tpu.memory_space<hbm>>
    %dma_wait3A_15 = arith.constant 0 : i32
    %dma_wait3A_16 = tpu.memref_slice %dma_wait3A_14[%dma_wait3A_15, %add3A_11] : memref<2000x16384xi32, #tpu.memory_space<hbm>> -> memref<400x128xi32, #tpu.memory_space<hbm>>
    tpu.wait_dma2 semaphore(%arg10 : memref<!tpu.dma_semaphore, #tpu.memory_space<semaphore_mem>>) src(%arg8 : memref<400x128xi32, #tpu.memory_space<vmem>>) dst(%dma_wait3A_16 : memref<400x128xi32, #tpu.memory_space<hbm>>)
    %mul3A_17 = arith.constant 512 : i32
    %mul3A_18 = arith.muli %add3A, %mul3A_17 : i32
    %add3A_19 = arith.constant 0 : i32
    %add3A_20 = arith.addi %mul3A_18, %add3A_19 : i32
    %dma_wait3A_21 = tpu.memref_bitcast %arg4 : memref<4000x16384xf16, #tpu.memory_space<hbm>> -> memref<2000x16384xi32, #tpu.memory_space<hbm>>
    %dma_wait3A_22 = arith.constant 0 : i32
    %dma_wait3A_23 = tpu.memref_slice %dma_wait3A_21[%dma_wait3A_22, %add3A_20] : memref<2000x16384xi32, #tpu.memory_space<hbm>> -> memref<400x128xi32, #tpu.memory_space<hbm>>
    %dma_wait3A_24 = tpu.memref_bitcast %arg4 : memref<4000x16384xf16, #tpu.memory_space<hbm>> -> memref<2000x16384xi32, #tpu.memory_space<hbm>>
    %dma_wait3A_25 = arith.constant 0 : i32
    %dma_wait3A_26 = tpu.memref_slice %dma_wait3A_24[%dma_wait3A_25, %add3A_20] : memref<2000x16384xi32, #tpu.memory_space<hbm>> -> memref<400x128xi32, #tpu.memory_space<hbm>>
    tpu.wait_dma2 semaphore(%arg11 : memref<!tpu.dma_semaphore, #tpu.memory_space<semaphore_mem>>) src(%arg9 : memref<400x128xi32, #tpu.memory_space<vmem>>) dst(%dma_wait3A_26 : memref<400x128xi32, #tpu.memory_space<hbm>>)
    return
  }
}

</mosaic_0001>

<sc_bundles>
// kernel: kernel.3.cloned.1.call-start
scs
__scs_entry_jumppad:
0x0: {  	(pc) =	sbr.rel $0x88, $3  }
0x1: {  	(tag) =	ssettag $0x0;
	lr =	simm.s32 $0x1  }
0x2: {  	[smem:$0x3F9F] =	sst lr;
	_ =	strace $0xD0000000  }
0x3: {  	_ = 	snop  }
0x4: {  	_ = 	snop  }
0x5: {  	_ = 	snop  }
0x6: {  	_ = 	snop  }
0x7: {  	_ = 	snop  }
__scs_overlays_trampoline_lowered:
0x8: {  	[smem:$0x3FAE] =	sst s0  }
0x9: {  	[smem:$0x3FAF] =	sst s1  }
0xa: {  	[smem:$0x3FB0] =	sst s2  }
0xb: {  	[smem:$0x3FB1] =	sst s3  }
0xc: {  	[smem:$0x3FB2] =	sst s4  }
0xd: {  	[smem:$0x3FB3] =	sst s5  }
0xe: {  	[smem:$0x3FB4] =	sst s6  }
0xf: {  	[smem:$0x3FB5] =	sst s7  }
0x10: {  	[smem:$0x3FB6] =	sst s8  }
0x11: {  	[smem:$0x3FB7] =	sst s9;
	s0 =	simm.s32 @!p0 $0x0  }
0x12: {  	s1 =	sld [smem:$0x3F9D];
	s0 =	simm.s32 @p0 $0x1  }
0x13: {  	[smem:$0x3FB8] =	sst s0;
	s0 =	simm.s32 @!p1 $0x0  }
0x14: {  	s2 =	sld [smem:$0x3F9C];
	s0 =	simm.s32 @p1 $0x1  }
0x15: {  	[smem:$0x3FB9] =	sst s0;
	s0 =	simm.s32 @!p2 $0x0  }
0x16: {  	s3 =	sld [smem:$0x3FDB];
	s0 =	simm.s32 @p2 $0x1  }
0x17: {  	s4 =	simm.s32 $0x1BF5;
	[smem:$0x3FBB] =	sst s0  }
0x18: {  	s0 =	sld [smem:$0x3F9E];
	_ =	swait.ge [sflag:s4], $0x0  }
0x19: {  	s7 =	sld [smem:$0x3F9F]  }
0x1a: {  	s8 =	sadd.s32 $0xFFFFE003, lr  }
0x1b: {  	s9 =	sadd.s32 $0xFFFFFEF7, lr;
	s5 =	simm.s32 $0xFFFFFFFF;
	p2 =	slt.u32 s8, $0xFFFFF086  }
0x1c: {  	p1 =	slt.u32 s9, $0xF7A;
	s5 =	simm.s32 @!p2 $0x0  }
0x1d: {  	s5 =	simm.s32 @p1 $0x1;
	p0 =	seq.s32 s7, s2  }
0x1e: {  	s7 =	smul.u32 @!p0 $0xF7A, s2;
	p2 =	seq.s32 @!p0 s5, $0x0  }
0x1f: {  	s9 =	smul.u32 $0xF7A, s1;
	s8 =	simm.s32 @!p0 $0x1BF5;
	p2 =	por !p2, p0  }
0x20: {  	[sflag:s8] =	ssyncset.s32 @!p0 $0xFFFFF086;
	s6 =	sadd.s32 @!p0 s3, s7;
	s7 =	simm.s32 @!p0 $0x108  }
0x21: {  	s3 =	sadd.s32 s3, s9;
	s6 =	sadd.s32 @!p0 $0x88, s6;
	s7 =	simm.s32 @p2 $0x1082  }
0x22: {  	[simem:s7], [sflag:s8] =	dma.local @!p0 [hbm:s6], $0xF7A  }
0x23: {  	s9 =	sor.u32 $0xD0000000, s2;
	s6 =	simm.s32 $0x108;
	_ =	swait.ge @!p0 [sflag:s8], $0x0  }
0x24: {  	s3 =	sadd.s32 $0x88, s3;
	s6 =	simm.s32 @!p1 $0x1082;
	[sflag:s4] =	ssyncset.s32 $0xFFFFF086  }
0x25: {  	[simem:s6], [sflag:s4] =	dma.local [hbm:s3], $0xF7A  }
0x26: {  	[smem:$0x3F9F] =	sst s1;
	(tag) =	ssettag s2;
	_ =	strace s9  }
0x27: {  	s1 =	sld [smem:$0x3FAF]  }
0x28: {  	s2 =	sld [smem:$0x3FB0]  }
0x29: {  	s4 =	sld [smem:$0x3FB2]  }
0x2a: {  	p0 =	seq.s32 s5, $0x0;
	s5 =	sld [smem:$0x3FB3]  }
0x2b: {  	s6 =	sld [smem:$0x3FB4]  }
0x2c: {  	s7 =	sld [smem:$0x3FB5]  }
0x2d: {  	s3 =	simm.s32 $0x108;
	s8 =	sld [smem:$0x3FB6]  }
0x2e: {  	s3 =	simm.s32 @!p0 $0x1082;
	s9 =	sld [smem:$0x3FB7]  }
0x2f: {  	lr =	sadd.s32 s0, s3;
	s0 =	sld [smem:$0x3FAE]  }
0x30: {  	s3 =	sld [smem:$0x3FB1]  }
0x31: {  	[smem:$0x3FBA] =	sst s10  }
0x32: {  	s10 =	sld [smem:$0x3FB8];
	_ =	sdelay $0x3  }
0x33: {  	p0 =	seq.s32 s10, $0x1;
	s10 =	sld [smem:$0x3FBA];
	_ =	sdelay $0x3  }
0x34: {  	[smem:$0x3FBA] =	sst s10  }
0x35: {  	s10 =	sld [smem:$0x3FB9];
	_ =	sdelay $0x3  }
0x36: {  	p1 =	seq.s32 s10, $0x1;
	s10 =	sld [smem:$0x3FBA];
	_ =	sdelay $0x3  }
0x37: {  	[smem:$0x3FBA] =	sst s10  }
0x38: {  	s10 =	sld [smem:$0x3FBB]  }
0x39: {  	_ = 	snop;
	(pc) =	sbr.ind lr, $3  }
0x3a: {  	_ = 	snop  }
0x3b: {  	_ = 	snop  }
0x3c: {  	p2 =	seq.s32 s10, $0x1;
	s10 =	sld [smem:$0x3FBA]  }
0x3d: {  	_ =	shalt  }
0x3e: {  	_ =	shalt  }
0x3f: {  	_ =	shalt  }
0x40: {  	_ =	shalt  }
0x41: {  	_ =	shalt  }
0x42: {  	_ =	shalt  }
0x43: {  	_ =	shalt  }
0x44: {  	_ =	shalt  }
0x45: {  	_ =	shalt  }
0x46: {  	_ =	shalt  }
0x47: {  	_ =	shalt  }
0x48: {  	_ =	shalt  }
0x49: {  	_ =	shalt  }
0x4a: {  	_ =	shalt  }
0x4b: {  	_ =	shalt  }
0x4c: {  	_ =	shalt  }
0x4d: {  	_ =	shalt  }
0x4e: {  	_ =	shalt  }
0x4f: {  	_ =	shalt  }
0x50: {  	_ =	shalt  }
0x51: {  	_ =	shalt  }
0x52: {  	_ =	shalt  }
0x53: {  	_ =	shalt  }
0x54: {  	_ =	shalt  }
0x55: {  	_ =	shalt  }
0x56: {  	_ =	shalt  }
0x57: {  	_ =	shalt  }
0x58: {  	_ =	shalt  }
0x59: {  	_ =	shalt  }
0x5a: {  	_ =	shalt  }
0x5b: {  	_ =	shalt  }
0x5c: {  	_ =	shalt  }
0x5d: {  	_ =	shalt  }
0x5e: {  	_ =	shalt  }
0x5f: {  	_ =	shalt  }
0x60: {  	_ =	shalt  }
0x61: {  	_ =	shalt  }
0x62: {  	_ =	shalt  }
0x63: {  	_ =	shalt  }
0x64: {  	_ =	shalt  }
0x65: {  	_ =	shalt  }
0x66: {  	_ =	shalt  }
0x67: {  	_ =	shalt  }
0x68: {  	_ =	shalt  }
0x69: {  	_ =	shalt  }
0x6a: {  	_ =	shalt  }
0x6b: {  	_ =	shalt  }
0x6c: {  	_ =	shalt  }
0x6d: {  	_ =	shalt  }
0x6e: {  	_ =	shalt  }
0x6f: {  	_ =	shalt  }
0x70: {  	_ =	shalt  }
0x71: {  	_ =	shalt  }
0x72: {  	_ =	shalt  }
0x73: {  	_ =	shalt  }
0x74: {  	_ =	shalt  }
0x75: {  	_ =	shalt  }
0x76: {  	_ =	shalt  }
0x77: {  	_ =	shalt  }
0x78: {  	_ =	shalt  }
0x79: {  	_ =	shalt  }
0x7a: {  	_ =	shalt  }
0x7b: {  	_ =	shalt  }
0x7c: {  	_ =	shalt  }
0x7d: {  	_ =	shalt  }
0x7e: {  	_ =	shalt  }
0x7f: {  	_ =	shalt  }
0x80: {  	_ =	shalt  }
0x81: {  	_ =	shalt  }
0x82: {  	_ =	shalt  }
0x83: {  	_ =	shalt  }
0x84: {  	_ =	shalt  }
0x85: {  	_ =	shalt  }
0x86: {  	_ =	shalt  }
0x87: {  	_ =	shalt  }
.Lfunc_end0:
.L_simem_size_0:
called_computation_lowered:
.L_overlay_start_0:
0x88: {  	s2 =	sld [smem:$0x3FD9]  }
0x89: {  	s3 =	sld [smem:$0x3FFE];
	_ =	sdelay $0x1  }
0x8a: {  	s1 =	srdreg.scid  }
0x8b: {  	s0 =	sand.u32 $0x1, s1  }
0x8c: {  	s17 =	sshll.u32 s0, $0xA;
	s2 =	sadd.s32 s3, s2  }
0x8d: {  	s2 =	sadd.s32 s2, s17  }
0x8e: {  	[smem:$0x3FC6] =	sst s2  }
0x8f: {  	_ = 	snop  }
0x90: {  	s2 =	sld [smem:$0x3FC9]  }
0x91: {  	s18 =	sld [smem:$0x3FD0];
	(tm) =	ssettm $0x1  }
0x92: {  	s4 =	sld [smem:$0x3FFB];
	_ =	sdelay $0x3  }
0x93: {  	_ =	strace s4  }
0x94: {  	s4 =	sld [smem:$0x3FFC];
	_ =	sdelay $0x3  }
0x95: {  	_ =	strace s4  }
0x96: {  	s4 =	sld [smem:$0x3FFD];
	_ =	sdelay $0x3  }
0x97: {  	_ =	strace s4  }
0x98: {  	_ =	strace $0x8FFFFFFF  }
0x99: {  	s19 =	sld [smem:$0x3FDB];
	_ =	sdelay $0x1  }
0x9a: {  	s5 =	simm.s32 $_scs_section_size  }
0x9b: {  	s6 =	simm.s32 $_size__tile_overlayer_lowered;
	s7 =	simm.s32 $_tile_overlayer_lowered  }
0x9c: {  	s22 =	simm.s32 $0x1BFF;
	s21 =	sshll.u32 s7, $0x1;
	s4 =	sadd.s32 s5, s19  }
0x9d: {  	s8 =	simm.s32 $0x0;
	s20 =	sshll.u32 s6, $0x1;
	s6 =	sadd.s32 s21, s4  }
0x9e: {  	[timem:s8], [sflag:s22] =	dma.local [hbm:s6], s20  }
0x9f: {  	_ =	swait.ge [sflag:s22], s20  }
0xa0: {  	s5 =	ssub.s32 $0x0, s20;
	[sflag:s22] =	ssyncset.done $0x0  }
0xa1: {  	[sflag:s22] =	ssyncadd.s32 s5;
	_ =	sdelay $0x1  }
0xa2: {  	s23 =	simm.s32 $0x1B8B  }
0xa3: {  	_ =	swait.ge [sflag:s23], $0x1  }
0xa4: {  	[sflag:s23] =	ssyncset.done $0x0  }
0xa5: {  	s25 =	simm.s32 $0x1B8E;
	s24 =	sld [smem:$0x3FFE];
	[sflag:s23] =	ssyncadd.s32 $0xFFFFFFFF  }
0xa6: {  	s26 =	simm.s32 $execute0_lowered;
	[smem:$0x3FD2] =	sst s25  }
0xa7: {  	s6 =	sshll.u32 s26, $0x1;
	_ =	strace $0x80000046;
	[dreg:$0x1] =	wrdreg $0xFFFFFFFF  }
0xa8: {  	s28 =	simm.s32 $_size_execute0_lowered;
	s4 =	sadd.s32 s4, s6;
	[dreg:$0x0] =	wrdreg $0x0  }
0xa9: {  	s6 =	sshll.u32 s28, $0x1;
	[dreg:$0x2] =	wrdreg s4  }
0xaa: {  	[dreg:$0x3] =	wrdreg s6  }
0xab: {  	[dreg:$0x4] =	wrdreg $0xC0  }
0xac: {  	_ =	task [dreg:s8], $0x5FFFF  }
0xad: {  	[dreg:$0x1] =	wrdreg $0xFFFFFFFF  }
0xae: {  	[dreg:$0x0] =	wrdreg $0x60  }
0xaf: {  	[dreg:$0x2] =	wrdreg s24  }
0xb0: {  	[dreg:$0x3] =	wrdreg s2  }
0xb1: {  	[dreg:$0x4] =	wrdreg s18  }
0xb2: {  	[dreg:$0x5] =	wrdreg $0x9  }
0xb3: {  	_ =	task.clear_ibuf [dreg:s8], $0x6FFFF;
	_ =	strace $0x90000046  }
0xb4: {  	s29 =	simm.s32 $0x9;
	_ =	strace $0x80000048  }
0xb5: {  	_ =	swait.ge [sflag:s29], $0x1  }
0xb6: {  	[sflag:s29] =	ssyncadd.s32 $0xFFFFFFFF  }
0xb7: {  	_ =	strace $0x90000048  }
0xb8: {  	_ =	sfence  }
0xb9: {  	s30 =	sld [smem:$0x0];
	_ =	sdelay $0x2  }
0xba: {  	s31 =	sshll.u32 s1, $0xD;
	s1 =	sshrl.u32 s1, $0x2  }
0xbb: {  	s3 =	sand.u32 $0x4000, s31;
	s1 =	sadd.s32 s1, s30  }
0xbc: {  	s0 =	sor.u32 s3, s0;
	s1 =	sshll.u32 s1, $0x11  }
0xbd: {  	s0 =	sor.u32 s1, s0  }
0xbe: {  	s0 =	sadd.s32 $0x8F2B, s0  }
0xbf: {  	[sflag:s0] =	ssyncadd.remote.s32 $0x1  }
0xc0: {  	_ =	sfence.sel $0xFFFF  }
0xc1: {  	[dreg:$0x0] =	wrdreg $0xFFFFFFFF;
	(pc) =	sbr.abs _section_cstart, $3  }
0xc2: {  	[dreg:$0x1] =	wrdreg $0xFFFFFFFF  }
0xc3: {  	_ =	task.clear_ibuf [dreg:s8], $0x2FFFF;
	_ =	strace $0x9FFFFFFF  }
0xc4: {  	(tm) =	ssettm $0x7FFFFFFF  }
0xc5: {  	_ =	shalt  }
tec
execute0_lowered:
.L_overlay_start_1:
0x0: {  	(tag) =	ssettag $0x1  }
0x1: {  	v0 =	vlaneseq.u32;
	v1 =	vimm.s32 $0x0  }
0x2: {  	vm15 =	vcmask $0xB08;
	vm0 =	vcmask $0x704;
	vm6 =	vcmask $0xF0C  }
0x3: {  	vm1 =	vcmask $0x1310;
	vm8 =	vcmask $0x1714;
	vm2 =	vmor vm0, vm6  }
0x4: {  	v2 =	vimm.s32 $0xECA86420;
	vm10 =	vcmask $0x1F1C;
	vm2 =	vmor vm2, vm8  }
0x5: {  	vm4 =	vcmask $0x1B18;
	vm9 =	vcmask $0x2724;
	vm2 =	vmor vm2, vm10  }
0x6: {  	s0 =	srdreg.scid;
	s2 =	stileid.u32;
	vm7 =	vcmask $0x300;
	vm12 =	vcmask $0x2F2C;
	vm2 =	vmor vm2, vm9  }
0x7: {  	s7 =	simm.s32 $0x0;
	vm11 =	vcmask $0x2320;
	vm5 =	vcmask $0x3734;
	s0 =	sand.u32 $0x1, s0;
	s2 =	sshll.u32 s2, $0x1;
	vm2 =	vmor vm2, vm12  }
0x8: {  	vm13 =	vcmask $0x2B28;
	vm3 =	vcmask $0x3F3C;
	[smem:$0x7FF] =	sst s7;
	s1 =	ssub.s32 $0x2, s0;
	s0 =	sor.u32 s0, s2;
	vm2 =	vmor vm2, vm5  }
0x9: {  	s4 =	rddreg [dreg:$0x1];
	v7 =	vimm.s32 $0x0;
	_ =	strace $0x80000047;
	s8 =	sshll.u32 s0, $0x9;
	vm2 =	vmor vm2, vm3;
	vm3 =	vmmov $0xff  }
0xa: {  	v2 =	vunpack.c.l.s4.s8 v2;
	vm0 =	vcmask $0x3330;
	s3 =	sshrl.u32 s1, $0x1;
	s12 =	sshll.u32 s0, $0xB;
	[dreg:$0xb] =	wrdreg s8;
	v7 =	vsel vm3, $0xFFFFFFFF, v7  }
0xb: {  	v4 =	vshrl.u32 v0, $0x1;
	v3 =	vmul.u32 $0x2, v0;
	s1 =	ssub.s32 s1, s3;
	s10 =	sadd.s32 s4, s8;
	[dreg:$0xd] =	wrdreg s12;
	[tilespmem:$0x1FFE0] =	vst v7;
	v7 =	vimm.s32 $0x0  }
0xc: {  	s13 =	simm.s32 $0x3;
	v5 =	vand.u32 $0x1, v0;
	v6 =	vor.u32 $0x7C0, v0;
	s31 =	smax.u32 s1, $0x1;
	[dreg:$0xc] =	wrdreg s10;
	v7 =	vsel vm2, $0xFFFFFFFF, v7  }
0xd: {  	s11 =	simm.s32 $0x80;
	v4 =	vadd.s32 $0x5C, v4;
	v5 =	vmul.u32 $0x10, v5;
	s2 =	simm.s32 $0x0;
	v2 =	vunpack.c.0.s8.s32 v2;
	[dreg:$0xe] =	wrdreg s31;
	[tilespmem:$0x1FFF0] =	vst v7  }
.LBB2_1:
0xe: {  	s0 =	simm.s32 $0x0  }
0xf: {  	v17 =	vor.u32 s0, v0  }
0x10: {  	v7 =	vmulhi.u32 $0xCCCCCCCD, v17;
	_ =	sdelay $0x1  }
0x11: {  	v7 =	vshrl.u32 v7, $0x4  }
0x12: {  	v8 =	vmul.u32 $0xFFFFFFEC, v7  }
0x13: {  	v9 =	vmov s0;
	v10 =	vsub.s32 $0x0, v17  }
0x14: {  	[dreg:$0xf] =	wrdreg s2;
	vm14 =	veq.s32 v9, v0;
	vm3 =	vne.s32 v8, v10  }
0x15: {  	s25 =	rddreg [dreg:$0x0];
	vm3 =	vmand vm14, vm3  }
0x16: {  	[tilespmem:s7], [sflag:$0x3] =	stream.linear.gather [hbm4b:s25+s7], $0x80, $0x38;
	v8 =	vsel vm3, $0xFFFFFFFF, v1;
	[tilespmem:$0x1FC80] =	vst v63  }
0x17: {  	_ =	swait.ge [sflag:s13], $0x80;
	v14 =	vadd.s32 v8, v7  }
0x18: {  	(v2sf) =	vpush v14, $0xF  }
0x19: {  	(v2sf) =	vpush v14, $0xB;
	_ =	sdelay $0x1  }
0x1a: {  	(v2sf) =	vpush v14, $0x6  }
0x1b: {  	(v2sf) =	vpush v14, $0xE;
	_ =	sdelay $0x1  }
0x1c: {  	(v2sf) =	vpush v14, $0xA;
	_ =	sdelay $0x1  }
0x1d: {  	(v2sf) =	vpush v14, $0xD;
	_ =	sdelay $0x1  }
0x1e: {  	(v2sf) =	vpush v14, $0x9;
	_ =	sdelay $0x1  }
0x1f: {  	(v2sf) =	vpush v14, $0x5  }
0x20: {  	(v2sf) =	vpush v14, $0xC;
	_ =	sdelay $0x1  }
0x21: {  	(v2sf) =	vpush v14, $0x8;
	s1 =	spop (v2sf)  }
0x22: {  	(v2sf) =	vpush v14, $0x4;
	s14 =	spop (v2sf);
	s3 =	smulhi.u32 $0x66666667, s1  }
0x23: {  	(v2sf) =	vpush v14, $0x3;
	s1 =	sshra.s32 s1, $0x1F;
	s4 =	smulhi.u32 $0x66666667, s14  }
0x24: {  	s15 =	spop (v2sf);
	s25 =	smul.u32 $0x66666667, s1  }
0x25: {  	s16 =	spop (v2sf);
	s0 =	smulhi.u32 $0x66666667, s15  }
0x26: {  	s15 =	sshra.s32 s15, $0x1F;
	s9 =	smulhi.u32 $0x66666667, s16  }
0x27: {  	s17 =	spop (v2sf);
	s1 =	smul.u32 $0x66666667, s15  }
0x28: {  	s26 =	sshra.s32 s14, $0x1F;
	s16 =	sshra.s32 s16, $0x1F;
	s10 =	smulhi.u32 $0x66666667, s17  }
0x29: {  	s14 =	simm.s32 $0x10;
	s18 =	spop (v2sf);
	s28 =	smul.u32 $0x66666667, s16  }
0x2a: {  	v19 =	vor.u32 s14, v0;
	s17 =	sshra.s32 s17, $0x1F;
	s13 =	smulhi.u32 $0x66666667, s18  }
0x2b: {  	v7 =	vmulhi.u32 $0xCCCCCCCD, v19;
	s19 =	spop (v2sf);
	s29 =	smul.u32 $0x66666667, s17  }
0x2c: {  	v56 =	vsub.s32 $0x0, v14;
	vm3 =	vlt.u32 v19, $0x14;
	s18 =	sshra.s32 s18, $0x1F;
	s17 =	simm.s32 $0x30;
	s8 =	smulhi.u32 $0x66666667, s19  }
0x2d: {  	v42 =	vmulhi.u32 $0x51EB851F, v19;
	v15 =	vshrl.u32 v7, $0x4;
	s20 =	spop (v2sf);
	s16 =	smul.u32 $0x66666667, s18;
	v7 =	vor.u32 s17, v0  }
0x2e: {  	(v2sf) =	vpush v14, $0x2;
	s15 =	sshra.s32 s19, $0x1F;
	v8 =	vmul.u32 $0xCCCCCCCD, v15;
	s21 =	spop (v2sf);
	s5 =	smulhi.u32 $0x66666667, s20;
	v12 =	vmulhi.u32 $0xCCCCCCCD, v7  }
0x2f: {  	v42 =	vshrl.u32 v42, $0x6;
	(v2sf) =	vpush v14, $0x1;
	s18 =	smul.u32 $0x66666667, s15;
	s19 =	sshra.s32 s20, $0x1F;
	s20 =	simm.s32 $0x20;
	v59 =	vmulhi.u32 $0x51EB851F, v7  }
0x30: {  	s17 =	simm.s32 $0x70;
	s22 =	spop (v2sf);
	s12 =	smulhi.u32 $0x66666667, s21;
	v9 =	vor.u32 s20, v0;
	v10 =	vshll.u32 v8, $0x1F;
	v8 =	vshrl.u32 v8, $0x1  }
0x31: {  	s21 =	sshra.s32 s21, $0x1F;
	s15 =	smul.u32 $0x66666667, s19;
	s23 =	spop (v2sf);
	v11 =	vmulhi.u32 $0xCCCCCCCD, v9;
	v10 =	vor.u32 v10, v8;
	v8 =	vor.u32 s17, v0  }
0x32: {  	s19 =	simm.s32 $0x50;
	s6 =	smulhi.u32 $0x66666667, s22;
	v23 =	vshrl.u32 v12, $0x4;
	v44 =	vmulhi.u32 $0x51EB851F, v9;
	s24 =	spop (v2sf);
	(v2sf) =	vpush v14, $0x0  }
0x33: {  	s21 =	smul.u32 $0x66666667, s21;
	vm14 =	vgt.u32 v10, $0x19999999;
	v10 =	vor.u32 s19, v0;
	v18 =	vmul.u32 $0xFFFFFFEC, v23  }
0x34: {  	s3 =	sadd.s32 s25, s3;
	s7 =	smulhi.u32 $0x66666667, s23;
	v25 =	vmulhi.u32 $0xCCCCCCCD, v8;
	(v2sf) =	vpush v14, $0x7;
	v22 =	vshrl.u32 v11, $0x4  }
0x35: {  	s20 =	sshra.s32 s22, $0x1F;
	s23 =	sshra.s32 s23, $0x1F;
	s2 =	smulhi.u32 $0x66666667, s24;
	v11 =	vmul.u32 $0xFFFFFFEC, v15;
	vm3 =	vmand vm3, vm14;
	v27 =	vmulhi.u32 $0xCCCCCCCD, v10  }
0x36: {  	s25 =	sshra.s32 s24, $0x1F;
	s24 =	smul.u32 $0x66666667, s23;
	s23 =	simm.s32 $0x40;
	v60 =	vshrl.u32 v44, $0x6;
	v12 =	vmul.u32 $0xFFFFFFEC, v22;
	v13 =	vsel vm3, $0xFFFFFFFF, v1  }
0x37: {  	s20 =	smul.u32 $0x66666667, s20;
	v21 =	vadd.s32 v7, v18;
	v18 =	vmov s23;
	v63 =	vmul.u32 $0xA, v60  }
0x38: {  	s18 =	sadd.s32 s18, s8;
	s8 =	sadd.s32 s15, s5;
	v20 =	vadd.s32 v19, v11;
	v11 =	vor.u32 s23, v0;
	v13 =	vadd.s32 v13, v42  }
0x39: {  	s12 =	sadd.s32 s21, s12;
	s15 =	sadd.s32 s20, s6;
	s6 =	sadd.s32 s24, s7;
	v42 =	vshrl.u32 v59, $0x6;
	v45 =	vshrl.u32 v21, $0x1F;
	v16 =	vadd.s32 v9, v12  }
0x3a: {  	s24 =	sshrl.u32 s12, $0x1F;
	s20 =	sshrl.u32 s15, $0x1F;
	s12 =	sshra.s32 s12, $0x2;
	vm3 =	vlt.s32 v20, $0x1;
	v12 =	vmulhi.u32 $0xCCCCCCCD, v11;
	v26 =	vsub.s32 $0x0, v11  }
0x3b: {  	v31 =	vmov s24;
	v33 =	vmov s20;
	v34 =	vmov s12  }
0x3c: {  	v43 =	vshrl.u32 v20, $0x1F;
	v61 =	vmul.u32 $0xA, v13;
	v42 =	vmul.u32 $0xA, v42  }
0x3d: {  	v22 =	vsub.s32 v22, v63;
	vm3 =	vmand vm3, vm2;
	vm14 =	vlt.s32 v16, $0x1  }
0x3e: {  	v43 =	vadd.s32 v43, v20;
	v62 =	vshrl.u32 v16, $0x1F;
	v22 =	vmul.u32 $0xA, v22  }
0x3f: {  	s26 =	smul.u32 $0x66666667, s26;
	v20 =	vshll.u32 v20, $0x4;
	v29 =	vsel vm3, $0xFFFFFFFF, v1;
	vm3 =	vlt.s32 v21, $0x1  }
0x40: {  	s14 =	smul.u32 $0x66666667, s25;
	vm14 =	vmand vm14, vm2;
	v30 =	vshrl.u32 v12, $0x4;
	v43 =	vshra.s32 v43, $0x1;
	s22 =	spop (v2sf)  }
0x41: {  	v15 =	vsub.s32 v15, v61;
	v23 =	vsub.s32 v23, v42;
	vm3 =	vmand vm3, vm2;
	s30 =	spop (v2sf);
	s17 =	smulhi.u32 $0x66666667, s22  }
0x42: {  	v28 =	vsel vm14, $0xFFFFFFFF, v1;
	v12 =	vmul.u32 $0xFFFFFFEC, v30;
	vm14 =	veq.s32 v18, v0;
	s22 =	sshra.s32 s22, $0x1F;
	s19 =	smulhi.u32 $0x66666667, s30  }
0x43: {  	s4 =	sadd.s32 s26, s4;
	v18 =	vshrl.u32 v27, $0x4;
	v29 =	vadd.s32 v29, v43;
	v15 =	vmul.u32 $0xA, v15;
	s25 =	sshra.s32 s30, $0x1F;
	s22 =	smul.u32 $0x66666667, s22  }
0x44: {  	s16 =	sadd.s32 s16, s13;
	v23 =	vmul.u32 $0xA, v23;
	v24 =	vsel vm3, $0xFFFFFFFF, v1;
	v32 =	vmul.u32 $0xCCCCCCCD, v18;
	s25 =	smul.u32 $0x66666667, s25;
	s26 =	spop (v2sf)  }
0x45: {  	v53 =	vld [tilespmem:$0x1FFE0];
	s13 =	sadd.s32 s28, s9;
	v55 =	vmul.u32 $0xFFFFFFEC, v18;
	v46 =	vadd.s32 v29, v61;
	vm3 =	vne.s32 v12, v26;
	s30 =	spop (v2sf);
	s28 =	smulhi.u32 $0x66666667, s26  }
0x46: {  	s9 =	sadd.s32 s29, s10;
	v12 =	vimm.s32 $0x0;
	v15 =	vadd.s32 v29, v15;
	vm3 =	vmand vm14, vm3;
	s26 =	sshra.s32 s26, $0x1F;
	s10 =	smulhi.u32 $0x66666667, s30  }
0x47: {  	v29 =	vshll.u32 v29, $0x5;
	v52 =	vshll.u32 v32, $0x1F;
	v12 =	vsel vm3, $0xFFFFFFFF, v12;
	s21 =	sshra.s32 s30, $0x1F;
	s26 =	smul.u32 $0x66666667, s26  }
0x48: {  	s23 =	simm.s32 $0x60;
	v32 =	vshrl.u32 v32, $0x1;
	vm3 =	vlt.u32 v10, $0x14;
	[tilespmem:$0x1FFC0] =	vst v12;
	v12 =	vimm.s32 $0x0;
	s21 =	smul.u32 $0x66666667, s21  }
0x49: {  	v32 =	vor.u32 v52, v32;
	v52 =	vmulhi.u32 $0x51EB851F, v8;
	v12 =	vsel vm3, $0xFFFFFFFF, v12;
	s19 =	sadd.s32 s25, s19;
	s25 =	sshrl.u32 s16, $0x1F;
	s7 =	sadd.s32 s26, s28  }
0x4a: {  	vm14 =	vnez.u8 v53;
	v20 =	vsub.s32 v20, v29;
	[tilespmem:$0x1FFD0] =	vst v12;
	v12 =	vor.u32 s23, v0;
	s5 =	sadd.s32 s21, s10;
	s10 =	sadd.s32 s22, s17;
	s26 =	sshra.s32 s7, $0x2  }
0x4b: {  	vm3 =	vcmask $0x704;
	v53 =	vshrl.u32 v52, $0x6;
	v26 =	vmulhi.u32 $0xCCCCCCCD, v12;
	s22 =	sshra.s32 s7, $0x1F;
	s7 =	sshrl.u32 s7, $0x1F;
	s23 =	sshra.s32 s5, $0x1F  }
0x4c: {  	v31 =	vsel vm15, s25, v31;
	v35 =	vmov s7;
	v27 =	vmov s23;
	s23 =	sshra.s32 s15, $0x2  }
0x4d: {  	s31 =	simm.s32 $0x3;
	s15 =	sshra.s32 s16, $0x2;
	v35 =	vnsel vm7, $0x0, v35;
	v27 =	vsel vm7, s26, v27;
	s26 =	sshrl.u32 s18, $0x1F;
	v36 =	vmov s23  }
0x4e: {  	s16 =	sshra.s32 s18, $0x2;
	s18 =	sshrl.u32 s13, $0x1F;
	v34 =	vsel vm15, s15, v34;
	s13 =	sshra.s32 s13, $0x2;
	v27 =	vsel vm3, s22, v27;
	v33 =	vsel vm15, s26, v33  }
0x4f: {  	s2 =	sadd.s32 s14, s2;
	s24 =	sshra.s32 s19, $0x2;
	s23 =	sshrl.u32 s19, $0x1F;
	v36 =	vsel vm15, s16, v36;
	v31 =	vsel vm1, s18, v31;
	v34 =	vsel vm1, s13, v34  }
0x50: {  	s25 =	sshrl.u32 s3, $0x1F;
	s21 =	sshrl.u32 s9, $0x1F;
	s9 =	sshra.s32 s9, $0x2;
	v35 =	vsel vm15, s23, v35;
	vm3 =	vcmask $0x3B38;
	v27 =	vsel vm15, s24, v27  }
0x51: {  	s12 =	sshra.s32 s19, $0x1F;
	s3 =	sshra.s32 s3, $0x2;
	s26 =	sshrl.u32 s4, $0x1F;
	v33 =	vsel vm1, s21, v33;
	v36 =	vsel vm1, s9, v36;
	v31 =	vsel vm4, s25, v31  }
0x52: {  	s14 =	sshra.s32 s4, $0x2;
	s17 =	sshra.s32 s10, $0x2;
	v34 =	vsel vm4, s3, v34;
	v27 =	vsel vm6, s12, v27;
	v33 =	vsel vm4, s26, v33;
	s12 =	sshrl.u32 s10, $0x1F  }
0x53: {  	[sflag:s31] =	ssyncset.done $0x0;
	s20 =	sshra.s32 s10, $0x1F;
	v36 =	vsel vm4, s14, v36;
	v27 =	vsel vm1, s17, v27;
	v35 =	vsel vm1, s12, v35  }
0x54: {  	s22 =	sshra.s32 s2, $0x2;
	s24 =	sshra.s32 s2, $0x1F;
	s2 =	sshrl.u32 s2, $0x1F;
	v31 =	vcombine.low v33, v31;
	v34 =	vcombine.low v36, v34;
	v27 =	vsel vm8, s20, v27  }
0x55: {  	[sflag:s31] =	ssyncadd.s32 $0xFFFFFF80;
	s0 =	sadd.s32 s1, s0;
	s16 =	sshrl.u32 s6, $0x1F;
	v36 =	vshrl.u32 v26, $0x4;
	v35 =	vsel vm4, s2, v35;
	v27 =	vsel vm4, s22, v27  }
0x56: {  	v54 =	vld [tilespmem:$0x1FFC0];
	s18 =	sshrl.u32 s8, $0x1F;
	s23 =	simm.s32 $0x0;
	s9 =	sshra.s32 s6, $0x2;
	v48 =	vsel vm11, s16, v35;
	v49 =	vperm.xlane v31, v2;
	v27 =	vsel vm10, s24, v27  }
0x57: {  	s13 =	sshra.s32 s6, $0x1F;
	v15 =	vld.idx.msk [tilespmem:v15+s23+$0x0], $0xffff;
	s20 =	sshrl.u32 s0, $0x1F;
	v31 =	vshrl.u32 v25, $0x4;
	v33 =	vsel vm13, s18, v48;
	v27 =	vsel vm11, s9, v27  }
0x58: {  	s15 =	sshra.s32 s8, $0x2;
	s21 =	sshrl.u32 s5, $0x1F;
	v47 =	vld.idx.msk [tilespmem:v46+s23+$0x0], $0xffff;
	v51 =	vmul.u32 $0xFFFFFFEC, v31;
	v50 =	vsel vm0, s20, v33;
	v27 =	vsel vm9, s13, v27  }
0x59: {  	s17 =	sshra.s32 s8, $0x1F;
	v34 =	vperm.xlane v34, v2;
	v33 =	vsel vm3, s21, v50;
	v27 =	vsel vm13, s15, v27  }
0x5a: {  	s19 =	sshra.s32 s0, $0x2;
	v26 =	vadd.s32 v8, v51;
	v25 =	vperm.xlane v33, v3;
	v27 =	vsel vm12, s17, v27  }
0x5b: {  	s0 =	sshra.s32 s0, $0x1F;
	v51 =	vmulhi.u32 $0x51EB851F, v12;
	vm12 =	vlt.s32 v26, $0x1;
	v27 =	vsel vm0, s19, v27  }
0x5c: {  	s22 =	sshra.s32 s5, $0x2;
	v25 =	vsel vm14, v25, v49;
	v49 =	vshrl.u32 v15, v20;
	v27 =	vsel vm5, s0, v27  }
0x5d: {  	v20 =	vshrl.u32 v47, v20;
	v27 =	vsel vm3, s22, v27;
	vm3 =	vnez.u8 v54  }
0x5e: {  	v20 =	vand.u32 $0xFFFF, v20;
	v27 =	vperm.xlane v27, v3;
	v37 =	vsel vm3, $0xFFFFFFFF, v1  }
0x5f: {  	vm3 =	vgt.u32 v32, $0x19999999;
	v13 =	vadd.s32 v37, v30;
	v30 =	vadd.s32 v62, v16  }
0x60: {  	v16 =	vshll.u32 v16, $0x4;
	v27 =	vsel vm14, v27, v34;
	v30 =	vshra.s32 v30, $0x1  }
0x61: {  	(v2sf) =	vpush v13, $0xF;
	v38 =	vadd.s32 v25, v27;
	v27 =	vmul.u32 $0xFFFFFFEC, v14  }
0x62: {  	v28 =	vadd.s32 v28, v30;
	v30 =	vadd.s32 v45, v21;
	(v2sf) =	vpush v13, $0xB  }
0x63: {  	v21 =	vshll.u32 v21, $0x4;
	(v2sf) =	vpush v13, $0x6;
	v30 =	vshra.s32 v30, $0x1  }
0x64: {  	v37 =	vadd.s32 v63, v28;
	v22 =	vadd.s32 v22, v28;
	v28 =	vshll.u32 v28, $0x5  }
0x65: {  	v25 =	vld [tilespmem:$0x1FFD0];
	v32 =	vadd.s32 v17, v27;
	v27 =	vadd.s32 v10, v55;
	(v2sf) =	vpush v13, $0xE  }
0x66: {  	v24 =	vadd.s32 v24, v30;
	v16 =	vsub.s32 v16, v28;
	(v2sf) =	vpush v13, $0xA  }
0x67: {  	v30 =	vadd.s32 v42, v24;
	v23 =	vadd.s32 v23, v24;
	v24 =	vshll.u32 v24, $0x5  }
0x68: {  	v50 =	vshrl.u32 v32, $0x1F;
	v54 =	vshrl.u32 v27, $0x1F;
	(v2sf) =	vpush v13, $0xD  }
0x69: {  	v21 =	vsub.s32 v21, v24;
	v24 =	vmulhi.u32 $0x51EB851F, v10;
	(v2sf) =	vpush v13, $0x9  }
0x6a: {  	vm5 =	vnez.u8 v25;
	v25 =	vmul.u32 $0xFFFFFFF6, v38;
	(v2sf) =	vpush v13, $0x5  }
0x6b: {  	vm3 =	vmand vm5, vm3;
	vm5 =	vlt.s32 v14, $0x1;
	(v2sf) =	vpush v13, $0xC  }
0x6c: {  	v48 =	vld.idx.msk [tilespmem:v37+s23+$0x0], $0xffff;
	v37 =	vadd.s32 v50, v32;
	v24 =	vshrl.u32 v24, $0x6;
	(v2sf) =	vpush v13, $0x8  }
0x6d: {  	v39 =	vsel vm3, $0xFFFFFFFF, v1;
	vm3 =	vne.s32 v25, v56;
	(v2sf) =	vpush v13, $0x4  }
0x6e: {  	v25 =	vmul.u32 $0xFFFFFFEC, v36;
	v37 =	vshra.s32 v37, $0x1;
	(v2sf) =	vpush v13, $0x3  }
0x6f: {  	v56 =	vshrl.u32 v26, $0x1F;
	vm5 =	vmand vm5, vm3;
	vm3 =	vlt.s32 v32, $0x1  }
0x70: {  	v24 =	vadd.s32 v39, v24;
	v39 =	vmul.u32 $0xA, v53;
	v42 =	vadd.s32 v56, v26;
	s24 =	spop (v2sf)  }
0x71: {  	v32 =	vshll.u32 v32, $0x4;
	vm3 =	vmand vm3, vm2;
	v40 =	vsel vm5, $0xFFFFFFFF, v1;
	s25 =	spop (v2sf);
	s1 =	smulhi.u32 $0x66666667, s24  }
0x72: {  	v25 =	vadd.s32 v12, v25;
	v24 =	vmul.u32 $0xA, v24;
	v15 =	vadd.s32 v40, v38;
	s3 =	sshra.s32 s24, $0x1F;
	s2 =	spop (v2sf);
	s4 =	smulhi.u32 $0x66666667, s25  }
0x73: {  	v42 =	vshra.s32 v42, $0x1;
	v41 =	vsel vm3, $0xFFFFFFFF, v1;
	v15 =	vmul.u32 $0xA, v15;
	s3 =	smul.u32 $0x66666667, s3;
	[dreg:$0x6] =	wrdreg s1  }
0x74: {  	vm3 =	vlt.s32 v27, $0x1;
	vm5 =	vlt.s32 v25, $0x1;
	v38 =	vshrl.u32 v51, $0x6;
	s5 =	sshra.s32 s25, $0x1F;
	s6 =	spop (v2sf);
	s7 =	smulhi.u32 $0x66666667, s2  }
0x75: {  	v55 =	vshrl.u32 v25, $0x1F;
	v40 =	vadd.s32 v54, v27;
	v14 =	vsub.s32 v14, v15;
	s15 =	smul.u32 $0x66666667, s5;
	[dreg:$0x8] =	wrdreg s4  }
0x76: {  	v31 =	vsub.s32 v31, v39;
	v37 =	vadd.s32 v41, v37;
	v14 =	vmul.u32 $0xA, v14;
	s0 =	sshra.s32 s2, $0x1F;
	s8 =	spop (v2sf);
	s13 =	smulhi.u32 $0x66666667, s6  }
0x77: {  	vm3 =	vmand vm3, vm2;
	v15 =	vadd.s32 v37, v15;
	(v2sf) =	vpush v13, $0x2;
	s0 =	smul.u32 $0x66666667, s0;
	s14 =	spop (v2sf)  }
0x78: {  	v29 =	vshrl.u32 v48, v16;
	v14 =	vadd.s32 v37, v14;
	(v2sf) =	vpush v13, $0x1;
	[dreg:$0x4] =	wrdreg s7;
	s18 =	spop (v2sf)  }
0x79: {  	v38 =	vmul.u32 $0xA, v38;
	v18 =	vsub.s32 v18, v24;
	(v2sf) =	vpush v13, $0x0;
	s17 =	smulhi.u32 $0x66666667, s8;
	s19 =	spop (v2sf)  }
0x7a: {  	s10 =	simm.s32 $0x0;
	v41 =	vadd.s32 v55, v25;
	v40 =	vshra.s32 v40, $0x1;
	(v2sf) =	vpush v13, $0x7;
	[dreg:$0x9] =	wrdreg s13;
	s13 =	spop (v2sf)  }
0x7b: {  	v31 =	vmul.u32 $0xA, v31;
	v33 =	vsel vm3, $0xFFFFFFFF, v1;
	vm3 =	vmand vm5, vm2;
	s4 =	sshra.s32 s6, $0x1F;
	[dreg:$0xa] =	wrdreg s17;
	s31 =	spop (v2sf)  }
0x7c: {  	vm5 =	vmand vm12, vm2;
	v18 =	vmul.u32 $0xA, v18;
	v41 =	vshra.s32 v41, $0x1;
	s16 =	smul.u32 $0x66666667, s4;
	v15 =	vld.idx.msk [tilespmem:v15+s10+$0x0], $0xffff;
	s21 =	spop (v2sf)  }
0x7d: {  	v62 =	vand.u32 $0xFFFF, v29;
	vm12 =	vmmov vm6;
	v57 =	vsel vm3, $0xFFFFFFFF, v1;
	s20 =	smulhi.u32 $0x66666667, s14;
	v14 =	vld.idx.msk [tilespmem:v14+s10+$0x0], $0xffff;
	s12 =	spop (v2sf)  }
0x7e: {  	v58 =	vsel vm5, $0xFFFFFFFF, v1;
	v36 =	vsub.s32 v36, v38;
	v33 =	vadd.s32 v33, v40;
	s22 =	smulhi.u32 $0x66666667, s12  }
0x7f: {  	v36 =	vmul.u32 $0xA, v36;
	v34 =	vadd.s32 v57, v41;
	v18 =	vadd.s32 v33, v18;
	s1 =	smulhi.u32 $0x66666667, s18  }
0x80: {  	v35 =	vadd.s32 v58, v42;
	v57 =	vadd.s32 v33, v24;
	v37 =	vshll.u32 v37, $0x5;
	s25 =	sshra.s32 s18, $0x1F;
	s26 =	smulhi.u32 $0x66666667, s19;
	[dreg:$0x7] =	wrdreg s22  }
0x81: {  	v38 =	vadd.s32 v38, v34;
	v60 =	vadd.s32 v39, v35;
	v32 =	vsub.s32 v32, v37;
	s9 =	smul.u32 $0x66666667, s25;
	v22 =	vld.idx.msk [tilespmem:v22+s10+$0x0], $0xffff  }
0x82: {  	v31 =	vadd.s32 v31, v35;
	s29 =	smulhi.u32 $0x66666667, s13;
	v15 =	vshrl.u32 v15, v32;
	v14 =	vshrl.u32 v14, v32;
	v30 =	vld.idx.msk [tilespmem:v30+s10+$0x0], $0xffff  }
0x83: {  	v36 =	vadd.s32 v36, v34;
	s28 =	smulhi.u32 $0x66666667, s31;
	v15 =	vand.u32 $0xFFFF, v15;
	v14 =	vshll.u32 v14, $0x10;
	v58 =	vld.idx.msk [tilespmem:v23+s10+$0x0], $0xffff;
	[dreg:$0x5] =	wrdreg s0  }
0x84: {  	s24 =	sshra.s32 s14, $0x1F;
	s30 =	smulhi.u32 $0x66666667, s21;
	v59 =	vor.u32 v15, v14;
	v14 =	vshll.u32 v33, $0x5;
	v15 =	vshll.u32 v27, $0x4;
	v23 =	vld.idx.msk [tilespmem:v18+s10+$0x0], $0xffff  }
0x85: {  	s23 =	sshra.s32 s8, $0x1F;
	s22 =	smul.u32 $0x66666667, s24;
	v27 =	vshll.u32 v34, $0x5;
	v24 =	vsub.s32 v15, v14;
	v14 =	vshll.u32 v25, $0x4;
	v25 =	vld.idx.msk [tilespmem:v57+s10+$0x0], $0xffff  }
0x86: {  	v61 =	vshll.u32 v35, $0x5;
	s0 =	smul.u32 $0x66666667, s23;
	v18 =	vshll.u32 v26, $0x4;
	v26 =	vld.idx.msk [tilespmem:v38+s10+$0x0], $0xffff;
	s17 =	spop (v2sf);
	v15 =	vsub.s32 v14, v27  }
0x87: {  	[tilespmem:v17+s11+$0x0] =	vst.idx.msk $0xffff, v59;
	v14 =	vsub.s32 v18, v61;
	s18 =	spop (v2sf);
	s7 =	smulhi.u32 $0x66666667, s17;
	v18 =	vshrl.u32 v22, v16;
	v22 =	vshll.u32 v49, $0x10  }
0x88: {  	v17 =	vld.idx.msk [tilespmem:v60+s10+$0x0], $0xffff;
	s8 =	spop (v2sf);
	s6 =	smulhi.u32 $0x66666667, s18;
	v27 =	vshrl.u32 v30, v21;
	v21 =	vshrl.u32 v58, v21;
	v63 =	vshll.u32 v18, $0x10  }
0x89: {  	s2 =	simm.s32 $0x4;
	v16 =	vld.idx.msk [tilespmem:v36+s10+$0x0], $0xffff;
	s14 =	smulhi.u32 $0x66666667, s8;
	s5 =	spop (v2sf);
	v20 =	vor.u32 v20, v22;
	v22 =	vand.u32 $0xFFFF, v27;
	v21 =	vshll.u32 v21, $0x10  }
0x8a: {  	s4 =	simm.s32 $0xB0;
	s23 =	sshra.s32 s19, $0x1F;
	v18 =	vld.idx.msk [tilespmem:v31+s10+$0x0], $0xffff;
	s10 =	smulhi.u32 $0x66666667, s5;
	[tilespmem:v19+s11+$0x0] =	vst.idx.msk $0xffff, v20;
	v19 =	vor.u32 v62, v63;
	v22 =	vor.u32 v22, v21  }
.LBB2_2:
0x8b: {  	s24 =	sadd.s32 $0xFFFFFFD0, s4;
	v27 =	vor.u32 s4, v0;
	s25 =	sadd.s32 $0xFFFFFFE0, s4  }
0x8c: {  	s13 =	sshra.s32 s13, $0x1F;
	s23 =	smul.u32 $0x66666667, s23;
	[tilespmem:v9+s11+$0x0] =	vst.idx.msk $0xffff, v19;
	v19 =	vmov v10;
	s21 =	sshra.s32 s21, $0x1F;
	v28 =	vmulhi.u32 $0xCCCCCCCD, v27;
	v10 =	vor.u32 s25, v0  }
0x8d: {  	[tilespmem:v7+s11+$0x0] =	vst.idx.msk $0xffff, v22;
	v7 =	vmovc v8;
	v44 =	vsub.s32 $0x0, v13;
	v45 =	vmul.u32 $0xFFFFFFEC, v13;
	s19 =	smul.u32 $0x66666667, s13;
	s25 =	sadd.s32 $0xFFFFFFF0, s4;
	v8 =	vmovc v27;
	v56 =	vmulhi.u32 $0x51EB851F, v10  }
0x8e: {  	v9 =	vmovc v12;
	s13 =	sshra.s32 s31, $0x1F;
	s21 =	smul.u32 $0x66666667, s21;
	v30 =	vmov s24;
	v12 =	vor.u32 s25, v0;
	v61 =	vmulhi.u32 $0x51EB851F, v8  }
0x8f: {  	s17 =	sshra.s32 s17, $0x1F;
	s31 =	smul.u32 $0x66666667, s13;
	vm3 =	vlt.u32 v10, $0x14;
	vm5 =	veq.s32 v30, v0;
	v33 =	vmulhi.u32 $0x51EB851F, v12  }
0x90: {  	s8 =	sshra.s32 s8, $0x1F;
	s25 =	sshra.s32 s18, $0x1F;
	s18 =	smul.u32 $0x66666667, s17;
	v20 =	vshrl.u32 v23, v24;
	v21 =	vshrl.u32 v25, v24;
	v25 =	vmulhi.u32 $0xCCCCCCCD, v10  }
0x91: {  	s9 =	sadd.s32 s9, s1;
	s13 =	rddreg [dreg:$0x8];
	s17 =	smul.u32 $0x66666667, s25;
	v23 =	vor.u32 s24, v0;
	v22 =	vshrl.u32 v26, v15;
	v26 =	vmulhi.u32 $0xCCCCCCCD, v12  }
0x92: {  	s25 =	rddreg [dreg:$0x6];
	s24 =	smul.u32 $0x66666667, s8;
	s8 =	sshra.s32 s5, $0x1F;
	v30 =	vshrl.u32 v56, $0x6;
	v18 =	vshrl.u32 v18, v14;
	v24 =	vmulhi.u32 $0xCCCCCCCD, v23  }
0x93: {  	s5 =	sadd.s32 s3, s25;
	s3 =	sadd.s32 s15, s13;
	s15 =	rddreg [dreg:$0x9];
	v31 =	vsub.s32 $0x0, v23;
	v33 =	vshrl.u32 v33, $0x6;
	v20 =	vshll.u32 v20, $0x10  }
0x94: {  	s1 =	sadd.s32 s23, s26;
	s15 =	sadd.s32 s16, s15;
	s16 =	rddreg [dreg:$0xa];
	v21 =	vand.u32 $0xFFFF, v21;
	v22 =	vand.u32 $0xFFFF, v22;
	v25 =	vshrl.u32 v25, $0x4  }
0x95: {  	s25 =	smul.u32 $0x66666667, s8;
	s8 =	sadd.s32 s21, s30;
	v26 =	vshrl.u32 v26, $0x4;
	s13 =	sadd.s32 s0, s16;
	v33 =	vmul.u32 $0xA, v33;
	v20 =	vor.u32 v21, v20  }
0x96: {  	s16 =	sadd.s32 s19, s29;
	s19 =	sadd.s32 s31, s28;
	s21 =	sadd.s32 s24, s14;
	v29 =	vshrl.u32 v24, $0x4;
	v24 =	vshrl.u32 v28, $0x4;
	v32 =	vmul.u32 $0xCCCCCCCD, v25  }
0x97: {  	s0 =	sadd.s32 s25, s10;
	v62 =	vmul.u32 $0xFFFFFFEC, v25;
	v63 =	vmul.u32 $0xFFFFFFEC, v26;
	s23 =	sshrl.u32 s16, $0x1F;
	s25 =	sshrl.u32 s19, $0x1F;
	v55 =	vmul.u32 $0xFFFFFFEC, v29  }
0x98: {  	s16 =	sshra.s32 s16, $0x2;
	s10 =	sshrl.u32 s21, $0x1F;
	v27 =	vmul.u32 $0xFFFFFFEC, v24;
	v36 =	vmov s23;
	v37 =	vmov s25  }
0x99: {  	v38 =	vmov s16;
	v39 =	vmov s10;
	vm6 =	vne.s32 v55, v31  }
0x9a: {  	s20 =	sadd.s32 s22, s20;
	s22 =	sshra.s32 s0, $0x1F;
	v26 =	vsub.s32 v26, v33;
	v57 =	vshll.u32 v32, $0x1F;
	vm5 =	vmand vm5, vm6  }
0x9b: {  	s24 =	sshra.s32 s21, $0x2;
	s16 =	sshra.s32 s19, $0x2;
	s19 =	sshrl.u32 s20, $0x1F;
	v58 =	vshrl.u32 v32, $0x1;
	v35 =	vmov s22;
	v59 =	vsel vm5, $0xFFFFFFFF, v1  }
0x9c: {  	s26 =	sshra.s32 s21, $0x1F;
	s21 =	sshrl.u32 s9, $0x1F;
	s23 =	sshra.s32 s20, $0x2;
	v40 =	vmov s16;
	v36 =	vsel vm15, s19, v36;
	v60 =	vadd.s32 v59, v29  }
0x9d: {  	v37 =	vsel vm15, s21, v37;
	v38 =	vsel vm15, s23, v38;
	(v2sf) =	vpush v60, $0xF  }
0x9e: {  	v39 =	vnsel vm7, $0x0, v39;
	v31 =	vor.u32 v57, v58;
	(v2sf) =	vpush v60, $0xB  }
0x9f: {  	s12 =	sshra.s32 s12, $0x1F;
	v32 =	vshrl.u32 v61, $0x6;
	vm5 =	vgt.u32 v31, $0x19999999;
	(v2sf) =	vpush v60, $0x6  }
0xa0: {  	s12 =	smul.u32 $0x66666667, s12;
	v26 =	vmul.u32 $0xA, v26;
	vm3 =	vmand vm3, vm5;
	(v2sf) =	vpush v60, $0xE  }
0xa1: {  	s7 =	sadd.s32 s18, s7;
	s6 =	sadd.s32 s17, s6;
	s9 =	sshra.s32 s9, $0x2;
	v35 =	vsel vm7, s24, v35;
	v34 =	vsel vm3, $0xFFFFFFFF, v1;
	vm3 =	vcmask $0x704  }
0xa2: {  	s18 =	sshra.s32 s6, $0x2;
	s14 =	sshrl.u32 s13, $0x1F;
	s25 =	sshrl.u32 s15, $0x1F;
	v61 =	vshrl.u32 v16, v15;
	v40 =	vsel vm15, s9, v40;
	v35 =	vsel vm3, s26, v35  }
0xa3: {  	s22 =	sshra.s32 s6, $0x1F;
	s16 =	sshra.s32 s15, $0x2;
	s6 =	sshrl.u32 s6, $0x1F;
	v36 =	vsel vm1, s25, v36;
	v37 =	vsel vm1, s14, v37;
	v35 =	vsel vm15, s18, v35  }
0xa4: {  	s10 =	sshra.s32 s7, $0x1F;
	s24 =	sshra.s32 s7, $0x2;
	v38 =	vsel vm1, s16, v38;
	v39 =	vsel vm15, s6, v39;
	s26 =	rddreg [dreg:$0x7];
	v35 =	vsel vm12, s22, v35  }
0xa5: {  	s20 =	sshrl.u32 s5, $0x1F;
	s21 =	sshrl.u32 s3, $0x1F;
	v27 =	vadd.s32 v8, v27;
	v32 =	vmul.u32 $0xA, v32;
	s12 =	sadd.s32 s12, s26;
	v35 =	vsel vm1, s24, v35  }
0xa6: {  	s5 =	sshra.s32 s5, $0x2;
	s7 =	sshrl.u32 s7, $0x1F;
	v36 =	vsel vm4, s20, v36;
	v37 =	vsel vm4, s21, v37;
	s17 =	sshra.s32 s12, $0x2;
	v35 =	vsel vm8, s10, v35  }
0xa7: {  	v39 =	vsel vm1, s7, v39;
	v38 =	vsel vm4, s5, v38;
	s19 =	sshra.s32 s12, $0x1F;
	v35 =	vsel vm4, s17, v35  }
0xa8: {  	s23 =	sshra.s32 s8, $0x1F;
	v54 =	vshrl.u32 v27, $0x1F;
	v36 =	vcombine.low v37, v36;
	s18 =	sshra.s32 s13, $0x2;
	s22 =	sshra.s32 s8, $0x2;
	v35 =	vsel vm10, s19, v35  }
0xa9: {  	s3 =	sshra.s32 s3, $0x2;
	s9 =	rddreg [dreg:$0x4];
	vm3 =	vcmask $0x2F2C;
	v40 =	vsel vm1, s18, v40;
	s24 =	sshrl.u32 s12, $0x1F;
	v35 =	vsel vm11, s22, v35  }
0xaa: {  	s25 =	sshra.s32 s1, $0x2;
	s26 =	sshrl.u32 s8, $0x1F;
	v40 =	vsel vm4, s3, v40;
	v39 =	vsel vm4, s24, v39;
	s10 =	rddreg [dreg:$0x5];
	v35 =	vsel vm9, s23, v35  }
0xab: {  	s12 =	sshra.s32 s1, $0x1F;
	s1 =	sshrl.u32 s1, $0x1F;
	v38 =	vcombine.low v40, v38;
	s7 =	sadd.s32 s10, s9;
	v42 =	vsel vm11, s26, v39;
	v35 =	vsel vm13, s25, v35  }
0xac: {  	v36 =	vperm.xlane v36, v2;
	s13 =	sshra.s32 s7, $0x2;
	v37 =	vsel vm13, s1, v42;
	v35 =	vsel vm3, s12, v35;
	s3 =	spop (v2sf)  }
0xad: {  	s14 =	sshrl.u32 s7, $0x1F;
	s15 =	sshra.s32 s7, $0x1F;
	v38 =	vperm.xlane v38, v2;
	vm3 =	vcmask $0x3734;
	v35 =	vsel vm0, s13, v35;
	s16 =	spop (v2sf)  }
0xae: {  	s8 =	sshrl.u32 s0, $0x1F;
	s0 =	sshra.s32 s0, $0x2;
	v37 =	vsel vm0, s14, v37;
	v35 =	vsel vm3, s15, v35;
	vm3 =	vcmask $0x3B38;
	s9 =	spop (v2sf)  }
0xaf: {  	v37 =	vsel vm3, s8, v37;
	v35 =	vsel vm3, s0, v35;
	s22 =	spop (v2sf);
	(v2sf) =	vpush v60, $0xA  }
0xb0: {  	v37 =	vperm.xlane v37, v3;
	v35 =	vperm.xlane v35, v3;
	(v2sf) =	vpush v60, $0xD  }
0xb1: {  	vm6 =	vlt.s32 v27, $0x1;
	v31 =	vadd.s32 v10, v62;
	v24 =	vsub.s32 v24, v32  }
0xb2: {  	v36 =	vsel vm14, v37, v36;
	v35 =	vsel vm14, v35, v38;
	(v2sf) =	vpush v60, $0x9  }
0xb3: {  	vm6 =	vmand vm6, vm2;
	v62 =	vshrl.u32 v17, v14;
	v43 =	vadd.s32 v36, v35  }
0xb4: {  	v29 =	vadd.s32 v12, v63;
	v35 =	vmul.u32 $0xFFFFFFF6, v43;
	(v2sf) =	vpush v60, $0x5  }
0xb5: {  	v52 =	vshrl.u32 v31, $0x1F;
	v24 =	vmul.u32 $0xA, v24;
	v30 =	vadd.s32 v34, v30  }
0xb6: {  	vm3 =	vlt.s32 v13, $0x1;
	vm5 =	vne.s32 v35, v44;
	(v2sf) =	vpush v60, $0xC  }
0xb7: {  	v30 =	vmul.u32 $0xA, v30;
	s17 =	smulhi.u32 $0x66666667, s3;
	vm3 =	vmand vm3, vm5;
	(v2sf) =	vpush v60, $0x8  }
0xb8: {  	s3 =	sshra.s32 s3, $0x1F;
	s18 =	smulhi.u32 $0x66666667, s16;
	v35 =	vadd.s32 v11, v45;
	v46 =	vsel vm3, $0xFFFFFFFF, v1;
	(v2sf) =	vpush v60, $0x4  }
0xb9: {  	s3 =	smul.u32 $0x66666667, s3;
	v47 =	vshrl.u32 v35, $0x1F;
	v34 =	vadd.s32 v46, v43;
	(v2sf) =	vpush v60, $0x3  }
0xba: {  	s15 =	sshra.s32 s16, $0x1F;
	s10 =	smulhi.u32 $0x66666667, s9;
	s16 =	sshra.s32 s9, $0x1F;
	vm3 =	vlt.s32 v35, $0x1;
	v34 =	vmul.u32 $0xA, v34;
	(v2sf) =	vpush v60, $0x2  }
0xbb: {  	s16 =	smul.u32 $0x66666667, s16;
	v36 =	vadd.s32 v47, v35;
	vm3 =	vmand vm3, vm2;
	(v2sf) =	vpush v60, $0x1  }
0xbc: {  	[dreg:$0x6] =	wrdreg s17;
	s15 =	smul.u32 $0x66666667, s15;
	v36 =	vshra.s32 v36, $0x1;
	v49 =	vsel vm3, $0xFFFFFFFF, v1;
	v48 =	vsub.s32 v13, v34  }
0xbd: {  	s12 =	smulhi.u32 $0x66666667, s22;
	s9 =	sshra.s32 s22, $0x1F;
	[dreg:$0x5] =	wrdreg s16;
	v50 =	vadd.s32 v49, v36;
	v13 =	vmovc v60;
	(v2sf) =	vpush v60, $0x0;
	v51 =	vmul.u32 $0xA, v48  }
0xbe: {  	v39 =	vadd.s32 v54, v27;
	s16 =	smul.u32 $0x66666667, s9;
	v34 =	vadd.s32 v50, v34;
	(v2sf) =	vpush v13, $0x7;
	s19 =	spop (v2sf)  }
0xbf: {  	v39 =	vshra.s32 v39, $0x1;
	v42 =	vsel vm6, $0xFFFFFFFF, v1;
	v36 =	vadd.s32 v50, v51;
	s0 =	spop (v2sf);
	s13 =	smulhi.u32 $0x66666667, s19  }
0xc0: {  	v21 =	vand.u32 $0xFFFF, v62;
	v25 =	vsub.s32 v25, v30;
	v39 =	vadd.s32 v42, v39;
	[dreg:$0x8] =	wrdreg s18;
	s19 =	sshra.s32 s19, $0x1F;
	s20 =	smulhi.u32 $0x66666667, s0  }
0xc1: {  	v53 =	vshrl.u32 v29, $0x1F;
	v25 =	vmul.u32 $0xA, v25;
	v32 =	vadd.s32 v32, v39;
	s23 =	spop (v2sf);
	s22 =	sshra.s32 s0, $0x1F;
	s0 =	smul.u32 $0x66666667, s19  }
0xc2: {  	v58 =	vadd.s32 v24, v39;
	s25 =	simm.s32 $0x0;
	v37 =	vadd.s32 v52, v31;
	[dreg:$0x9] =	wrdreg s12;
	vm5 =	vlt.s32 v29, $0x1;
	s1 =	smulhi.u32 $0x66666667, s23  }
0xc3: {  	v38 =	vadd.s32 v53, v29;
	vm5 =	vmand vm5, vm2;
	vm3 =	vlt.s32 v31, $0x1;
	v34 =	vld.idx.msk [tilespmem:v34+s25+$0x0], $0xffff;
	s24 =	spop (v2sf);
	s22 =	smul.u32 $0x66666667, s22  }
0xc4: {  	v38 =	vshra.s32 v38, $0x1;
	v41 =	vsel vm5, $0xFFFFFFFF, v1;
	vm3 =	vmand vm3, vm2;
	v36 =	vld.idx.msk [tilespmem:v36+s25+$0x0], $0xffff;
	[dreg:$0xa] =	wrdreg s13;
	s23 =	sshra.s32 s23, $0x1F;
	s26 =	smulhi.u32 $0x66666667, s24  }
0xc5: {  	v37 =	vshra.s32 v37, $0x1;
	v38 =	vadd.s32 v41, v38;
	v55 =	vsel vm3, $0xFFFFFFFF, v1;
	s13 =	spop (v2sf);
	s9 =	smul.u32 $0x66666667, s23  }
0xc6: {  	v63 =	vshll.u32 v18, $0x10;
	v56 =	vadd.s32 v26, v38;
	v37 =	vadd.s32 v55, v37;
	s31 =	spop (v2sf);
	s29 =	smulhi.u32 $0x66666667, s13  }
0xc7: {  	v35 =	vshll.u32 v35, $0x4;
	v28 =	vshll.u32 v50, $0x5;
	v25 =	vadd.s32 v37, v25;
	s21 =	spop (v2sf);
	s28 =	smulhi.u32 $0x66666667, s31  }
0xc8: {  	s2 =	sadd.s32 $0x4, s2;
	v27 =	vshll.u32 v27, $0x4;
	v28 =	vsub.s32 v35, v28;
	v30 =	vadd.s32 v37, v30;
	s12 =	spop (v2sf);
	s30 =	smulhi.u32 $0x66666667, s21  }
0xc9: {  	p0 =	slt.u32 s2, $0x78;
	v17 =	vld.idx.msk [tilespmem:v32+s25+$0x0], $0xffff;
	v33 =	vadd.s32 v33, v38;
	v34 =	vshrl.u32 v34, v28;
	v28 =	vshrl.u32 v36, v28;
	s17 =	spop (v2sf);
	s14 =	smulhi.u32 $0x66666667, s12  }
.Ltmp0:
0xca: {  	v59 =	vshll.u32 v39, $0x5;
	v18 =	vld.idx.msk [tilespmem:v58+s25+$0x0], $0xffff;
	v34 =	vand.u32 $0xFFFF, v34;
	v28 =	vshll.u32 v28, $0x10;
	s18 =	spop (v2sf);
	(pc) =	sbr.rel @p0 .LBB2_2-.Ltmp0, $4  }
0xcb: {  	v24 =	vshll.u32 v31, $0x4;
	v27 =	vsub.s32 v27, v59;
	v16 =	vld.idx.msk [tilespmem:v56+s25+$0x0], $0xffff;
	s7 =	smulhi.u32 $0x66666667, s17;
	v26 =	vor.u32 v34, v28;
	[dreg:$0x7] =	wrdreg s14  }
0xcc: {  	v14 =	vmovc v27;
	v27 =	vshll.u32 v61, $0x10;
	v57 =	vshll.u32 v37, $0x5;
	s8 =	spop (v2sf);
	s6 =	smulhi.u32 $0x66666667, s18;
	[tilespmem:v11+s11+$0x0] =	vst.idx.msk $0xffff, v26;
	v11 =	vmov v23;
	v23 =	vld.idx.msk [tilespmem:v25+s25+$0x0], $0xffff  }
0xcd: {  	s4 =	sadd.s32 $0x40, s4;
	v60 =	vshll.u32 v29, $0x4;
	v24 =	vsub.s32 v24, v57;
	v26 =	vshll.u32 v38, $0x5;
	v25 =	vld.idx.msk [tilespmem:v30+s25+$0x0], $0xffff;
	[tilespmem:v19+s11+$0x0] =	vst.idx.msk $0xffff, v20;
	s14 =	smulhi.u32 $0x66666667, s8;
	s5 =	spop (v2sf)  }
0xce: {  	[dreg:$0x4] =	wrdreg s10;
	s23 =	sshra.s32 s24, $0x1F;
	v19 =	vor.u32 v22, v27;
	v22 =	vor.u32 v21, v63;
	v15 =	vsub.s32 v60, v26;
	v26 =	vld.idx.msk [tilespmem:v33+s25+$0x0], $0xffff;
	s10 =	smulhi.u32 $0x66666667, s5  }
0xcf: {  	s2 =	rddreg [dreg:$0x6]  }
0xd0: {  	s19 =	rddreg [dreg:$0x8];
	s4 =	sshra.s32 s13, $0x1F;
	s24 =	smul.u32 $0x66666667, s23  }
0xd1: {  	s25 =	sshra.s32 s31, $0x1F;
	s9 =	sadd.s32 s9, s1;
	s12 =	sshra.s32 s12, $0x1F  }
0xd2: {  	s23 =	sshra.s32 s5, $0x1F;
	s8 =	sshra.s32 s8, $0x1F;
	s4 =	smul.u32 $0x66666667, s4  }
0xd3: {  	s3 =	sadd.s32 s3, s2;
	s2 =	sadd.s32 s15, s19;
	s31 =	smul.u32 $0x66666667, s25  }
0xd4: {  	s19 =	sadd.s32 s22, s20;
	s20 =	rddreg [dreg:$0x9];
	s12 =	smul.u32 $0x66666667, s12  }
0xd5: {  	s22 =	rddreg [dreg:$0xa];
	s25 =	sshra.s32 s17, $0x1F;
	s8 =	smul.u32 $0x66666667, s8  }
0xd6: {  	s15 =	sadd.s32 s16, s20;
	s13 =	sadd.s32 s0, s22;
	s22 =	sshra.s32 s21, $0x1F  }
0xd7: {  	s1 =	sadd.s32 s24, s26;
	s0 =	smul.u32 $0x66666667, s23;
	s26 =	sshra.s32 s18, $0x1F  }
0xd8: {  	s21 =	sshrl.u32 s19, $0x1F;
	s23 =	sshrl.u32 s9, $0x1F;
	s9 =	sshra.s32 s9, $0x2  }
0xd9: {  	s20 =	sadd.s32 s4, s29;
	s16 =	smul.u32 $0x66666667, s22;
	s24 =	sadd.s32 s31, s28  }
0xda: {  	s8 =	sadd.s32 s8, s14;
	s0 =	sadd.s32 s0, s10;
	s10 =	smul.u32 $0x66666667, s26  }
0xdb: {  	s29 =	sshrl.u32 s20, $0x1F;
	s31 =	sshrl.u32 s24, $0x1F;
	s17 =	sshra.s32 s8, $0x1F  }
0xdc: {  	vm3 =	vcmask $0x704;
	s18 =	sshra.s32 s20, $0x2;
	s5 =	sshra.s32 s24, $0x2;
	s28 =	sshra.s32 s0, $0x1F  }
0xdd: {  	s24 =	rddreg [dreg:$0x7];
	s4 =	sadd.s32 s16, s30;
	s30 =	sshra.s32 s8, $0x2;
	v21 =	vmov s29;
	v27 =	vmov s31;
	v20 =	vmov s28  }
0xde: {  	s16 =	smul.u32 $0x66666667, s25;
	s8 =	sshrl.u32 s8, $0x1F;
	v28 =	vmov s18;
	v30 =	vmov s5;
	s6 =	sadd.s32 s10, s6;
	v20 =	vsel vm7, s30, v20  }
0xdf: {  	s26 =	sshra.s32 s19, $0x2;
	s29 =	sshrl.u32 s15, $0x1F;
	v29 =	vmov s8;
	v21 =	vsel vm15, s21, v21;
	s20 =	sshra.s32 s6, $0x2;
	v20 =	vsel vm3, s17, v20  }
0xe0: {  	s18 =	sshrl.u32 s2, $0x1F;
	v27 =	vsel vm15, s23, v27;
	v28 =	vsel vm15, s26, v28;
	s7 =	sadd.s32 s16, s7;
	s22 =	sshra.s32 s6, $0x1F;
	v20 =	vsel vm15, s20, v20  }
0xe1: {  	s8 =	sadd.s32 s12, s24;
	v30 =	vsel vm15, s9, v30;
	s12 =	sshra.s32 s15, $0x2;
	v21 =	vsel vm1, s29, v21;
	s25 =	sshra.s32 s7, $0x2;
	v20 =	vsel vm12, s22, v20  }
0xe2: {  	s15 =	sshra.s32 s13, $0x2;
	s30 =	sshrl.u32 s13, $0x1F;
	v29 =	vnsel vm7, $0x0, v29;
	v28 =	vsel vm1, s12, v28;
	s28 =	sshra.s32 s7, $0x1F;
	v20 =	vsel vm1, s25, v20  }
0xe3: {  	s31 =	sshra.s32 s8, $0x2;
	s6 =	sshrl.u32 s6, $0x1F;
	s16 =	sshrl.u32 s3, $0x1F;
	v30 =	vsel vm1, s15, v30;
	v27 =	vsel vm1, s30, v27;
	v20 =	vsel vm8, s28, v20  }
0xe4: {  	s2 =	sshra.s32 s2, $0x2;
	s14 =	sshra.s32 s8, $0x1F;
	s3 =	sshra.s32 s3, $0x2;
	v29 =	vsel vm15, s6, v29;
	v21 =	vsel vm4, s16, v21;
	v20 =	vsel vm4, s31, v20  }
0xe5: {  	s17 =	sshra.s32 s4, $0x2;
	s19 =	sshrl.u32 s7, $0x1F;
	v28 =	vsel vm4, s3, v28;
	v30 =	vsel vm4, s2, v30;
	v20 =	vsel vm10, s14, v20  }
0xe6: {  	s23 =	rddreg [dreg:$0x5];
	s21 =	sshrl.u32 s8, $0x1F;
	s20 =	sshra.s32 s4, $0x1F;
	v29 =	vsel vm1, s19, v29;
	v27 =	vsel vm4, s18, v27;
	v20 =	vsel vm11, s17, v20  }
0xe7: {  	s24 =	sshra.s32 s1, $0x2;
	v46 =	vcombine.low v30, v28;
	s22 =	rddreg [dreg:$0x4];
	v29 =	vsel vm4, s21, v29;
	v20 =	vsel vm9, s20, v20  }
0xe8: {  	s4 =	sshrl.u32 s4, $0x1F;
	v21 =	vcombine.low v27, v21;
	s7 =	sadd.s32 s23, s22;
	s25 =	sshra.s32 s1, $0x1F;
	vm10 =	vcmask $0x2F2C;
	v20 =	vsel vm13, s24, v20  }
0xe9: {  	v29 =	vsel vm11, s4, v29;
	s1 =	sshrl.u32 s1, $0x1F;
	v27 =	vperm.xlane v46, v2;
	s26 =	sshra.s32 s7, $0x2;
	v20 =	vsel vm10, s25, v20  }
0xea: {  	v29 =	vsel vm13, s1, v29;
	s28 =	sshrl.u32 s7, $0x1F;
	s29 =	sshra.s32 s7, $0x1F;
	vm11 =	vcmask $0x3734;
	v20 =	vsel vm0, s26, v20  }
0xeb: {  	s30 =	sshrl.u32 s0, $0x1F;
	s0 =	sshra.s32 s0, $0x2;
	v47 =	vsel vm0, s28, v29;
	vm13 =	vcmask $0x3B38;
	v20 =	vsel vm11, s29, v20  }
0xec: {  	v21 =	vperm.xlane v21, v2;
	v28 =	vsel vm13, s30, v47;
	v20 =	vsel vm13, s0, v20  }
0xed: {  	v28 =	vperm.xlane v28, v3;
	v20 =	vperm.xlane v20, v3;
	_ =	sdelay $0x1  }
0xee: {  	v21 =	vsel vm14, v28, v21;
	v20 =	vsel vm14, v20, v27  }
0xef: {  	v20 =	vadd.s32 v21, v20  }
0xf0: {  	v21 =	vmul.u32 $0xFFFFFFF6, v20  }
0xf1: {  	v48 =	vsub.s32 $0x0, v13  }
0xf2: {  	vm14 =	vlt.s32 v13, $0x1;
	vm5 =	vne.s32 v21, v48  }
0xf3: {  	v49 =	vmul.u32 $0xFFFFFFEC, v13;
	vm3 =	vmand vm14, vm5  }
0xf4: {  	v50 =	vsel vm3, $0xFFFFFFFF, v1  }
0xf5: {  	v21 =	vadd.s32 v11, v49;
	v20 =	vadd.s32 v50, v20  }
0xf6: {  	v51 =	vshrl.u32 v21, $0x1F;
	vm15 =	vlt.s32 v21, $0x1;
	v20 =	vmul.u32 $0xA, v20  }
0xf7: {  	v27 =	vadd.s32 v51, v21;
	vm3 =	vmand vm15, vm2  }
0xf8: {  	v52 =	vsel vm3, $0xFFFFFFFF, v1;
	v27 =	vshra.s32 v27, $0x1;
	v53 =	vsub.s32 v13, v20  }
0xf9: {  	v27 =	vadd.s32 v52, v27;
	v13 =	vmul.u32 $0xA, v53  }
0xfa: {  	v20 =	vadd.s32 v27, v20  }
0xfb: {  	v13 =	vadd.s32 v27, v13;
	_ =	sdelay $0x2  }
0xfc: {  	s31 =	simm.s32 $0x0  }
0xfd: {  	v59 =	vshrl.u32 v18, v14;
	v20 =	vld.idx.msk [tilespmem:v20+s31+$0x0], $0xffff  }
0xfe: {  	v57 =	vshrl.u32 v16, v15;
	v23 =	vshrl.u32 v23, v24;
	v54 =	vshrl.u32 v25, v24;
	v13 =	vld.idx.msk [tilespmem:v13+s31+$0x0], $0xffff  }
0xff: {  	v58 =	vshll.u32 v23, $0x10;
	v55 =	vshrl.u32 v26, v15;
	v60 =	vand.u32 $0xFFFF, v54  }
0x100: {  	v62 =	vshll.u32 v57, $0x10;
	v61 =	vand.u32 $0xFFFF, v55;
	v63 =	vor.u32 v60, v58  }
0x101: {  	[tilespmem:v7+s11+$0x0] =	vst.idx.msk $0xffff, v22;
	v7 =	vshrl.u32 v17, v14;
	v21 =	vshll.u32 v21, $0x4;
	v27 =	vshll.u32 v27, $0x5  }
0x102: {  	[tilespmem:v9+s11+$0x0] =	vst.idx.msk $0xffff, v19;
	v14 =	vshll.u32 v59, $0x10;
	v9 =	vor.u32 v61, v62;
	v21 =	vsub.s32 v21, v27  }
0x103: {  	[tilespmem:v10+s11+$0x0] =	vst.idx.msk $0xffff, v63;
	v7 =	vand.u32 $0xFFFF, v7;
	v20 =	vshrl.u32 v20, v21;
	v13 =	vshrl.u32 v13, v21  }
0x104: {  	[tilespmem:v12+s11+$0x0] =	vst.idx.msk $0xffff, v9;
	v7 =	vor.u32 v7, v14;
	v20 =	vand.u32 $0xFFFF, v20;
	v13 =	vshll.u32 v13, $0x10  }
0x105: {  	[tilespmem:v8+s11+$0x0] =	vst.idx.msk $0xffff, v7;
	v56 =	vor.u32 v20, v13  }
0x106: {  	s22 =	simm.s32 $0x0;
	[tilespmem:v11+s11+$0x0] =	vst.idx.msk $0xffff, v56  }
0x107: {  	v7 =	vld.idx.msk [tilespmem:v4+s22+$0x0], $0xffff;
	_ =	sdelay $0x3  }
0x108: {  	s5 =	rddreg [dreg:$0x1]  }
0x109: {  	s13 =	simm.s32 $0x3;
	s15 =	simm.s32 $0x20000;
	s6 =	rddreg [dreg:$0x2];
	v7 =	vshrl.u32 v7, v5  }
0x10a: {  	s16 =	simm.s32 $0x880;
	s18 =	simm.s32 $0x10000;
	s8 =	rddreg [dreg:$0xb];
	v8 =	vand.u32 $0xFFFF, v7;
	v7 =	vshll.u32 v7, $0x10  }
0x10b: {  	s21 =	simm.s32 $0x6C80;
	s7 =	simm.s32 $0x0;
	s10 =	rddreg [dreg:$0xc];
	v7 =	vor.u32 v7, v8  }
0x10c: {  	vm6 =	vmmov vm12;
	s14 =	simm.s32 $0x400;
	s17 =	simm.s32 $0x200;
	s12 =	rddreg [dreg:$0xd];
	[tilespmem:v6+s11+$0x0] =	vst.idx.msk $0xffff, v7  }
.LBB2_4:
0x10d: {  	s0 =	smul.u32 $0x19A, s22;
	_ =	sdelay $0x1  }
0x10e: {  	s0 =	sshrl.u32 s0, $0xA  }
0x10f: {  	s23 =	sand.u32 $0x3F, s0  }
0x110: {  	s0 =	smul.u32 $0xFFFFFFFB, s23  }
0x111: {  	s24 =	sshll.u32 s22, $0x1  }
0x112: {  	s25 =	sadd.s32 s24, s0  }
0x113: {  	p0 =	sne.s32 s25, $0x0  }
.Ltmp1:
0x114: {  	_ = 	snop;
	(pc) =	sbr.rel @p0 .LBB2_8-.Ltmp1, $1  }
0x115: {  	_ =	sdelay $0x3  }
0x116: {  	s0 =	sshll.u32 s23, $0x7  }
0x117: {  	s0 =	sadd.s32 s0, s10  }
0x118: {  	[tilespmem:s16], [sflag:$0x3] =	stream.strided.gather [hbm4b:s0+s14], $0x6400, s15, s14, $0x38;
	[tilespmem:$0x1FC80] =	vst v63  }
0x119: {  	_ =	swait.ge [sflag:s13], $0x6400  }
0x11a: {  	[sflag:s13] =	ssyncset.done $0x0  }
0x11b: {  	s0 =	simm.s32 $0xA80;
	[sflag:s13] =	ssyncadd.s32 $0xFFFF9C00  }
0x11c: {  	v7 =	vld [tilespmem:s0+$0x170]  }
0x11d: {  	v8 =	vld [tilespmem:s0+$0xFFFFFE10]  }
0x11e: {  	v9 =	vld [tilespmem:s0+$0x1F0]  }
0x11f: {  	v10 =	vld [tilespmem:s0+$0xFFFFFE20]  }
0x120: {  	v11 =	vld [tilespmem:s0+$0xFFFFFE30]  }
0x121: {  	v12 =	vld [tilespmem:s0+$0xFFFFFE40]  }
0x122: {  	v13 =	vld [tilespmem:s0+$0xFFFFFE50]  }
0x123: {  	v14 =	vld [tilespmem:s0+$0xFFFFFE60]  }
0x124: {  	v15 =	vld [tilespmem:s0+$0xFFFFFE70]  }
0x125: {  	v16 =	vld [tilespmem:s0+$0xFFFFFF00]  }
0x126: {  	v17 =	vld [tilespmem:s0+$0xFFFFFF10]  }
0x127: {  	v18 =	vld [tilespmem:s0+$0xFFFFFF20]  }
0x128: {  	v19 =	vld [tilespmem:s0+$0xFFFFFF30]  }
0x129: {  	v20 =	vld [tilespmem:s0+$0xFFFFFF40]  }
0x12a: {  	v21 =	vld [tilespmem:s0+$0xFFFFFF50]  }
0x12b: {  	v22 =	vld [tilespmem:s0+$0xFFFFFF60]  }
0x12c: {  	v23 =	vld [tilespmem:s0+$0xFFFFFF70]  }
0x12d: {  	v24 =	vld [tilespmem:s0+$0x0]  }
0x12e: {  	v25 =	vld [tilespmem:s0+$0x10]  }
0x12f: {  	v26 =	vld [tilespmem:s0+$0x20]  }
0x130: {  	v27 =	vld [tilespmem:s0+$0x30]  }
0x131: {  	v28 =	vld [tilespmem:s0+$0x50]  }
0x132: {  	v29 =	vld [tilespmem:s0+$0x60]  }
0x133: {  	v30 =	vld [tilespmem:s0+$0x100]  }
0x134: {  	v31 =	vld [tilespmem:s0+$0x110]  }
0x135: {  	v32 =	vld [tilespmem:s0+$0x120]  }
0x136: {  	v33 =	vld [tilespmem:s0+$0x130]  }
0x137: {  	v34 =	vld [tilespmem:s0+$0x140]  }
0x138: {  	v35 =	vld [tilespmem:s0+$0x150]  }
0x139: {  	v37 =	vld [tilespmem:s0+$0xFFFFFE00]  }
0x13a: {  	v38 =	vld [tilespmem:s0+$0xFFFFFE80]  }
0x13b: {  	v39 =	vld [tilespmem:s0+$0xFFFFFE90]  }
0x13c: {  	v40 =	vld [tilespmem:s0+$0xFFFFFEA0]  }
0x13d: {  	v41 =	vld [tilespmem:s0+$0xFFFFFEB0]  }
0x13e: {  	v42 =	vld [tilespmem:s0+$0xFFFFFEC0]  }
0x13f: {  	v43 =	vld [tilespmem:s0+$0xFFFFFED0];
	v7 =	vmul.u32 $0xA, v7  }
0x140: {  	v56 =	vld [tilespmem:s0+$0xFFFFFEE0];
	v8 =	vmul.u32 $0xA, v8;
	v10 =	vmul.u32 $0xA, v10;
	v11 =	vmul.u32 $0xA, v11  }
0x141: {  	v57 =	vld [tilespmem:s0+$0xFFFFFEF0];
	v37 =	vmul.u32 $0xA, v37;
	v12 =	vmul.u32 $0xA, v12;
	v13 =	vmul.u32 $0xA, v13  }
0x142: {  	v58 =	vld [tilespmem:s0+$0xFFFFFF80];
	v14 =	vmul.u32 $0xA, v14;
	v15 =	vmul.u32 $0xA, v15;
	v7 =	vadd.s32 v9, v7  }
0x143: {  	v59 =	vld [tilespmem:s0+$0xFFFFFF90];
	v16 =	vmul.u32 $0xA, v16;
	v37 =	vadd.s32 v38, v37;
	v7 =	vmul.u32 $0x14, v7  }
0x144: {  	v60 =	vld [tilespmem:s0+$0xF0];
	v17 =	vmul.u32 $0xA, v17;
	v8 =	vadd.s32 v39, v8;
	v37 =	vmul.u32 $0x14, v37  }
0x145: {  	v18 =	vmul.u32 $0xA, v18;
	v9 =	vld [tilespmem:s0+$0x40];
	v10 =	vadd.s32 v40, v10;
	v8 =	vmul.u32 $0x14, v8;
	[tilespmem:s0+$0x170] =	vst v7  }
0x146: {  	v19 =	vmul.u32 $0xA, v19;
	v11 =	vadd.s32 v41, v11;
	v10 =	vmul.u32 $0x14, v10;
	v7 =	vld [tilespmem:s0+$0x70];
	[tilespmem:s0+$0xFFFFFE00] =	vst v37  }
0x147: {  	v20 =	vmul.u32 $0xA, v20;
	v12 =	vadd.s32 v42, v12;
	v11 =	vmul.u32 $0x14, v11;
	[tilespmem:s0+$0xFFFFFE10] =	vst v8;
	v8 =	vld [tilespmem:s0+$0xFFFFFFA0]  }
0x148: {  	v21 =	vmul.u32 $0xA, v21;
	v13 =	vadd.s32 v43, v13;
	v12 =	vmul.u32 $0x14, v12;
	[tilespmem:s0+$0xFFFFFE20] =	vst v10;
	v10 =	vld [tilespmem:s0+$0xFFFFFFB0]  }
0x149: {  	v22 =	vmul.u32 $0xA, v22;
	v14 =	vadd.s32 v56, v14;
	v13 =	vmul.u32 $0x14, v13;
	[tilespmem:s0+$0xFFFFFE30] =	vst v11;
	v11 =	vld [tilespmem:s0+$0xFFFFFFC0]  }
0x14a: {  	v23 =	vmul.u32 $0xA, v23;
	v15 =	vadd.s32 v57, v15;
	v14 =	vmul.u32 $0x14, v14;
	[tilespmem:s0+$0xFFFFFE40] =	vst v12;
	v12 =	vld [tilespmem:s0+$0xFFFFFFD0]  }
0x14b: {  	v24 =	vmul.u32 $0xA, v24;
	v16 =	vadd.s32 v58, v16;
	v15 =	vmul.u32 $0x14, v15;
	[tilespmem:s0+$0xFFFFFE50] =	vst v13;
	v13 =	vld [tilespmem:s0+$0xFFFFFFE0]  }
0x14c: {  	v25 =	vmul.u32 $0xA, v25;
	v17 =	vadd.s32 v59, v17;
	v16 =	vmul.u32 $0x14, v16;
	[tilespmem:s0+$0xFFFFFE60] =	vst v14;
	v14 =	vld [tilespmem:s0+$0xFFFFFFF0]  }
0x14d: {  	v61 =	vld [tilespmem:s0+$0x190];
	v26 =	vmul.u32 $0xA, v26;
	v17 =	vmul.u32 $0x14, v17;
	[tilespmem:s0+$0xFFFFFE70] =	vst v15;
	v8 =	vadd.s32 v8, v18  }
0x14e: {  	[tilespmem:s0+$0xFFFFFF00] =	vst v16;
	v16 =	vld [tilespmem:s0+$0x90];
	v9 =	vmul.u32 $0xA, v9;
	v10 =	vadd.s32 v10, v19;
	v8 =	vmul.u32 $0x14, v8  }
0x14f: {  	[tilespmem:s0+$0xFFFFFF10] =	vst v17;
	v17 =	vld [tilespmem:s0+$0xA0];
	v11 =	vadd.s32 v11, v20;
	v12 =	vadd.s32 v12, v21;
	v10 =	vmul.u32 $0x14, v10  }
0x150: {  	v15 =	vld [tilespmem:s0+$0x80];
	v13 =	vadd.s32 v13, v22;
	v21 =	vmul.u32 $0xA, v7;
	v11 =	vmul.u32 $0x14, v11;
	[tilespmem:s0+$0xFFFFFF20] =	vst v8  }
0x151: {  	v12 =	vmul.u32 $0x14, v12;
	v7 =	vmul.u32 $0x14, v13;
	v13 =	vadd.s32 v14, v23;
	v14 =	vld [tilespmem:s0+$0xD0];
	[tilespmem:s0+$0xFFFFFF30] =	vst v10  }
0x152: {  	v18 =	vmul.u32 $0xA, v27;
	v19 =	vmul.u32 $0xA, v28;
	v20 =	vmul.u32 $0xA, v29;
	v8 =	vld [tilespmem:s0+$0xB0];
	[tilespmem:s0+$0xFFFFFF40] =	vst v11  }
0x153: {  	v22 =	vmul.u32 $0xA, v30;
	v16 =	vadd.s32 v16, v25;
	v13 =	vmul.u32 $0x14, v13;
	v10 =	vld [tilespmem:s0+$0xC0];
	[tilespmem:s0+$0xFFFFFF50] =	vst v12  }
0x154: {  	v17 =	vadd.s32 v17, v26;
	v23 =	vmul.u32 $0xA, v31;
	v16 =	vmul.u32 $0x14, v16;
	v12 =	vld [tilespmem:s0+$0xE0];
	[tilespmem:s0+$0xFFFFFF60] =	vst v7  }
0x155: {  	v17 =	vmul.u32 $0x14, v17;
	v11 =	vadd.s32 v15, v24;
	v7 =	vmul.u32 $0xA, v33;
	[tilespmem:s0+$0xFFFFFF70] =	vst v13;
	v13 =	vld [tilespmem:s0+$0x180]  }
0x156: {  	v36 =	vld [tilespmem:s0+$0x160];
	[tilespmem:s0+$0x10] =	vst v16;
	v15 =	vmul.u32 $0x14, v11;
	v11 =	vmul.u32 $0xA, v32;
	v14 =	vadd.s32 v14, v19  }
0x157: {  	v16 =	vld [tilespmem:s0+$0x1A0];
	[tilespmem:s0+$0x20] =	vst v17;
	v63 =	vmul.u32 $0x14, v14;
	v18 =	vadd.s32 v8, v18;
	v8 =	vmul.u32 $0xA, v34  }
0x158: {  	[tilespmem:s0+$0x0] =	vst v15;
	v15 =	vld [tilespmem:s0+$0x1B0];
	v10 =	vadd.s32 v10, v9;
	v9 =	vmul.u32 $0xA, v35;
	v18 =	vmul.u32 $0x14, v18  }
0x159: {  	v14 =	vld [tilespmem:s0+$0x1C0];
	v12 =	vadd.s32 v12, v20;
	v20 =	vadd.s32 v61, v23;
	v62 =	vmul.u32 $0x14, v10;
	[tilespmem:s0+$0x50] =	vst v63  }
0x15a: {  	v17 =	vmul.u32 $0x14, v12;
	v12 =	vadd.s32 v60, v21;
	[tilespmem:s0+$0x30] =	vst v18;
	v18 =	vadd.s32 v13, v22;
	v13 =	vld [tilespmem:s0+$0x1D0]  }
0x15b: {  	s1 =	simm.s32 $0x0;
	s2 =	simm.s32 $0xE80;
	v10 =	vmul.u32 $0xA, v36;
	v19 =	vmul.u32 $0x14, v12;
	v12 =	vld [tilespmem:s0+$0x1E0];
	[tilespmem:s0+$0x40] =	vst v62;
	v18 =	vmul.u32 $0x14, v18  }
.LBB2_6:
0x15c: {  	v21 =	vld [tilespmem:s2+$0x170];
	s1 =	sadd.s32 $0x4, s1;
	[tilespmem:s0+$0x60] =	vst v17;
	v17 =	vmul.u32 $0x14, v20;
	v11 =	vadd.s32 v16, v11  }
0x15d: {  	v16 =	vld [tilespmem:s2+$0xFFFFFE10];
	p0 =	slt.u32 s1, $0x60;
	[tilespmem:s0+$0x70] =	vst v19;
	v11 =	vmul.u32 $0x14, v11;
	v7 =	vadd.s32 v15, v7  }
0x15e: {  	v15 =	vld [tilespmem:s2+$0x1F0];
	[tilespmem:s0+$0x100] =	vst v18;
	v7 =	vmul.u32 $0x14, v7;
	v8 =	vadd.s32 v14, v8  }
0x15f: {  	v14 =	vld [tilespmem:s2+$0xFFFFFE20];
	[tilespmem:s0+$0x110] =	vst v17;
	v8 =	vmul.u32 $0x14, v8;
	v9 =	vadd.s32 v13, v9  }
0x160: {  	v13 =	vld [tilespmem:s2+$0xFFFFFE30];
	[tilespmem:s0+$0x120] =	vst v11;
	v9 =	vmul.u32 $0x14, v9;
	v10 =	vadd.s32 v12, v10  }
0x161: {  	v11 =	vld [tilespmem:s2+$0xFFFFFE40];
	v12 =	vmul.u32 $0xA, v21;
	[tilespmem:s0+$0x130] =	vst v7;
	v7 =	vmul.u32 $0x14, v10  }
0x162: {  	v20 =	vmul.u32 $0xA, v16;
	v10 =	vld [tilespmem:s2+$0xFFFFFE50];
	[tilespmem:s0+$0x140] =	vst v8  }
0x163: {  	v8 =	vld [tilespmem:s2+$0xFFFFFE60];
	v12 =	vadd.s32 v15, v12;
	[tilespmem:s0+$0x150] =	vst v9  }
0x164: {  	v21 =	vmul.u32 $0xA, v14;
	v9 =	vld [tilespmem:s2+$0xFFFFFE70];
	v12 =	vmul.u32 $0x14, v12;
	[tilespmem:s0+$0x160] =	vst v7;
	s0 =	smov.u32 s2  }
0x165: {  	v22 =	vmul.u32 $0xA, v13;
	v7 =	vld [tilespmem:s2+$0xFFFFFF00]  }
0x166: {  	v23 =	vmul.u32 $0xA, v11;
	v11 =	vld [tilespmem:s2+$0xFFFFFF10];
	[tilespmem:s2+$0x170] =	vst v12  }
0x167: {  	v24 =	vmul.u32 $0xA, v10;
	v10 =	vld [tilespmem:s2+$0xFFFFFF20]  }
0x168: {  	v25 =	vmul.u32 $0xA, v8;
	v8 =	vld [tilespmem:s2+$0xFFFFFF30]  }
0x169: {  	v26 =	vmul.u32 $0xA, v9;
	v9 =	vld [tilespmem:s2+$0xFFFFFF40]  }
0x16a: {  	v27 =	vmul.u32 $0xA, v7;
	v7 =	vld [tilespmem:s2+$0xFFFFFF50]  }
0x16b: {  	v28 =	vmul.u32 $0xA, v11;
	v11 =	vld [tilespmem:s2+$0xFFFFFF60]  }
0x16c: {  	v29 =	vmul.u32 $0xA, v10;
	v10 =	vld [tilespmem:s2+$0xFFFFFF70]  }
0x16d: {  	v30 =	vmul.u32 $0xA, v8;
	v8 =	vld [tilespmem:s2+$0x0]  }
0x16e: {  	v31 =	vmul.u32 $0xA, v9;
	v9 =	vld [tilespmem:s2+$0x10]  }
0x16f: {  	v32 =	vmul.u32 $0xA, v7;
	v7 =	vld [tilespmem:s2+$0x20]  }
0x170: {  	v33 =	vmul.u32 $0xA, v11;
	v11 =	vld [tilespmem:s2+$0x30]  }
0x171: {  	v34 =	vmul.u32 $0xA, v10;
	v10 =	vld [tilespmem:s2+$0x40]  }
0x172: {  	v35 =	vmul.u32 $0xA, v8;
	v8 =	vld [tilespmem:s2+$0x50]  }
0x173: {  	v36 =	vmul.u32 $0xA, v9;
	v9 =	vld [tilespmem:s2+$0x60]  }
0x174: {  	v19 =	vmul.u32 $0xA, v7;
	v7 =	vld [tilespmem:s2+$0x70]  }
0x175: {  	v18 =	vmul.u32 $0xA, v11;
	v11 =	vld [tilespmem:s2+$0x100]  }
0x176: {  	v17 =	vmul.u32 $0xA, v10;
	v10 =	vld [tilespmem:s2+$0x110]  }
0x177: {  	v16 =	vmul.u32 $0xA, v8;
	v8 =	vld [tilespmem:s2+$0x120]  }
0x178: {  	v15 =	vmul.u32 $0xA, v9;
	v9 =	vld [tilespmem:s2+$0x130]  }
0x179: {  	v14 =	vmul.u32 $0xA, v7;
	v37 =	vld [tilespmem:s2+$0x140]  }
0x17a: {  	v13 =	vmul.u32 $0xA, v11;
	v38 =	vld [tilespmem:s2+$0x150]  }
0x17b: {  	v12 =	vmul.u32 $0xA, v10;
	v10 =	vld [tilespmem:s2+$0x160]  }
0x17c: {  	v39 =	vld [tilespmem:s2+$0xFFFFFE00];
	v11 =	vmul.u32 $0xA, v8  }
0x17d: {  	v40 =	vld [tilespmem:s2+$0xFFFFFE80];
	v7 =	vmul.u32 $0xA, v9  }
0x17e: {  	v41 =	vld [tilespmem:s2+$0xFFFFFE90];
	v8 =	vmul.u32 $0xA, v37  }
0x17f: {  	v37 =	vld [tilespmem:s2+$0xFFFFFEA0];
	v9 =	vmul.u32 $0xA, v38  }
0x180: {  	v38 =	vld [tilespmem:s2+$0xFFFFFEB0];
	v10 =	vmul.u32 $0xA, v10  }
0x181: {  	v39 =	vmul.u32 $0xA, v39;
	v42 =	vld [tilespmem:s2+$0xFFFFFEC0]  }
0x182: {  	v43 =	vld [tilespmem:s2+$0xFFFFFED0]  }
0x183: {  	v39 =	vadd.s32 v40, v39;
	v20 =	vadd.s32 v41, v20;
	v40 =	vld [tilespmem:s2+$0xFFFFFEE0]  }
0x184: {  	v39 =	vmul.u32 $0x14, v39;
	v20 =	vmul.u32 $0x14, v20;
	v21 =	vadd.s32 v37, v21;
	v37 =	vld [tilespmem:s2+$0xFFFFFEF0]  }
0x185: {  	v21 =	vmul.u32 $0x14, v21;
	v22 =	vadd.s32 v38, v22;
	v38 =	vld [tilespmem:s2+$0xFFFFFF80]  }
0x186: {  	[tilespmem:s2+$0xFFFFFE00] =	vst v39;
	v22 =	vmul.u32 $0x14, v22;
	v23 =	vadd.s32 v42, v23;
	v39 =	vld [tilespmem:s2+$0xFFFFFF90]  }
0x187: {  	[tilespmem:s2+$0xFFFFFE10] =	vst v20;
	v20 =	vmul.u32 $0x14, v23;
	v23 =	vadd.s32 v43, v24;
	v24 =	vld [tilespmem:s2+$0xFFFFFFA0]  }
0x188: {  	[tilespmem:s2+$0xFFFFFE20] =	vst v21;
	v21 =	vmul.u32 $0x14, v23;
	v23 =	vadd.s32 v40, v25;
	v25 =	vld [tilespmem:s2+$0xFFFFFFB0]  }
0x189: {  	[tilespmem:s2+$0xFFFFFE30] =	vst v22;
	v22 =	vmul.u32 $0x14, v23;
	v23 =	vadd.s32 v37, v26;
	v26 =	vld [tilespmem:s2+$0xFFFFFFC0]  }
0x18a: {  	[tilespmem:s2+$0xFFFFFE40] =	vst v20;
	v20 =	vmul.u32 $0x14, v23;
	v23 =	vadd.s32 v38, v27;
	v27 =	vld [tilespmem:s2+$0xFFFFFFD0]  }
0x18b: {  	[tilespmem:s2+$0xFFFFFE50] =	vst v21;
	v21 =	vmul.u32 $0x14, v23;
	v23 =	vadd.s32 v39, v28;
	v28 =	vld [tilespmem:s2+$0xFFFFFFE0]  }
0x18c: {  	[tilespmem:s2+$0xFFFFFE60] =	vst v22;
	v22 =	vmul.u32 $0x14, v23;
	v23 =	vadd.s32 v24, v29;
	v24 =	vld [tilespmem:s2+$0xFFFFFFF0]  }
0x18d: {  	[tilespmem:s2+$0xFFFFFE70] =	vst v20;
	v20 =	vmul.u32 $0x14, v23;
	v23 =	vadd.s32 v25, v30;
	v25 =	vld [tilespmem:s2+$0x80]  }
0x18e: {  	[tilespmem:s2+$0xFFFFFF00] =	vst v21;
	v21 =	vmul.u32 $0x14, v23;
	v23 =	vadd.s32 v26, v31;
	v26 =	vld [tilespmem:s2+$0x90]  }
0x18f: {  	[tilespmem:s2+$0xFFFFFF10] =	vst v22;
	v22 =	vmul.u32 $0x14, v23;
	v23 =	vadd.s32 v27, v32;
	v27 =	vld [tilespmem:s2+$0xA0]  }
0x190: {  	[tilespmem:s2+$0xFFFFFF20] =	vst v20;
	v20 =	vmul.u32 $0x14, v23;
	v23 =	vadd.s32 v28, v33;
	v28 =	vld [tilespmem:s2+$0xB0]  }
0x191: {  	[tilespmem:s2+$0xFFFFFF30] =	vst v21;
	v21 =	vmul.u32 $0x14, v23;
	v23 =	vadd.s32 v24, v34;
	v24 =	vld [tilespmem:s2+$0xC0]  }
0x192: {  	[tilespmem:s2+$0xFFFFFF40] =	vst v22;
	v22 =	vmul.u32 $0x14, v23;
	v23 =	vadd.s32 v25, v35;
	v25 =	vld [tilespmem:s2+$0xD0]  }
0x193: {  	[tilespmem:s2+$0xFFFFFF50] =	vst v20;
	v20 =	vmul.u32 $0x14, v23;
	v23 =	vadd.s32 v26, v36;
	v26 =	vld [tilespmem:s2+$0xE0]  }
0x194: {  	[tilespmem:s2+$0xFFFFFF60] =	vst v21;
	v21 =	vmul.u32 $0x14, v23;
	v19 =	vadd.s32 v27, v19;
	v23 =	vld [tilespmem:s2+$0xF0]  }
0x195: {  	[tilespmem:s2+$0xFFFFFF70] =	vst v22;
	v19 =	vmul.u32 $0x14, v19;
	v18 =	vadd.s32 v28, v18;
	v22 =	vld [tilespmem:s2+$0x180]  }
0x196: {  	[tilespmem:s2+$0x0] =	vst v20;
	v18 =	vmul.u32 $0x14, v18;
	v17 =	vadd.s32 v24, v17;
	v20 =	vld [tilespmem:s2+$0x190]  }
.Ltmp2:
0x197: {  	[tilespmem:s2+$0x10] =	vst v21;
	v21 =	vmul.u32 $0x14, v17;
	v17 =	vadd.s32 v25, v16;
	v16 =	vld [tilespmem:s2+$0x1A0];
	(pc) =	sbr.rel @p0 .LBB2_6-.Ltmp2, $4  }
0x198: {  	[tilespmem:s2+$0x20] =	vst v19;
	v24 =	vmul.u32 $0x14, v17;
	v17 =	vadd.s32 v26, v15;
	v15 =	vld [tilespmem:s2+$0x1B0]  }
0x199: {  	[tilespmem:s2+$0x30] =	vst v18;
	v17 =	vmul.u32 $0x14, v17;
	v18 =	vadd.s32 v23, v14;
	v14 =	vld [tilespmem:s2+$0x1C0]  }
0x19a: {  	[tilespmem:s2+$0x40] =	vst v21;
	v19 =	vmul.u32 $0x14, v18;
	v18 =	vadd.s32 v22, v13;
	v13 =	vld [tilespmem:s2+$0x1D0]  }
0x19b: {  	s2 =	sadd.s32 $0x400, s2;
	[tilespmem:s0+$0x50] =	vst v24;
	v18 =	vmul.u32 $0x14, v18;
	v20 =	vadd.s32 v20, v12;
	v12 =	vld [tilespmem:s0+$0x1E0]  }
0x19c: {  	[tilespmem:s0+$0x60] =	vst v17  }
0x19d: {  	v63 =	vmul.u32 $0x14, v20;
	v11 =	vadd.s32 v16, v11;
	[tilespmem:s0+$0x70] =	vst v19  }
0x19e: {  	v11 =	vmul.u32 $0x14, v11;
	v7 =	vadd.s32 v15, v7;
	[tilespmem:s0+$0x100] =	vst v18  }
0x19f: {  	v7 =	vmul.u32 $0x14, v7;
	v8 =	vadd.s32 v14, v8;
	[tilespmem:s0+$0x110] =	vst v63  }
0x1a0: {  	v8 =	vmul.u32 $0x14, v8;
	v9 =	vadd.s32 v13, v9;
	[tilespmem:s0+$0x120] =	vst v11  }
0x1a1: {  	v9 =	vmul.u32 $0x14, v9;
	v10 =	vadd.s32 v12, v10;
	[tilespmem:s0+$0x130] =	vst v7  }
0x1a2: {  	v7 =	vmul.u32 $0x14, v10;
	[tilespmem:s0+$0x140] =	vst v8  }
0x1a3: {  	[tilespmem:s0+$0x150] =	vst v9  }
0x1a4: {  	[tilespmem:s0+$0x160] =	vst v7  }
.LBB2_8:
0x1a5: {  	p0 =	seq.s32 s22, $0x0  }
0x1a6: {  	s0 =	simm.s32 @!p0 $0x1  }
0x1a7: {  	_ =	swait.ge @!p0 [sflag:s0], $0xC800  }
0x1a8: {  	[sflag:s0] =	ssyncset.done @!p0 $0x0  }
0x1a9: {  	s9 =	simm.s32 $0x980;
	[sflag:s0] =	ssyncadd.s32 @!p0 $0xFFFF3800  }
0x1aa: {  	v8 =	vld [tilespmem:s9+$0x0];
	_ =	sdelay $0x2  }
0x1ab: {  	s2 =	sshll.u32 s25, $0x2  }
0x1ac: {  	v7 =	vmov s2  }
0x1ad: {  	v8 =	vadd.s32 v7, v8;
	_ =	sdelay $0x4  }
0x1ae: {  	v9 =	vld.idx.msk [tilespmem:v8+s11+$0x0], $0xffff  }
0x1af: {  	v10 =	vadd.s32 $0x1, v8;
	_ =	sdelay $0x1  }
0x1b0: {  	v11 =	vld [tilespmem:s9+$0xFFFFFF00]  }
0x1b1: {  	s26 =	simm.s32 $0x6C80  }
0x1b2: {  	[tilespmem:s26+$0x80] =	vst v9  }
0x1b3: {  	v9 =	vld.idx.msk [tilespmem:v10+s11+$0x0], $0xffff  }
0x1b4: {  	v10 =	vadd.s32 $0x2, v8  }
0x1b5: {  	v11 =	vadd.s32 v7, v11;
	_ =	sdelay $0x2  }
0x1b6: {  	[tilespmem:s26+$0x3280] =	vst v9  }
0x1b7: {  	v9 =	vld.idx.msk [tilespmem:v10+s11+$0x0], $0xffff  }
0x1b8: {  	v8 =	vadd.s32 $0x3, v8;
	v10 =	vld.idx.msk [tilespmem:v11+s11+$0x0], $0xffff  }
0x1b9: {  	v12 =	vadd.s32 $0x1, v11;
	_ =	sdelay $0x2  }
0x1ba: {  	[tilespmem:s26+$0x6480] =	vst v9  }
0x1bb: {  	[tilespmem:s26+$0x0] =	vst v10;
	v8 =	vld.idx.msk [tilespmem:v8+s11+$0x0], $0xffff  }
0x1bc: {  	v9 =	vld.idx.msk [tilespmem:v12+s11+$0x0], $0xffff  }
0x1bd: {  	v10 =	vadd.s32 $0x2, v11;
	_ =	sdelay $0x2  }
0x1be: {  	[tilespmem:s26+$0x9680] =	vst v8  }
0x1bf: {  	[tilespmem:s26+$0x3200] =	vst v9;
	v8 =	vld [tilespmem:s9+$0x10]  }
0x1c0: {  	v9 =	vld.idx.msk [tilespmem:v10+s11+$0x0], $0xffff  }
0x1c1: {  	v10 =	vadd.s32 $0x3, v11;
	_ =	sdelay $0x2  }
0x1c2: {  	v8 =	vadd.s32 v7, v8  }
0x1c3: {  	[tilespmem:s26+$0x6400] =	vst v9  }
0x1c4: {  	v9 =	vld.idx.msk [tilespmem:v10+s11+$0x0], $0xffff;
	_ =	sdelay $0x2  }
0x1c5: {  	v10 =	vld.idx.msk [tilespmem:v8+s11+$0x0], $0xffff  }
0x1c6: {  	v11 =	vadd.s32 $0x1, v8  }
0x1c7: {  	[tilespmem:s26+$0x9600] =	vst v9  }
0x1c8: {  	v9 =	vld [tilespmem:s9+$0xFFFFFF10];
	_ =	sdelay $0x1  }
0x1c9: {  	[tilespmem:s26+$0x90] =	vst v10  }
0x1ca: {  	v10 =	vld.idx.msk [tilespmem:v11+s11+$0x0], $0xffff  }
0x1cb: {  	v11 =	vadd.s32 $0x2, v8  }
0x1cc: {  	v9 =	vadd.s32 v7, v9;
	_ =	sdelay $0x2  }
0x1cd: {  	[tilespmem:s26+$0x3290] =	vst v10  }
0x1ce: {  	v10 =	vld.idx.msk [tilespmem:v11+s11+$0x0], $0xffff  }
0x1cf: {  	v8 =	vadd.s32 $0x3, v8;
	v11 =	vld.idx.msk [tilespmem:v9+s11+$0x0], $0xffff  }
0x1d0: {  	v12 =	vadd.s32 $0x1, v9;
	_ =	sdelay $0x2  }
0x1d1: {  	[tilespmem:s26+$0x6490] =	vst v10  }
0x1d2: {  	[tilespmem:s26+$0x10] =	vst v11;
	v8 =	vld.idx.msk [tilespmem:v8+s11+$0x0], $0xffff  }
0x1d3: {  	v10 =	vld.idx.msk [tilespmem:v12+s11+$0x0], $0xffff  }
0x1d4: {  	v11 =	vadd.s32 $0x2, v9;
	_ =	sdelay $0x2  }
0x1d5: {  	[tilespmem:s26+$0x9690] =	vst v8  }
0x1d6: {  	[tilespmem:s26+$0x3210] =	vst v10;
	v8 =	vld [tilespmem:s9+$0x20]  }
0x1d7: {  	v10 =	vld.idx.msk [tilespmem:v11+s11+$0x0], $0xffff  }
0x1d8: {  	v9 =	vadd.s32 $0x3, v9  }
0x1d9: {  	s3 =	simm.s32 $0xB80  }
0x1da: {  	v11 =	vld [tilespmem:s3+$0x0]  }
0x1db: {  	v12 =	vld [tilespmem:s3+$0xFFFFFF00];
	v8 =	vadd.s32 v7, v8  }
0x1dc: {  	[tilespmem:s26+$0x6410] =	vst v10  }
0x1dd: {  	v9 =	vld.idx.msk [tilespmem:v9+s11+$0x0], $0xffff;
	_ =	sdelay $0x1  }
0x1de: {  	v10 =	vadd.s32 v7, v11  }
0x1df: {  	v11 =	vadd.s32 v7, v12;
	v12 =	vld.idx.msk [tilespmem:v8+s11+$0x0], $0xffff  }
0x1e0: {  	v13 =	vadd.s32 $0x1, v8  }
0x1e1: {  	[tilespmem:s26+$0x9610] =	vst v9  }
0x1e2: {  	v9 =	vld [tilespmem:s9+$0xFFFFFF20]  }
0x1e3: {  	v14 =	vld.idx.msk [tilespmem:v10+s11+$0x0], $0xffff  }
0x1e4: {  	v16 =	vadd.s32 $0x1, v10;
	v15 =	vld.idx.msk [tilespmem:v11+s11+$0x0], $0xffff;
	[tilespmem:s26+$0xA0] =	vst v12  }
0x1e5: {  	v12 =	vadd.s32 $0x1, v11;
	v13 =	vld.idx.msk [tilespmem:v13+s11+$0x0], $0xffff  }
0x1e6: {  	v17 =	vadd.s32 $0x2, v8  }
0x1e7: {  	s28 =	simm.s32 $0x6D80;
	v9 =	vadd.s32 v7, v9  }
0x1e8: {  	[tilespmem:s28+$0x80] =	vst v14  }
0x1e9: {  	[tilespmem:s28+$0x0] =	vst v15;
	v14 =	vld.idx.msk [tilespmem:v16+s11+$0x0], $0xffff  }
0x1ea: {  	v15 =	vadd.s32 $0x2, v10;
	v12 =	vld.idx.msk [tilespmem:v12+s11+$0x0], $0xffff;
	[tilespmem:s26+$0x32A0] =	vst v13  }
0x1eb: {  	v13 =	vadd.s32 $0x2, v11;
	v16 =	vld.idx.msk [tilespmem:v17+s11+$0x0], $0xffff  }
0x1ec: {  	v8 =	vadd.s32 $0x3, v8;
	v17 =	vld.idx.msk [tilespmem:v9+s11+$0x0], $0xffff  }
0x1ed: {  	v18 =	vadd.s32 $0x1, v9  }
0x1ee: {  	[tilespmem:s28+$0x3280] =	vst v14  }
0x1ef: {  	[tilespmem:s28+$0x3200] =	vst v12;
	v12 =	vld.idx.msk [tilespmem:v15+s11+$0x0], $0xffff  }
0x1f0: {  	v10 =	vadd.s32 $0x3, v10;
	v13 =	vld.idx.msk [tilespmem:v13+s11+$0x0], $0xffff;
	[tilespmem:s26+$0x64A0] =	vst v16  }
0x1f1: {  	v11 =	vadd.s32 $0x3, v11;
	[tilespmem:s26+$0x20] =	vst v17;
	v8 =	vld.idx.msk [tilespmem:v8+s11+$0x0], $0xffff  }
0x1f2: {  	v14 =	vld.idx.msk [tilespmem:v18+s11+$0x0], $0xffff  }
0x1f3: {  	v15 =	vadd.s32 $0x2, v9  }
0x1f4: {  	[tilespmem:s28+$0x6480] =	vst v12  }
0x1f5: {  	[tilespmem:s28+$0x6400] =	vst v13;
	v10 =	vld.idx.msk [tilespmem:v10+s11+$0x0], $0xffff  }
0x1f6: {  	v11 =	vld.idx.msk [tilespmem:v11+s11+$0x0], $0xffff;
	[tilespmem:s26+$0x96A0] =	vst v8  }
0x1f7: {  	[tilespmem:s26+$0x3220] =	vst v14;
	v8 =	vld [tilespmem:s9+$0x30]  }
0x1f8: {  	v12 =	vld.idx.msk [tilespmem:v15+s11+$0x0], $0xffff  }
0x1f9: {  	v9 =	vadd.s32 $0x3, v9  }
0x1fa: {  	[tilespmem:s28+$0x9680] =	vst v10  }
0x1fb: {  	[tilespmem:s28+$0x9600] =	vst v11;
	v10 =	vld [tilespmem:s3+$0x10]  }
0x1fc: {  	v11 =	vld [tilespmem:s3+$0xFFFFFF10];
	v8 =	vadd.s32 v7, v8  }
0x1fd: {  	[tilespmem:s26+$0x6420] =	vst v12  }
0x1fe: {  	v9 =	vld.idx.msk [tilespmem:v9+s11+$0x0], $0xffff;
	_ =	sdelay $0x1  }
0x1ff: {  	v10 =	vadd.s32 v7, v10  }
0x200: {  	v11 =	vadd.s32 v7, v11;
	v12 =	vld.idx.msk [tilespmem:v8+s11+$0x0], $0xffff  }
0x201: {  	v13 =	vadd.s32 $0x1, v8  }
0x202: {  	[tilespmem:s26+$0x9620] =	vst v9  }
0x203: {  	v9 =	vld [tilespmem:s9+$0xFFFFFF30]  }
0x204: {  	v14 =	vld.idx.msk [tilespmem:v10+s11+$0x0], $0xffff  }
0x205: {  	v16 =	vadd.s32 $0x1, v10;
	v15 =	vld.idx.msk [tilespmem:v11+s11+$0x0], $0xffff;
	[tilespmem:s26+$0xB0] =	vst v12  }
0x206: {  	v12 =	vadd.s32 $0x1, v11;
	v13 =	vld.idx.msk [tilespmem:v13+s11+$0x0], $0xffff  }
0x207: {  	v17 =	vadd.s32 $0x2, v8  }
0x208: {  	v9 =	vadd.s32 v7, v9  }
0x209: {  	[tilespmem:s28+$0x90] =	vst v14  }
0x20a: {  	[tilespmem:s28+$0x10] =	vst v15;
	v14 =	vld.idx.msk [tilespmem:v16+s11+$0x0], $0xffff  }
0x20b: {  	v15 =	vadd.s32 $0x2, v10;
	v12 =	vld.idx.msk [tilespmem:v12+s11+$0x0], $0xffff;
	[tilespmem:s26+$0x32B0] =	vst v13  }
0x20c: {  	v13 =	vadd.s32 $0x2, v11;
	v16 =	vld.idx.msk [tilespmem:v17+s11+$0x0], $0xffff  }
0x20d: {  	v8 =	vadd.s32 $0x3, v8;
	v17 =	vld.idx.msk [tilespmem:v9+s11+$0x0], $0xffff  }
0x20e: {  	v18 =	vadd.s32 $0x1, v9  }
0x20f: {  	[tilespmem:s28+$0x3290] =	vst v14  }
0x210: {  	[tilespmem:s28+$0x3210] =	vst v12;
	v12 =	vld.idx.msk [tilespmem:v15+s11+$0x0], $0xffff  }
0x211: {  	v10 =	vadd.s32 $0x3, v10;
	v13 =	vld.idx.msk [tilespmem:v13+s11+$0x0], $0xffff;
	[tilespmem:s26+$0x64B0] =	vst v16  }
0x212: {  	v11 =	vadd.s32 $0x3, v11;
	[tilespmem:s26+$0x30] =	vst v17;
	v8 =	vld.idx.msk [tilespmem:v8+s11+$0x0], $0xffff  }
0x213: {  	v14 =	vld.idx.msk [tilespmem:v18+s11+$0x0], $0xffff  }
0x214: {  	v15 =	vadd.s32 $0x2, v9  }
0x215: {  	[tilespmem:s28+$0x6490] =	vst v12  }
0x216: {  	[tilespmem:s28+$0x6410] =	vst v13;
	v10 =	vld.idx.msk [tilespmem:v10+s11+$0x0], $0xffff  }
0x217: {  	v11 =	vld.idx.msk [tilespmem:v11+s11+$0x0], $0xffff;
	[tilespmem:s26+$0x96B0] =	vst v8  }
0x218: {  	[tilespmem:s26+$0x3230] =	vst v14;
	v8 =	vld [tilespmem:s9+$0x40]  }
0x219: {  	v12 =	vld.idx.msk [tilespmem:v15+s11+$0x0], $0xffff  }
0x21a: {  	v9 =	vadd.s32 $0x3, v9  }
0x21b: {  	[tilespmem:s28+$0x9690] =	vst v10  }
0x21c: {  	[tilespmem:s28+$0x9610] =	vst v11;
	v10 =	vld [tilespmem:s3+$0x20]  }
0x21d: {  	v11 =	vld [tilespmem:s3+$0xFFFFFF20];
	v8 =	vadd.s32 v7, v8  }
0x21e: {  	[tilespmem:s26+$0x6430] =	vst v12  }
0x21f: {  	s30 =	simm.s32 $0xD80;
	v9 =	vld.idx.msk [tilespmem:v9+s11+$0x0], $0xffff  }
0x220: {  	v12 =	vld [tilespmem:s30+$0x0]  }
0x221: {  	v13 =	vld [tilespmem:s30+$0xFFFFFF00];
	v10 =	vadd.s32 v7, v10  }
0x222: {  	v11 =	vadd.s32 v7, v11;
	v14 =	vld.idx.msk [tilespmem:v8+s11+$0x0], $0xffff  }
0x223: {  	v15 =	vadd.s32 $0x1, v8  }
0x224: {  	[tilespmem:s26+$0x9630] =	vst v9  }
0x225: {  	v12 =	vadd.s32 v7, v12;
	v9 =	vld [tilespmem:s9+$0xFFFFFF40]  }
0x226: {  	v13 =	vadd.s32 v7, v13;
	v16 =	vld.idx.msk [tilespmem:v10+s11+$0x0], $0xffff  }
0x227: {  	v18 =	vadd.s32 $0x1, v10;
	v17 =	vld.idx.msk [tilespmem:v11+s11+$0x0], $0xffff;
	[tilespmem:s26+$0xC0] =	vst v14  }
0x228: {  	v14 =	vadd.s32 $0x1, v11;
	v15 =	vld.idx.msk [tilespmem:v15+s11+$0x0], $0xffff  }
0x229: {  	v19 =	vadd.s32 $0x2, v8  }
0x22a: {  	v20 =	vld.idx.msk [tilespmem:v12+s11+$0x0], $0xffff;
	v9 =	vadd.s32 v7, v9  }
0x22b: {  	v21 =	vld.idx.msk [tilespmem:v13+s11+$0x0], $0xffff;
	v22 =	vadd.s32 $0x1, v12;
	[tilespmem:s28+$0xA0] =	vst v16  }
0x22c: {  	v16 =	vadd.s32 $0x1, v13;
	[tilespmem:s28+$0x20] =	vst v17;
	v17 =	vld.idx.msk [tilespmem:v18+s11+$0x0], $0xffff  }
0x22d: {  	v18 =	vadd.s32 $0x2, v10;
	v14 =	vld.idx.msk [tilespmem:v14+s11+$0x0], $0xffff;
	[tilespmem:s26+$0x32C0] =	vst v15  }
0x22e: {  	s29 =	simm.s32 $0x6E80;
	v15 =	vadd.s32 $0x2, v11;
	v19 =	vld.idx.msk [tilespmem:v19+s11+$0x0], $0xffff  }
0x22f: {  	v8 =	vadd.s32 $0x3, v8;
	[tilespmem:s29+$0x80] =	vst v20;
	v23 =	vld.idx.msk [tilespmem:v9+s11+$0x0], $0xffff  }
0x230: {  	[tilespmem:s29+$0x0] =	vst v21;
	v20 =	vadd.s32 $0x1, v9;
	v21 =	vld.idx.msk [tilespmem:v22+s11+$0x0], $0xffff  }
0x231: {  	v22 =	vadd.s32 $0x2, v12;
	v16 =	vld.idx.msk [tilespmem:v16+s11+$0x0], $0xffff;
	[tilespmem:s28+$0x32A0] =	vst v17  }
0x232: {  	v17 =	vadd.s32 $0x2, v13;
	[tilespmem:s28+$0x3220] =	vst v14;
	v14 =	vld.idx.msk [tilespmem:v18+s11+$0x0], $0xffff  }
0x233: {  	v10 =	vadd.s32 $0x3, v10;
	v15 =	vld.idx.msk [tilespmem:v15+s11+$0x0], $0xffff;
	[tilespmem:s26+$0x64C0] =	vst v19  }
0x234: {  	v11 =	vadd.s32 $0x3, v11;
	[tilespmem:s26+$0x40] =	vst v23;
	v8 =	vld.idx.msk [tilespmem:v8+s11+$0x0], $0xffff  }
0x235: {  	[tilespmem:s29+$0x3280] =	vst v21;
	v18 =	vld.idx.msk [tilespmem:v20+s11+$0x0], $0xffff  }
0x236: {  	v19 =	vadd.s32 $0x2, v9;
	[tilespmem:s29+$0x3200] =	vst v16;
	v16 =	vld.idx.msk [tilespmem:v22+s11+$0x0], $0xffff  }
0x237: {  	v12 =	vadd.s32 $0x3, v12;
	v17 =	vld.idx.msk [tilespmem:v17+s11+$0x0], $0xffff;
	[tilespmem:s28+$0x64A0] =	vst v14  }
0x238: {  	v13 =	vadd.s32 $0x3, v13;
	[tilespmem:s28+$0x6420] =	vst v15;
	v10 =	vld.idx.msk [tilespmem:v10+s11+$0x0], $0xffff  }
0x239: {  	v11 =	vld.idx.msk [tilespmem:v11+s11+$0x0], $0xffff;
	[tilespmem:s26+$0x96C0] =	vst v8  }
0x23a: {  	[tilespmem:s26+$0x3240] =	vst v18;
	v8 =	vld [tilespmem:s9+$0x50]  }
0x23b: {  	[tilespmem:s29+$0x6480] =	vst v16;
	v14 =	vld.idx.msk [tilespmem:v19+s11+$0x0], $0xffff  }
0x23c: {  	v9 =	vadd.s32 $0x3, v9;
	[tilespmem:s29+$0x6400] =	vst v17;
	v12 =	vld.idx.msk [tilespmem:v12+s11+$0x0], $0xffff  }
0x23d: {  	v13 =	vld.idx.msk [tilespmem:v13+s11+$0x0], $0xffff;
	[tilespmem:s28+$0x96A0] =	vst v10  }
0x23e: {  	[tilespmem:s28+$0x9620] =	vst v11;
	v10 =	vld [tilespmem:s3+$0x30]  }
0x23f: {  	v11 =	vld [tilespmem:s3+$0xFFFFFF30];
	v8 =	vadd.s32 v7, v8  }
0x240: {  	[tilespmem:s26+$0x6440] =	vst v14  }
0x241: {  	[tilespmem:s29+$0x9680] =	vst v12;
	v9 =	vld.idx.msk [tilespmem:v9+s11+$0x0], $0xffff  }
0x242: {  	[tilespmem:s29+$0x9600] =	vst v13;
	v12 =	vld [tilespmem:s30+$0x10]  }
0x243: {  	v13 =	vld [tilespmem:s30+$0xFFFFFF10];
	v10 =	vadd.s32 v7, v10  }
0x244: {  	v11 =	vadd.s32 v7, v11;
	v14 =	vld.idx.msk [tilespmem:v8+s11+$0x0], $0xffff  }
0x245: {  	v15 =	vadd.s32 $0x1, v8  }
0x246: {  	[tilespmem:s26+$0x9640] =	vst v9  }
0x247: {  	v12 =	vadd.s32 v7, v12;
	v9 =	vld [tilespmem:s9+$0xFFFFFF50]  }
0x248: {  	v13 =	vadd.s32 v7, v13;
	v16 =	vld.idx.msk [tilespmem:v10+s11+$0x0], $0xffff  }
0x249: {  	v18 =	vadd.s32 $0x1, v10;
	v17 =	vld.idx.msk [tilespmem:v11+s11+$0x0], $0xffff;
	[tilespmem:s26+$0xD0] =	vst v14  }
0x24a: {  	v14 =	vadd.s32 $0x1, v11;
	v15 =	vld.idx.msk [tilespmem:v15+s11+$0x0], $0xffff  }
0x24b: {  	v19 =	vadd.s32 $0x2, v8  }
0x24c: {  	v20 =	vld.idx.msk [tilespmem:v12+s11+$0x0], $0xffff;
	v9 =	vadd.s32 v7, v9  }
0x24d: {  	v22 =	vadd.s32 $0x1, v12;
	v21 =	vld.idx.msk [tilespmem:v13+s11+$0x0], $0xffff;
	[tilespmem:s28+$0xB0] =	vst v16  }
0x24e: {  	v16 =	vadd.s32 $0x1, v13;
	[tilespmem:s28+$0x30] =	vst v17;
	v17 =	vld.idx.msk [tilespmem:v18+s11+$0x0], $0xffff  }
0x24f: {  	v18 =	vadd.s32 $0x2, v10;
	v14 =	vld.idx.msk [tilespmem:v14+s11+$0x0], $0xffff;
	[tilespmem:s26+$0x32D0] =	vst v15  }
0x250: {  	v15 =	vadd.s32 $0x2, v11;
	v19 =	vld.idx.msk [tilespmem:v19+s11+$0x0], $0xffff  }
0x251: {  	v8 =	vadd.s32 $0x3, v8;
	[tilespmem:s29+$0x90] =	vst v20;
	v23 =	vld.idx.msk [tilespmem:v9+s11+$0x0], $0xffff  }
0x252: {  	v20 =	vadd.s32 $0x1, v9;
	[tilespmem:s29+$0x10] =	vst v21;
	v21 =	vld.idx.msk [tilespmem:v22+s11+$0x0], $0xffff  }
0x253: {  	v22 =	vadd.s32 $0x2, v12;
	v16 =	vld.idx.msk [tilespmem:v16+s11+$0x0], $0xffff;
	[tilespmem:s28+$0x32B0] =	vst v17  }
0x254: {  	v17 =	vadd.s32 $0x2, v13;
	[tilespmem:s28+$0x3230] =	vst v14;
	v14 =	vld.idx.msk [tilespmem:v18+s11+$0x0], $0xffff  }
0x255: {  	v10 =	vadd.s32 $0x3, v10;
	v15 =	vld.idx.msk [tilespmem:v15+s11+$0x0], $0xffff;
	[tilespmem:s26+$0x64D0] =	vst v19  }
0x256: {  	v11 =	vadd.s32 $0x3, v11;
	[tilespmem:s26+$0x50] =	vst v23;
	v8 =	vld.idx.msk [tilespmem:v8+s11+$0x0], $0xffff  }
0x257: {  	[tilespmem:s29+$0x3290] =	vst v21;
	v18 =	vld.idx.msk [tilespmem:v20+s11+$0x0], $0xffff  }
0x258: {  	v19 =	vadd.s32 $0x2, v9;
	[tilespmem:s29+$0x3210] =	vst v16;
	v16 =	vld.idx.msk [tilespmem:v22+s11+$0x0], $0xffff  }
0x259: {  	v12 =	vadd.s32 $0x3, v12;
	v17 =	vld.idx.msk [tilespmem:v17+s11+$0x0], $0xffff;
	[tilespmem:s28+$0x64B0] =	vst v14  }
0x25a: {  	v13 =	vadd.s32 $0x3, v13;
	[tilespmem:s28+$0x6430] =	vst v15;
	v10 =	vld.idx.msk [tilespmem:v10+s11+$0x0], $0xffff  }
0x25b: {  	v11 =	vld.idx.msk [tilespmem:v11+s11+$0x0], $0xffff;
	[tilespmem:s26+$0x96D0] =	vst v8  }
0x25c: {  	[tilespmem:s26+$0x3250] =	vst v18;
	v8 =	vld [tilespmem:s9+$0x60]  }
0x25d: {  	[tilespmem:s29+$0x6490] =	vst v16;
	v14 =	vld.idx.msk [tilespmem:v19+s11+$0x0], $0xffff  }
0x25e: {  	v9 =	vadd.s32 $0x3, v9;
	[tilespmem:s29+$0x6410] =	vst v17;
	v12 =	vld.idx.msk [tilespmem:v12+s11+$0x0], $0xffff  }
0x25f: {  	v13 =	vld.idx.msk [tilespmem:v13+s11+$0x0], $0xffff;
	[tilespmem:s28+$0x96B0] =	vst v10  }
0x260: {  	v10 =	vld [tilespmem:s3+$0x40]  }
0x261: {  	[tilespmem:s28+$0x9630] =	vst v11  }
0x262: {  	v11 =	vld [tilespmem:s3+$0xFFFFFF40];
	v8 =	vadd.s32 v7, v8;
	[tilespmem:s26+$0x6450] =	vst v14  }
0x263: {  	[tilespmem:s29+$0x9690] =	vst v12;
	v9 =	vld.idx.msk [tilespmem:v9+s11+$0x0], $0xffff  }
0x264: {  	[tilespmem:s29+$0x9610] =	vst v13;
	v12 =	vld [tilespmem:s30+$0x20]  }
0x265: {  	s2 =	simm.s32 $0xF80;
	v13 =	vld [tilespmem:s30+$0xFFFFFF20];
	v10 =	vadd.s32 v7, v10  }
0x266: {  	v15 =	vld [tilespmem:s2+$0x0]  }
0x267: {  	v11 =	vadd.s32 v7, v11;
	v14 =	vld.idx.msk [tilespmem:v8+s11+$0x0], $0xffff  }
0x268: {  	v17 =	vld [tilespmem:s2+$0xFFFFFF00];
	v16 =	vadd.s32 $0x1, v8  }
0x269: {  	v12 =	vadd.s32 v7, v12  }
0x26a: {  	[tilespmem:s26+$0x9650] =	vst v9;
	v13 =	vadd.s32 v7, v13;
	v18 =	vld.idx.msk [tilespmem:v10+s11+$0x0], $0xffff  }
0x26b: {  	v19 =	vadd.s32 $0x1, v10;
	v20 =	vld [tilespmem:s9+$0xFFFFFF60]  }
0x26c: {  	v9 =	vld.idx.msk [tilespmem:v11+s11+$0x0], $0xffff;
	[tilespmem:s26+$0xE0] =	vst v14;
	v14 =	vadd.s32 v7, v15  }
0x26d: {  	v15 =	vld.idx.msk [tilespmem:v16+s11+$0x0], $0xffff;
	v16 =	vadd.s32 v7, v17  }
0x26e: {  	v21 =	vadd.s32 $0x2, v8;
	v17 =	vld.idx.msk [tilespmem:v12+s11+$0x0], $0xffff  }
0x26f: {  	v23 =	vadd.s32 $0x1, v12;
	v22 =	vld.idx.msk [tilespmem:v13+s11+$0x0], $0xffff;
	[tilespmem:s28+$0xC0] =	vst v18  }
0x270: {  	v24 =	vadd.s32 $0x1, v11;
	v19 =	vld.idx.msk [tilespmem:v19+s11+$0x0], $0xffff  }
0x271: {  	v18 =	vadd.s32 $0x1, v13;
	[tilespmem:s28+$0x40] =	vst v9;
	v25 =	vld.idx.msk [tilespmem:v14+s11+$0x0], $0xffff  }
0x272: {  	v27 =	vadd.s32 $0x2, v10;
	v26 =	vld.idx.msk [tilespmem:v16+s11+$0x0], $0xffff;
	[tilespmem:s26+$0x32E0] =	vst v15  }
0x273: {  	v15 =	vadd.s32 $0x1, v14;
	[tilespmem:s29+$0xA0] =	vst v17;
	v17 =	vld.idx.msk [tilespmem:v21+s11+$0x0], $0xffff  }
0x274: {  	v21 =	vadd.s32 $0x1, v16;
	[tilespmem:s29+$0x20] =	vst v22;
	v22 =	vld.idx.msk [tilespmem:v23+s11+$0x0], $0xffff  }
0x275: {  	v8 =	vadd.s32 $0x3, v8;
	v23 =	vld.idx.msk [tilespmem:v24+s11+$0x0], $0xffff  }
0x276: {  	s31 =	simm.s32 $0x6F80;
	v9 =	vld.idx.msk [tilespmem:v18+s11+$0x0], $0xffff;
	v18 =	vadd.s32 $0x2, v12;
	[tilespmem:s28+$0x32C0] =	vst v19  }
0x277: {  	v19 =	vadd.s32 $0x2, v13;
	[tilespmem:s31+$0x80] =	vst v25;
	v33 =	vld.idx.msk [tilespmem:v27+s11+$0x0], $0xffff  }
0x278: {  	v34 =	vadd.s32 $0x2, v11;
	[tilespmem:s31+$0x0] =	vst v26;
	v15 =	vld.idx.msk [tilespmem:v15+s11+$0x0], $0xffff  }
0x279: {  	v10 =	vadd.s32 $0x3, v10;
	v21 =	vld.idx.msk [tilespmem:v21+s11+$0x0], $0xffff;
	[tilespmem:s26+$0x64E0] =	vst v17  }
0x27a: {  	v17 =	vadd.s32 $0x2, v14;
	[tilespmem:s29+$0x32A0] =	vst v22;
	v8 =	vld.idx.msk [tilespmem:v8+s11+$0x0], $0xffff  }
0x27b: {  	v22 =	vadd.s32 $0x2, v16;
	[tilespmem:s29+$0x3220] =	vst v9;
	v9 =	vld.idx.msk [tilespmem:v18+s11+$0x0], $0xffff  }
0x27c: {  	[tilespmem:s28+$0x3240] =	vst v23;
	v18 =	vld.idx.msk [tilespmem:v19+s11+$0x0], $0xffff  }
0x27d: {  	v12 =	vadd.s32 $0x3, v12;
	v19 =	vld.idx.msk [tilespmem:v34+s11+$0x0], $0xffff;
	[tilespmem:s28+$0x64C0] =	vst v33  }
0x27e: {  	v13 =	vadd.s32 $0x3, v13;
	[tilespmem:s31+$0x3280] =	vst v15;
	v10 =	vld.idx.msk [tilespmem:v10+s11+$0x0], $0xffff  }
0x27f: {  	v11 =	vadd.s32 $0x3, v11;
	[tilespmem:s31+$0x3200] =	vst v21;
	v15 =	vld.idx.msk [tilespmem:v17+s11+$0x0], $0xffff  }
0x280: {  	v17 =	vld.idx.msk [tilespmem:v22+s11+$0x0], $0xffff;
	[tilespmem:s26+$0x96E0] =	vst v8  }
0x281: {  	v8 =	vadd.s32 $0x3, v14;
	[tilespmem:s29+$0x64A0] =	vst v9;
	v9 =	vld [tilespmem:s9+$0x70]  }
0x282: {  	v14 =	vadd.s32 $0x3, v16;
	[tilespmem:s29+$0x6420] =	vst v18;
	v12 =	vld.idx.msk [tilespmem:v12+s11+$0x0], $0xffff  }
0x283: {  	v16 =	vadd.s32 v7, v20;
	[tilespmem:s28+$0x6440] =	vst v19;
	v13 =	vld.idx.msk [tilespmem:v13+s11+$0x0], $0xffff  }
0x284: {  	v11 =	vld.idx.msk [tilespmem:v11+s11+$0x0], $0xffff;
	[tilespmem:s28+$0x96C0] =	vst v10  }
0x285: {  	[tilespmem:s31+$0x6480] =	vst v15;
	v10 =	vld [tilespmem:s3+$0x50]  }
0x286: {  	[tilespmem:s31+$0x6400] =	vst v17;
	v8 =	vld.idx.msk [tilespmem:v8+s11+$0x0], $0xffff  }
0x287: {  	v9 =	vadd.s32 v7, v9;
	v14 =	vld.idx.msk [tilespmem:v14+s11+$0x0], $0xffff  }
0x288: {  	[tilespmem:s29+$0x96A0] =	vst v12;
	v12 =	vld.idx.msk [tilespmem:v16+s11+$0x0], $0xffff  }
0x289: {  	[tilespmem:s29+$0x9620] =	vst v13;
	v13 =	vld [tilespmem:s30+$0x30]  }
0x28a: {  	[tilespmem:s28+$0x9640] =	vst v11;
	v15 =	vld [tilespmem:s30+$0xFFFFFF30]  }
0x28b: {  	v20 =	vld [tilespmem:s3+$0xFFFFFF50];
	v10 =	vadd.s32 v7, v10  }
0x28c: {  	[tilespmem:s31+$0x9680] =	vst v8;
	v8 =	vadd.s32 $0x1, v16;
	v17 =	vld.idx.msk [tilespmem:v9+s11+$0x0], $0xffff  }
0x28d: {  	v18 =	vadd.s32 $0x1, v9;
	[tilespmem:s31+$0x9600] =	vst v14;
	v14 =	vld [tilespmem:s2+$0x10]  }
0x28e: {  	v19 =	vld [tilespmem:s2+$0xFFFFFF10];
	v13 =	vadd.s32 v7, v13  }
0x28f: {  	v11 =	vadd.s32 v7, v15  }
0x290: {  	[tilespmem:s26+$0x60] =	vst v12;
	v20 =	vadd.s32 v7, v20;
	v15 =	vld.idx.msk [tilespmem:v10+s11+$0x0], $0xffff  }
0x291: {  	v12 =	vadd.s32 $0x1, v10;
	v21 =	vld.idx.msk [tilespmem:v8+s11+$0x0], $0xffff;
	[tilespmem:s26+$0xF0] =	vst v17  }
0x292: {  	v14 =	vadd.s32 v7, v14;
	v8 =	vld.idx.msk [tilespmem:v18+s11+$0x0], $0xffff  }
0x293: {  	v17 =	vadd.s32 v7, v19;
	v18 =	vld.idx.msk [tilespmem:v13+s11+$0x0], $0xffff  }
0x294: {  	v19 =	vadd.s32 $0x2, v9;
	v22 =	vld.idx.msk [tilespmem:v11+s11+$0x0], $0xffff  }
0x295: {  	v23 =	vadd.s32 $0x1, v13;
	v38 =	vld.idx.msk [tilespmem:v20+s11+$0x0], $0xffff;
	[tilespmem:s28+$0xD0] =	vst v15  }
0x296: {  	v15 =	vadd.s32 $0x1, v11;
	v12 =	vld.idx.msk [tilespmem:v12+s11+$0x0], $0xffff  }
0x297: {  	v37 =	vadd.s32 $0x2, v10;
	v35 =	vld.idx.msk [tilespmem:v14+s11+$0x0], $0xffff;
	[tilespmem:s26+$0x32F0] =	vst v8  }
0x298: {  	v36 =	vld.idx.msk [tilespmem:v17+s11+$0x0], $0xffff;
	v8 =	vadd.s32 $0x1, v14;
	[tilespmem:s29+$0xB0] =	vst v18  }
0x299: {  	v18 =	vld.idx.msk [tilespmem:v19+s11+$0x0], $0xffff;
	v19 =	vadd.s32 $0x1, v17;
	[tilespmem:s29+$0x30] =	vst v22  }
0x29a: {  	v9 =	vadd.s32 $0x3, v9;
	v22 =	vld.idx.msk [tilespmem:v23+s11+$0x0], $0xffff;
	[tilespmem:s28+$0x50] =	vst v38  }
0x29b: {  	v23 =	vadd.s32 $0x2, v13;
	v15 =	vld.idx.msk [tilespmem:v15+s11+$0x0], $0xffff;
	[tilespmem:s28+$0x32D0] =	vst v12  }
0x29c: {  	v40 =	vadd.s32 $0x1, v20;
	[tilespmem:s31+$0x90] =	vst v35;
	v39 =	vld.idx.msk [tilespmem:v37+s11+$0x0], $0xffff  }
0x29d: {  	v12 =	vadd.s32 $0x2, v11;
	[tilespmem:s31+$0x10] =	vst v36;
	v41 =	vld.idx.msk [tilespmem:v8+s11+$0x0], $0xffff  }
0x29e: {  	v10 =	vadd.s32 $0x3, v10;
	v19 =	vld.idx.msk [tilespmem:v19+s11+$0x0], $0xffff;
	[tilespmem:s26+$0x64F0] =	vst v18  }
0x29f: {  	v18 =	vadd.s32 $0x2, v14;
	[tilespmem:s29+$0x32B0] =	vst v22;
	v8 =	vld.idx.msk [tilespmem:v9+s11+$0x0], $0xffff  }
0x2a0: {  	v9 =	vadd.s32 $0x2, v17;
	[tilespmem:s29+$0x3230] =	vst v15;
	v15 =	vld.idx.msk [tilespmem:v23+s11+$0x0], $0xffff  }
0x2a1: {  	[tilespmem:s26+$0x3260] =	vst v21;
	v22 =	vadd.s32 $0x2, v16;
	v23 =	vld.idx.msk [tilespmem:v40+s11+$0x0], $0xffff  }
0x2a2: {  	v13 =	vadd.s32 $0x3, v13;
	v12 =	vld.idx.msk [tilespmem:v12+s11+$0x0], $0xffff;
	[tilespmem:s28+$0x64D0] =	vst v39  }
0x2a3: {  	v11 =	vadd.s32 $0x3, v11;
	[tilespmem:s31+$0x3290] =	vst v41;
	v10 =	vld.idx.msk [tilespmem:v10+s11+$0x0], $0xffff  }
0x2a4: {  	[tilespmem:s31+$0x3210] =	vst v19;
	v18 =	vld.idx.msk [tilespmem:v18+s11+$0x0], $0xffff  }
0x2a5: {  	v19 =	vadd.s32 $0x2, v20;
	v9 =	vld.idx.msk [tilespmem:v9+s11+$0x0], $0xffff;
	[tilespmem:s29+$0x64B0] =	vst v15  }
0x2a6: {  	v14 =	vadd.s32 $0x3, v14;
	v15 =	vld.idx.msk [tilespmem:v22+s11+$0x0], $0xffff;
	[tilespmem:s28+$0x3250] =	vst v23  }
0x2a7: {  	v17 =	vadd.s32 $0x3, v17;
	[tilespmem:s29+$0x6430] =	vst v12;
	v12 =	vld.idx.msk [tilespmem:v13+s11+$0x0], $0xffff  }
0x2a8: {  	v11 =	vld.idx.msk [tilespmem:v11+s11+$0x0], $0xffff;
	[tilespmem:s28+$0x96D0] =	vst v10  }
0x2a9: {  	v13 =	vadd.s32 $0x3, v16;
	v10 =	vld [tilespmem:s3+$0x60];
	[tilespmem:s31+$0x6490] =	vst v18  }
0x2aa: {  	v16 =	vld.idx.msk [tilespmem:v19+s11+$0x0], $0xffff;
	[tilespmem:s31+$0x6410] =	vst v9  }
0x2ab: {  	v18 =	vadd.s32 $0x3, v20;
	v9 =	vld.idx.msk [tilespmem:v14+s11+$0x0], $0xffff;
	[tilespmem:s26+$0x6460] =	vst v15  }
0x2ac: {  	v14 =	vld.idx.msk [tilespmem:v17+s11+$0x0], $0xffff;
	[tilespmem:s29+$0x96B0] =	vst v12  }
0x2ad: {  	[tilespmem:s29+$0x9630] =	vst v11;
	v11 =	vld [tilespmem:s30+$0x40]  }
0x2ae: {  	v13 =	vld.idx.msk [tilespmem:v13+s11+$0x0], $0xffff  }
0x2af: {  	v12 =	vld [tilespmem:s30+$0xFFFFFF40];
	v10 =	vadd.s32 v7, v10;
	[tilespmem:s28+$0x6450] =	vst v16  }
0x2b0: {  	v15 =	vld.idx.msk [tilespmem:v18+s11+$0x0], $0xffff;
	[tilespmem:s31+$0x9690] =	vst v9  }
0x2b1: {  	[tilespmem:s31+$0x9610] =	vst v14;
	v9 =	vld [tilespmem:s2+$0x20]  }
0x2b2: {  	s4 =	simm.s32 $0x1180;
	v14 =	vld [tilespmem:s2+$0xFFFFFF20];
	v11 =	vadd.s32 v7, v11  }
0x2b3: {  	v17 =	vld [tilespmem:s4+$0x0]  }
0x2b4: {  	v12 =	vadd.s32 v7, v12;
	v16 =	vld.idx.msk [tilespmem:v10+s11+$0x0], $0xffff  }
0x2b5: {  	v18 =	vld [tilespmem:s4+$0xFFFFFF00];
	[tilespmem:s26+$0x9660] =	vst v13;
	v13 =	vadd.s32 $0x1, v10  }
0x2b6: {  	v19 =	vld [tilespmem:s9+$0xFFFFFF70];
	v9 =	vadd.s32 v7, v9  }
0x2b7: {  	[tilespmem:s28+$0x9650] =	vst v15;
	v14 =	vadd.s32 v7, v14;
	v20 =	vld.idx.msk [tilespmem:v11+s11+$0x0], $0xffff  }
0x2b8: {  	v21 =	vadd.s32 $0x1, v11;
	v22 =	vld [tilespmem:s3+$0xFFFFFF60]  }
0x2b9: {  	v15 =	vld.idx.msk [tilespmem:v12+s11+$0x0], $0xffff;
	[tilespmem:s28+$0xE0] =	vst v16;
	v16 =	vadd.s32 v7, v17  }
0x2ba: {  	v17 =	vadd.s32 v7, v18;
	v13 =	vld.idx.msk [tilespmem:v13+s11+$0x0], $0xffff  }
0x2bb: {  	v44 =	vadd.s32 $0x1, v12;
	v18 =	vld.idx.msk [tilespmem:v9+s11+$0x0], $0xffff  }
0x2bc: {  	v23 =	vadd.s32 $0x2, v10;
	v42 =	vld.idx.msk [tilespmem:v14+s11+$0x0], $0xffff;
	[tilespmem:s29+$0xC0] =	vst v20  }
0x2bd: {  	v43 =	vadd.s32 $0x1, v9;
	v21 =	vld.idx.msk [tilespmem:v21+s11+$0x0], $0xffff  }
0x2be: {  	v20 =	vadd.s32 $0x1, v14;
	v45 =	vld.idx.msk [tilespmem:v16+s11+$0x0], $0xffff  }
0x2bf: {  	v29 =	vadd.s32 $0x2, v11;
	[tilespmem:s29+$0x40] =	vst v15;
	v28 =	vld.idx.msk [tilespmem:v17+s11+$0x0], $0xffff  }
0x2c0: {  	v47 =	vld.idx.msk [tilespmem:v44+s11+$0x0], $0xffff;
	[tilespmem:s28+$0x32E0] =	vst v13;
	v13 =	vadd.s32 $0x1, v16  }
0x2c1: {  	[tilespmem:s31+$0xA0] =	vst v18;
	v18 =	vld.idx.msk [tilespmem:v23+s11+$0x0], $0xffff;
	v23 =	vadd.s32 $0x1, v17  }
0x2c2: {  	v10 =	vadd.s32 $0x3, v10;
	[tilespmem:s31+$0x20] =	vst v42;
	v46 =	vld.idx.msk [tilespmem:v43+s11+$0x0], $0xffff  }
0x2c3: {  	s9 =	simm.s32 $0x7080;
	v15 =	vld.idx.msk [tilespmem:v20+s11+$0x0], $0xffff;
	v20 =	vadd.s32 $0x2, v9;
	[tilespmem:s29+$0x32C0] =	vst v21  }
0x2c4: {  	v21 =	vadd.s32 $0x2, v14;
	[tilespmem:s9+$0x80] =	vst v45;
	v48 =	vld.idx.msk [tilespmem:v29+s11+$0x0], $0xffff  }
0x2c5: {  	v49 =	vadd.s32 $0x2, v12;
	[tilespmem:s9+$0x0] =	vst v28;
	v13 =	vld.idx.msk [tilespmem:v13+s11+$0x0], $0xffff  }
0x2c6: {  	v11 =	vadd.s32 $0x3, v11;
	v23 =	vld.idx.msk [tilespmem:v23+s11+$0x0], $0xffff;
	[tilespmem:s28+$0x64E0] =	vst v18  }
0x2c7: {  	v18 =	vadd.s32 $0x2, v16;
	[tilespmem:s31+$0x32A0] =	vst v46;
	v10 =	vld.idx.msk [tilespmem:v10+s11+$0x0], $0xffff  }
0x2c8: {  	v50 =	vadd.s32 $0x2, v17;
	[tilespmem:s31+$0x3220] =	vst v15;
	v15 =	vld.idx.msk [tilespmem:v20+s11+$0x0], $0xffff  }
0x2c9: {  	[tilespmem:s29+$0x3240] =	vst v47;
	v20 =	vld.idx.msk [tilespmem:v21+s11+$0x0], $0xffff  }
0x2ca: {  	v9 =	vadd.s32 $0x3, v9;
	v21 =	vld.idx.msk [tilespmem:v49+s11+$0x0], $0xffff;
	[tilespmem:s29+$0x64C0] =	vst v48  }
0x2cb: {  	v14 =	vadd.s32 $0x3, v14;
	[tilespmem:s9+$0x3280] =	vst v13;
	v11 =	vld.idx.msk [tilespmem:v11+s11+$0x0], $0xffff  }
0x2cc: {  	v12 =	vadd.s32 $0x3, v12;
	[tilespmem:s9+$0x3200] =	vst v23;
	v13 =	vld.idx.msk [tilespmem:v18+s11+$0x0], $0xffff  }
0x2cd: {  	v18 =	vld.idx.msk [tilespmem:v50+s11+$0x0], $0xffff;
	[tilespmem:s28+$0x96E0] =	vst v10  }
0x2ce: {  	v10 =	vadd.s32 $0x3, v16;
	[tilespmem:s31+$0x64A0] =	vst v15;
	v15 =	vld [tilespmem:s3+$0x70]  }
0x2cf: {  	v16 =	vadd.s32 $0x3, v17;
	[tilespmem:s31+$0x6420] =	vst v20;
	v9 =	vld.idx.msk [tilespmem:v9+s11+$0x0], $0xffff  }
0x2d0: {  	v17 =	vadd.s32 v7, v22;
	[tilespmem:s29+$0x6440] =	vst v21;
	v14 =	vld.idx.msk [tilespmem:v14+s11+$0x0], $0xffff  }
0x2d1: {  	v12 =	vld.idx.msk [tilespmem:v12+s11+$0x0], $0xffff;
	[tilespmem:s29+$0x96C0] =	vst v11  }
0x2d2: {  	[tilespmem:s9+$0x6480] =	vst v13;
	v11 =	vld [tilespmem:s30+$0x50]  }
0x2d3: {  	[tilespmem:s9+$0x6400] =	vst v18;
	v10 =	vld.idx.msk [tilespmem:v10+s11+$0x0], $0xffff  }
0x2d4: {  	v13 =	vadd.s32 v7, v15;
	v15 =	vld.idx.msk [tilespmem:v16+s11+$0x0], $0xffff  }
0x2d5: {  	[tilespmem:s31+$0x96A0] =	vst v9;
	v9 =	vld.idx.msk [tilespmem:v17+s11+$0x0], $0xffff  }
0x2d6: {  	[tilespmem:s31+$0x9620] =	vst v14;
	v14 =	vld [tilespmem:s2+$0x30]  }
0x2d7: {  	v18 =	vadd.s32 $0x1, v17;
	[tilespmem:s29+$0x9640] =	vst v12;
	v16 =	vld [tilespmem:s2+$0xFFFFFF30]  }
0x2d8: {  	v11 =	vadd.s32 v7, v11;
	v21 =	vld [tilespmem:s30+$0xFFFFFF50]  }
0x2d9: {  	[tilespmem:s9+$0x9680] =	vst v10;
	v10 =	vadd.s32 v7, v19;
	v20 =	vld.idx.msk [tilespmem:v13+s11+$0x0], $0xffff  }
0x2da: {  	v12 =	vadd.s32 $0x1, v13;
	[tilespmem:s9+$0x9600] =	vst v15;
	v15 =	vld [tilespmem:s4+$0x10]  }
0x2db: {  	v19 =	vld [tilespmem:s4+$0xFFFFFF10];
	[tilespmem:s28+$0x60] =	vst v9;
	v14 =	vadd.s32 v7, v14  }
0x2dc: {  	v18 =	vld.idx.msk [tilespmem:v18+s11+$0x0], $0xffff;
	v9 =	vadd.s32 v7, v16  }
0x2dd: {  	v16 =	vld.idx.msk [tilespmem:v11+s11+$0x0], $0xffff;
	v21 =	vadd.s32 v7, v21  }
0x2de: {  	v22 =	vadd.s32 $0x1, v11;
	[tilespmem:s28+$0xF0] =	vst v20;
	v20 =	vld.idx.msk [tilespmem:v10+s11+$0x0], $0xffff  }
0x2df: {  	v15 =	vadd.s32 v7, v15;
	v12 =	vld.idx.msk [tilespmem:v12+s11+$0x0], $0xffff  }
0x2e0: {  	v19 =	vadd.s32 v7, v19;
	v23 =	vld.idx.msk [tilespmem:v14+s11+$0x0], $0xffff  }
0x2e1: {  	v51 =	vadd.s32 $0x2, v13;
	v52 =	vld.idx.msk [tilespmem:v9+s11+$0x0], $0xffff  }
0x2e2: {  	v53 =	vadd.s32 $0x1, v14;
	[tilespmem:s29+$0xD0] =	vst v16;
	v30 =	vld.idx.msk [tilespmem:v21+s11+$0x0], $0xffff  }
0x2e3: {  	v16 =	vadd.s32 $0x1, v9;
	v22 =	vld.idx.msk [tilespmem:v22+s11+$0x0], $0xffff  }
0x2e4: {  	v60 =	vadd.s32 $0x1, v21;
	v54 =	vld.idx.msk [tilespmem:v15+s11+$0x0], $0xffff  }
0x2e5: {  	v55 =	vadd.s32 $0x2, v11;
	v28 =	vld.idx.msk [tilespmem:v19+s11+$0x0], $0xffff;
	[tilespmem:s28+$0x32F0] =	vst v12  }
0x2e6: {  	v12 =	vadd.s32 $0x1, v15;
	[tilespmem:s31+$0xB0] =	vst v23;
	v23 =	vld.idx.msk [tilespmem:v51+s11+$0x0], $0xffff  }
0x2e7: {  	v56 =	vadd.s32 $0x1, v19;
	[tilespmem:s31+$0x30] =	vst v52;
	v57 =	vld.idx.msk [tilespmem:v53+s11+$0x0], $0xffff  }
0x2e8: {  	v13 =	vadd.s32 $0x3, v13;
	[tilespmem:s29+$0x50] =	vst v30;
	v16 =	vld.idx.msk [tilespmem:v16+s11+$0x0], $0xffff  }
0x2e9: {  	v58 =	vadd.s32 $0x2, v14;
	[tilespmem:s29+$0x32D0] =	vst v22;
	v63 =	vld.idx.msk [tilespmem:v60+s11+$0x0], $0xffff  }
0x2ea: {  	v22 =	vadd.s32 $0x2, v9;
	[tilespmem:s9+$0x90] =	vst v54;
	v59 =	vld.idx.msk [tilespmem:v55+s11+$0x0], $0xffff  }
0x2eb: {  	v11 =	vadd.s32 $0x3, v11;
	[tilespmem:s9+$0x10] =	vst v28;
	v12 =	vld.idx.msk [tilespmem:v12+s11+$0x0], $0xffff  }
0x2ec: {  	v24 =	vld.idx.msk [tilespmem:v56+s11+$0x0], $0xffff;
	[tilespmem:s28+$0x64F0] =	vst v23;
	v23 =	vadd.s32 $0x2, v15  }
0x2ed: {  	v61 =	vadd.s32 $0x2, v19;
	[tilespmem:s31+$0x32B0] =	vst v57;
	v13 =	vld.idx.msk [tilespmem:v13+s11+$0x0], $0xffff  }
0x2ee: {  	v62 =	vadd.s32 $0x2, v17;
	[tilespmem:s31+$0x3230] =	vst v16;
	v16 =	vld.idx.msk [tilespmem:v58+s11+$0x0], $0xffff  }
0x2ef: {  	v14 =	vadd.s32 $0x3, v14;
	v22 =	vld.idx.msk [tilespmem:v22+s11+$0x0], $0xffff;
	[tilespmem:s29+$0x64D0] =	vst v59  }
0x2f0: {  	v9 =	vadd.s32 $0x3, v9;
	[tilespmem:s9+$0x3290] =	vst v12;
	v11 =	vld.idx.msk [tilespmem:v11+s11+$0x0], $0xffff  }
0x2f1: {  	v12 =	vadd.s32 $0x2, v21;
	[tilespmem:s9+$0x3210] =	vst v24;
	v23 =	vld.idx.msk [tilespmem:v23+s11+$0x0], $0xffff  }
0x2f2: {  	[tilespmem:s28+$0x3260] =	vst v18;
	v18 =	vld.idx.msk [tilespmem:v61+s11+$0x0], $0xffff  }
0x2f3: {  	v15 =	vadd.s32 $0x3, v15;
	[tilespmem:s31+$0x64B0] =	vst v16;
	v16 =	vld.idx.msk [tilespmem:v62+s11+$0x0], $0xffff  }
0x2f4: {  	v19 =	vadd.s32 $0x3, v19;
	[tilespmem:s31+$0x6430] =	vst v22;
	v14 =	vld.idx.msk [tilespmem:v14+s11+$0x0], $0xffff  }
0x2f5: {  	v17 =	vadd.s32 $0x3, v17;
	[tilespmem:s29+$0x3250] =	vst v63;
	v9 =	vld.idx.msk [tilespmem:v9+s11+$0x0], $0xffff  }
0x2f6: {  	v12 =	vld.idx.msk [tilespmem:v12+s11+$0x0], $0xffff;
	[tilespmem:s29+$0x96D0] =	vst v11  }
0x2f7: {  	[tilespmem:s9+$0x6490] =	vst v23;
	v11 =	vld [tilespmem:s30+$0x60]  }
0x2f8: {  	v21 =	vadd.s32 $0x3, v21;
	[tilespmem:s9+$0x6410] =	vst v18;
	v15 =	vld.idx.msk [tilespmem:v15+s11+$0x0], $0xffff  }
0x2f9: {  	v18 =	vadd.s32 $0x1, v10;
	v19 =	vld.idx.msk [tilespmem:v19+s11+$0x0], $0xffff;
	[tilespmem:s28+$0x6460] =	vst v16  }
0x2fa: {  	[tilespmem:s31+$0x96B0] =	vst v14;
	v17 =	vld.idx.msk [tilespmem:v17+s11+$0x0], $0xffff  }
0x2fb: {  	[tilespmem:s31+$0x9630] =	vst v9;
	v16 =	vld [tilespmem:s2+$0x40]  }
0x2fc: {  	[tilespmem:s29+$0x6450] =	vst v12;
	v22 =	vld [tilespmem:s2+$0xFFFFFF40]  }
0x2fd: {  	[tilespmem:s26+$0x70] =	vst v20;
	v11 =	vadd.s32 v7, v11;
	v14 =	vld.idx.msk [tilespmem:v21+s11+$0x0], $0xffff  }
0x2fe: {  	[tilespmem:s9+$0x9690] =	vst v15;
	v12 =	vld.idx.msk [tilespmem:v18+s11+$0x0], $0xffff  }
0x2ff: {  	[tilespmem:s9+$0x9610] =	vst v19;
	v20 =	vld [tilespmem:s4+$0x20]  }
0x300: {  	v21 =	vld [tilespmem:s4+$0xFFFFFF20];
	[tilespmem:s28+$0x9660] =	vst v17;
	v16 =	vadd.s32 v7, v16  }
0x301: {  	[tilespmem:s26+$0x96F0] =	vst v8;
	v8 =	vadd.s32 $0x3, v10;
	v9 =	vadd.s32 $0x2, v10;
	v10 =	vld [tilespmem:s3+$0xFFFFFF70];
	v19 =	vadd.s32 v7, v22  }
0x302: {  	s19 =	simm.s32 $0x8;
	s20 =	simm.s32 $0x1380;
	s0 =	simm.s32 $0x7080;
	[tilespmem:s28+$0x96F0] =	vst v13;
	v17 =	vld.idx.msk [tilespmem:v11+s11+$0x0], $0xffff;
	v18 =	vadd.s32 $0x1, v19;
	v15 =	vadd.s32 $0x2, v19;
	v13 =	vadd.s32 $0x3, v19  }
.LBB2_9:
0x303: {  	v22 =	vld [tilespmem:s20+$0x0];
	s19 =	sadd.s32 $0x2, s19;
	[tilespmem:s29+$0x9650] =	vst v14;
	v14 =	vadd.s32 $0x1, v11;
	s1 =	smov.u32 s4;
	s4 =	smov.u32 s20  }
0x304: {  	v23 =	vld [tilespmem:s20+$0xFFFFFF00];
	p1 =	slt.u32 s19, $0x62;
	v20 =	vadd.s32 v7, v20;
	[tilespmem:s26+$0x3270] =	vst v12  }
0x305: {  	v12 =	vadd.s32 v7, v21;
	v21 =	vld.idx.msk [tilespmem:v16+s11+$0x0], $0xffff  }
0x306: {  	v24 =	vadd.s32 $0x1, v12;
	v25 =	vadd.s32 $0x2, v12;
	v26 =	vadd.s32 $0x3, v12;
	v27 =	vld.idx.msk [tilespmem:v19+s11+$0x0], $0xffff  }
0x307: {  	v28 =	vadd.s32 $0x1, v16;
	v29 =	vld [tilespmem:s30+$0xFFFFFF60];
	[tilespmem:s29+$0xE0] =	vst v17;
	v19 =	vadd.s32 v7, v10  }
0x308: {  	v22 =	vadd.s32 v7, v22;
	v30 =	vld.idx.msk [tilespmem:v14+s11+$0x0], $0xffff;
	v10 =	vadd.s32 $0x1, v19;
	v14 =	vadd.s32 $0x2, v19  }
0x309: {  	v17 =	vadd.s32 $0x3, v19;
	v23 =	vadd.s32 v7, v23;
	v31 =	vld.idx.msk [tilespmem:v20+s11+$0x0], $0xffff  }
0x30a: {  	v35 =	vadd.s32 $0x2, v11;
	v32 =	vadd.s32 $0x1, v23;
	v33 =	vadd.s32 $0x2, v23;
	v34 =	vld.idx.msk [tilespmem:v12+s11+$0x0], $0xffff  }
0x30b: {  	v37 =	vadd.s32 $0x1, v20;
	v36 =	vadd.s32 $0x3, v23;
	[tilespmem:s31+$0xC0] =	vst v21;
	v21 =	vld.idx.msk [tilespmem:v9+s11+$0x0], $0xffff;
	v9 =	vmov v14  }
0x30c: {  	[tilespmem:s31+$0x40] =	vst v27;
	v27 =	vld.idx.msk [tilespmem:v28+s11+$0x0], $0xffff;
	v28 =	vadd.s32 v7, v29  }
0x30d: {  	v29 =	vld.idx.msk [tilespmem:v22+s11+$0x0], $0xffff;
	v38 =	vadd.s32 $0x1, v28;
	v14 =	vadd.s32 $0x2, v28;
	v12 =	vadd.s32 $0x3, v28  }
0x30e: {  	v39 =	vadd.s32 $0x2, v16;
	v23 =	vld.idx.msk [tilespmem:v23+s11+$0x0], $0xffff;
	[tilespmem:s29+$0x32E0] =	vst v30  }
0x30f: {  	v30 =	vadd.s32 $0x1, v22;
	[tilespmem:s9+$0xA0] =	vst v31;
	v31 =	vld.idx.msk [tilespmem:v35+s11+$0x0], $0xffff  }
0x310: {  	[tilespmem:s9+$0x20] =	vst v34;
	v34 =	vld.idx.msk [tilespmem:v37+s11+$0x0], $0xffff  }
0x311: {  	v11 =	vadd.s32 $0x3, v11;
	v24 =	vld.idx.msk [tilespmem:v24+s11+$0x0], $0xffff;
	[tilespmem:s26+$0x6470] =	vst v21  }
0x312: {  	s9 =	sadd.s32 $0x100, s9;
	v21 =	vadd.s32 $0x2, v20;
	v18 =	vld.idx.msk [tilespmem:v18+s11+$0x0], $0xffff;
	[tilespmem:s31+$0x32C0] =	vst v27  }
0x313: {  	[tilespmem:s9+$0x80] =	vst v29;
	v27 =	vld.idx.msk [tilespmem:v39+s11+$0x0], $0xffff  }
0x314: {  	[tilespmem:s9+$0x0] =	vst v23;
	v23 =	vld.idx.msk [tilespmem:v30+s11+$0x0], $0xffff  }
0x315: {  	v16 =	vadd.s32 $0x3, v16;
	v29 =	vld.idx.msk [tilespmem:v32+s11+$0x0], $0xffff;
	[tilespmem:s29+$0x64E0] =	vst v31  }
0x316: {  	v30 =	vadd.s32 $0x2, v22;
	[tilespmem:s0+$0x32A0] =	vst v34;
	v11 =	vld.idx.msk [tilespmem:v11+s11+$0x0], $0xffff  }
0x317: {  	[tilespmem:s0+$0x3220] =	vst v24;
	v21 =	vld.idx.msk [tilespmem:v21+s11+$0x0], $0xffff  }
0x318: {  	v24 =	vld.idx.msk [tilespmem:v25+s11+$0x0], $0xffff;
	[tilespmem:s31+$0x3240] =	vst v18  }
0x319: {  	v18 =	vadd.s32 $0x3, v20;
	v15 =	vld.idx.msk [tilespmem:v15+s11+$0x0], $0xffff;
	[tilespmem:s31+$0x64C0] =	vst v27  }
0x31a: {  	[tilespmem:s9+$0x3280] =	vst v23;
	v16 =	vld.idx.msk [tilespmem:v16+s11+$0x0], $0xffff  }
0x31b: {  	[tilespmem:s9+$0x3200] =	vst v29;
	v20 =	vld.idx.msk [tilespmem:v30+s11+$0x0], $0xffff  }
0x31c: {  	v23 =	vld.idx.msk [tilespmem:v33+s11+$0x0], $0xffff;
	[tilespmem:s29+$0x96E0] =	vst v11  }
0x31d: {  	v11 =	vadd.s32 $0x3, v22;
	[tilespmem:s0+$0x64A0] =	vst v21;
	v21 =	vld [tilespmem:s30+$0x70]  }
0x31e: {  	[tilespmem:s0+$0x6420] =	vst v24;
	v18 =	vld.idx.msk [tilespmem:v18+s11+$0x0], $0xffff  }
0x31f: {  	v22 =	vld.idx.msk [tilespmem:v26+s11+$0x0], $0xffff;
	[tilespmem:s31+$0x6440] =	vst v15  }
0x320: {  	v13 =	vld.idx.msk [tilespmem:v13+s11+$0x0], $0xffff;
	[tilespmem:s31+$0x96C0] =	vst v16  }
0x321: {  	[tilespmem:s9+$0x6480] =	vst v20;
	v15 =	vld [tilespmem:s2+$0x50]  }
0x322: {  	[tilespmem:s9+$0x6400] =	vst v23;
	v11 =	vld.idx.msk [tilespmem:v11+s11+$0x0], $0xffff;
	v16 =	vadd.s32 v7, v21  }
0x323: {  	v20 =	vld.idx.msk [tilespmem:v36+s11+$0x0], $0xffff  }
0x324: {  	[tilespmem:s0+$0x96A0] =	vst v18;
	v18 =	vld.idx.msk [tilespmem:v28+s11+$0x0], $0xffff  }
0x325: {  	[tilespmem:s0+$0x9620] =	vst v22;
	v21 =	vld [tilespmem:s1+$0x30]  }
0x326: {  	v22 =	vld [tilespmem:s1+$0xFFFFFF30];
	[tilespmem:s31+$0x9640] =	vst v13;
	v13 =	vadd.s32 v7, v15  }
0x327: {  	v15 =	vld.idx.msk [tilespmem:v16+s11+$0x0], $0xffff  }
0x328: {  	[tilespmem:s9+$0x9680] =	vst v11;
	v11 =	vld [tilespmem:s2+$0xFFFFFF50]  }
0x329: {  	v23 =	vadd.s32 $0x1, v16;
	[tilespmem:s9+$0x9600] =	vst v20;
	v20 =	vld [tilespmem:s20+$0x10]  }
0x32a: {  	v24 =	vld [tilespmem:s20+$0xFFFFFF10];
	v21 =	vadd.s32 v7, v21;
	[tilespmem:s29+$0x60] =	vst v18  }
0x32b: {  	v18 =	vadd.s32 v7, v22;
	v22 =	vld.idx.msk [tilespmem:v13+s11+$0x0], $0xffff  }
0x32c: {  	v25 =	vadd.s32 $0x1, v18;
	v26 =	vadd.s32 $0x2, v18;
	v27 =	vadd.s32 $0x3, v18;
	v28 =	vld.idx.msk [tilespmem:v38+s11+$0x0], $0xffff  }
0x32d: {  	v29 =	vadd.s32 $0x1, v13;
	v11 =	vadd.s32 v7, v11;
	[tilespmem:s29+$0xF0] =	vst v15;
	v15 =	vld.idx.msk [tilespmem:v19+s11+$0x0], $0xffff  }
0x32e: {  	v19 =	vadd.s32 v7, v20;
	v20 =	vadd.s32 $0x1, v11;
	v30 =	vadd.s32 $0x2, v11;
	v23 =	vld.idx.msk [tilespmem:v23+s11+$0x0], $0xffff  }
0x32f: {  	v32 =	vadd.s32 $0x3, v11;
	v24 =	vadd.s32 v7, v24;
	v31 =	vld.idx.msk [tilespmem:v21+s11+$0x0], $0xffff  }
0x330: {  	v35 =	vadd.s32 $0x2, v16;
	v33 =	vadd.s32 $0x1, v24;
	v34 =	vadd.s32 $0x2, v24;
	v18 =	vld.idx.msk [tilespmem:v18+s11+$0x0], $0xffff  }
0x331: {  	v37 =	vadd.s32 $0x1, v21;
	v36 =	vadd.s32 $0x3, v24;
	[tilespmem:s31+$0xD0] =	vst v22;
	v22 =	vld.idx.msk [tilespmem:v8+s11+$0x0], $0xffff;
	v8 =	vmov v17  }
0x332: {  	v17 =	vld.idx.msk [tilespmem:v29+s11+$0x0], $0xffff;
	[tilespmem:s29+$0x3260] =	vst v28  }
0x333: {  	v28 =	vld.idx.msk [tilespmem:v19+s11+$0x0], $0xffff;
	[tilespmem:s28+$0x70] =	vst v15  }
0x334: {  	v15 =	vld.idx.msk [tilespmem:v24+s11+$0x0], $0xffff;
	v24 =	vadd.s32 $0x2, v13;
	[tilespmem:s29+$0x32F0] =	vst v23  }
0x335: {  	v23 =	vadd.s32 $0x1, v19;
	[tilespmem:s0+$0xB0] =	vst v31;
	v29 =	vld.idx.msk [tilespmem:v35+s11+$0x0], $0xffff  }
0x336: {  	[tilespmem:s0+$0x30] =	vst v18;
	v18 =	vld.idx.msk [tilespmem:v37+s11+$0x0], $0xffff  }
0x337: {  	v16 =	vadd.s32 $0x3, v16;
	v25 =	vld.idx.msk [tilespmem:v25+s11+$0x0], $0xffff;
	[tilespmem:s26+$0x9670] =	vst v22;
	s26 =	smov.u32 s28;
	s28 =	smov.u32 s29;
	s29 =	smov.u32 s31  }
0x338: {  	v22 =	vadd.s32 $0x2, v21;
	s31 =	smov.u32 s0;
	s0 =	smov.u32 s9;
	v11 =	vld.idx.msk [tilespmem:v11+s11+$0x0], $0xffff;
	[tilespmem:s29+$0x32D0] =	vst v17  }
0x339: {  	[tilespmem:s9+$0x90] =	vst v28;
	v17 =	vld.idx.msk [tilespmem:v24+s11+$0x0], $0xffff  }
0x33a: {  	[tilespmem:s9+$0x10] =	vst v15;
	v15 =	vld.idx.msk [tilespmem:v23+s11+$0x0], $0xffff  }
0x33b: {  	v13 =	vadd.s32 $0x3, v13;
	v23 =	vld.idx.msk [tilespmem:v33+s11+$0x0], $0xffff;
	[tilespmem:s28+$0x64F0] =	vst v29  }
0x33c: {  	v24 =	vadd.s32 $0x2, v19;
	[tilespmem:s31+$0x32B0] =	vst v18;
	v16 =	vld.idx.msk [tilespmem:v16+s11+$0x0], $0xffff  }
0x33d: {  	[tilespmem:s31+$0x3230] =	vst v25;
	v18 =	vld.idx.msk [tilespmem:v22+s11+$0x0], $0xffff  }
0x33e: {  	v22 =	vld.idx.msk [tilespmem:v26+s11+$0x0], $0xffff;
	[tilespmem:s29+$0x50] =	vst v11  }
0x33f: {  	v11 =	vadd.s32 $0x3, v21;
	v20 =	vld.idx.msk [tilespmem:v20+s11+$0x0], $0xffff;
	[tilespmem:s29+$0x64D0] =	vst v17  }
0x340: {  	[tilespmem:s9+$0x3290] =	vst v15;
	v13 =	vld.idx.msk [tilespmem:v13+s11+$0x0], $0xffff  }
0x341: {  	[tilespmem:s9+$0x3210] =	vst v23;
	v15 =	vld.idx.msk [tilespmem:v24+s11+$0x0], $0xffff  }
0x342: {  	v17 =	vld.idx.msk [tilespmem:v34+s11+$0x0], $0xffff;
	[tilespmem:s28+$0x96F0] =	vst v16  }
0x343: {  	v16 =	vadd.s32 $0x3, v19;
	[tilespmem:s31+$0x64B0] =	vst v18;
	v14 =	vld.idx.msk [tilespmem:v14+s11+$0x0], $0xffff  }
0x344: {  	[tilespmem:s31+$0x6430] =	vst v22;
	v11 =	vld.idx.msk [tilespmem:v11+s11+$0x0], $0xffff  }
0x345: {  	v18 =	vld.idx.msk [tilespmem:v27+s11+$0x0], $0xffff;
	[tilespmem:s29+$0x3250] =	vst v20  }
0x346: {  	v19 =	vld.idx.msk [tilespmem:v30+s11+$0x0], $0xffff;
	[tilespmem:s29+$0x96D0] =	vst v13  }
0x347: {  	[tilespmem:s9+$0x6490] =	vst v15;
	v13 =	vld [tilespmem:s2+$0x60]  }
0x348: {  	[tilespmem:s9+$0x6410] =	vst v17;
	v15 =	vld.idx.msk [tilespmem:v16+s11+$0x0], $0xffff  }
0x349: {  	v16 =	vld.idx.msk [tilespmem:v36+s11+$0x0], $0xffff;
	[tilespmem:s28+$0x6460] =	vst v14  }
0x34a: {  	[tilespmem:s31+$0x96B0] =	vst v11;
	v17 =	vld.idx.msk [tilespmem:v12+s11+$0x0], $0xffff  }
0x34b: {  	[tilespmem:s31+$0x9630] =	vst v18;
	v18 =	vld [tilespmem:s1+$0x40]  }
0x34c: {  	v22 =	vld [tilespmem:s1+$0xFFFFFF40];
	[tilespmem:s29+$0x6450] =	vst v19;
	v11 =	vadd.s32 v7, v13  }
0x34d: {  	v14 =	vld.idx.msk [tilespmem:v32+s11+$0x0], $0xffff  }
.Ltmp3:
0x34e: {  	[tilespmem:s9+$0x9690] =	vst v15;
	v12 =	vld.idx.msk [tilespmem:v10+s11+$0x0], $0xffff;
	(pc) =	sbr.rel @p1 .LBB2_9-.Ltmp3, $4  }
0x34f: {  	[tilespmem:s9+$0x9610] =	vst v16;
	v20 =	vld [tilespmem:s20+$0x20]  }
0x350: {  	v21 =	vld [tilespmem:s20+$0xFFFFFF20];
	v16 =	vadd.s32 v7, v18;
	[tilespmem:s28+$0x9660] =	vst v17  }
0x351: {  	v19 =	vadd.s32 v7, v22;
	v17 =	vld.idx.msk [tilespmem:v11+s11+$0x0], $0xffff  }
0x352: {  	s20 =	sadd.s32 $0x200, s20;
	v18 =	vadd.s32 $0x1, v19;
	v15 =	vadd.s32 $0x2, v19;
	v13 =	vadd.s32 $0x3, v19;
	v10 =	vld [tilespmem:s30+$0xFFFFFF70];
	s30 =	smov.u32 s2;
	s2 =	smov.u32 s1  }
0x353: {  	_ = 	snop  }
0x354: {  	v20 =	vadd.s32 v7, v20;
	_ =	sdelay $0x4  }
0x355: {  	v22 =	vld.idx.msk [tilespmem:v20+s11+$0x0], $0xffff  }
0x356: {  	v23 =	vadd.s32 $0x1, v20;
	_ =	sdelay $0x1  }
0x357: {  	v21 =	vadd.s32 v7, v21;
	_ =	sdelay $0x1  }
0x358: {  	[tilespmem:s9+$0xA0] =	vst v22  }
0x359: {  	v22 =	vld.idx.msk [tilespmem:v23+s11+$0x0], $0xffff  }
0x35a: {  	v29 =	vadd.s32 $0x2, v20  }
0x35b: {  	v24 =	vld.idx.msk [tilespmem:v21+s11+$0x0], $0xffff  }
0x35c: {  	v25 =	vadd.s32 $0x1, v21;
	_ =	sdelay $0x1  }
0x35d: {  	[tilespmem:s0+$0x32A0] =	vst v22  }
0x35e: {  	v22 =	vld.idx.msk [tilespmem:v29+s11+$0x0], $0xffff  }
0x35f: {  	v20 =	vadd.s32 $0x3, v20;
	[tilespmem:s9+$0x20] =	vst v24  }
0x360: {  	v24 =	vld.idx.msk [tilespmem:v25+s11+$0x0], $0xffff  }
0x361: {  	v30 =	vadd.s32 $0x2, v21;
	_ =	sdelay $0x1  }
0x362: {  	[tilespmem:s0+$0x64A0] =	vst v22  }
0x363: {  	v20 =	vld.idx.msk [tilespmem:v20+s11+$0x0], $0xffff  }
0x364: {  	[tilespmem:s0+$0x3220] =	vst v24  }
0x365: {  	v31 =	vld.idx.msk [tilespmem:v30+s11+$0x0], $0xffff  }
0x366: {  	v21 =	vadd.s32 $0x3, v21;
	_ =	sdelay $0x1  }
0x367: {  	[tilespmem:s0+$0x96A0] =	vst v20  }
0x368: {  	v20 =	vld [tilespmem:s4+$0x30]  }
0x369: {  	[tilespmem:s0+$0x6420] =	vst v31  }
0x36a: {  	v21 =	vld.idx.msk [tilespmem:v21+s11+$0x0], $0xffff;
	_ =	sdelay $0x2  }
0x36b: {  	v20 =	vadd.s32 v7, v20;
	_ =	sdelay $0x1  }
0x36c: {  	[tilespmem:s0+$0x9620] =	vst v21  }
0x36d: {  	v21 =	vld [tilespmem:s4+$0xFFFFFF30];
	_ =	sdelay $0x1  }
0x36e: {  	v22 =	vld.idx.msk [tilespmem:v20+s11+$0x0], $0xffff  }
0x36f: {  	v32 =	vadd.s32 $0x1, v20;
	_ =	sdelay $0x1  }
0x370: {  	v21 =	vadd.s32 v7, v21;
	_ =	sdelay $0x1  }
0x371: {  	[tilespmem:s0+$0xB0] =	vst v22  }
0x372: {  	v22 =	vld.idx.msk [tilespmem:v32+s11+$0x0], $0xffff  }
0x373: {  	v34 =	vadd.s32 $0x2, v20  }
0x374: {  	v24 =	vld.idx.msk [tilespmem:v21+s11+$0x0], $0xffff  }
0x375: {  	v33 =	vadd.s32 $0x1, v21;
	_ =	sdelay $0x1  }
0x376: {  	[tilespmem:s0+$0x32B0] =	vst v22  }
0x377: {  	v22 =	vld.idx.msk [tilespmem:v34+s11+$0x0], $0xffff  }
0x378: {  	v20 =	vadd.s32 $0x3, v20;
	[tilespmem:s0+$0x30] =	vst v24  }
0x379: {  	v24 =	vld.idx.msk [tilespmem:v33+s11+$0x0], $0xffff  }
0x37a: {  	v35 =	vadd.s32 $0x2, v21;
	_ =	sdelay $0x1  }
0x37b: {  	[tilespmem:s0+$0x64B0] =	vst v22  }
0x37c: {  	v20 =	vld.idx.msk [tilespmem:v20+s11+$0x0], $0xffff  }
0x37d: {  	[tilespmem:s0+$0x3230] =	vst v24  }
0x37e: {  	v36 =	vld.idx.msk [tilespmem:v35+s11+$0x0], $0xffff  }
0x37f: {  	v21 =	vadd.s32 $0x3, v21;
	_ =	sdelay $0x1  }
0x380: {  	[tilespmem:s0+$0x96B0] =	vst v20  }
0x381: {  	v20 =	vld [tilespmem:s4+$0x40]  }
0x382: {  	[tilespmem:s0+$0x6430] =	vst v36  }
0x383: {  	v21 =	vld.idx.msk [tilespmem:v21+s11+$0x0], $0xffff;
	_ =	sdelay $0x2  }
0x384: {  	v19 =	vld.idx.msk [tilespmem:v19+s11+$0x0], $0xffff;
	v20 =	vadd.s32 v7, v20;
	_ =	sdelay $0x1  }
0x385: {  	v37 =	vld.idx.msk [tilespmem:v16+s11+$0x0], $0xffff;
	[tilespmem:s0+$0x9630] =	vst v21  }
0x386: {  	v38 =	vadd.s32 $0x1, v16;
	v21 =	vld [tilespmem:s4+$0xFFFFFF40];
	_ =	sdelay $0x1  }
0x387: {  	[tilespmem:s31+$0x40] =	vst v19;
	v39 =	vld.idx.msk [tilespmem:v20+s11+$0x0], $0xffff  }
0x388: {  	v18 =	vld.idx.msk [tilespmem:v18+s11+$0x0], $0xffff;
	v40 =	vadd.s32 $0x1, v20  }
0x389: {  	[tilespmem:s31+$0xC0] =	vst v37  }
0x38a: {  	v23 =	vld.idx.msk [tilespmem:v38+s11+$0x0], $0xffff;
	v21 =	vadd.s32 v7, v21  }
0x38b: {  	v27 =	vadd.s32 $0x2, v16  }
0x38c: {  	[tilespmem:s0+$0xC0] =	vst v39  }
0x38d: {  	[tilespmem:s31+$0x3240] =	vst v18;
	v42 =	vld.idx.msk [tilespmem:v40+s11+$0x0], $0xffff  }
0x38e: {  	v15 =	vld.idx.msk [tilespmem:v15+s11+$0x0], $0xffff;
	v43 =	vadd.s32 $0x2, v20  }
0x38f: {  	[tilespmem:s31+$0x32C0] =	vst v23;
	v26 =	vld.idx.msk [tilespmem:v21+s11+$0x0], $0xffff  }
0x390: {  	v45 =	vld.idx.msk [tilespmem:v27+s11+$0x0], $0xffff;
	v41 =	vadd.s32 $0x1, v21  }
0x391: {  	v46 =	vadd.s32 $0x3, v16  }
0x392: {  	[tilespmem:s0+$0x32C0] =	vst v42  }
0x393: {  	[tilespmem:s31+$0x6440] =	vst v15;
	v47 =	vld.idx.msk [tilespmem:v43+s11+$0x0], $0xffff  }
0x394: {  	v13 =	vld.idx.msk [tilespmem:v13+s11+$0x0], $0xffff;
	v48 =	vadd.s32 $0x3, v20;
	[tilespmem:s0+$0x40] =	vst v26  }
0x395: {  	[tilespmem:s31+$0x64C0] =	vst v45;
	v22 =	vld.idx.msk [tilespmem:v41+s11+$0x0], $0xffff  }
0x396: {  	v16 =	vld.idx.msk [tilespmem:v46+s11+$0x0], $0xffff;
	v44 =	vadd.s32 $0x2, v21;
	_ =	sdelay $0x1  }
0x397: {  	[tilespmem:s0+$0x64C0] =	vst v47  }
0x398: {  	[tilespmem:s31+$0x9640] =	vst v13;
	v50 =	vld.idx.msk [tilespmem:v48+s11+$0x0], $0xffff  }
0x399: {  	v53 =	vld [tilespmem:s2+$0xFFFFFF50];
	[tilespmem:s0+$0x3240] =	vst v22  }
0x39a: {  	[tilespmem:s31+$0x96C0] =	vst v16;
	v49 =	vld.idx.msk [tilespmem:v44+s11+$0x0], $0xffff  }
0x39b: {  	v16 =	vld [tilespmem:s2+$0x50];
	v21 =	vadd.s32 $0x3, v21;
	_ =	sdelay $0x1  }
0x39c: {  	[tilespmem:s0+$0x96C0] =	vst v50  }
0x39d: {  	v15 =	vadd.s32 v7, v53;
	v52 =	vld [tilespmem:s4+$0x50]  }
0x39e: {  	[tilespmem:s0+$0x6440] =	vst v49  }
0x39f: {  	v16 =	vadd.s32 v7, v16;
	v51 =	vld.idx.msk [tilespmem:v21+s11+$0x0], $0xffff;
	_ =	sdelay $0x2  }
0x3a0: {  	v57 =	vld.idx.msk [tilespmem:v15+s11+$0x0], $0xffff;
	v13 =	vadd.s32 v7, v52  }
0x3a1: {  	v59 =	vadd.s32 $0x1, v15  }
0x3a2: {  	v54 =	vld.idx.msk [tilespmem:v16+s11+$0x0], $0xffff;
	[tilespmem:s0+$0x9640] =	vst v51  }
0x3a3: {  	v55 =	vadd.s32 $0x1, v16;
	v18 =	vld [tilespmem:s4+$0xFFFFFF50];
	_ =	sdelay $0x1  }
0x3a4: {  	[tilespmem:s31+$0x50] =	vst v57;
	v56 =	vld.idx.msk [tilespmem:v13+s11+$0x0], $0xffff  }
0x3a5: {  	v29 =	vld.idx.msk [tilespmem:v59+s11+$0x0], $0xffff;
	v58 =	vadd.s32 $0x1, v13  }
0x3a6: {  	v31 =	vadd.s32 $0x2, v15;
	[tilespmem:s31+$0xD0] =	vst v54  }
0x3a7: {  	v20 =	vld.idx.msk [tilespmem:v55+s11+$0x0], $0xffff;
	v18 =	vadd.s32 v7, v18  }
0x3a8: {  	v62 =	vadd.s32 $0x2, v16  }
0x3a9: {  	[tilespmem:s0+$0xD0] =	vst v56  }
0x3aa: {  	[tilespmem:s31+$0x3250] =	vst v29;
	v28 =	vld.idx.msk [tilespmem:v58+s11+$0x0], $0xffff  }
0x3ab: {  	v36 =	vld.idx.msk [tilespmem:v31+s11+$0x0], $0xffff;
	v30 =	vadd.s32 $0x2, v13  }
0x3ac: {  	v15 =	vadd.s32 $0x3, v15;
	[tilespmem:s31+$0x32D0] =	vst v20;
	v60 =	vld.idx.msk [tilespmem:v18+s11+$0x0], $0xffff  }
0x3ad: {  	v33 =	vld.idx.msk [tilespmem:v62+s11+$0x0], $0xffff;
	v61 =	vadd.s32 $0x1, v18  }
0x3ae: {  	[tilespmem:s29+$0x9650] =	vst v14;
	v16 =	vadd.s32 $0x3, v16  }
0x3af: {  	v41 =	vld [tilespmem:s30+$0xFFFFFF60];
	[tilespmem:s0+$0x32D0] =	vst v28  }
0x3b0: {  	[tilespmem:s31+$0x6450] =	vst v36;
	v35 =	vld.idx.msk [tilespmem:v30+s11+$0x0], $0xffff  }
0x3b1: {  	v15 =	vld.idx.msk [tilespmem:v15+s11+$0x0], $0xffff;
	v13 =	vadd.s32 $0x3, v13;
	[tilespmem:s0+$0x50] =	vst v60  }
0x3b2: {  	[tilespmem:s31+$0x64D0] =	vst v33;
	v19 =	vld.idx.msk [tilespmem:v61+s11+$0x0], $0xffff  }
0x3b3: {  	v16 =	vld.idx.msk [tilespmem:v16+s11+$0x0], $0xffff;
	v32 =	vadd.s32 $0x2, v18  }
0x3b4: {  	[tilespmem:s29+$0xE0] =	vst v17  }
0x3b5: {  	v17 =	vadd.s32 v7, v41;
	[tilespmem:s0+$0x64D0] =	vst v35  }
0x3b6: {  	v63 =	vadd.s32 $0x1, v11;
	[tilespmem:s31+$0x9650] =	vst v15;
	v13 =	vld.idx.msk [tilespmem:v13+s11+$0x0], $0xffff  }
0x3b7: {  	v15 =	vld [tilespmem:s2+$0xFFFFFF60];
	[tilespmem:s0+$0x3250] =	vst v19  }
0x3b8: {  	[tilespmem:s31+$0x96D0] =	vst v16;
	v19 =	vld.idx.msk [tilespmem:v32+s11+$0x0], $0xffff  }
0x3b9: {  	v16 =	vld [tilespmem:s2+$0x60];
	v37 =	vadd.s32 $0x3, v18  }
0x3ba: {  	v45 =	vld.idx.msk [tilespmem:v17+s11+$0x0], $0xffff  }
0x3bb: {  	v21 =	vld.idx.msk [tilespmem:v63+s11+$0x0], $0xffff;
	[tilespmem:s0+$0x96D0] =	vst v13  }
0x3bc: {  	v34 =	vadd.s32 $0x2, v11;
	v13 =	vld [tilespmem:s4+$0x60]  }
0x3bd: {  	v47 =	vadd.s32 $0x1, v17;
	[tilespmem:s0+$0x6450] =	vst v19  }
0x3be: {  	v16 =	vadd.s32 v7, v16;
	v40 =	vld.idx.msk [tilespmem:v37+s11+$0x0], $0xffff;
	_ =	sdelay $0x1  }
0x3bf: {  	v42 =	vadd.s32 v7, v15;
	[tilespmem:s29+$0x32E0] =	vst v21  }
0x3c0: {  	[tilespmem:s29+$0x60] =	vst v45;
	v38 =	vld.idx.msk [tilespmem:v34+s11+$0x0], $0xffff;
	v13 =	vadd.s32 v7, v13  }
0x3c1: {  	v39 =	vadd.s32 $0x3, v11;
	v55 =	vld.idx.msk [tilespmem:v47+s11+$0x0], $0xffff  }
0x3c2: {  	v44 =	vld.idx.msk [tilespmem:v16+s11+$0x0], $0xffff;
	[tilespmem:s0+$0x9650] =	vst v40  }
0x3c3: {  	v46 =	vadd.s32 $0x1, v16;
	v14 =	vld [tilespmem:s4+$0xFFFFFF60]  }
0x3c4: {  	v57 =	vadd.s32 $0x2, v17;
	v49 =	vld.idx.msk [tilespmem:v42+s11+$0x0], $0xffff  }
0x3c5: {  	v51 =	vadd.s32 $0x1, v42;
	[tilespmem:s29+$0x64E0] =	vst v38;
	v48 =	vld.idx.msk [tilespmem:v13+s11+$0x0], $0xffff  }
0x3c6: {  	[tilespmem:s26+$0x3270] =	vst v12;
	v11 =	vld.idx.msk [tilespmem:v39+s11+$0x0], $0xffff;
	v50 =	vadd.s32 $0x1, v13  }
0x3c7: {  	[tilespmem:s31+$0xE0] =	vst v44  }
0x3c8: {  	[tilespmem:s29+$0x3260] =	vst v55;
	v54 =	vld.idx.msk [tilespmem:v46+s11+$0x0], $0xffff;
	v14 =	vadd.s32 v7, v14  }
0x3c9: {  	[tilespmem:s31+$0x60] =	vst v49;
	v31 =	vld.idx.msk [tilespmem:v57+s11+$0x0], $0xffff;
	v56 =	vadd.s32 $0x2, v16  }
0x3ca: {  	v17 =	vadd.s32 $0x3, v17;
	v12 =	vld.idx.msk [tilespmem:v51+s11+$0x0], $0xffff;
	[tilespmem:s0+$0xE0] =	vst v48  }
0x3cb: {  	[tilespmem:s29+$0x96E0] =	vst v11;
	v58 =	vld.idx.msk [tilespmem:v50+s11+$0x0], $0xffff  }
0x3cc: {  	v43 =	vld [tilespmem:s30+$0x70];
	v59 =	vadd.s32 $0x2, v13  }
0x3cd: {  	[tilespmem:s31+$0x32E0] =	vst v54;
	v60 =	vadd.s32 $0x2, v42;
	v52 =	vld.idx.msk [tilespmem:v14+s11+$0x0], $0xffff  }
0x3ce: {  	[tilespmem:s29+$0x6460] =	vst v31;
	v30 =	vld.idx.msk [tilespmem:v56+s11+$0x0], $0xffff;
	v53 =	vadd.s32 $0x1, v14  }
0x3cf: {  	v17 =	vld.idx.msk [tilespmem:v17+s11+$0x0], $0xffff;
	v16 =	vadd.s32 $0x3, v16  }
0x3d0: {  	[tilespmem:s0+$0x32E0] =	vst v58  }
0x3d1: {  	[tilespmem:s31+$0x3260] =	vst v12;
	v15 =	vadd.s32 v7, v43;
	v32 =	vld.idx.msk [tilespmem:v59+s11+$0x0], $0xffff  }
0x3d2: {  	v33 =	vld.idx.msk [tilespmem:v60+s11+$0x0], $0xffff;
	v13 =	vadd.s32 $0x3, v13;
	[tilespmem:s0+$0x60] =	vst v52  }
0x3d3: {  	v11 =	vadd.s32 $0x3, v42;
	[tilespmem:s31+$0x64E0] =	vst v30;
	v18 =	vld.idx.msk [tilespmem:v53+s11+$0x0], $0xffff  }
0x3d4: {  	[tilespmem:s29+$0x9660] =	vst v17;
	v16 =	vld.idx.msk [tilespmem:v16+s11+$0x0], $0xffff;
	v62 =	vadd.s32 $0x2, v14  }
0x3d5: {  	v17 =	vld [tilespmem:s30+$0xFFFFFF70]  }
0x3d6: {  	v61 =	vld.idx.msk [tilespmem:v15+s11+$0x0], $0xffff;
	[tilespmem:s0+$0x64E0] =	vst v32  }
0x3d7: {  	v63 =	vadd.s32 $0x1, v15;
	[tilespmem:s31+$0x6460] =	vst v33;
	v12 =	vld.idx.msk [tilespmem:v13+s11+$0x0], $0xffff  }
0x3d8: {  	v11 =	vld.idx.msk [tilespmem:v11+s11+$0x0], $0xffff;
	[tilespmem:s0+$0x3260] =	vst v18  }
0x3d9: {  	[tilespmem:s31+$0x96E0] =	vst v16;
	v18 =	vld.idx.msk [tilespmem:v62+s11+$0x0], $0xffff  }
0x3da: {  	v16 =	vld [tilespmem:s2+$0x70];
	v14 =	vadd.s32 $0x3, v14  }
0x3db: {  	v9 =	vld.idx.msk [tilespmem:v9+s11+$0x0], $0xffff;
	[tilespmem:s29+$0xF0] =	vst v61  }
0x3dc: {  	v34 =	vld.idx.msk [tilespmem:v63+s11+$0x0], $0xffff;
	[tilespmem:s0+$0x96E0] =	vst v12  }
0x3dd: {  	v17 =	vadd.s32 v7, v17;
	[tilespmem:s31+$0x9660] =	vst v11;
	v38 =	vld [tilespmem:s4+$0x70]  }
0x3de: {  	v35 =	vadd.s32 $0x2, v15;
	v39 =	vld [tilespmem:s2+$0xFFFFFF70];
	[tilespmem:s0+$0x6460] =	vst v18  }
0x3df: {  	v16 =	vadd.s32 v7, v16;
	v36 =	vld.idx.msk [tilespmem:v14+s11+$0x0], $0xffff  }
0x3e0: {  	[tilespmem:s26+$0x6470] =	vst v9  }
0x3e1: {  	v10 =	vadd.s32 v7, v10;
	v8 =	vld.idx.msk [tilespmem:v8+s11+$0x0], $0xffff  }
0x3e2: {  	v46 =	vld.idx.msk [tilespmem:v17+s11+$0x0], $0xffff;
	[tilespmem:s29+$0x32F0] =	vst v34;
	v11 =	vadd.s32 v7, v38  }
0x3e3: {  	v37 =	vld.idx.msk [tilespmem:v35+s11+$0x0], $0xffff;
	v12 =	vadd.s32 v7, v39  }
0x3e4: {  	v40 =	vadd.s32 $0x3, v15;
	v44 =	vld.idx.msk [tilespmem:v16+s11+$0x0], $0xffff;
	[tilespmem:s0+$0x9660] =	vst v36  }
0x3e5: {  	v45 =	vadd.s32 $0x1, v16;
	v41 =	vld [tilespmem:s4+$0xFFFFFF70]  }
0x3e6: {  	v42 =	vld.idx.msk [tilespmem:v10+s11+$0x0], $0xffff;
	v47 =	vadd.s32 $0x1, v17  }
0x3e7: {  	[tilespmem:s26+$0x9670] =	vst v8;
	v43 =	vadd.s32 $0x1, v10;
	v48 =	vld.idx.msk [tilespmem:v11+s11+$0x0], $0xffff  }
0x3e8: {  	[tilespmem:s29+$0x64F0] =	vst v37;
	v49 =	vld.idx.msk [tilespmem:v12+s11+$0x0], $0xffff;
	v8 =	vadd.s32 $0x1, v11  }
0x3e9: {  	[tilespmem:s31+$0xF0] =	vst v44;
	v13 =	vld.idx.msk [tilespmem:v40+s11+$0x0], $0xffff;
	v50 =	vadd.s32 $0x1, v12  }
0x3ea: {  	[tilespmem:s29+$0x70] =	vst v46;
	v18 =	vld.idx.msk [tilespmem:v45+s11+$0x0], $0xffff;
	v7 =	vadd.s32 v7, v41  }
0x3eb: {  	[tilespmem:s28+$0x70] =	vst v42;
	v9 =	vld.idx.msk [tilespmem:v47+s11+$0x0], $0xffff;
	v54 =	vadd.s32 $0x2, v16  }
0x3ec: {  	v55 =	vadd.s32 $0x2, v17;
	v14 =	vld.idx.msk [tilespmem:v43+s11+$0x0], $0xffff;
	[tilespmem:s0+$0xF0] =	vst v48  }
0x3ed: {  	v53 =	vadd.s32 $0x2, v10;
	[tilespmem:s31+$0x70] =	vst v49;
	v8 =	vld.idx.msk [tilespmem:v8+s11+$0x0], $0xffff  }
0x3ee: {  	[tilespmem:s29+$0x96F0] =	vst v13;
	v13 =	vld.idx.msk [tilespmem:v50+s11+$0x0], $0xffff  }
0x3ef: {  	[tilespmem:s31+$0x32F0] =	vst v18;
	v57 =	vadd.s32 $0x2, v12;
	v51 =	vld.idx.msk [tilespmem:v7+s11+$0x0], $0xffff  }
0x3f0: {  	[tilespmem:s29+$0x3270] =	vst v9;
	v19 =	vld.idx.msk [tilespmem:v54+s11+$0x0], $0xffff;
	v52 =	vadd.s32 $0x1, v7  }
0x3f1: {  	v61 =	vld.idx.msk [tilespmem:v55+s11+$0x0], $0xffff;
	v60 =	vadd.s32 $0x3, v16;
	[tilespmem:s28+$0x3270] =	vst v14  }
0x3f2: {  	v58 =	vld.idx.msk [tilespmem:v53+s11+$0x0], $0xffff;
	[tilespmem:s0+$0x32F0] =	vst v8;
	v8 =	vadd.s32 $0x3, v17  }
0x3f3: {  	v10 =	vadd.s32 $0x3, v10;
	[tilespmem:s31+$0x3270] =	vst v13  }
0x3f4: {  	v56 =	vadd.s32 $0x2, v11;
	[tilespmem:s0+$0x70] =	vst v51;
	v13 =	vld.idx.msk [tilespmem:v57+s11+$0x0], $0xffff  }
0x3f5: {  	v12 =	vadd.s32 $0x3, v12;
	[tilespmem:s31+$0x64F0] =	vst v19;
	v15 =	vld.idx.msk [tilespmem:v52+s11+$0x0], $0xffff  }
0x3f6: {  	[tilespmem:s29+$0x6470] =	vst v61;
	v9 =	vld.idx.msk [tilespmem:v60+s11+$0x0], $0xffff;
	v59 =	vadd.s32 $0x2, v7  }
0x3f7: {  	[tilespmem:s28+$0x6470] =	vst v58;
	v8 =	vld.idx.msk [tilespmem:v8+s11+$0x0], $0xffff  }
0x3f8: {  	v10 =	vld.idx.msk [tilespmem:v10+s11+$0x0], $0xffff  }
0x3f9: {  	[tilespmem:s31+$0x6470] =	vst v13;
	v62 =	vld.idx.msk [tilespmem:v56+s11+$0x0], $0xffff  }
0x3fa: {  	[tilespmem:s0+$0x3270] =	vst v15;
	v12 =	vld.idx.msk [tilespmem:v12+s11+$0x0], $0xffff  }
0x3fb: {  	s3 =	sor.u32 $0x1, s24;
	v11 =	vadd.s32 $0x3, v11;
	[tilespmem:s31+$0x96F0] =	vst v9;
	v63 =	vld.idx.msk [tilespmem:v59+s11+$0x0], $0xffff  }
0x3fc: {  	v7 =	vadd.s32 $0x3, v7;
	[tilespmem:s29+$0x9670] =	vst v8;
	s29 =	smulhi.u32 $0x66666667, s3  }
0x3fd: {  	[tilespmem:s28+$0x9670] =	vst v10  }
0x3fe: {  	s28 =	sshll.u32 s23, $0x9;
	[tilespmem:s0+$0x64F0] =	vst v62;
	s23 =	sshrl.u32 s29, $0x1  }
0x3ff: {  	[tilespmem:s31+$0x9670] =	vst v12;
	s31 =	smul.u32 $0xFFFFFFFB, s23  }
0x400: {  	v11 =	vld.idx.msk [tilespmem:v11+s11+$0x0], $0xffff;
	[tilespmem:s0+$0x6470] =	vst v63  }
0x401: {  	v7 =	vld.idx.msk [tilespmem:v7+s11+$0x0], $0xffff;
	s24 =	sadd.s32 s3, s31  }
0x402: {  	s1 =	smul.u32 $0x640000, s25;
	p1 =	sne.s32 s24, $0x0  }
.Ltmp4:
0x403: {  	s2 =	sadd.s32 s12, s28;
	(pc) =	sbr.rel @p1 .LBB2_14-.Ltmp4, $4  }
0x404: {  	s1 =	sor.u32 s2, s1  }
0x405: {  	s1 =	sshrl.u32 s1, $0x3;
	[tilespmem:s0+$0x96F0] =	vst v11  }
0x406: {  	s30 =	sadd.s32 s6, s1;
	[tilespmem:s0+$0x9670] =	vst v7  }
0x407: {  	[hbm4b:s30+s17] =	stream.strided.scatter [tilespmem:s21], [sflag:$0x1], $0xC800, s18, s17, $0x38;
	[tilespmem:$0x1FC80] =	vst v63  }
0x408: {  	s0 =	sshll.u32 s23, $0x7  }
0x409: {  	s0 =	sadd.s32 s8, s0  }
0x40a: {  	s0 =	sand.u32 $0x1FFFFF80, s0  }
0x40b: {  	s0 =	sadd.s32 s5, s0  }
0x40c: {  	[tilespmem:s16], [sflag:$0x3] =	stream.strided.gather [hbm4b:s0+s14], $0x6400, s15, s14, $0x38;
	[tilespmem:$0x1FC80] =	vst v63  }
0x40d: {  	_ =	swait.ge [sflag:s13], $0x6400  }
0x40e: {  	[sflag:s13] =	ssyncset.done $0x0  }
0x40f: {  	s0 =	simm.s32 $0xA80;
	[sflag:s13] =	ssyncadd.s32 $0xFFFF9C00  }
0x410: {  	v7 =	vld [tilespmem:s0+$0x170]  }
0x411: {  	v8 =	vld [tilespmem:s0+$0xFFFFFE10]  }
0x412: {  	v9 =	vld [tilespmem:s0+$0x1F0]  }
0x413: {  	v10 =	vld [tilespmem:s0+$0xFFFFFE20]  }
0x414: {  	v11 =	vld [tilespmem:s0+$0xFFFFFE30]  }
0x415: {  	v12 =	vld [tilespmem:s0+$0xFFFFFE40]  }
0x416: {  	v13 =	vld [tilespmem:s0+$0xFFFFFE50]  }
0x417: {  	v14 =	vld [tilespmem:s0+$0xFFFFFE60]  }
0x418: {  	v15 =	vld [tilespmem:s0+$0xFFFFFE70]  }
0x419: {  	v16 =	vld [tilespmem:s0+$0xFFFFFF00]  }
0x41a: {  	v17 =	vld [tilespmem:s0+$0xFFFFFF10]  }
0x41b: {  	v18 =	vld [tilespmem:s0+$0xFFFFFF20]  }
0x41c: {  	v19 =	vld [tilespmem:s0+$0xFFFFFF30]  }
0x41d: {  	v20 =	vld [tilespmem:s0+$0xFFFFFF40]  }
0x41e: {  	v21 =	vld [tilespmem:s0+$0xFFFFFF50]  }
0x41f: {  	v22 =	vld [tilespmem:s0+$0xFFFFFF60]  }
0x420: {  	v23 =	vld [tilespmem:s0+$0xFFFFFF70]  }
0x421: {  	v24 =	vld [tilespmem:s0+$0x0]  }
0x422: {  	v25 =	vld [tilespmem:s0+$0x10]  }
0x423: {  	v26 =	vld [tilespmem:s0+$0x20]  }
0x424: {  	v27 =	vld [tilespmem:s0+$0x30]  }
0x425: {  	v28 =	vld [tilespmem:s0+$0x50]  }
0x426: {  	v29 =	vld [tilespmem:s0+$0x60]  }
0x427: {  	v30 =	vld [tilespmem:s0+$0x100]  }
0x428: {  	v31 =	vld [tilespmem:s0+$0x110]  }
0x429: {  	v32 =	vld [tilespmem:s0+$0x120]  }
0x42a: {  	v33 =	vld [tilespmem:s0+$0x130]  }
0x42b: {  	v34 =	vld [tilespmem:s0+$0x140]  }
0x42c: {  	v35 =	vld [tilespmem:s0+$0x150]  }
0x42d: {  	v37 =	vld [tilespmem:s0+$0xFFFFFE00]  }
0x42e: {  	v38 =	vld [tilespmem:s0+$0xFFFFFE80]  }
0x42f: {  	v39 =	vld [tilespmem:s0+$0xFFFFFE90]  }
0x430: {  	v40 =	vld [tilespmem:s0+$0xFFFFFEA0]  }
0x431: {  	v41 =	vld [tilespmem:s0+$0xFFFFFEB0]  }
0x432: {  	v42 =	vld [tilespmem:s0+$0xFFFFFEC0]  }
0x433: {  	v43 =	vld [tilespmem:s0+$0xFFFFFED0];
	v7 =	vmul.u32 $0xA, v7  }
0x434: {  	v56 =	vld [tilespmem:s0+$0xFFFFFEE0];
	v8 =	vmul.u32 $0xA, v8;
	v10 =	vmul.u32 $0xA, v10;
	v11 =	vmul.u32 $0xA, v11  }
0x435: {  	v57 =	vld [tilespmem:s0+$0xFFFFFEF0];
	v37 =	vmul.u32 $0xA, v37;
	v12 =	vmul.u32 $0xA, v12;
	v13 =	vmul.u32 $0xA, v13  }
0x436: {  	v58 =	vld [tilespmem:s0+$0xFFFFFF80];
	v14 =	vmul.u32 $0xA, v14;
	v15 =	vmul.u32 $0xA, v15;
	v7 =	vadd.s32 v9, v7  }
0x437: {  	v59 =	vld [tilespmem:s0+$0xFFFFFF90];
	v16 =	vmul.u32 $0xA, v16;
	v37 =	vadd.s32 v38, v37;
	v7 =	vmul.u32 $0x14, v7  }
0x438: {  	v60 =	vld [tilespmem:s0+$0xF0];
	v17 =	vmul.u32 $0xA, v17;
	v8 =	vadd.s32 v39, v8;
	v37 =	vmul.u32 $0x14, v37  }
0x439: {  	v18 =	vmul.u32 $0xA, v18;
	v9 =	vld [tilespmem:s0+$0x40];
	v10 =	vadd.s32 v40, v10;
	v8 =	vmul.u32 $0x14, v8;
	[tilespmem:s0+$0x170] =	vst v7  }
0x43a: {  	v19 =	vmul.u32 $0xA, v19;
	v11 =	vadd.s32 v41, v11;
	v10 =	vmul.u32 $0x14, v10;
	v7 =	vld [tilespmem:s0+$0x70];
	[tilespmem:s0+$0xFFFFFE00] =	vst v37  }
0x43b: {  	v20 =	vmul.u32 $0xA, v20;
	v12 =	vadd.s32 v42, v12;
	v11 =	vmul.u32 $0x14, v11;
	[tilespmem:s0+$0xFFFFFE10] =	vst v8;
	v8 =	vld [tilespmem:s0+$0xFFFFFFA0]  }
0x43c: {  	v21 =	vmul.u32 $0xA, v21;
	v13 =	vadd.s32 v43, v13;
	v12 =	vmul.u32 $0x14, v12;
	[tilespmem:s0+$0xFFFFFE20] =	vst v10;
	v10 =	vld [tilespmem:s0+$0xFFFFFFB0]  }
0x43d: {  	v22 =	vmul.u32 $0xA, v22;
	v14 =	vadd.s32 v56, v14;
	v13 =	vmul.u32 $0x14, v13;
	[tilespmem:s0+$0xFFFFFE30] =	vst v11;
	v11 =	vld [tilespmem:s0+$0xFFFFFFC0]  }
0x43e: {  	v23 =	vmul.u32 $0xA, v23;
	v15 =	vadd.s32 v57, v15;
	v14 =	vmul.u32 $0x14, v14;
	[tilespmem:s0+$0xFFFFFE40] =	vst v12;
	v12 =	vld [tilespmem:s0+$0xFFFFFFD0]  }
0x43f: {  	v24 =	vmul.u32 $0xA, v24;
	v16 =	vadd.s32 v58, v16;
	v15 =	vmul.u32 $0x14, v15;
	[tilespmem:s0+$0xFFFFFE50] =	vst v13;
	v13 =	vld [tilespmem:s0+$0xFFFFFFE0]  }
0x440: {  	v25 =	vmul.u32 $0xA, v25;
	v17 =	vadd.s32 v59, v17;
	v16 =	vmul.u32 $0x14, v16;
	[tilespmem:s0+$0xFFFFFE60] =	vst v14;
	v14 =	vld [tilespmem:s0+$0xFFFFFFF0]  }
0x441: {  	v61 =	vld [tilespmem:s0+$0x190];
	v26 =	vmul.u32 $0xA, v26;
	v17 =	vmul.u32 $0x14, v17;
	[tilespmem:s0+$0xFFFFFE70] =	vst v15;
	v8 =	vadd.s32 v8, v18  }
0x442: {  	[tilespmem:s0+$0xFFFFFF00] =	vst v16;
	v16 =	vld [tilespmem:s0+$0x90];
	v9 =	vmul.u32 $0xA, v9;
	v10 =	vadd.s32 v10, v19;
	v8 =	vmul.u32 $0x14, v8  }
0x443: {  	[tilespmem:s0+$0xFFFFFF10] =	vst v17;
	v17 =	vld [tilespmem:s0+$0xA0];
	v11 =	vadd.s32 v11, v20;
	v12 =	vadd.s32 v12, v21;
	v10 =	vmul.u32 $0x14, v10  }
0x444: {  	v15 =	vld [tilespmem:s0+$0x80];
	v13 =	vadd.s32 v13, v22;
	v21 =	vmul.u32 $0xA, v7;
	v11 =	vmul.u32 $0x14, v11;
	[tilespmem:s0+$0xFFFFFF20] =	vst v8  }
0x445: {  	v12 =	vmul.u32 $0x14, v12;
	v7 =	vmul.u32 $0x14, v13;
	v13 =	vadd.s32 v14, v23;
	v14 =	vld [tilespmem:s0+$0xD0];
	[tilespmem:s0+$0xFFFFFF30] =	vst v10  }
0x446: {  	v18 =	vmul.u32 $0xA, v27;
	v19 =	vmul.u32 $0xA, v28;
	v20 =	vmul.u32 $0xA, v29;
	v8 =	vld [tilespmem:s0+$0xB0];
	[tilespmem:s0+$0xFFFFFF40] =	vst v11  }
0x447: {  	v22 =	vmul.u32 $0xA, v30;
	v16 =	vadd.s32 v16, v25;
	v13 =	vmul.u32 $0x14, v13;
	v10 =	vld [tilespmem:s0+$0xC0];
	[tilespmem:s0+$0xFFFFFF50] =	vst v12  }
0x448: {  	v17 =	vadd.s32 v17, v26;
	v23 =	vmul.u32 $0xA, v31;
	v16 =	vmul.u32 $0x14, v16;
	v12 =	vld [tilespmem:s0+$0xE0];
	[tilespmem:s0+$0xFFFFFF60] =	vst v7  }
0x449: {  	v17 =	vmul.u32 $0x14, v17;
	v11 =	vadd.s32 v15, v24;
	v7 =	vmul.u32 $0xA, v33;
	[tilespmem:s0+$0xFFFFFF70] =	vst v13;
	v13 =	vld [tilespmem:s0+$0x180]  }
0x44a: {  	v36 =	vld [tilespmem:s0+$0x160];
	[tilespmem:s0+$0x10] =	vst v16;
	v15 =	vmul.u32 $0x14, v11;
	v11 =	vmul.u32 $0xA, v32;
	v14 =	vadd.s32 v14, v19  }
0x44b: {  	v16 =	vld [tilespmem:s0+$0x1A0];
	[tilespmem:s0+$0x20] =	vst v17;
	v63 =	vmul.u32 $0x14, v14;
	v18 =	vadd.s32 v8, v18;
	v8 =	vmul.u32 $0xA, v34  }
0x44c: {  	[tilespmem:s0+$0x0] =	vst v15;
	v15 =	vld [tilespmem:s0+$0x1B0];
	v10 =	vadd.s32 v10, v9;
	v9 =	vmul.u32 $0xA, v35;
	v18 =	vmul.u32 $0x14, v18  }
0x44d: {  	v14 =	vld [tilespmem:s0+$0x1C0];
	v12 =	vadd.s32 v12, v20;
	v20 =	vadd.s32 v61, v23;
	v62 =	vmul.u32 $0x14, v10;
	[tilespmem:s0+$0x50] =	vst v63  }
0x44e: {  	v17 =	vmul.u32 $0x14, v12;
	v12 =	vadd.s32 v60, v21;
	[tilespmem:s0+$0x30] =	vst v18;
	v18 =	vadd.s32 v13, v22;
	v13 =	vld [tilespmem:s0+$0x1D0]  }
0x44f: {  	s1 =	simm.s32 $0x0;
	s2 =	simm.s32 $0xE80;
	v10 =	vmul.u32 $0xA, v36;
	v19 =	vmul.u32 $0x14, v12;
	v12 =	vld [tilespmem:s0+$0x1E0];
	[tilespmem:s0+$0x40] =	vst v62;
	v18 =	vmul.u32 $0x14, v18  }
.LBB2_12:
0x450: {  	v21 =	vld [tilespmem:s2+$0x170];
	s1 =	sadd.s32 $0x4, s1;
	[tilespmem:s0+$0x60] =	vst v17;
	v17 =	vmul.u32 $0x14, v20;
	v11 =	vadd.s32 v16, v11  }
0x451: {  	v16 =	vld [tilespmem:s2+$0xFFFFFE10];
	p1 =	slt.u32 s1, $0x60;
	[tilespmem:s0+$0x70] =	vst v19;
	v11 =	vmul.u32 $0x14, v11;
	v7 =	vadd.s32 v15, v7  }
0x452: {  	v15 =	vld [tilespmem:s2+$0x1F0];
	[tilespmem:s0+$0x100] =	vst v18;
	v7 =	vmul.u32 $0x14, v7;
	v8 =	vadd.s32 v14, v8  }
0x453: {  	v14 =	vld [tilespmem:s2+$0xFFFFFE20];
	[tilespmem:s0+$0x110] =	vst v17;
	v8 =	vmul.u32 $0x14, v8;
	v9 =	vadd.s32 v13, v9  }
0x454: {  	v13 =	vld [tilespmem:s2+$0xFFFFFE30];
	[tilespmem:s0+$0x120] =	vst v11;
	v9 =	vmul.u32 $0x14, v9;
	v10 =	vadd.s32 v12, v10  }
0x455: {  	v11 =	vld [tilespmem:s2+$0xFFFFFE40];
	v12 =	vmul.u32 $0xA, v21;
	[tilespmem:s0+$0x130] =	vst v7;
	v7 =	vmul.u32 $0x14, v10  }
0x456: {  	v20 =	vmul.u32 $0xA, v16;
	v10 =	vld [tilespmem:s2+$0xFFFFFE50];
	[tilespmem:s0+$0x140] =	vst v8  }
0x457: {  	v8 =	vld [tilespmem:s2+$0xFFFFFE60];
	v12 =	vadd.s32 v15, v12;
	[tilespmem:s0+$0x150] =	vst v9  }
0x458: {  	v21 =	vmul.u32 $0xA, v14;
	v9 =	vld [tilespmem:s2+$0xFFFFFE70];
	v12 =	vmul.u32 $0x14, v12;
	[tilespmem:s0+$0x160] =	vst v7;
	s0 =	smov.u32 s2  }
0x459: {  	v22 =	vmul.u32 $0xA, v13;
	v7 =	vld [tilespmem:s2+$0xFFFFFF00]  }
0x45a: {  	v23 =	vmul.u32 $0xA, v11;
	v11 =	vld [tilespmem:s2+$0xFFFFFF10];
	[tilespmem:s2+$0x170] =	vst v12  }
0x45b: {  	v24 =	vmul.u32 $0xA, v10;
	v10 =	vld [tilespmem:s2+$0xFFFFFF20]  }
0x45c: {  	v25 =	vmul.u32 $0xA, v8;
	v8 =	vld [tilespmem:s2+$0xFFFFFF30]  }
0x45d: {  	v26 =	vmul.u32 $0xA, v9;
	v9 =	vld [tilespmem:s2+$0xFFFFFF40]  }
0x45e: {  	v27 =	vmul.u32 $0xA, v7;
	v7 =	vld [tilespmem:s2+$0xFFFFFF50]  }
0x45f: {  	v28 =	vmul.u32 $0xA, v11;
	v11 =	vld [tilespmem:s2+$0xFFFFFF60]  }
0x460: {  	v29 =	vmul.u32 $0xA, v10;
	v10 =	vld [tilespmem:s2+$0xFFFFFF70]  }
0x461: {  	v30 =	vmul.u32 $0xA, v8;
	v8 =	vld [tilespmem:s2+$0x0]  }
0x462: {  	v31 =	vmul.u32 $0xA, v9;
	v9 =	vld [tilespmem:s2+$0x10]  }
0x463: {  	v32 =	vmul.u32 $0xA, v7;
	v7 =	vld [tilespmem:s2+$0x20]  }
0x464: {  	v33 =	vmul.u32 $0xA, v11;
	v11 =	vld [tilespmem:s2+$0x30]  }
0x465: {  	v34 =	vmul.u32 $0xA, v10;
	v10 =	vld [tilespmem:s2+$0x40]  }
0x466: {  	v35 =	vmul.u32 $0xA, v8;
	v8 =	vld [tilespmem:s2+$0x50]  }
0x467: {  	v36 =	vmul.u32 $0xA, v9;
	v9 =	vld [tilespmem:s2+$0x60]  }
0x468: {  	v19 =	vmul.u32 $0xA, v7;
	v7 =	vld [tilespmem:s2+$0x70]  }
0x469: {  	v18 =	vmul.u32 $0xA, v11;
	v11 =	vld [tilespmem:s2+$0x100]  }
0x46a: {  	v17 =	vmul.u32 $0xA, v10;
	v10 =	vld [tilespmem:s2+$0x110]  }
0x46b: {  	v16 =	vmul.u32 $0xA, v8;
	v8 =	vld [tilespmem:s2+$0x120]  }
0x46c: {  	v15 =	vmul.u32 $0xA, v9;
	v9 =	vld [tilespmem:s2+$0x130]  }
0x46d: {  	v14 =	vmul.u32 $0xA, v7;
	v37 =	vld [tilespmem:s2+$0x140]  }
0x46e: {  	v13 =	vmul.u32 $0xA, v11;
	v38 =	vld [tilespmem:s2+$0x150]  }
0x46f: {  	v12 =	vmul.u32 $0xA, v10;
	v10 =	vld [tilespmem:s2+$0x160]  }
0x470: {  	v39 =	vld [tilespmem:s2+$0xFFFFFE00];
	v11 =	vmul.u32 $0xA, v8  }
0x471: {  	v40 =	vld [tilespmem:s2+$0xFFFFFE80];
	v7 =	vmul.u32 $0xA, v9  }
0x472: {  	v41 =	vld [tilespmem:s2+$0xFFFFFE90];
	v8 =	vmul.u32 $0xA, v37  }
0x473: {  	v37 =	vld [tilespmem:s2+$0xFFFFFEA0];
	v9 =	vmul.u32 $0xA, v38  }
0x474: {  	v38 =	vld [tilespmem:s2+$0xFFFFFEB0];
	v10 =	vmul.u32 $0xA, v10  }
0x475: {  	v39 =	vmul.u32 $0xA, v39;
	v42 =	vld [tilespmem:s2+$0xFFFFFEC0]  }
0x476: {  	v43 =	vld [tilespmem:s2+$0xFFFFFED0]  }
0x477: {  	v39 =	vadd.s32 v40, v39;
	v20 =	vadd.s32 v41, v20;
	v40 =	vld [tilespmem:s2+$0xFFFFFEE0]  }
0x478: {  	v39 =	vmul.u32 $0x14, v39;
	v20 =	vmul.u32 $0x14, v20;
	v21 =	vadd.s32 v37, v21;
	v37 =	vld [tilespmem:s2+$0xFFFFFEF0]  }
0x479: {  	v21 =	vmul.u32 $0x14, v21;
	v22 =	vadd.s32 v38, v22;
	v38 =	vld [tilespmem:s2+$0xFFFFFF80]  }
0x47a: {  	[tilespmem:s2+$0xFFFFFE00] =	vst v39;
	v22 =	vmul.u32 $0x14, v22;
	v23 =	vadd.s32 v42, v23;
	v39 =	vld [tilespmem:s2+$0xFFFFFF90]  }
0x47b: {  	[tilespmem:s2+$0xFFFFFE10] =	vst v20;
	v20 =	vmul.u32 $0x14, v23;
	v23 =	vadd.s32 v43, v24;
	v24 =	vld [tilespmem:s2+$0xFFFFFFA0]  }
0x47c: {  	[tilespmem:s2+$0xFFFFFE20] =	vst v21;
	v21 =	vmul.u32 $0x14, v23;
	v23 =	vadd.s32 v40, v25;
	v25 =	vld [tilespmem:s2+$0xFFFFFFB0]  }
0x47d: {  	[tilespmem:s2+$0xFFFFFE30] =	vst v22;
	v22 =	vmul.u32 $0x14, v23;
	v23 =	vadd.s32 v37, v26;
	v26 =	vld [tilespmem:s2+$0xFFFFFFC0]  }
0x47e: {  	[tilespmem:s2+$0xFFFFFE40] =	vst v20;
	v20 =	vmul.u32 $0x14, v23;
	v23 =	vadd.s32 v38, v27;
	v27 =	vld [tilespmem:s2+$0xFFFFFFD0]  }
0x47f: {  	[tilespmem:s2+$0xFFFFFE50] =	vst v21;
	v21 =	vmul.u32 $0x14, v23;
	v23 =	vadd.s32 v39, v28;
	v28 =	vld [tilespmem:s2+$0xFFFFFFE0]  }
0x480: {  	[tilespmem:s2+$0xFFFFFE60] =	vst v22;
	v22 =	vmul.u32 $0x14, v23;
	v23 =	vadd.s32 v24, v29;
	v24 =	vld [tilespmem:s2+$0xFFFFFFF0]  }
0x481: {  	[tilespmem:s2+$0xFFFFFE70] =	vst v20;
	v20 =	vmul.u32 $0x14, v23;
	v23 =	vadd.s32 v25, v30;
	v25 =	vld [tilespmem:s2+$0x80]  }
0x482: {  	[tilespmem:s2+$0xFFFFFF00] =	vst v21;
	v21 =	vmul.u32 $0x14, v23;
	v23 =	vadd.s32 v26, v31;
	v26 =	vld [tilespmem:s2+$0x90]  }
0x483: {  	[tilespmem:s2+$0xFFFFFF10] =	vst v22;
	v22 =	vmul.u32 $0x14, v23;
	v23 =	vadd.s32 v27, v32;
	v27 =	vld [tilespmem:s2+$0xA0]  }
0x484: {  	[tilespmem:s2+$0xFFFFFF20] =	vst v20;
	v20 =	vmul.u32 $0x14, v23;
	v23 =	vadd.s32 v28, v33;
	v28 =	vld [tilespmem:s2+$0xB0]  }
0x485: {  	[tilespmem:s2+$0xFFFFFF30] =	vst v21;
	v21 =	vmul.u32 $0x14, v23;
	v23 =	vadd.s32 v24, v34;
	v24 =	vld [tilespmem:s2+$0xC0]  }
0x486: {  	[tilespmem:s2+$0xFFFFFF40] =	vst v22;
	v22 =	vmul.u32 $0x14, v23;
	v23 =	vadd.s32 v25, v35;
	v25 =	vld [tilespmem:s2+$0xD0]  }
0x487: {  	[tilespmem:s2+$0xFFFFFF50] =	vst v20;
	v20 =	vmul.u32 $0x14, v23;
	v23 =	vadd.s32 v26, v36;
	v26 =	vld [tilespmem:s2+$0xE0]  }
0x488: {  	[tilespmem:s2+$0xFFFFFF60] =	vst v21;
	v21 =	vmul.u32 $0x14, v23;
	v19 =	vadd.s32 v27, v19;
	v23 =	vld [tilespmem:s2+$0xF0]  }
0x489: {  	[tilespmem:s2+$0xFFFFFF70] =	vst v22;
	v19 =	vmul.u32 $0x14, v19;
	v18 =	vadd.s32 v28, v18;
	v22 =	vld [tilespmem:s2+$0x180]  }
0x48a: {  	[tilespmem:s2+$0x0] =	vst v20;
	v18 =	vmul.u32 $0x14, v18;
	v17 =	vadd.s32 v24, v17;
	v20 =	vld [tilespmem:s2+$0x190]  }
.Ltmp5:
0x48b: {  	[tilespmem:s2+$0x10] =	vst v21;
	v21 =	vmul.u32 $0x14, v17;
	v17 =	vadd.s32 v25, v16;
	v16 =	vld [tilespmem:s2+$0x1A0];
	(pc) =	sbr.rel @p1 .LBB2_12-.Ltmp5, $4  }
0x48c: {  	[tilespmem:s2+$0x20] =	vst v19;
	v24 =	vmul.u32 $0x14, v17;
	v17 =	vadd.s32 v26, v15;
	v15 =	vld [tilespmem:s2+$0x1B0]  }
0x48d: {  	[tilespmem:s2+$0x30] =	vst v18;
	v17 =	vmul.u32 $0x14, v17;
	v18 =	vadd.s32 v23, v14;
	v14 =	vld [tilespmem:s2+$0x1C0]  }
0x48e: {  	[tilespmem:s2+$0x40] =	vst v21;
	v19 =	vmul.u32 $0x14, v18;
	v18 =	vadd.s32 v22, v13;
	v13 =	vld [tilespmem:s2+$0x1D0]  }
0x48f: {  	s2 =	sadd.s32 $0x400, s2;
	[tilespmem:s0+$0x50] =	vst v24;
	v18 =	vmul.u32 $0x14, v18;
	v20 =	vadd.s32 v20, v12;
	v12 =	vld [tilespmem:s0+$0x1E0]  }
0x490: {  	[tilespmem:s0+$0x60] =	vst v17  }
0x491: {  	v63 =	vmul.u32 $0x14, v20;
	v11 =	vadd.s32 v16, v11;
	[tilespmem:s0+$0x70] =	vst v19  }
0x492: {  	v11 =	vmul.u32 $0x14, v11;
	v7 =	vadd.s32 v15, v7;
	[tilespmem:s0+$0x100] =	vst v18  }
0x493: {  	v7 =	vmul.u32 $0x14, v7;
	v8 =	vadd.s32 v14, v8;
	[tilespmem:s0+$0x110] =	vst v63  }
0x494: {  	v8 =	vmul.u32 $0x14, v8;
	v9 =	vadd.s32 v13, v9;
	[tilespmem:s0+$0x120] =	vst v11  }
0x495: {  	v9 =	vmul.u32 $0x14, v9;
	v10 =	vadd.s32 v12, v10;
	[tilespmem:s0+$0x130] =	vst v7  }
0x496: {  	v7 =	vmul.u32 $0x14, v10;
	[tilespmem:s0+$0x140] =	vst v8  }
0x497: {  	[tilespmem:s0+$0x150] =	vst v9  }
0x498: {  	[tilespmem:s0+$0x160] =	vst v7  }
.LBB2_14:
0x499: {  	s0 =	simm.s32 @!p0 $0x2  }
0x49a: {  	_ =	swait.ge @!p0 [sflag:s0], $0xC800  }
0x49b: {  	[sflag:s0] =	ssyncset.done @!p0 $0x0  }
0x49c: {  	s9 =	simm.s32 $0x980;
	[sflag:s0] =	ssyncadd.s32 @!p0 $0xFFFF3800  }
0x49d: {  	v8 =	vld [tilespmem:s9+$0x0];
	_ =	sdelay $0x2  }
0x49e: {  	s26 =	sshll.u32 s24, $0x2  }
0x49f: {  	v7 =	vmov s26  }
0x4a0: {  	v8 =	vadd.s32 v7, v8;
	_ =	sdelay $0x4  }
0x4a1: {  	v9 =	vld.idx.msk [tilespmem:v8+s11+$0x0], $0xffff  }
0x4a2: {  	v10 =	vadd.s32 $0x1, v8;
	_ =	sdelay $0x1  }
0x4a3: {  	v11 =	vld [tilespmem:s9+$0xFFFFFF00]  }
0x4a4: {  	s25 =	simm.s32 $0x13480  }
0x4a5: {  	[tilespmem:s25+$0x80] =	vst v9  }
0x4a6: {  	v9 =	vld.idx.msk [tilespmem:v10+s11+$0x0], $0xffff  }
0x4a7: {  	v10 =	vadd.s32 $0x2, v8  }
0x4a8: {  	v11 =	vadd.s32 v7, v11;
	_ =	sdelay $0x2  }
0x4a9: {  	[tilespmem:s25+$0x3280] =	vst v9  }
0x4aa: {  	v9 =	vld.idx.msk [tilespmem:v10+s11+$0x0], $0xffff  }
0x4ab: {  	v8 =	vadd.s32 $0x3, v8;
	v10 =	vld.idx.msk [tilespmem:v11+s11+$0x0], $0xffff  }
0x4ac: {  	v12 =	vadd.s32 $0x1, v11;
	_ =	sdelay $0x2  }
0x4ad: {  	[tilespmem:s25+$0x6480] =	vst v9  }
0x4ae: {  	[tilespmem:s25+$0x0] =	vst v10;
	v8 =	vld.idx.msk [tilespmem:v8+s11+$0x0], $0xffff  }
0x4af: {  	v9 =	vld.idx.msk [tilespmem:v12+s11+$0x0], $0xffff  }
0x4b0: {  	v10 =	vadd.s32 $0x2, v11;
	_ =	sdelay $0x2  }
0x4b1: {  	[tilespmem:s25+$0x9680] =	vst v8  }
0x4b2: {  	[tilespmem:s25+$0x3200] =	vst v9;
	v8 =	vld [tilespmem:s9+$0x10]  }
0x4b3: {  	v9 =	vld.idx.msk [tilespmem:v10+s11+$0x0], $0xffff  }
0x4b4: {  	v10 =	vadd.s32 $0x3, v11;
	_ =	sdelay $0x2  }
0x4b5: {  	v8 =	vadd.s32 v7, v8  }
0x4b6: {  	[tilespmem:s25+$0x6400] =	vst v9  }
0x4b7: {  	v9 =	vld.idx.msk [tilespmem:v10+s11+$0x0], $0xffff;
	_ =	sdelay $0x2  }
0x4b8: {  	v10 =	vld.idx.msk [tilespmem:v8+s11+$0x0], $0xffff  }
0x4b9: {  	v11 =	vadd.s32 $0x1, v8  }
0x4ba: {  	[tilespmem:s25+$0x9600] =	vst v9  }
0x4bb: {  	v9 =	vld [tilespmem:s9+$0xFFFFFF10];
	_ =	sdelay $0x1  }
0x4bc: {  	[tilespmem:s25+$0x90] =	vst v10  }
0x4bd: {  	v10 =	vld.idx.msk [tilespmem:v11+s11+$0x0], $0xffff  }
0x4be: {  	v11 =	vadd.s32 $0x2, v8  }
0x4bf: {  	v9 =	vadd.s32 v7, v9;
	_ =	sdelay $0x2  }
0x4c0: {  	[tilespmem:s25+$0x3290] =	vst v10  }
0x4c1: {  	v10 =	vld.idx.msk [tilespmem:v11+s11+$0x0], $0xffff  }
0x4c2: {  	v8 =	vadd.s32 $0x3, v8;
	v11 =	vld.idx.msk [tilespmem:v9+s11+$0x0], $0xffff  }
0x4c3: {  	v12 =	vadd.s32 $0x1, v9;
	_ =	sdelay $0x2  }
0x4c4: {  	[tilespmem:s25+$0x6490] =	vst v10  }
0x4c5: {  	[tilespmem:s25+$0x10] =	vst v11;
	v8 =	vld.idx.msk [tilespmem:v8+s11+$0x0], $0xffff  }
0x4c6: {  	v10 =	vld.idx.msk [tilespmem:v12+s11+$0x0], $0xffff  }
0x4c7: {  	v11 =	vadd.s32 $0x2, v9;
	_ =	sdelay $0x2  }
0x4c8: {  	[tilespmem:s25+$0x9690] =	vst v8  }
0x4c9: {  	[tilespmem:s25+$0x3210] =	vst v10;
	v8 =	vld [tilespmem:s9+$0x20]  }
0x4ca: {  	v10 =	vld.idx.msk [tilespmem:v11+s11+$0x0], $0xffff  }
0x4cb: {  	v9 =	vadd.s32 $0x3, v9  }
0x4cc: {  	s31 =	simm.s32 $0xB80  }
0x4cd: {  	v11 =	vld [tilespmem:s31+$0x0]  }
0x4ce: {  	v12 =	vld [tilespmem:s31+$0xFFFFFF00];
	v8 =	vadd.s32 v7, v8  }
0x4cf: {  	[tilespmem:s25+$0x6410] =	vst v10  }
0x4d0: {  	v9 =	vld.idx.msk [tilespmem:v9+s11+$0x0], $0xffff;
	_ =	sdelay $0x1  }
0x4d1: {  	v10 =	vadd.s32 v7, v11  }
0x4d2: {  	v11 =	vadd.s32 v7, v12;
	v12 =	vld.idx.msk [tilespmem:v8+s11+$0x0], $0xffff  }
0x4d3: {  	v13 =	vadd.s32 $0x1, v8  }
0x4d4: {  	[tilespmem:s25+$0x9610] =	vst v9  }
0x4d5: {  	v9 =	vld [tilespmem:s9+$0xFFFFFF20]  }
0x4d6: {  	v14 =	vld.idx.msk [tilespmem:v10+s11+$0x0], $0xffff  }
0x4d7: {  	v16 =	vadd.s32 $0x1, v10;
	v15 =	vld.idx.msk [tilespmem:v11+s11+$0x0], $0xffff;
	[tilespmem:s25+$0xA0] =	vst v12  }
0x4d8: {  	v12 =	vadd.s32 $0x1, v11;
	v13 =	vld.idx.msk [tilespmem:v13+s11+$0x0], $0xffff  }
0x4d9: {  	v17 =	vadd.s32 $0x2, v8  }
0x4da: {  	s26 =	simm.s32 $0x13580;
	v9 =	vadd.s32 v7, v9  }
0x4db: {  	[tilespmem:s26+$0x80] =	vst v14  }
0x4dc: {  	[tilespmem:s26+$0x0] =	vst v15;
	v14 =	vld.idx.msk [tilespmem:v16+s11+$0x0], $0xffff  }
0x4dd: {  	v15 =	vadd.s32 $0x2, v10;
	v12 =	vld.idx.msk [tilespmem:v12+s11+$0x0], $0xffff;
	[tilespmem:s25+$0x32A0] =	vst v13  }
0x4de: {  	v13 =	vadd.s32 $0x2, v11;
	v16 =	vld.idx.msk [tilespmem:v17+s11+$0x0], $0xffff  }
0x4df: {  	v8 =	vadd.s32 $0x3, v8;
	v17 =	vld.idx.msk [tilespmem:v9+s11+$0x0], $0xffff  }
0x4e0: {  	v18 =	vadd.s32 $0x1, v9  }
0x4e1: {  	[tilespmem:s26+$0x3280] =	vst v14  }
0x4e2: {  	[tilespmem:s26+$0x3200] =	vst v12;
	v12 =	vld.idx.msk [tilespmem:v15+s11+$0x0], $0xffff  }
0x4e3: {  	v10 =	vadd.s32 $0x3, v10;
	v13 =	vld.idx.msk [tilespmem:v13+s11+$0x0], $0xffff;
	[tilespmem:s25+$0x64A0] =	vst v16  }
0x4e4: {  	v11 =	vadd.s32 $0x3, v11;
	[tilespmem:s25+$0x20] =	vst v17;
	v8 =	vld.idx.msk [tilespmem:v8+s11+$0x0], $0xffff  }
0x4e5: {  	v14 =	vld.idx.msk [tilespmem:v18+s11+$0x0], $0xffff  }
0x4e6: {  	v15 =	vadd.s32 $0x2, v9  }
0x4e7: {  	[tilespmem:s26+$0x6480] =	vst v12  }
0x4e8: {  	[tilespmem:s26+$0x6400] =	vst v13;
	v10 =	vld.idx.msk [tilespmem:v10+s11+$0x0], $0xffff  }
0x4e9: {  	v11 =	vld.idx.msk [tilespmem:v11+s11+$0x0], $0xffff;
	[tilespmem:s25+$0x96A0] =	vst v8  }
0x4ea: {  	[tilespmem:s25+$0x3220] =	vst v14;
	v8 =	vld [tilespmem:s9+$0x30]  }
0x4eb: {  	v12 =	vld.idx.msk [tilespmem:v15+s11+$0x0], $0xffff  }
0x4ec: {  	v9 =	vadd.s32 $0x3, v9  }
0x4ed: {  	[tilespmem:s26+$0x9680] =	vst v10  }
0x4ee: {  	[tilespmem:s26+$0x9600] =	vst v11;
	v10 =	vld [tilespmem:s31+$0x10]  }
0x4ef: {  	v11 =	vld [tilespmem:s31+$0xFFFFFF10];
	v8 =	vadd.s32 v7, v8  }
0x4f0: {  	[tilespmem:s25+$0x6420] =	vst v12  }
0x4f1: {  	v9 =	vld.idx.msk [tilespmem:v9+s11+$0x0], $0xffff;
	_ =	sdelay $0x1  }
0x4f2: {  	v10 =	vadd.s32 v7, v10  }
0x4f3: {  	v11 =	vadd.s32 v7, v11;
	v12 =	vld.idx.msk [tilespmem:v8+s11+$0x0], $0xffff  }
0x4f4: {  	v13 =	vadd.s32 $0x1, v8  }
0x4f5: {  	[tilespmem:s25+$0x9620] =	vst v9  }
0x4f6: {  	v9 =	vld [tilespmem:s9+$0xFFFFFF30]  }
0x4f7: {  	v14 =	vld.idx.msk [tilespmem:v10+s11+$0x0], $0xffff  }
0x4f8: {  	v16 =	vadd.s32 $0x1, v10;
	v15 =	vld.idx.msk [tilespmem:v11+s11+$0x0], $0xffff;
	[tilespmem:s25+$0xB0] =	vst v12  }
0x4f9: {  	v12 =	vadd.s32 $0x1, v11;
	v13 =	vld.idx.msk [tilespmem:v13+s11+$0x0], $0xffff  }
0x4fa: {  	v17 =	vadd.s32 $0x2, v8  }
0x4fb: {  	v9 =	vadd.s32 v7, v9  }
0x4fc: {  	[tilespmem:s26+$0x90] =	vst v14  }
0x4fd: {  	[tilespmem:s26+$0x10] =	vst v15;
	v14 =	vld.idx.msk [tilespmem:v16+s11+$0x0], $0xffff  }
0x4fe: {  	v15 =	vadd.s32 $0x2, v10;
	v12 =	vld.idx.msk [tilespmem:v12+s11+$0x0], $0xffff;
	[tilespmem:s25+$0x32B0] =	vst v13  }
0x4ff: {  	v13 =	vadd.s32 $0x2, v11;
	v16 =	vld.idx.msk [tilespmem:v17+s11+$0x0], $0xffff  }
0x500: {  	v8 =	vadd.s32 $0x3, v8;
	v17 =	vld.idx.msk [tilespmem:v9+s11+$0x0], $0xffff  }
0x501: {  	v18 =	vadd.s32 $0x1, v9  }
0x502: {  	[tilespmem:s26+$0x3290] =	vst v14  }
0x503: {  	[tilespmem:s26+$0x3210] =	vst v12;
	v12 =	vld.idx.msk [tilespmem:v15+s11+$0x0], $0xffff  }
0x504: {  	v10 =	vadd.s32 $0x3, v10;
	v13 =	vld.idx.msk [tilespmem:v13+s11+$0x0], $0xffff;
	[tilespmem:s25+$0x64B0] =	vst v16  }
0x505: {  	v11 =	vadd.s32 $0x3, v11;
	[tilespmem:s25+$0x30] =	vst v17;
	v8 =	vld.idx.msk [tilespmem:v8+s11+$0x0], $0xffff  }
0x506: {  	v14 =	vld.idx.msk [tilespmem:v18+s11+$0x0], $0xffff  }
0x507: {  	v15 =	vadd.s32 $0x2, v9  }
0x508: {  	[tilespmem:s26+$0x6490] =	vst v12  }
0x509: {  	[tilespmem:s26+$0x6410] =	vst v13;
	v10 =	vld.idx.msk [tilespmem:v10+s11+$0x0], $0xffff  }
0x50a: {  	v11 =	vld.idx.msk [tilespmem:v11+s11+$0x0], $0xffff;
	[tilespmem:s25+$0x96B0] =	vst v8  }
0x50b: {  	[tilespmem:s25+$0x3230] =	vst v14;
	v8 =	vld [tilespmem:s9+$0x40]  }
0x50c: {  	v12 =	vld.idx.msk [tilespmem:v15+s11+$0x0], $0xffff  }
0x50d: {  	v9 =	vadd.s32 $0x3, v9  }
0x50e: {  	[tilespmem:s26+$0x9690] =	vst v10  }
0x50f: {  	[tilespmem:s26+$0x9610] =	vst v11;
	v10 =	vld [tilespmem:s31+$0x20]  }
0x510: {  	v11 =	vld [tilespmem:s31+$0xFFFFFF20];
	v8 =	vadd.s32 v7, v8  }
0x511: {  	[tilespmem:s25+$0x6430] =	vst v12  }
0x512: {  	s29 =	simm.s32 $0xD80;
	v9 =	vld.idx.msk [tilespmem:v9+s11+$0x0], $0xffff  }
0x513: {  	v12 =	vld [tilespmem:s29+$0x0]  }
0x514: {  	v13 =	vld [tilespmem:s29+$0xFFFFFF00];
	v10 =	vadd.s32 v7, v10  }
0x515: {  	v11 =	vadd.s32 v7, v11;
	v14 =	vld.idx.msk [tilespmem:v8+s11+$0x0], $0xffff  }
0x516: {  	v15 =	vadd.s32 $0x1, v8  }
0x517: {  	[tilespmem:s25+$0x9630] =	vst v9  }
0x518: {  	v12 =	vadd.s32 v7, v12;
	v9 =	vld [tilespmem:s9+$0xFFFFFF40]  }
0x519: {  	v13 =	vadd.s32 v7, v13;
	v16 =	vld.idx.msk [tilespmem:v10+s11+$0x0], $0xffff  }
0x51a: {  	v18 =	vadd.s32 $0x1, v10;
	v17 =	vld.idx.msk [tilespmem:v11+s11+$0x0], $0xffff;
	[tilespmem:s25+$0xC0] =	vst v14  }
0x51b: {  	v14 =	vadd.s32 $0x1, v11;
	v15 =	vld.idx.msk [tilespmem:v15+s11+$0x0], $0xffff  }
0x51c: {  	v19 =	vadd.s32 $0x2, v8  }
0x51d: {  	v20 =	vld.idx.msk [tilespmem:v12+s11+$0x0], $0xffff;
	v9 =	vadd.s32 v7, v9  }
0x51e: {  	v21 =	vld.idx.msk [tilespmem:v13+s11+$0x0], $0xffff;
	v22 =	vadd.s32 $0x1, v12;
	[tilespmem:s26+$0xA0] =	vst v16  }
0x51f: {  	v16 =	vadd.s32 $0x1, v13;
	[tilespmem:s26+$0x20] =	vst v17;
	v17 =	vld.idx.msk [tilespmem:v18+s11+$0x0], $0xffff  }
0x520: {  	v18 =	vadd.s32 $0x2, v10;
	v14 =	vld.idx.msk [tilespmem:v14+s11+$0x0], $0xffff;
	[tilespmem:s25+$0x32C0] =	vst v15  }
0x521: {  	s28 =	simm.s32 $0x13680;
	v15 =	vadd.s32 $0x2, v11;
	v19 =	vld.idx.msk [tilespmem:v19+s11+$0x0], $0xffff  }
0x522: {  	v8 =	vadd.s32 $0x3, v8;
	[tilespmem:s28+$0x80] =	vst v20;
	v23 =	vld.idx.msk [tilespmem:v9+s11+$0x0], $0xffff  }
0x523: {  	[tilespmem:s28+$0x0] =	vst v21;
	v20 =	vadd.s32 $0x1, v9;
	v21 =	vld.idx.msk [tilespmem:v22+s11+$0x0], $0xffff  }
0x524: {  	v22 =	vadd.s32 $0x2, v12;
	v16 =	vld.idx.msk [tilespmem:v16+s11+$0x0], $0xffff;
	[tilespmem:s26+$0x32A0] =	vst v17  }
0x525: {  	v17 =	vadd.s32 $0x2, v13;
	[tilespmem:s26+$0x3220] =	vst v14;
	v14 =	vld.idx.msk [tilespmem:v18+s11+$0x0], $0xffff  }
0x526: {  	v10 =	vadd.s32 $0x3, v10;
	v15 =	vld.idx.msk [tilespmem:v15+s11+$0x0], $0xffff;
	[tilespmem:s25+$0x64C0] =	vst v19  }
0x527: {  	v11 =	vadd.s32 $0x3, v11;
	[tilespmem:s25+$0x40] =	vst v23;
	v8 =	vld.idx.msk [tilespmem:v8+s11+$0x0], $0xffff  }
0x528: {  	[tilespmem:s28+$0x3280] =	vst v21;
	v18 =	vld.idx.msk [tilespmem:v20+s11+$0x0], $0xffff  }
0x529: {  	v19 =	vadd.s32 $0x2, v9;
	[tilespmem:s28+$0x3200] =	vst v16;
	v16 =	vld.idx.msk [tilespmem:v22+s11+$0x0], $0xffff  }
0x52a: {  	v12 =	vadd.s32 $0x3, v12;
	v17 =	vld.idx.msk [tilespmem:v17+s11+$0x0], $0xffff;
	[tilespmem:s26+$0x64A0] =	vst v14  }
0x52b: {  	v13 =	vadd.s32 $0x3, v13;
	[tilespmem:s26+$0x6420] =	vst v15;
	v10 =	vld.idx.msk [tilespmem:v10+s11+$0x0], $0xffff  }
0x52c: {  	v11 =	vld.idx.msk [tilespmem:v11+s11+$0x0], $0xffff;
	[tilespmem:s25+$0x96C0] =	vst v8  }
0x52d: {  	[tilespmem:s25+$0x3240] =	vst v18;
	v8 =	vld [tilespmem:s9+$0x50]  }
0x52e: {  	[tilespmem:s28+$0x6480] =	vst v16;
	v14 =	vld.idx.msk [tilespmem:v19+s11+$0x0], $0xffff  }
0x52f: {  	v9 =	vadd.s32 $0x3, v9;
	[tilespmem:s28+$0x6400] =	vst v17;
	v12 =	vld.idx.msk [tilespmem:v12+s11+$0x0], $0xffff  }
0x530: {  	v13 =	vld.idx.msk [tilespmem:v13+s11+$0x0], $0xffff;
	[tilespmem:s26+$0x96A0] =	vst v10  }
0x531: {  	[tilespmem:s26+$0x9620] =	vst v11;
	v10 =	vld [tilespmem:s31+$0x30]  }
0x532: {  	v11 =	vld [tilespmem:s31+$0xFFFFFF30];
	v8 =	vadd.s32 v7, v8  }
0x533: {  	[tilespmem:s25+$0x6440] =	vst v14  }
0x534: {  	[tilespmem:s28+$0x9680] =	vst v12;
	v9 =	vld.idx.msk [tilespmem:v9+s11+$0x0], $0xffff  }
0x535: {  	[tilespmem:s28+$0x9600] =	vst v13;
	v12 =	vld [tilespmem:s29+$0x10]  }
0x536: {  	v13 =	vld [tilespmem:s29+$0xFFFFFF10];
	v10 =	vadd.s32 v7, v10  }
0x537: {  	v11 =	vadd.s32 v7, v11;
	v14 =	vld.idx.msk [tilespmem:v8+s11+$0x0], $0xffff  }
0x538: {  	v15 =	vadd.s32 $0x1, v8  }
0x539: {  	[tilespmem:s25+$0x9640] =	vst v9  }
0x53a: {  	v12 =	vadd.s32 v7, v12;
	v9 =	vld [tilespmem:s9+$0xFFFFFF50]  }
0x53b: {  	v13 =	vadd.s32 v7, v13;
	v16 =	vld.idx.msk [tilespmem:v10+s11+$0x0], $0xffff  }
0x53c: {  	v18 =	vadd.s32 $0x1, v10;
	v17 =	vld.idx.msk [tilespmem:v11+s11+$0x0], $0xffff;
	[tilespmem:s25+$0xD0] =	vst v14  }
0x53d: {  	v14 =	vadd.s32 $0x1, v11;
	v15 =	vld.idx.msk [tilespmem:v15+s11+$0x0], $0xffff  }
0x53e: {  	v19 =	vadd.s32 $0x2, v8  }
0x53f: {  	v20 =	vld.idx.msk [tilespmem:v12+s11+$0x0], $0xffff;
	v9 =	vadd.s32 v7, v9  }
0x540: {  	v22 =	vadd.s32 $0x1, v12;
	v21 =	vld.idx.msk [tilespmem:v13+s11+$0x0], $0xffff;
	[tilespmem:s26+$0xB0] =	vst v16  }
0x541: {  	v16 =	vadd.s32 $0x1, v13;
	[tilespmem:s26+$0x30] =	vst v17;
	v17 =	vld.idx.msk [tilespmem:v18+s11+$0x0], $0xffff  }
0x542: {  	v18 =	vadd.s32 $0x2, v10;
	v14 =	vld.idx.msk [tilespmem:v14+s11+$0x0], $0xffff;
	[tilespmem:s25+$0x32D0] =	vst v15  }
0x543: {  	v15 =	vadd.s32 $0x2, v11;
	v19 =	vld.idx.msk [tilespmem:v19+s11+$0x0], $0xffff  }
0x544: {  	v8 =	vadd.s32 $0x3, v8;
	[tilespmem:s28+$0x90] =	vst v20;
	v23 =	vld.idx.msk [tilespmem:v9+s11+$0x0], $0xffff  }
0x545: {  	v20 =	vadd.s32 $0x1, v9;
	[tilespmem:s28+$0x10] =	vst v21;
	v21 =	vld.idx.msk [tilespmem:v22+s11+$0x0], $0xffff  }
0x546: {  	v22 =	vadd.s32 $0x2, v12;
	v16 =	vld.idx.msk [tilespmem:v16+s11+$0x0], $0xffff;
	[tilespmem:s26+$0x32B0] =	vst v17  }
0x547: {  	v17 =	vadd.s32 $0x2, v13;
	[tilespmem:s26+$0x3230] =	vst v14;
	v14 =	vld.idx.msk [tilespmem:v18+s11+$0x0], $0xffff  }
0x548: {  	v10 =	vadd.s32 $0x3, v10;
	v15 =	vld.idx.msk [tilespmem:v15+s11+$0x0], $0xffff;
	[tilespmem:s25+$0x64D0] =	vst v19  }
0x549: {  	v11 =	vadd.s32 $0x3, v11;
	[tilespmem:s25+$0x50] =	vst v23;
	v8 =	vld.idx.msk [tilespmem:v8+s11+$0x0], $0xffff  }
0x54a: {  	[tilespmem:s28+$0x3290] =	vst v21;
	v18 =	vld.idx.msk [tilespmem:v20+s11+$0x0], $0xffff  }
0x54b: {  	v19 =	vadd.s32 $0x2, v9;
	[tilespmem:s28+$0x3210] =	vst v16;
	v16 =	vld.idx.msk [tilespmem:v22+s11+$0x0], $0xffff  }
0x54c: {  	v12 =	vadd.s32 $0x3, v12;
	v17 =	vld.idx.msk [tilespmem:v17+s11+$0x0], $0xffff;
	[tilespmem:s26+$0x64B0] =	vst v14  }
0x54d: {  	v13 =	vadd.s32 $0x3, v13;
	[tilespmem:s26+$0x6430] =	vst v15;
	v10 =	vld.idx.msk [tilespmem:v10+s11+$0x0], $0xffff  }
0x54e: {  	v11 =	vld.idx.msk [tilespmem:v11+s11+$0x0], $0xffff;
	[tilespmem:s25+$0x96D0] =	vst v8  }
0x54f: {  	[tilespmem:s25+$0x3250] =	vst v18;
	v8 =	vld [tilespmem:s9+$0x60]  }
0x550: {  	[tilespmem:s28+$0x6490] =	vst v16;
	v14 =	vld.idx.msk [tilespmem:v19+s11+$0x0], $0xffff  }
0x551: {  	v9 =	vadd.s32 $0x3, v9;
	[tilespmem:s28+$0x6410] =	vst v17;
	v12 =	vld.idx.msk [tilespmem:v12+s11+$0x0], $0xffff  }
0x552: {  	v13 =	vld.idx.msk [tilespmem:v13+s11+$0x0], $0xffff;
	[tilespmem:s26+$0x96B0] =	vst v10  }
0x553: {  	v10 =	vld [tilespmem:s31+$0x40]  }
0x554: {  	[tilespmem:s26+$0x9630] =	vst v11  }
0x555: {  	v11 =	vld [tilespmem:s31+$0xFFFFFF40];
	v8 =	vadd.s32 v7, v8;
	[tilespmem:s25+$0x6450] =	vst v14  }
0x556: {  	[tilespmem:s28+$0x9690] =	vst v12;
	v9 =	vld.idx.msk [tilespmem:v9+s11+$0x0], $0xffff  }
0x557: {  	[tilespmem:s28+$0x9610] =	vst v13;
	v12 =	vld [tilespmem:s29+$0x20]  }
0x558: {  	s2 =	simm.s32 $0xF80;
	v13 =	vld [tilespmem:s29+$0xFFFFFF20];
	v10 =	vadd.s32 v7, v10  }
0x559: {  	v15 =	vld [tilespmem:s2+$0x0]  }
0x55a: {  	v11 =	vadd.s32 v7, v11;
	v14 =	vld.idx.msk [tilespmem:v8+s11+$0x0], $0xffff  }
0x55b: {  	v17 =	vld [tilespmem:s2+$0xFFFFFF00];
	v16 =	vadd.s32 $0x1, v8  }
0x55c: {  	v12 =	vadd.s32 v7, v12  }
0x55d: {  	[tilespmem:s25+$0x9650] =	vst v9;
	v13 =	vadd.s32 v7, v13;
	v18 =	vld.idx.msk [tilespmem:v10+s11+$0x0], $0xffff  }
0x55e: {  	v19 =	vadd.s32 $0x1, v10;
	v20 =	vld [tilespmem:s9+$0xFFFFFF60]  }
0x55f: {  	v9 =	vld.idx.msk [tilespmem:v11+s11+$0x0], $0xffff;
	[tilespmem:s25+$0xE0] =	vst v14;
	v14 =	vadd.s32 v7, v15  }
0x560: {  	v15 =	vld.idx.msk [tilespmem:v16+s11+$0x0], $0xffff;
	v16 =	vadd.s32 v7, v17  }
0x561: {  	v21 =	vadd.s32 $0x2, v8;
	v17 =	vld.idx.msk [tilespmem:v12+s11+$0x0], $0xffff  }
0x562: {  	v23 =	vadd.s32 $0x1, v12;
	v22 =	vld.idx.msk [tilespmem:v13+s11+$0x0], $0xffff;
	[tilespmem:s26+$0xC0] =	vst v18  }
0x563: {  	v24 =	vadd.s32 $0x1, v11;
	v19 =	vld.idx.msk [tilespmem:v19+s11+$0x0], $0xffff  }
0x564: {  	v18 =	vadd.s32 $0x1, v13;
	[tilespmem:s26+$0x40] =	vst v9;
	v25 =	vld.idx.msk [tilespmem:v14+s11+$0x0], $0xffff  }
0x565: {  	v27 =	vadd.s32 $0x2, v10;
	v26 =	vld.idx.msk [tilespmem:v16+s11+$0x0], $0xffff;
	[tilespmem:s25+$0x32E0] =	vst v15  }
0x566: {  	v15 =	vadd.s32 $0x1, v14;
	[tilespmem:s28+$0xA0] =	vst v17;
	v17 =	vld.idx.msk [tilespmem:v21+s11+$0x0], $0xffff  }
0x567: {  	v21 =	vadd.s32 $0x1, v16;
	[tilespmem:s28+$0x20] =	vst v22;
	v22 =	vld.idx.msk [tilespmem:v23+s11+$0x0], $0xffff  }
0x568: {  	v8 =	vadd.s32 $0x3, v8;
	v23 =	vld.idx.msk [tilespmem:v24+s11+$0x0], $0xffff  }
0x569: {  	s30 =	simm.s32 $0x13780;
	v9 =	vld.idx.msk [tilespmem:v18+s11+$0x0], $0xffff;
	v18 =	vadd.s32 $0x2, v12;
	[tilespmem:s26+$0x32C0] =	vst v19  }
0x56a: {  	v19 =	vadd.s32 $0x2, v13;
	[tilespmem:s30+$0x80] =	vst v25;
	v33 =	vld.idx.msk [tilespmem:v27+s11+$0x0], $0xffff  }
0x56b: {  	v34 =	vadd.s32 $0x2, v11;
	[tilespmem:s30+$0x0] =	vst v26;
	v15 =	vld.idx.msk [tilespmem:v15+s11+$0x0], $0xffff  }
0x56c: {  	v10 =	vadd.s32 $0x3, v10;
	v21 =	vld.idx.msk [tilespmem:v21+s11+$0x0], $0xffff;
	[tilespmem:s25+$0x64E0] =	vst v17  }
0x56d: {  	v17 =	vadd.s32 $0x2, v14;
	[tilespmem:s28+$0x32A0] =	vst v22;
	v8 =	vld.idx.msk [tilespmem:v8+s11+$0x0], $0xffff  }
0x56e: {  	v22 =	vadd.s32 $0x2, v16;
	[tilespmem:s28+$0x3220] =	vst v9;
	v9 =	vld.idx.msk [tilespmem:v18+s11+$0x0], $0xffff  }
0x56f: {  	[tilespmem:s26+$0x3240] =	vst v23;
	v18 =	vld.idx.msk [tilespmem:v19+s11+$0x0], $0xffff  }
0x570: {  	v12 =	vadd.s32 $0x3, v12;
	v19 =	vld.idx.msk [tilespmem:v34+s11+$0x0], $0xffff;
	[tilespmem:s26+$0x64C0] =	vst v33  }
0x571: {  	v13 =	vadd.s32 $0x3, v13;
	[tilespmem:s30+$0x3280] =	vst v15;
	v10 =	vld.idx.msk [tilespmem:v10+s11+$0x0], $0xffff  }
0x572: {  	v11 =	vadd.s32 $0x3, v11;
	[tilespmem:s30+$0x3200] =	vst v21;
	v15 =	vld.idx.msk [tilespmem:v17+s11+$0x0], $0xffff  }
0x573: {  	v17 =	vld.idx.msk [tilespmem:v22+s11+$0x0], $0xffff;
	[tilespmem:s25+$0x96E0] =	vst v8  }
0x574: {  	v8 =	vadd.s32 $0x3, v14;
	[tilespmem:s28+$0x64A0] =	vst v9;
	v9 =	vld [tilespmem:s9+$0x70]  }
0x575: {  	v14 =	vadd.s32 $0x3, v16;
	[tilespmem:s28+$0x6420] =	vst v18;
	v12 =	vld.idx.msk [tilespmem:v12+s11+$0x0], $0xffff  }
0x576: {  	v16 =	vadd.s32 v7, v20;
	[tilespmem:s26+$0x6440] =	vst v19;
	v13 =	vld.idx.msk [tilespmem:v13+s11+$0x0], $0xffff  }
0x577: {  	v11 =	vld.idx.msk [tilespmem:v11+s11+$0x0], $0xffff;
	[tilespmem:s26+$0x96C0] =	vst v10  }
0x578: {  	[tilespmem:s30+$0x6480] =	vst v15;
	v10 =	vld [tilespmem:s31+$0x50]  }
0x579: {  	[tilespmem:s30+$0x6400] =	vst v17;
	v8 =	vld.idx.msk [tilespmem:v8+s11+$0x0], $0xffff  }
0x57a: {  	v9 =	vadd.s32 v7, v9;
	v14 =	vld.idx.msk [tilespmem:v14+s11+$0x0], $0xffff  }
0x57b: {  	[tilespmem:s28+$0x96A0] =	vst v12;
	v12 =	vld.idx.msk [tilespmem:v16+s11+$0x0], $0xffff  }
0x57c: {  	[tilespmem:s28+$0x9620] =	vst v13;
	v13 =	vld [tilespmem:s29+$0x30]  }
0x57d: {  	[tilespmem:s26+$0x9640] =	vst v11;
	v15 =	vld [tilespmem:s29+$0xFFFFFF30]  }
0x57e: {  	v20 =	vld [tilespmem:s31+$0xFFFFFF50];
	v10 =	vadd.s32 v7, v10  }
0x57f: {  	[tilespmem:s30+$0x9680] =	vst v8;
	v8 =	vadd.s32 $0x1, v16;
	v17 =	vld.idx.msk [tilespmem:v9+s11+$0x0], $0xffff  }
0x580: {  	v18 =	vadd.s32 $0x1, v9;
	[tilespmem:s30+$0x9600] =	vst v14;
	v14 =	vld [tilespmem:s2+$0x10]  }
0x581: {  	v19 =	vld [tilespmem:s2+$0xFFFFFF10];
	v13 =	vadd.s32 v7, v13  }
0x582: {  	v11 =	vadd.s32 v7, v15  }
0x583: {  	[tilespmem:s25+$0x60] =	vst v12;
	v20 =	vadd.s32 v7, v20;
	v15 =	vld.idx.msk [tilespmem:v10+s11+$0x0], $0xffff  }
0x584: {  	v12 =	vadd.s32 $0x1, v10;
	v21 =	vld.idx.msk [tilespmem:v8+s11+$0x0], $0xffff;
	[tilespmem:s25+$0xF0] =	vst v17  }
0x585: {  	v14 =	vadd.s32 v7, v14;
	v8 =	vld.idx.msk [tilespmem:v18+s11+$0x0], $0xffff  }
0x586: {  	v17 =	vadd.s32 v7, v19;
	v18 =	vld.idx.msk [tilespmem:v13+s11+$0x0], $0xffff  }
0x587: {  	v19 =	vadd.s32 $0x2, v9;
	v22 =	vld.idx.msk [tilespmem:v11+s11+$0x0], $0xffff  }
0x588: {  	v23 =	vadd.s32 $0x1, v13;
	v38 =	vld.idx.msk [tilespmem:v20+s11+$0x0], $0xffff;
	[tilespmem:s26+$0xD0] =	vst v15  }
0x589: {  	v15 =	vadd.s32 $0x1, v11;
	v12 =	vld.idx.msk [tilespmem:v12+s11+$0x0], $0xffff  }
0x58a: {  	v37 =	vadd.s32 $0x2, v10;
	v35 =	vld.idx.msk [tilespmem:v14+s11+$0x0], $0xffff;
	[tilespmem:s25+$0x32F0] =	vst v8  }
0x58b: {  	v36 =	vld.idx.msk [tilespmem:v17+s11+$0x0], $0xffff;
	v8 =	vadd.s32 $0x1, v14;
	[tilespmem:s28+$0xB0] =	vst v18  }
0x58c: {  	v18 =	vld.idx.msk [tilespmem:v19+s11+$0x0], $0xffff;
	v19 =	vadd.s32 $0x1, v17;
	[tilespmem:s28+$0x30] =	vst v22  }
0x58d: {  	v9 =	vadd.s32 $0x3, v9;
	v22 =	vld.idx.msk [tilespmem:v23+s11+$0x0], $0xffff;
	[tilespmem:s26+$0x50] =	vst v38  }
0x58e: {  	v23 =	vadd.s32 $0x2, v13;
	v15 =	vld.idx.msk [tilespmem:v15+s11+$0x0], $0xffff;
	[tilespmem:s26+$0x32D0] =	vst v12  }
0x58f: {  	v40 =	vadd.s32 $0x1, v20;
	[tilespmem:s30+$0x90] =	vst v35;
	v39 =	vld.idx.msk [tilespmem:v37+s11+$0x0], $0xffff  }
0x590: {  	v12 =	vadd.s32 $0x2, v11;
	[tilespmem:s30+$0x10] =	vst v36;
	v41 =	vld.idx.msk [tilespmem:v8+s11+$0x0], $0xffff  }
0x591: {  	v10 =	vadd.s32 $0x3, v10;
	v19 =	vld.idx.msk [tilespmem:v19+s11+$0x0], $0xffff;
	[tilespmem:s25+$0x64F0] =	vst v18  }
0x592: {  	v18 =	vadd.s32 $0x2, v14;
	[tilespmem:s28+$0x32B0] =	vst v22;
	v8 =	vld.idx.msk [tilespmem:v9+s11+$0x0], $0xffff  }
0x593: {  	v9 =	vadd.s32 $0x2, v17;
	[tilespmem:s28+$0x3230] =	vst v15;
	v15 =	vld.idx.msk [tilespmem:v23+s11+$0x0], $0xffff  }
0x594: {  	[tilespmem:s25+$0x3260] =	vst v21;
	v22 =	vadd.s32 $0x2, v16;
	v23 =	vld.idx.msk [tilespmem:v40+s11+$0x0], $0xffff  }
0x595: {  	v13 =	vadd.s32 $0x3, v13;
	v12 =	vld.idx.msk [tilespmem:v12+s11+$0x0], $0xffff;
	[tilespmem:s26+$0x64D0] =	vst v39  }
0x596: {  	v11 =	vadd.s32 $0x3, v11;
	[tilespmem:s30+$0x3290] =	vst v41;
	v10 =	vld.idx.msk [tilespmem:v10+s11+$0x0], $0xffff  }
0x597: {  	[tilespmem:s30+$0x3210] =	vst v19;
	v18 =	vld.idx.msk [tilespmem:v18+s11+$0x0], $0xffff  }
0x598: {  	v19 =	vadd.s32 $0x2, v20;
	v9 =	vld.idx.msk [tilespmem:v9+s11+$0x0], $0xffff;
	[tilespmem:s28+$0x64B0] =	vst v15  }
0x599: {  	v14 =	vadd.s32 $0x3, v14;
	v15 =	vld.idx.msk [tilespmem:v22+s11+$0x0], $0xffff;
	[tilespmem:s26+$0x3250] =	vst v23  }
0x59a: {  	v17 =	vadd.s32 $0x3, v17;
	[tilespmem:s28+$0x6430] =	vst v12;
	v12 =	vld.idx.msk [tilespmem:v13+s11+$0x0], $0xffff  }
0x59b: {  	v11 =	vld.idx.msk [tilespmem:v11+s11+$0x0], $0xffff;
	[tilespmem:s26+$0x96D0] =	vst v10  }
0x59c: {  	v13 =	vadd.s32 $0x3, v16;
	v10 =	vld [tilespmem:s31+$0x60];
	[tilespmem:s30+$0x6490] =	vst v18  }
0x59d: {  	v16 =	vld.idx.msk [tilespmem:v19+s11+$0x0], $0xffff;
	[tilespmem:s30+$0x6410] =	vst v9  }
0x59e: {  	v18 =	vadd.s32 $0x3, v20;
	v9 =	vld.idx.msk [tilespmem:v14+s11+$0x0], $0xffff;
	[tilespmem:s25+$0x6460] =	vst v15  }
0x59f: {  	v14 =	vld.idx.msk [tilespmem:v17+s11+$0x0], $0xffff;
	[tilespmem:s28+$0x96B0] =	vst v12  }
0x5a0: {  	[tilespmem:s28+$0x9630] =	vst v11;
	v11 =	vld [tilespmem:s29+$0x40]  }
0x5a1: {  	v13 =	vld.idx.msk [tilespmem:v13+s11+$0x0], $0xffff  }
0x5a2: {  	v12 =	vld [tilespmem:s29+$0xFFFFFF40];
	v10 =	vadd.s32 v7, v10;
	[tilespmem:s26+$0x6450] =	vst v16  }
0x5a3: {  	v15 =	vld.idx.msk [tilespmem:v18+s11+$0x0], $0xffff;
	[tilespmem:s30+$0x9690] =	vst v9  }
0x5a4: {  	[tilespmem:s30+$0x9610] =	vst v14;
	v9 =	vld [tilespmem:s2+$0x20]  }
0x5a5: {  	s4 =	simm.s32 $0x1180;
	v14 =	vld [tilespmem:s2+$0xFFFFFF20];
	v11 =	vadd.s32 v7, v11  }
0x5a6: {  	v17 =	vld [tilespmem:s4+$0x0]  }
0x5a7: {  	v12 =	vadd.s32 v7, v12;
	v16 =	vld.idx.msk [tilespmem:v10+s11+$0x0], $0xffff  }
0x5a8: {  	v18 =	vld [tilespmem:s4+$0xFFFFFF00];
	[tilespmem:s25+$0x9660] =	vst v13;
	v13 =	vadd.s32 $0x1, v10  }
0x5a9: {  	v19 =	vld [tilespmem:s9+$0xFFFFFF70];
	v9 =	vadd.s32 v7, v9  }
0x5aa: {  	[tilespmem:s26+$0x9650] =	vst v15;
	v14 =	vadd.s32 v7, v14;
	v20 =	vld.idx.msk [tilespmem:v11+s11+$0x0], $0xffff  }
0x5ab: {  	v21 =	vadd.s32 $0x1, v11;
	v22 =	vld [tilespmem:s31+$0xFFFFFF60]  }
0x5ac: {  	v15 =	vld.idx.msk [tilespmem:v12+s11+$0x0], $0xffff;
	[tilespmem:s26+$0xE0] =	vst v16;
	v16 =	vadd.s32 v7, v17  }
0x5ad: {  	v17 =	vadd.s32 v7, v18;
	v13 =	vld.idx.msk [tilespmem:v13+s11+$0x0], $0xffff  }
0x5ae: {  	v44 =	vadd.s32 $0x1, v12;
	v18 =	vld.idx.msk [tilespmem:v9+s11+$0x0], $0xffff  }
0x5af: {  	v23 =	vadd.s32 $0x2, v10;
	v42 =	vld.idx.msk [tilespmem:v14+s11+$0x0], $0xffff;
	[tilespmem:s28+$0xC0] =	vst v20  }
0x5b0: {  	v43 =	vadd.s32 $0x1, v9;
	v21 =	vld.idx.msk [tilespmem:v21+s11+$0x0], $0xffff  }
0x5b1: {  	v20 =	vadd.s32 $0x1, v14;
	v45 =	vld.idx.msk [tilespmem:v16+s11+$0x0], $0xffff  }
0x5b2: {  	v29 =	vadd.s32 $0x2, v11;
	[tilespmem:s28+$0x40] =	vst v15;
	v28 =	vld.idx.msk [tilespmem:v17+s11+$0x0], $0xffff  }
0x5b3: {  	v47 =	vld.idx.msk [tilespmem:v44+s11+$0x0], $0xffff;
	[tilespmem:s26+$0x32E0] =	vst v13;
	v13 =	vadd.s32 $0x1, v16  }
0x5b4: {  	[tilespmem:s30+$0xA0] =	vst v18;
	v18 =	vld.idx.msk [tilespmem:v23+s11+$0x0], $0xffff;
	v23 =	vadd.s32 $0x1, v17  }
0x5b5: {  	v10 =	vadd.s32 $0x3, v10;
	[tilespmem:s30+$0x20] =	vst v42;
	v46 =	vld.idx.msk [tilespmem:v43+s11+$0x0], $0xffff  }
0x5b6: {  	s9 =	simm.s32 $0x13880;
	v15 =	vld.idx.msk [tilespmem:v20+s11+$0x0], $0xffff;
	v20 =	vadd.s32 $0x2, v9;
	[tilespmem:s28+$0x32C0] =	vst v21  }
0x5b7: {  	v21 =	vadd.s32 $0x2, v14;
	[tilespmem:s9+$0x80] =	vst v45;
	v48 =	vld.idx.msk [tilespmem:v29+s11+$0x0], $0xffff  }
0x5b8: {  	v49 =	vadd.s32 $0x2, v12;
	[tilespmem:s9+$0x0] =	vst v28;
	v13 =	vld.idx.msk [tilespmem:v13+s11+$0x0], $0xffff  }
0x5b9: {  	v11 =	vadd.s32 $0x3, v11;
	v23 =	vld.idx.msk [tilespmem:v23+s11+$0x0], $0xffff;
	[tilespmem:s26+$0x64E0] =	vst v18  }
0x5ba: {  	v18 =	vadd.s32 $0x2, v16;
	[tilespmem:s30+$0x32A0] =	vst v46;
	v10 =	vld.idx.msk [tilespmem:v10+s11+$0x0], $0xffff  }
0x5bb: {  	v50 =	vadd.s32 $0x2, v17;
	[tilespmem:s30+$0x3220] =	vst v15;
	v15 =	vld.idx.msk [tilespmem:v20+s11+$0x0], $0xffff  }
0x5bc: {  	[tilespmem:s28+$0x3240] =	vst v47;
	v20 =	vld.idx.msk [tilespmem:v21+s11+$0x0], $0xffff  }
0x5bd: {  	v9 =	vadd.s32 $0x3, v9;
	v21 =	vld.idx.msk [tilespmem:v49+s11+$0x0], $0xffff;
	[tilespmem:s28+$0x64C0] =	vst v48  }
0x5be: {  	v14 =	vadd.s32 $0x3, v14;
	[tilespmem:s9+$0x3280] =	vst v13;
	v11 =	vld.idx.msk [tilespmem:v11+s11+$0x0], $0xffff  }
0x5bf: {  	v12 =	vadd.s32 $0x3, v12;
	[tilespmem:s9+$0x3200] =	vst v23;
	v13 =	vld.idx.msk [tilespmem:v18+s11+$0x0], $0xffff  }
0x5c0: {  	v18 =	vld.idx.msk [tilespmem:v50+s11+$0x0], $0xffff;
	[tilespmem:s26+$0x96E0] =	vst v10  }
0x5c1: {  	v10 =	vadd.s32 $0x3, v16;
	[tilespmem:s30+$0x64A0] =	vst v15;
	v15 =	vld [tilespmem:s31+$0x70]  }
0x5c2: {  	v16 =	vadd.s32 $0x3, v17;
	[tilespmem:s30+$0x6420] =	vst v20;
	v9 =	vld.idx.msk [tilespmem:v9+s11+$0x0], $0xffff  }
0x5c3: {  	v17 =	vadd.s32 v7, v22;
	[tilespmem:s28+$0x6440] =	vst v21;
	v14 =	vld.idx.msk [tilespmem:v14+s11+$0x0], $0xffff  }
0x5c4: {  	v12 =	vld.idx.msk [tilespmem:v12+s11+$0x0], $0xffff;
	[tilespmem:s28+$0x96C0] =	vst v11  }
0x5c5: {  	[tilespmem:s9+$0x6480] =	vst v13;
	v11 =	vld [tilespmem:s29+$0x50]  }
0x5c6: {  	[tilespmem:s9+$0x6400] =	vst v18;
	v10 =	vld.idx.msk [tilespmem:v10+s11+$0x0], $0xffff  }
0x5c7: {  	v13 =	vadd.s32 v7, v15;
	v15 =	vld.idx.msk [tilespmem:v16+s11+$0x0], $0xffff  }
0x5c8: {  	[tilespmem:s30+$0x96A0] =	vst v9;
	v9 =	vld.idx.msk [tilespmem:v17+s11+$0x0], $0xffff  }
0x5c9: {  	[tilespmem:s30+$0x9620] =	vst v14;
	v14 =	vld [tilespmem:s2+$0x30]  }
0x5ca: {  	v18 =	vadd.s32 $0x1, v17;
	[tilespmem:s28+$0x9640] =	vst v12;
	v16 =	vld [tilespmem:s2+$0xFFFFFF30]  }
0x5cb: {  	v11 =	vadd.s32 v7, v11;
	v21 =	vld [tilespmem:s29+$0xFFFFFF50]  }
0x5cc: {  	[tilespmem:s9+$0x9680] =	vst v10;
	v10 =	vadd.s32 v7, v19;
	v20 =	vld.idx.msk [tilespmem:v13+s11+$0x0], $0xffff  }
0x5cd: {  	v12 =	vadd.s32 $0x1, v13;
	[tilespmem:s9+$0x9600] =	vst v15;
	v15 =	vld [tilespmem:s4+$0x10]  }
0x5ce: {  	v19 =	vld [tilespmem:s4+$0xFFFFFF10];
	[tilespmem:s26+$0x60] =	vst v9;
	v14 =	vadd.s32 v7, v14  }
0x5cf: {  	v18 =	vld.idx.msk [tilespmem:v18+s11+$0x0], $0xffff;
	v9 =	vadd.s32 v7, v16  }
0x5d0: {  	v16 =	vld.idx.msk [tilespmem:v11+s11+$0x0], $0xffff;
	v21 =	vadd.s32 v7, v21  }
0x5d1: {  	v22 =	vadd.s32 $0x1, v11;
	[tilespmem:s26+$0xF0] =	vst v20;
	v20 =	vld.idx.msk [tilespmem:v10+s11+$0x0], $0xffff  }
0x5d2: {  	v15 =	vadd.s32 v7, v15;
	v12 =	vld.idx.msk [tilespmem:v12+s11+$0x0], $0xffff  }
0x5d3: {  	v19 =	vadd.s32 v7, v19;
	v23 =	vld.idx.msk [tilespmem:v14+s11+$0x0], $0xffff  }
0x5d4: {  	v51 =	vadd.s32 $0x2, v13;
	v52 =	vld.idx.msk [tilespmem:v9+s11+$0x0], $0xffff  }
0x5d5: {  	v53 =	vadd.s32 $0x1, v14;
	[tilespmem:s28+$0xD0] =	vst v16;
	v30 =	vld.idx.msk [tilespmem:v21+s11+$0x0], $0xffff  }
0x5d6: {  	v16 =	vadd.s32 $0x1, v9;
	v22 =	vld.idx.msk [tilespmem:v22+s11+$0x0], $0xffff  }
0x5d7: {  	v60 =	vadd.s32 $0x1, v21;
	v54 =	vld.idx.msk [tilespmem:v15+s11+$0x0], $0xffff  }
0x5d8: {  	v55 =	vadd.s32 $0x2, v11;
	v28 =	vld.idx.msk [tilespmem:v19+s11+$0x0], $0xffff;
	[tilespmem:s26+$0x32F0] =	vst v12  }
0x5d9: {  	v12 =	vadd.s32 $0x1, v15;
	[tilespmem:s30+$0xB0] =	vst v23;
	v23 =	vld.idx.msk [tilespmem:v51+s11+$0x0], $0xffff  }
0x5da: {  	v56 =	vadd.s32 $0x1, v19;
	[tilespmem:s30+$0x30] =	vst v52;
	v57 =	vld.idx.msk [tilespmem:v53+s11+$0x0], $0xffff  }
0x5db: {  	v13 =	vadd.s32 $0x3, v13;
	[tilespmem:s28+$0x50] =	vst v30;
	v16 =	vld.idx.msk [tilespmem:v16+s11+$0x0], $0xffff  }
0x5dc: {  	v58 =	vadd.s32 $0x2, v14;
	[tilespmem:s28+$0x32D0] =	vst v22;
	v63 =	vld.idx.msk [tilespmem:v60+s11+$0x0], $0xffff  }
0x5dd: {  	v22 =	vadd.s32 $0x2, v9;
	[tilespmem:s9+$0x90] =	vst v54;
	v59 =	vld.idx.msk [tilespmem:v55+s11+$0x0], $0xffff  }
0x5de: {  	v11 =	vadd.s32 $0x3, v11;
	[tilespmem:s9+$0x10] =	vst v28;
	v12 =	vld.idx.msk [tilespmem:v12+s11+$0x0], $0xffff  }
0x5df: {  	v24 =	vld.idx.msk [tilespmem:v56+s11+$0x0], $0xffff;
	[tilespmem:s26+$0x64F0] =	vst v23;
	v23 =	vadd.s32 $0x2, v15  }
0x5e0: {  	v61 =	vadd.s32 $0x2, v19;
	[tilespmem:s30+$0x32B0] =	vst v57;
	v13 =	vld.idx.msk [tilespmem:v13+s11+$0x0], $0xffff  }
0x5e1: {  	v62 =	vadd.s32 $0x2, v17;
	[tilespmem:s30+$0x3230] =	vst v16;
	v16 =	vld.idx.msk [tilespmem:v58+s11+$0x0], $0xffff  }
0x5e2: {  	v14 =	vadd.s32 $0x3, v14;
	v22 =	vld.idx.msk [tilespmem:v22+s11+$0x0], $0xffff;
	[tilespmem:s28+$0x64D0] =	vst v59  }
0x5e3: {  	v9 =	vadd.s32 $0x3, v9;
	[tilespmem:s9+$0x3290] =	vst v12;
	v11 =	vld.idx.msk [tilespmem:v11+s11+$0x0], $0xffff  }
0x5e4: {  	v12 =	vadd.s32 $0x2, v21;
	[tilespmem:s9+$0x3210] =	vst v24;
	v23 =	vld.idx.msk [tilespmem:v23+s11+$0x0], $0xffff  }
0x5e5: {  	[tilespmem:s26+$0x3260] =	vst v18;
	v18 =	vld.idx.msk [tilespmem:v61+s11+$0x0], $0xffff  }
0x5e6: {  	v15 =	vadd.s32 $0x3, v15;
	[tilespmem:s30+$0x64B0] =	vst v16;
	v16 =	vld.idx.msk [tilespmem:v62+s11+$0x0], $0xffff  }
0x5e7: {  	v19 =	vadd.s32 $0x3, v19;
	[tilespmem:s30+$0x6430] =	vst v22;
	v14 =	vld.idx.msk [tilespmem:v14+s11+$0x0], $0xffff  }
0x5e8: {  	v17 =	vadd.s32 $0x3, v17;
	[tilespmem:s28+$0x3250] =	vst v63;
	v9 =	vld.idx.msk [tilespmem:v9+s11+$0x0], $0xffff  }
0x5e9: {  	v12 =	vld.idx.msk [tilespmem:v12+s11+$0x0], $0xffff;
	[tilespmem:s28+$0x96D0] =	vst v11  }
0x5ea: {  	[tilespmem:s9+$0x6490] =	vst v23;
	v11 =	vld [tilespmem:s29+$0x60]  }
0x5eb: {  	v21 =	vadd.s32 $0x3, v21;
	[tilespmem:s9+$0x6410] =	vst v18;
	v15 =	vld.idx.msk [tilespmem:v15+s11+$0x0], $0xffff  }
0x5ec: {  	v18 =	vadd.s32 $0x1, v10;
	v19 =	vld.idx.msk [tilespmem:v19+s11+$0x0], $0xffff;
	[tilespmem:s26+$0x6460] =	vst v16  }
0x5ed: {  	[tilespmem:s30+$0x96B0] =	vst v14;
	v17 =	vld.idx.msk [tilespmem:v17+s11+$0x0], $0xffff  }
0x5ee: {  	[tilespmem:s30+$0x9630] =	vst v9;
	v16 =	vld [tilespmem:s2+$0x40]  }
0x5ef: {  	[tilespmem:s28+$0x6450] =	vst v12;
	v22 =	vld [tilespmem:s2+$0xFFFFFF40]  }
0x5f0: {  	[tilespmem:s25+$0x70] =	vst v20;
	v11 =	vadd.s32 v7, v11;
	v14 =	vld.idx.msk [tilespmem:v21+s11+$0x0], $0xffff  }
0x5f1: {  	[tilespmem:s9+$0x9690] =	vst v15;
	v12 =	vld.idx.msk [tilespmem:v18+s11+$0x0], $0xffff  }
0x5f2: {  	[tilespmem:s9+$0x9610] =	vst v19;
	v20 =	vld [tilespmem:s4+$0x20]  }
0x5f3: {  	v21 =	vld [tilespmem:s4+$0xFFFFFF20];
	[tilespmem:s26+$0x9660] =	vst v17;
	v16 =	vadd.s32 v7, v16  }
0x5f4: {  	[tilespmem:s25+$0x96F0] =	vst v8;
	v8 =	vadd.s32 $0x3, v10;
	v9 =	vadd.s32 $0x2, v10;
	v10 =	vld [tilespmem:s31+$0xFFFFFF70];
	v19 =	vadd.s32 v7, v22  }
0x5f5: {  	s19 =	simm.s32 $0x8;
	s20 =	simm.s32 $0x1380;
	s0 =	simm.s32 $0x13880;
	[tilespmem:s26+$0x96F0] =	vst v13;
	v17 =	vld.idx.msk [tilespmem:v11+s11+$0x0], $0xffff;
	v18 =	vadd.s32 $0x1, v19;
	v15 =	vadd.s32 $0x2, v19;
	v13 =	vadd.s32 $0x3, v19  }
.LBB2_15:
0x5f6: {  	v22 =	vld [tilespmem:s20+$0x0];
	s19 =	sadd.s32 $0x2, s19;
	[tilespmem:s28+$0x9650] =	vst v14;
	v14 =	vadd.s32 $0x1, v11;
	s1 =	smov.u32 s4;
	s4 =	smov.u32 s20  }
0x5f7: {  	v23 =	vld [tilespmem:s20+$0xFFFFFF00];
	p0 =	slt.u32 s19, $0x62;
	v20 =	vadd.s32 v7, v20;
	[tilespmem:s25+$0x3270] =	vst v12  }
0x5f8: {  	v12 =	vadd.s32 v7, v21;
	v21 =	vld.idx.msk [tilespmem:v16+s11+$0x0], $0xffff  }
0x5f9: {  	v24 =	vadd.s32 $0x1, v12;
	v25 =	vadd.s32 $0x2, v12;
	v26 =	vadd.s32 $0x3, v12;
	v27 =	vld.idx.msk [tilespmem:v19+s11+$0x0], $0xffff  }
0x5fa: {  	v28 =	vadd.s32 $0x1, v16;
	v29 =	vld [tilespmem:s29+$0xFFFFFF60];
	[tilespmem:s28+$0xE0] =	vst v17;
	v19 =	vadd.s32 v7, v10  }
0x5fb: {  	v22 =	vadd.s32 v7, v22;
	v30 =	vld.idx.msk [tilespmem:v14+s11+$0x0], $0xffff;
	v10 =	vadd.s32 $0x1, v19;
	v14 =	vadd.s32 $0x2, v19  }
0x5fc: {  	v17 =	vadd.s32 $0x3, v19;
	v23 =	vadd.s32 v7, v23;
	v31 =	vld.idx.msk [tilespmem:v20+s11+$0x0], $0xffff  }
0x5fd: {  	v35 =	vadd.s32 $0x2, v11;
	v32 =	vadd.s32 $0x1, v23;
	v33 =	vadd.s32 $0x2, v23;
	v34 =	vld.idx.msk [tilespmem:v12+s11+$0x0], $0xffff  }
0x5fe: {  	v37 =	vadd.s32 $0x1, v20;
	v36 =	vadd.s32 $0x3, v23;
	[tilespmem:s30+$0xC0] =	vst v21;
	v21 =	vld.idx.msk [tilespmem:v9+s11+$0x0], $0xffff;
	v9 =	vmov v14  }
0x5ff: {  	[tilespmem:s30+$0x40] =	vst v27;
	v27 =	vld.idx.msk [tilespmem:v28+s11+$0x0], $0xffff;
	v28 =	vadd.s32 v7, v29  }
0x600: {  	v29 =	vld.idx.msk [tilespmem:v22+s11+$0x0], $0xffff;
	v38 =	vadd.s32 $0x1, v28;
	v14 =	vadd.s32 $0x2, v28;
	v12 =	vadd.s32 $0x3, v28  }
0x601: {  	v39 =	vadd.s32 $0x2, v16;
	v23 =	vld.idx.msk [tilespmem:v23+s11+$0x0], $0xffff;
	[tilespmem:s28+$0x32E0] =	vst v30  }
0x602: {  	v30 =	vadd.s32 $0x1, v22;
	[tilespmem:s9+$0xA0] =	vst v31;
	v31 =	vld.idx.msk [tilespmem:v35+s11+$0x0], $0xffff  }
0x603: {  	[tilespmem:s9+$0x20] =	vst v34;
	v34 =	vld.idx.msk [tilespmem:v37+s11+$0x0], $0xffff  }
0x604: {  	v11 =	vadd.s32 $0x3, v11;
	v24 =	vld.idx.msk [tilespmem:v24+s11+$0x0], $0xffff;
	[tilespmem:s25+$0x6470] =	vst v21  }
0x605: {  	s9 =	sadd.s32 $0x100, s9;
	v21 =	vadd.s32 $0x2, v20;
	v18 =	vld.idx.msk [tilespmem:v18+s11+$0x0], $0xffff;
	[tilespmem:s30+$0x32C0] =	vst v27  }
0x606: {  	[tilespmem:s9+$0x80] =	vst v29;
	v27 =	vld.idx.msk [tilespmem:v39+s11+$0x0], $0xffff  }
0x607: {  	[tilespmem:s9+$0x0] =	vst v23;
	v23 =	vld.idx.msk [tilespmem:v30+s11+$0x0], $0xffff  }
0x608: {  	v16 =	vadd.s32 $0x3, v16;
	v29 =	vld.idx.msk [tilespmem:v32+s11+$0x0], $0xffff;
	[tilespmem:s28+$0x64E0] =	vst v31  }
0x609: {  	v30 =	vadd.s32 $0x2, v22;
	[tilespmem:s0+$0x32A0] =	vst v34;
	v11 =	vld.idx.msk [tilespmem:v11+s11+$0x0], $0xffff  }
0x60a: {  	[tilespmem:s0+$0x3220] =	vst v24;
	v21 =	vld.idx.msk [tilespmem:v21+s11+$0x0], $0xffff  }
0x60b: {  	v24 =	vld.idx.msk [tilespmem:v25+s11+$0x0], $0xffff;
	[tilespmem:s30+$0x3240] =	vst v18  }
0x60c: {  	v18 =	vadd.s32 $0x3, v20;
	v15 =	vld.idx.msk [tilespmem:v15+s11+$0x0], $0xffff;
	[tilespmem:s30+$0x64C0] =	vst v27  }
0x60d: {  	[tilespmem:s9+$0x3280] =	vst v23;
	v16 =	vld.idx.msk [tilespmem:v16+s11+$0x0], $0xffff  }
0x60e: {  	[tilespmem:s9+$0x3200] =	vst v29;
	v20 =	vld.idx.msk [tilespmem:v30+s11+$0x0], $0xffff  }
0x60f: {  	v23 =	vld.idx.msk [tilespmem:v33+s11+$0x0], $0xffff;
	[tilespmem:s28+$0x96E0] =	vst v11  }
0x610: {  	v11 =	vadd.s32 $0x3, v22;
	[tilespmem:s0+$0x64A0] =	vst v21;
	v21 =	vld [tilespmem:s29+$0x70]  }
0x611: {  	[tilespmem:s0+$0x6420] =	vst v24;
	v18 =	vld.idx.msk [tilespmem:v18+s11+$0x0], $0xffff  }
0x612: {  	v22 =	vld.idx.msk [tilespmem:v26+s11+$0x0], $0xffff;
	[tilespmem:s30+$0x6440] =	vst v15  }
0x613: {  	v13 =	vld.idx.msk [tilespmem:v13+s11+$0x0], $0xffff;
	[tilespmem:s30+$0x96C0] =	vst v16  }
0x614: {  	[tilespmem:s9+$0x6480] =	vst v20;
	v15 =	vld [tilespmem:s2+$0x50]  }
0x615: {  	[tilespmem:s9+$0x6400] =	vst v23;
	v11 =	vld.idx.msk [tilespmem:v11+s11+$0x0], $0xffff;
	v16 =	vadd.s32 v7, v21  }
0x616: {  	v20 =	vld.idx.msk [tilespmem:v36+s11+$0x0], $0xffff  }
0x617: {  	[tilespmem:s0+$0x96A0] =	vst v18;
	v18 =	vld.idx.msk [tilespmem:v28+s11+$0x0], $0xffff  }
0x618: {  	[tilespmem:s0+$0x9620] =	vst v22;
	v21 =	vld [tilespmem:s1+$0x30]  }
0x619: {  	v22 =	vld [tilespmem:s1+$0xFFFFFF30];
	[tilespmem:s30+$0x9640] =	vst v13;
	v13 =	vadd.s32 v7, v15  }
0x61a: {  	v15 =	vld.idx.msk [tilespmem:v16+s11+$0x0], $0xffff  }
0x61b: {  	[tilespmem:s9+$0x9680] =	vst v11;
	v11 =	vld [tilespmem:s2+$0xFFFFFF50]  }
0x61c: {  	v23 =	vadd.s32 $0x1, v16;
	[tilespmem:s9+$0x9600] =	vst v20;
	v20 =	vld [tilespmem:s20+$0x10]  }
0x61d: {  	v24 =	vld [tilespmem:s20+$0xFFFFFF10];
	v21 =	vadd.s32 v7, v21;
	[tilespmem:s28+$0x60] =	vst v18  }
0x61e: {  	v18 =	vadd.s32 v7, v22;
	v22 =	vld.idx.msk [tilespmem:v13+s11+$0x0], $0xffff  }
0x61f: {  	v25 =	vadd.s32 $0x1, v18;
	v26 =	vadd.s32 $0x2, v18;
	v27 =	vadd.s32 $0x3, v18;
	v28 =	vld.idx.msk [tilespmem:v38+s11+$0x0], $0xffff  }
0x620: {  	v29 =	vadd.s32 $0x1, v13;
	v11 =	vadd.s32 v7, v11;
	[tilespmem:s28+$0xF0] =	vst v15;
	v15 =	vld.idx.msk [tilespmem:v19+s11+$0x0], $0xffff  }
0x621: {  	v19 =	vadd.s32 v7, v20;
	v20 =	vadd.s32 $0x1, v11;
	v30 =	vadd.s32 $0x2, v11;
	v23 =	vld.idx.msk [tilespmem:v23+s11+$0x0], $0xffff  }
0x622: {  	v32 =	vadd.s32 $0x3, v11;
	v24 =	vadd.s32 v7, v24;
	v31 =	vld.idx.msk [tilespmem:v21+s11+$0x0], $0xffff  }
0x623: {  	v35 =	vadd.s32 $0x2, v16;
	v33 =	vadd.s32 $0x1, v24;
	v34 =	vadd.s32 $0x2, v24;
	v18 =	vld.idx.msk [tilespmem:v18+s11+$0x0], $0xffff  }
0x624: {  	v37 =	vadd.s32 $0x1, v21;
	v36 =	vadd.s32 $0x3, v24;
	[tilespmem:s30+$0xD0] =	vst v22;
	v22 =	vld.idx.msk [tilespmem:v8+s11+$0x0], $0xffff;
	v8 =	vmov v17  }
0x625: {  	v17 =	vld.idx.msk [tilespmem:v29+s11+$0x0], $0xffff;
	[tilespmem:s28+$0x3260] =	vst v28  }
0x626: {  	v28 =	vld.idx.msk [tilespmem:v19+s11+$0x0], $0xffff;
	[tilespmem:s26+$0x70] =	vst v15  }
0x627: {  	v15 =	vld.idx.msk [tilespmem:v24+s11+$0x0], $0xffff;
	v24 =	vadd.s32 $0x2, v13;
	[tilespmem:s28+$0x32F0] =	vst v23  }
0x628: {  	v23 =	vadd.s32 $0x1, v19;
	[tilespmem:s0+$0xB0] =	vst v31;
	v29 =	vld.idx.msk [tilespmem:v35+s11+$0x0], $0xffff  }
0x629: {  	[tilespmem:s0+$0x30] =	vst v18;
	v18 =	vld.idx.msk [tilespmem:v37+s11+$0x0], $0xffff  }
0x62a: {  	v16 =	vadd.s32 $0x3, v16;
	v25 =	vld.idx.msk [tilespmem:v25+s11+$0x0], $0xffff;
	[tilespmem:s25+$0x9670] =	vst v22;
	s25 =	smov.u32 s26;
	s26 =	smov.u32 s28;
	s28 =	smov.u32 s30  }
0x62b: {  	v22 =	vadd.s32 $0x2, v21;
	s30 =	smov.u32 s0;
	s0 =	smov.u32 s9;
	v11 =	vld.idx.msk [tilespmem:v11+s11+$0x0], $0xffff;
	[tilespmem:s28+$0x32D0] =	vst v17  }
0x62c: {  	[tilespmem:s9+$0x90] =	vst v28;
	v17 =	vld.idx.msk [tilespmem:v24+s11+$0x0], $0xffff  }
0x62d: {  	[tilespmem:s9+$0x10] =	vst v15;
	v15 =	vld.idx.msk [tilespmem:v23+s11+$0x0], $0xffff  }
0x62e: {  	v13 =	vadd.s32 $0x3, v13;
	v23 =	vld.idx.msk [tilespmem:v33+s11+$0x0], $0xffff;
	[tilespmem:s26+$0x64F0] =	vst v29  }
0x62f: {  	v24 =	vadd.s32 $0x2, v19;
	[tilespmem:s30+$0x32B0] =	vst v18;
	v16 =	vld.idx.msk [tilespmem:v16+s11+$0x0], $0xffff  }
0x630: {  	[tilespmem:s30+$0x3230] =	vst v25;
	v18 =	vld.idx.msk [tilespmem:v22+s11+$0x0], $0xffff  }
0x631: {  	v22 =	vld.idx.msk [tilespmem:v26+s11+$0x0], $0xffff;
	[tilespmem:s28+$0x50] =	vst v11  }
0x632: {  	v11 =	vadd.s32 $0x3, v21;
	v20 =	vld.idx.msk [tilespmem:v20+s11+$0x0], $0xffff;
	[tilespmem:s28+$0x64D0] =	vst v17  }
0x633: {  	[tilespmem:s9+$0x3290] =	vst v15;
	v13 =	vld.idx.msk [tilespmem:v13+s11+$0x0], $0xffff  }
0x634: {  	[tilespmem:s9+$0x3210] =	vst v23;
	v15 =	vld.idx.msk [tilespmem:v24+s11+$0x0], $0xffff  }
0x635: {  	v17 =	vld.idx.msk [tilespmem:v34+s11+$0x0], $0xffff;
	[tilespmem:s26+$0x96F0] =	vst v16  }
0x636: {  	v16 =	vadd.s32 $0x3, v19;
	[tilespmem:s30+$0x64B0] =	vst v18;
	v14 =	vld.idx.msk [tilespmem:v14+s11+$0x0], $0xffff  }
0x637: {  	[tilespmem:s30+$0x6430] =	vst v22;
	v11 =	vld.idx.msk [tilespmem:v11+s11+$0x0], $0xffff  }
0x638: {  	v18 =	vld.idx.msk [tilespmem:v27+s11+$0x0], $0xffff;
	[tilespmem:s28+$0x3250] =	vst v20  }
0x639: {  	v19 =	vld.idx.msk [tilespmem:v30+s11+$0x0], $0xffff;
	[tilespmem:s28+$0x96D0] =	vst v13  }
0x63a: {  	[tilespmem:s9+$0x6490] =	vst v15;
	v13 =	vld [tilespmem:s2+$0x60]  }
0x63b: {  	[tilespmem:s9+$0x6410] =	vst v17;
	v15 =	vld.idx.msk [tilespmem:v16+s11+$0x0], $0xffff  }
0x63c: {  	v16 =	vld.idx.msk [tilespmem:v36+s11+$0x0], $0xffff;
	[tilespmem:s26+$0x6460] =	vst v14  }
0x63d: {  	[tilespmem:s30+$0x96B0] =	vst v11;
	v17 =	vld.idx.msk [tilespmem:v12+s11+$0x0], $0xffff  }
0x63e: {  	[tilespmem:s30+$0x9630] =	vst v18;
	v18 =	vld [tilespmem:s1+$0x40]  }
0x63f: {  	v22 =	vld [tilespmem:s1+$0xFFFFFF40];
	[tilespmem:s28+$0x6450] =	vst v19;
	v11 =	vadd.s32 v7, v13  }
0x640: {  	v14 =	vld.idx.msk [tilespmem:v32+s11+$0x0], $0xffff  }
.Ltmp6:
0x641: {  	[tilespmem:s9+$0x9690] =	vst v15;
	v12 =	vld.idx.msk [tilespmem:v10+s11+$0x0], $0xffff;
	(pc) =	sbr.rel @p0 .LBB2_15-.Ltmp6, $4  }
0x642: {  	[tilespmem:s9+$0x9610] =	vst v16;
	v20 =	vld [tilespmem:s20+$0x20]  }
0x643: {  	v21 =	vld [tilespmem:s20+$0xFFFFFF20];
	v16 =	vadd.s32 v7, v18;
	[tilespmem:s26+$0x9660] =	vst v17  }
0x644: {  	v19 =	vadd.s32 v7, v22;
	v17 =	vld.idx.msk [tilespmem:v11+s11+$0x0], $0xffff  }
0x645: {  	s20 =	sadd.s32 $0x200, s20;
	v18 =	vadd.s32 $0x1, v19;
	v15 =	vadd.s32 $0x2, v19;
	v13 =	vadd.s32 $0x3, v19;
	v10 =	vld [tilespmem:s29+$0xFFFFFF70];
	s29 =	smov.u32 s2;
	s2 =	smov.u32 s1  }
0x646: {  	_ = 	snop  }
0x647: {  	v20 =	vadd.s32 v7, v20  }
0x648: {  	v21 =	vadd.s32 v7, v21;
	_ =	sdelay $0x3  }
0x649: {  	v22 =	vld.idx.msk [tilespmem:v20+s11+$0x0], $0xffff  }
0x64a: {  	v23 =	vadd.s32 $0x1, v20;
	v24 =	vld.idx.msk [tilespmem:v21+s11+$0x0], $0xffff  }
0x64b: {  	v25 =	vadd.s32 $0x1, v21;
	_ =	sdelay $0x2  }
0x64c: {  	[tilespmem:s9+$0xA0] =	vst v22  }
0x64d: {  	v22 =	vld.idx.msk [tilespmem:v23+s11+$0x0], $0xffff;
	[tilespmem:s9+$0x20] =	vst v24  }
0x64e: {  	v29 =	vadd.s32 $0x2, v20;
	v24 =	vld.idx.msk [tilespmem:v25+s11+$0x0], $0xffff  }
0x64f: {  	v30 =	vadd.s32 $0x2, v21;
	_ =	sdelay $0x2  }
0x650: {  	[tilespmem:s0+$0x32A0] =	vst v22  }
0x651: {  	v22 =	vld.idx.msk [tilespmem:v29+s11+$0x0], $0xffff;
	[tilespmem:s0+$0x3220] =	vst v24  }
0x652: {  	v20 =	vadd.s32 $0x3, v20;
	v31 =	vld.idx.msk [tilespmem:v30+s11+$0x0], $0xffff  }
0x653: {  	v21 =	vadd.s32 $0x3, v21;
	_ =	sdelay $0x2  }
0x654: {  	[tilespmem:s0+$0x64A0] =	vst v22  }
0x655: {  	v20 =	vld.idx.msk [tilespmem:v20+s11+$0x0], $0xffff;
	[tilespmem:s0+$0x6420] =	vst v31  }
0x656: {  	v21 =	vld.idx.msk [tilespmem:v21+s11+$0x0], $0xffff;
	_ =	sdelay $0x3  }
0x657: {  	[tilespmem:s0+$0x96A0] =	vst v20  }
0x658: {  	v20 =	vld [tilespmem:s4+$0x30];
	[tilespmem:s0+$0x9620] =	vst v21  }
0x659: {  	v21 =	vld [tilespmem:s4+$0xFFFFFF30];
	_ =	sdelay $0x3  }
0x65a: {  	v20 =	vadd.s32 v7, v20  }
0x65b: {  	v21 =	vadd.s32 v7, v21;
	_ =	sdelay $0x3  }
0x65c: {  	v22 =	vld.idx.msk [tilespmem:v20+s11+$0x0], $0xffff  }
0x65d: {  	v32 =	vadd.s32 $0x1, v20;
	v24 =	vld.idx.msk [tilespmem:v21+s11+$0x0], $0xffff  }
0x65e: {  	v33 =	vadd.s32 $0x1, v21;
	_ =	sdelay $0x2  }
0x65f: {  	[tilespmem:s0+$0xB0] =	vst v22  }
0x660: {  	v22 =	vld.idx.msk [tilespmem:v32+s11+$0x0], $0xffff;
	[tilespmem:s0+$0x30] =	vst v24  }
0x661: {  	v34 =	vadd.s32 $0x2, v20;
	v24 =	vld.idx.msk [tilespmem:v33+s11+$0x0], $0xffff  }
0x662: {  	v35 =	vadd.s32 $0x2, v21;
	_ =	sdelay $0x2  }
0x663: {  	[tilespmem:s0+$0x32B0] =	vst v22  }
0x664: {  	v22 =	vld.idx.msk [tilespmem:v34+s11+$0x0], $0xffff;
	[tilespmem:s0+$0x3230] =	vst v24  }
0x665: {  	v20 =	vadd.s32 $0x3, v20;
	v36 =	vld.idx.msk [tilespmem:v35+s11+$0x0], $0xffff  }
0x666: {  	v21 =	vadd.s32 $0x3, v21;
	_ =	sdelay $0x2  }
0x667: {  	[tilespmem:s0+$0x64B0] =	vst v22  }
0x668: {  	v20 =	vld.idx.msk [tilespmem:v20+s11+$0x0], $0xffff;
	[tilespmem:s0+$0x6430] =	vst v36  }
0x669: {  	v21 =	vld.idx.msk [tilespmem:v21+s11+$0x0], $0xffff;
	_ =	sdelay $0x3  }
0x66a: {  	[tilespmem:s0+$0x96B0] =	vst v20  }
0x66b: {  	v20 =	vld [tilespmem:s4+$0x40];
	[tilespmem:s0+$0x9630] =	vst v21  }
0x66c: {  	v21 =	vld [tilespmem:s4+$0xFFFFFF40];
	_ =	sdelay $0x1  }
0x66d: {  	v19 =	vld.idx.msk [tilespmem:v19+s11+$0x0], $0xffff;
	_ =	sdelay $0x1  }
0x66e: {  	v20 =	vadd.s32 v7, v20  }
0x66f: {  	v37 =	vld.idx.msk [tilespmem:v16+s11+$0x0], $0xffff;
	v21 =	vadd.s32 v7, v21  }
0x670: {  	v38 =	vadd.s32 $0x1, v16  }
0x671: {  	[tilespmem:s30+$0x40] =	vst v19  }
0x672: {  	v18 =	vld.idx.msk [tilespmem:v18+s11+$0x0], $0xffff  }
0x673: {  	v39 =	vld.idx.msk [tilespmem:v20+s11+$0x0], $0xffff  }
0x674: {  	[tilespmem:s30+$0xC0] =	vst v37;
	v40 =	vadd.s32 $0x1, v20;
	v26 =	vld.idx.msk [tilespmem:v21+s11+$0x0], $0xffff  }
0x675: {  	v23 =	vld.idx.msk [tilespmem:v38+s11+$0x0], $0xffff;
	v41 =	vadd.s32 $0x1, v21  }
0x676: {  	v27 =	vadd.s32 $0x2, v16  }
0x677: {  	[tilespmem:s30+$0x3240] =	vst v18  }
0x678: {  	v15 =	vld.idx.msk [tilespmem:v15+s11+$0x0], $0xffff;
	[tilespmem:s0+$0xC0] =	vst v39  }
0x679: {  	v42 =	vld.idx.msk [tilespmem:v40+s11+$0x0], $0xffff;
	[tilespmem:s0+$0x40] =	vst v26  }
0x67a: {  	[tilespmem:s30+$0x32C0] =	vst v23;
	v43 =	vadd.s32 $0x2, v20;
	v22 =	vld.idx.msk [tilespmem:v41+s11+$0x0], $0xffff  }
0x67b: {  	v45 =	vld.idx.msk [tilespmem:v27+s11+$0x0], $0xffff;
	v44 =	vadd.s32 $0x2, v21  }
0x67c: {  	v46 =	vadd.s32 $0x3, v16  }
0x67d: {  	[tilespmem:s30+$0x6440] =	vst v15  }
0x67e: {  	v13 =	vld.idx.msk [tilespmem:v13+s11+$0x0], $0xffff;
	[tilespmem:s0+$0x32C0] =	vst v42  }
0x67f: {  	v47 =	vld.idx.msk [tilespmem:v43+s11+$0x0], $0xffff;
	[tilespmem:s0+$0x3240] =	vst v22  }
0x680: {  	[tilespmem:s30+$0x64C0] =	vst v45;
	v48 =	vadd.s32 $0x3, v20;
	v49 =	vld.idx.msk [tilespmem:v44+s11+$0x0], $0xffff  }
0x681: {  	v16 =	vld.idx.msk [tilespmem:v46+s11+$0x0], $0xffff;
	v21 =	vadd.s32 $0x3, v21;
	_ =	sdelay $0x1  }
0x682: {  	[tilespmem:s30+$0x9640] =	vst v13  }
0x683: {  	v53 =	vld [tilespmem:s2+$0xFFFFFF50];
	[tilespmem:s0+$0x64C0] =	vst v47  }
0x684: {  	v50 =	vld.idx.msk [tilespmem:v48+s11+$0x0], $0xffff;
	[tilespmem:s0+$0x6440] =	vst v49  }
0x685: {  	[tilespmem:s30+$0x96C0] =	vst v16;
	v51 =	vld.idx.msk [tilespmem:v21+s11+$0x0], $0xffff  }
0x686: {  	v16 =	vld [tilespmem:s2+$0x50];
	_ =	sdelay $0x1  }
0x687: {  	v15 =	vadd.s32 v7, v53  }
0x688: {  	[tilespmem:s0+$0x96C0] =	vst v50  }
0x689: {  	v52 =	vld [tilespmem:s4+$0x50];
	[tilespmem:s0+$0x9640] =	vst v51  }
0x68a: {  	v16 =	vadd.s32 v7, v16;
	v18 =	vld [tilespmem:s4+$0xFFFFFF50];
	_ =	sdelay $0x1  }
0x68b: {  	v57 =	vld.idx.msk [tilespmem:v15+s11+$0x0], $0xffff  }
0x68c: {  	v59 =	vadd.s32 $0x1, v15  }
0x68d: {  	v13 =	vadd.s32 v7, v52  }
0x68e: {  	v54 =	vld.idx.msk [tilespmem:v16+s11+$0x0], $0xffff;
	v18 =	vadd.s32 v7, v18  }
0x68f: {  	v55 =	vadd.s32 $0x1, v16  }
0x690: {  	[tilespmem:s30+$0x50] =	vst v57  }
0x691: {  	v29 =	vld.idx.msk [tilespmem:v59+s11+$0x0], $0xffff  }
0x692: {  	v31 =	vadd.s32 $0x2, v15;
	v56 =	vld.idx.msk [tilespmem:v13+s11+$0x0], $0xffff  }
0x693: {  	[tilespmem:s30+$0xD0] =	vst v54;
	v58 =	vadd.s32 $0x1, v13;
	v60 =	vld.idx.msk [tilespmem:v18+s11+$0x0], $0xffff  }
0x694: {  	v20 =	vld.idx.msk [tilespmem:v55+s11+$0x0], $0xffff;
	v61 =	vadd.s32 $0x1, v18  }
0x695: {  	v62 =	vadd.s32 $0x2, v16  }
0x696: {  	[tilespmem:s30+$0x3250] =	vst v29  }
0x697: {  	v36 =	vld.idx.msk [tilespmem:v31+s11+$0x0], $0xffff;
	[tilespmem:s0+$0xD0] =	vst v56  }
0x698: {  	v15 =	vadd.s32 $0x3, v15;
	v28 =	vld.idx.msk [tilespmem:v58+s11+$0x0], $0xffff;
	[tilespmem:s0+$0x50] =	vst v60  }
0x699: {  	[tilespmem:s30+$0x32D0] =	vst v20;
	v30 =	vadd.s32 $0x2, v13;
	v19 =	vld.idx.msk [tilespmem:v61+s11+$0x0], $0xffff  }
0x69a: {  	v33 =	vld.idx.msk [tilespmem:v62+s11+$0x0], $0xffff;
	v32 =	vadd.s32 $0x2, v18  }
0x69b: {  	v16 =	vadd.s32 $0x3, v16  }
0x69c: {  	[tilespmem:s30+$0x6450] =	vst v36  }
0x69d: {  	v15 =	vld.idx.msk [tilespmem:v15+s11+$0x0], $0xffff;
	[tilespmem:s0+$0x32D0] =	vst v28  }
0x69e: {  	v35 =	vld.idx.msk [tilespmem:v30+s11+$0x0], $0xffff;
	[tilespmem:s0+$0x3250] =	vst v19  }
0x69f: {  	[tilespmem:s30+$0x64D0] =	vst v33;
	v13 =	vadd.s32 $0x3, v13;
	v19 =	vld.idx.msk [tilespmem:v32+s11+$0x0], $0xffff  }
0x6a0: {  	v16 =	vld.idx.msk [tilespmem:v16+s11+$0x0], $0xffff;
	v37 =	vadd.s32 $0x3, v18  }
0x6a1: {  	[tilespmem:s28+$0x9650] =	vst v14  }
0x6a2: {  	v63 =	vadd.s32 $0x1, v11;
	[tilespmem:s30+$0x9650] =	vst v15;
	v41 =	vld [tilespmem:s29+$0xFFFFFF60]  }
0x6a3: {  	v15 =	vld [tilespmem:s2+$0xFFFFFF60];
	[tilespmem:s0+$0x64D0] =	vst v35  }
0x6a4: {  	v13 =	vld.idx.msk [tilespmem:v13+s11+$0x0], $0xffff;
	[tilespmem:s0+$0x6450] =	vst v19  }
0x6a5: {  	[tilespmem:s30+$0x96D0] =	vst v16;
	v40 =	vld.idx.msk [tilespmem:v37+s11+$0x0], $0xffff  }
0x6a6: {  	[tilespmem:s28+$0xE0] =	vst v17;
	v16 =	vld [tilespmem:s2+$0x60]  }
0x6a7: {  	v17 =	vadd.s32 v7, v41;
	v21 =	vld.idx.msk [tilespmem:v63+s11+$0x0], $0xffff  }
0x6a8: {  	v34 =	vadd.s32 $0x2, v11  }
0x6a9: {  	[tilespmem:s0+$0x96D0] =	vst v13  }
0x6aa: {  	v13 =	vld [tilespmem:s4+$0x60];
	[tilespmem:s0+$0x9650] =	vst v40  }
0x6ab: {  	v16 =	vadd.s32 v7, v16;
	v14 =	vld [tilespmem:s4+$0xFFFFFF60]  }
0x6ac: {  	v42 =	vadd.s32 v7, v15;
	v45 =	vld.idx.msk [tilespmem:v17+s11+$0x0], $0xffff;
	[tilespmem:s28+$0x32E0] =	vst v21  }
0x6ad: {  	v47 =	vadd.s32 $0x1, v17;
	v38 =	vld.idx.msk [tilespmem:v34+s11+$0x0], $0xffff  }
0x6ae: {  	v39 =	vadd.s32 $0x3, v11  }
0x6af: {  	v13 =	vadd.s32 v7, v13  }
0x6b0: {  	v44 =	vld.idx.msk [tilespmem:v16+s11+$0x0], $0xffff;
	v14 =	vadd.s32 v7, v14  }
0x6b1: {  	v49 =	vld.idx.msk [tilespmem:v42+s11+$0x0], $0xffff;
	[tilespmem:s28+$0x60] =	vst v45;
	v46 =	vadd.s32 $0x1, v16  }
0x6b2: {  	v55 =	vld.idx.msk [tilespmem:v47+s11+$0x0], $0xffff;
	v51 =	vadd.s32 $0x1, v42;
	[tilespmem:s28+$0x64E0] =	vst v38  }
0x6b3: {  	v57 =	vadd.s32 $0x2, v17;
	v11 =	vld.idx.msk [tilespmem:v39+s11+$0x0], $0xffff  }
0x6b4: {  	[tilespmem:s25+$0x3270] =	vst v12;
	v48 =	vld.idx.msk [tilespmem:v13+s11+$0x0], $0xffff  }
0x6b5: {  	[tilespmem:s30+$0xE0] =	vst v44;
	v50 =	vadd.s32 $0x1, v13;
	v52 =	vld.idx.msk [tilespmem:v14+s11+$0x0], $0xffff  }
0x6b6: {  	[tilespmem:s30+$0x60] =	vst v49;
	v54 =	vld.idx.msk [tilespmem:v46+s11+$0x0], $0xffff;
	v53 =	vadd.s32 $0x1, v14  }
0x6b7: {  	[tilespmem:s28+$0x3260] =	vst v55;
	v12 =	vld.idx.msk [tilespmem:v51+s11+$0x0], $0xffff;
	v56 =	vadd.s32 $0x2, v16  }
0x6b8: {  	v31 =	vld.idx.msk [tilespmem:v57+s11+$0x0], $0xffff;
	[tilespmem:s28+$0x96E0] =	vst v11  }
0x6b9: {  	v43 =	vld [tilespmem:s29+$0x70];
	v60 =	vadd.s32 $0x2, v42;
	[tilespmem:s0+$0xE0] =	vst v48  }
0x6ba: {  	v17 =	vadd.s32 $0x3, v17;
	v58 =	vld.idx.msk [tilespmem:v50+s11+$0x0], $0xffff;
	[tilespmem:s0+$0x60] =	vst v52  }
0x6bb: {  	[tilespmem:s30+$0x32E0] =	vst v54;
	v59 =	vadd.s32 $0x2, v13;
	v18 =	vld.idx.msk [tilespmem:v53+s11+$0x0], $0xffff  }
0x6bc: {  	v30 =	vld.idx.msk [tilespmem:v56+s11+$0x0], $0xffff;
	v62 =	vadd.s32 $0x2, v14  }
0x6bd: {  	v9 =	vld.idx.msk [tilespmem:v9+s11+$0x0], $0xffff;
	[tilespmem:s30+$0x3260] =	vst v12;
	v16 =	vadd.s32 $0x3, v16  }
0x6be: {  	[tilespmem:s28+$0x6460] =	vst v31;
	v15 =	vadd.s32 v7, v43;
	v33 =	vld.idx.msk [tilespmem:v60+s11+$0x0], $0xffff  }
0x6bf: {  	v17 =	vld.idx.msk [tilespmem:v17+s11+$0x0], $0xffff;
	v11 =	vadd.s32 $0x3, v42;
	[tilespmem:s0+$0x32E0] =	vst v58  }
0x6c0: {  	v32 =	vld.idx.msk [tilespmem:v59+s11+$0x0], $0xffff;
	[tilespmem:s0+$0x3260] =	vst v18  }
0x6c1: {  	[tilespmem:s30+$0x64E0] =	vst v30;
	v13 =	vadd.s32 $0x3, v13;
	v18 =	vld.idx.msk [tilespmem:v62+s11+$0x0], $0xffff  }
0x6c2: {  	v16 =	vld.idx.msk [tilespmem:v16+s11+$0x0], $0xffff;
	v14 =	vadd.s32 $0x3, v14  }
0x6c3: {  	v61 =	vld.idx.msk [tilespmem:v15+s11+$0x0], $0xffff;
	[tilespmem:s30+$0x6460] =	vst v33  }
0x6c4: {  	[tilespmem:s28+$0x9660] =	vst v17;
	v63 =	vadd.s32 $0x1, v15;
	v11 =	vld.idx.msk [tilespmem:v11+s11+$0x0], $0xffff  }
0x6c5: {  	v17 =	vld [tilespmem:s29+$0xFFFFFF70];
	[tilespmem:s0+$0x64E0] =	vst v32  }
0x6c6: {  	v12 =	vld.idx.msk [tilespmem:v13+s11+$0x0], $0xffff;
	[tilespmem:s0+$0x6460] =	vst v18  }
0x6c7: {  	[tilespmem:s30+$0x96E0] =	vst v16;
	v36 =	vld.idx.msk [tilespmem:v14+s11+$0x0], $0xffff  }
0x6c8: {  	[tilespmem:s28+$0xF0] =	vst v61;
	v16 =	vld [tilespmem:s2+$0x70]  }
0x6c9: {  	v34 =	vld.idx.msk [tilespmem:v63+s11+$0x0], $0xffff;
	[tilespmem:s30+$0x9660] =	vst v11  }
0x6ca: {  	v35 =	vadd.s32 $0x2, v15;
	v39 =	vld [tilespmem:s2+$0xFFFFFF70]  }
0x6cb: {  	[tilespmem:s0+$0x96E0] =	vst v12  }
0x6cc: {  	v10 =	vadd.s32 v7, v10;
	v38 =	vld [tilespmem:s4+$0x70];
	[tilespmem:s0+$0x9660] =	vst v36  }
0x6cd: {  	v16 =	vadd.s32 v7, v16;
	v41 =	vld [tilespmem:s4+$0xFFFFFF70]  }
0x6ce: {  	v17 =	vadd.s32 v7, v17;
	[tilespmem:s28+$0x32F0] =	vst v34  }
0x6cf: {  	[tilespmem:s25+$0x6470] =	vst v9;
	v37 =	vld.idx.msk [tilespmem:v35+s11+$0x0], $0xffff;
	v12 =	vadd.s32 v7, v39  }
0x6d0: {  	v8 =	vld.idx.msk [tilespmem:v8+s11+$0x0], $0xffff;
	v40 =	vadd.s32 $0x3, v15  }
0x6d1: {  	v42 =	vld.idx.msk [tilespmem:v10+s11+$0x0], $0xffff;
	v11 =	vadd.s32 v7, v38  }
0x6d2: {  	v44 =	vld.idx.msk [tilespmem:v16+s11+$0x0], $0xffff;
	v7 =	vadd.s32 v7, v41  }
0x6d3: {  	v46 =	vld.idx.msk [tilespmem:v17+s11+$0x0], $0xffff;
	v45 =	vadd.s32 $0x1, v16  }
0x6d4: {  	v43 =	vadd.s32 $0x1, v10;
	[tilespmem:s28+$0x64F0] =	vst v37;
	v49 =	vld.idx.msk [tilespmem:v12+s11+$0x0], $0xffff  }
0x6d5: {  	[tilespmem:s25+$0x9670] =	vst v8;
	v13 =	vld.idx.msk [tilespmem:v40+s11+$0x0], $0xffff;
	v50 =	vadd.s32 $0x1, v12  }
0x6d6: {  	[tilespmem:s26+$0x70] =	vst v42;
	v47 =	vadd.s32 $0x1, v17;
	v48 =	vld.idx.msk [tilespmem:v11+s11+$0x0], $0xffff  }
0x6d7: {  	[tilespmem:s30+$0xF0] =	vst v44;
	v8 =	vadd.s32 $0x1, v11;
	v51 =	vld.idx.msk [tilespmem:v7+s11+$0x0], $0xffff  }
0x6d8: {  	[tilespmem:s28+$0x70] =	vst v46;
	v18 =	vld.idx.msk [tilespmem:v45+s11+$0x0], $0xffff;
	v52 =	vadd.s32 $0x1, v7  }
0x6d9: {  	v54 =	vadd.s32 $0x2, v16;
	v14 =	vld.idx.msk [tilespmem:v43+s11+$0x0], $0xffff;
	[tilespmem:s30+$0x70] =	vst v49  }
0x6da: {  	v53 =	vadd.s32 $0x2, v10;
	[tilespmem:s28+$0x96F0] =	vst v13;
	v13 =	vld.idx.msk [tilespmem:v50+s11+$0x0], $0xffff  }
0x6db: {  	v9 =	vld.idx.msk [tilespmem:v47+s11+$0x0], $0xffff;
	v57 =	vadd.s32 $0x2, v12;
	[tilespmem:s0+$0xF0] =	vst v48  }
0x6dc: {  	v55 =	vadd.s32 $0x2, v17;
	v8 =	vld.idx.msk [tilespmem:v8+s11+$0x0], $0xffff;
	[tilespmem:s0+$0x70] =	vst v51  }
0x6dd: {  	[tilespmem:s30+$0x32F0] =	vst v18;
	v56 =	vadd.s32 $0x2, v11;
	v15 =	vld.idx.msk [tilespmem:v52+s11+$0x0], $0xffff  }
0x6de: {  	[tilespmem:s26+$0x3270] =	vst v14;
	v19 =	vld.idx.msk [tilespmem:v54+s11+$0x0], $0xffff;
	v59 =	vadd.s32 $0x2, v7  }
0x6df: {  	v60 =	vadd.s32 $0x3, v16;
	v58 =	vld.idx.msk [tilespmem:v53+s11+$0x0], $0xffff;
	[tilespmem:s30+$0x3270] =	vst v13  }
0x6e0: {  	[tilespmem:s28+$0x3270] =	vst v9;
	v10 =	vadd.s32 $0x3, v10;
	v13 =	vld.idx.msk [tilespmem:v57+s11+$0x0], $0xffff  }
0x6e1: {  	v61 =	vld.idx.msk [tilespmem:v55+s11+$0x0], $0xffff;
	v12 =	vadd.s32 $0x3, v12;
	[tilespmem:s0+$0x32F0] =	vst v8  }
0x6e2: {  	v8 =	vadd.s32 $0x3, v17;
	v62 =	vld.idx.msk [tilespmem:v56+s11+$0x0], $0xffff;
	[tilespmem:s0+$0x3270] =	vst v15  }
0x6e3: {  	[tilespmem:s30+$0x64F0] =	vst v19;
	v11 =	vadd.s32 $0x3, v11;
	v63 =	vld.idx.msk [tilespmem:v59+s11+$0x0], $0xffff  }
0x6e4: {  	[tilespmem:s26+$0x6470] =	vst v58;
	v9 =	vld.idx.msk [tilespmem:v60+s11+$0x0], $0xffff;
	v7 =	vadd.s32 $0x3, v7  }
0x6e5: {  	v10 =	vld.idx.msk [tilespmem:v10+s11+$0x0], $0xffff;
	[tilespmem:s30+$0x6470] =	vst v13  }
0x6e6: {  	[tilespmem:s28+$0x6470] =	vst v61;
	v12 =	vld.idx.msk [tilespmem:v12+s11+$0x0], $0xffff  }
0x6e7: {  	v8 =	vld.idx.msk [tilespmem:v8+s11+$0x0], $0xffff;
	[tilespmem:s0+$0x64F0] =	vst v62  }
0x6e8: {  	v11 =	vld.idx.msk [tilespmem:v11+s11+$0x0], $0xffff;
	[tilespmem:s0+$0x6470] =	vst v63  }
0x6e9: {  	s22 =	sadd.s32 $0x1, s22;
	[tilespmem:s30+$0x96F0] =	vst v9;
	v7 =	vld.idx.msk [tilespmem:v7+s11+$0x0], $0xffff  }
0x6ea: {  	s1 =	smul.u32 $0x640000, s24;
	p0 =	sne.s32 s22, $0xA;
	s29 =	sshll.u32 s23, $0x9;
	[tilespmem:s26+$0x9670] =	vst v10  }
.Ltmp7:
0x6eb: {  	s2 =	sadd.s32 s12, s29;
	[tilespmem:s30+$0x9670] =	vst v12;
	(pc) =	sbr.rel @p0 .LBB2_4-.Ltmp7, $4  }
0x6ec: {  	s1 =	sadd.s32 s2, s1;
	[tilespmem:s28+$0x9670] =	vst v8  }
0x6ed: {  	s1 =	sshrl.u32 s1, $0x3;
	[tilespmem:s0+$0x96F0] =	vst v11  }
0x6ee: {  	s31 =	simm.s32 $0x13480;
	s30 =	sadd.s32 s6, s1;
	[tilespmem:s0+$0x9670] =	vst v7  }
0x6ef: {  	[hbm4b:s30+s17] =	stream.strided.scatter [tilespmem:s31], [sflag:$0x2], $0xC800, s18, s17, $0x38;
	[tilespmem:$0x1FC80] =	vst v63  }
0x6f0: {  	s0 =	simm.s32 $0x1  }
0x6f1: {  	_ =	swait.ge [sflag:s0], $0xC800  }
0x6f2: {  	[sflag:s0] =	ssyncset.done $0x0  }
0x6f3: {  	s1 =	simm.s32 $0x2;
	[sflag:s0] =	ssyncadd.s32 $0xFFFF3800  }
0x6f4: {  	_ =	swait.ge [sflag:s1], $0xC800  }
0x6f5: {  	s2 =	rddreg [dreg:$0xf]  }
0x6f6: {  	s31 =	rddreg [dreg:$0xe];
	s2 =	sadd.s32 $0x1, s2  }
0x6f7: {  	v7 =	vld [tilespmem:$0x1FFF0];
	p0 =	sne.s32 s2, s31  }
.Ltmp8:
0x6f8: {  	vm8 =	vcmask $0x1714;
	(pc) =	sbr.rel @p0 .LBB2_1-.Ltmp8, $4  }
0x6f9: {  	vm10 =	vcmask $0x1F1C;
	vm7 =	vcmask $0x300;
	vm9 =	vcmask $0x2724  }
0x6fa: {  	vm11 =	vcmask $0x2320;
	vm12 =	vcmask $0x2F2C;
	vm13 =	vcmask $0x2B28  }
0x6fb: {  	vm0 =	vcmask $0x3330;
	vm15 =	vcmask $0xB08;
	vm1 =	vcmask $0x1310;
	[sflag:s1] =	ssyncset.done $0x0  }
0x6fc: {  	vm4 =	vcmask $0x1B18;
	vm5 =	vcmask $0x3734;
	[sflag:s1] =	ssyncadd.s32 $0xFFFF3800;
	vm2 =	vnez.u8 v7  }
0x6fd: {  	_ =	sfence.sel $0x180000  }
0x6fe: {  	[bflag:$0x0] =	sbarrier.arrive $0xFFFF  }
0x6ff: {  	_ =	strace $0x90000047  }
0x700: {  	s0 =	stileid.u32;
	[bflag:$0x2] =	sbarrier.arrive $0xFFFF  }
0x701: {  	p0 =	sne.s32 s0, $0x0;
	s0 =	rddreg [dreg:$0x3]  }
0x702: {  	s0 =	sadd.s32 @!p0 $0x100000, s0  }
0x703: {  	[sflag:s0] =	ssyncadd.tile.s32 @!p0 $0x1;
	_ =	shalt  }
.Lfunc_end2:
_tile_overlayer_lowered:
.L_overlay_start_2:
0x704: {  	(tag) =	ssettag $0x2  }
0x705: {  	s0 =	rddreg [dreg:$0x0];
	s2 =	stileid.u32  }
0x706: {  	s1 =	rddreg [dreg:$0x1];
	p0 =	sne.s32 s2, $0x0  }
0x707: {  	s3 =	rddreg [dreg:$0x2];
	[bflag:$0x3] =	sbarrier.arrive $0xFFFF;
	s2 =	simm.s32 @!p0 $0x1C03  }
0x708: {  	[timem:s3], [sflag:s2] =	dma.local @!p0 [hbm:s0], s1  }
0x709: {  	s0 =	simm.s32 @!p0 $0x3  }
0x70a: {  	_ =	swait.ge @!p0 [sflag:s0], s1  }
0x70b: {  	s1 =	ssub.s32 @!p0 $0x0, s1;
	[sflag:s0] =	ssyncset.done @!p0 $0x0  }
0x70c: {  	[sflag:s0] =	ssyncadd.s32 @!p0 s1  }
0x70d: {  	[bflag:$0x3] =	sbarrier.arrive $0xFFFF  }
0x70e: {  	_ =	shalt  }

</sc_bundles>
